<compile_context>
chip_gen: v7x
topology: tpu7x:2x2x1
jax: 0.10.2.dev20260603
libtpu: 0.0.44.dev20260713+nightly
codegen_flags: <defaults>
</compile_context>

<pallas_src>
import functools

import jax
import jax.numpy as jnp
from jax import lax
from jax.experimental import pallas as pl
from jax.experimental.pallas import tpu as pltpu
from jax.experimental.pallas import tpu_sc as plsc

_NC = 2
_NS = 16
_NW = _NC * _NS
_CHUNK = 128


def _zdiv(x):
    for d in range(min(128, x), 0, -1):
        if x % d == 0:
            return d
    return 1




def _make_sc_scatter(h, dw, nchunks, chp):
    base_nj = nchunks // _NW
    extra = nchunks % _NW
    njmax = base_nj + (1 if extra else 0)
    rows_per_tile = h // _NS
    zr = _zdiv(rows_per_tile)
    mesh = plsc.VectorSubcoreMesh(
        core_axis_name="c", subcore_axis_name="s",
        num_cores=_NC, num_subcores=_NS)

    @functools.partial(
        pl.kernel,
        out_type=jax.ShapeDtypeStruct((_NC, 2, h, dw), jnp.float32),
        mesh=mesh,
        scratch_types=[
            pltpu.VMEM_SHARED((h, dw), jnp.float32),
            pltpu.VMEM((njmax, _CHUNK), jnp.int32),
            pltpu.VMEM((njmax, _CHUNK), jnp.int32),
            pltpu.VMEM((4, _CHUNK, dw), jnp.float32),
            pltpu.VMEM((zr, dw), jnp.float32),
            pltpu.SemaphoreType.DMA((2,)),
            pltpu.SemaphoreType.DMA((4,)),
            pltpu.SemaphoreType.DMA((4,)),
        ],
        compiler_params=pltpu.CompilerParams(use_tc_tiling_on_sc=False),
    )
    def sc_kernel(y0_hbm, y1_hbm, ei0_hbm, ei1_hbm,
                  out_hbm, sh, src_v, dst_v, rows_v, zbuf,
                  isem, gsem, ssem):
        c = lax.axis_index("c")
        s = lax.axis_index("s")
        w = s * _NC + c
        r0 = s * rows_per_tile
        nj = base_nj + jnp.where(w < extra, 1, 0)
        lo = w * base_nj + jnp.minimum(w, extra)

        def zero_body(i, carry):
            for k in range(dw // 16):
                zbuf[i, pl.ds(k * 16, 16)] = jnp.zeros((16,), jnp.float32)
            return carry
        lax.fori_loop(0, zr, zero_body, 0)

        for r, (ytab, ei_hbm) in enumerate(((y0_hbm, ei0_hbm),
                                            (y1_hbm, ei1_hbm))):
            pltpu.async_copy(ei_hbm.at[pl.ds(lo, njmax)], src_v,
                             isem.at[0])
            pltpu.async_copy(ei_hbm.at[pl.ds(chp + lo, njmax)], dst_v,
                             isem.at[1])
            for k in range(rows_per_tile // zr):
                pltpu.sync_copy(zbuf, sh.at[pl.ds(r0 + k * zr, zr)])
            pltpu.make_async_copy(ei_hbm.at[pl.ds(0, njmax)], src_v,
                                  isem.at[0]).wait()
            pltpu.make_async_copy(ei_hbm.at[pl.ds(0, njmax)], dst_v,
                                  isem.at[1]).wait()
            plsc.subcore_barrier()

            def issue_gather(j):
                b = jnp.bitwise_and(j, 3)
                pltpu.async_copy(ytab.at[src_v.at[j]], rows_v.at[b],
                                 gsem.at[b])

            def wait_gather(j):
                b = jnp.bitwise_and(j, 3)
                pltpu.make_async_copy(ytab.at[src_v.at[j]], rows_v.at[b],
                                      gsem.at[b]).wait()

            def issue_scatter(j):
                b = jnp.bitwise_and(j, 3)
                pltpu.async_copy(rows_v.at[b], sh.at[dst_v.at[j]],
                                 ssem.at[b], add=True)

            def wait_scatter(j):
                b = jnp.bitwise_and(j, 3)
                pltpu.make_async_copy(rows_v.at[b], sh.at[dst_v.at[j]],
                                      ssem.at[b]).wait()

            @pl.when(nj >= 1)
            def _():
                issue_gather(jnp.int32(0))

            @pl.when(nj >= 2)
            def _():
                issue_gather(jnp.int32(1))

            @pl.when(nj >= 1)
            def _():
                wait_gather(jnp.int32(0))
                issue_scatter(jnp.int32(0))

            @pl.when(nj >= 3)
            def _():
                issue_gather(jnp.int32(2))

            @pl.when(nj >= 2)
            def _():
                wait_gather(jnp.int32(1))
                issue_scatter(jnp.int32(1))

            @pl.when(nj >= 4)
            def _():
                issue_gather(jnp.int32(3))

            def body(j, carry):
                wait_gather(j)
                issue_scatter(j)
                wait_scatter(j - 2)
                issue_gather(j + 2)
                return carry

            lax.fori_loop(2, jnp.maximum(nj - 2, 2), body, 0)

            @pl.when(nj >= 4)
            def _():
                wait_gather(nj - 2)
                issue_scatter(nj - 2)
                wait_scatter(nj - 4)

            @pl.when(nj >= 3)
            def _():
                wait_gather(nj - 1)
                issue_scatter(nj - 1)
                wait_scatter(nj - 3)

            @pl.when(nj >= 2)
            def _():
                wait_scatter(nj - 2)

            @pl.when(nj >= 1)
            def _():
                wait_scatter(nj - 1)

            plsc.subcore_barrier()
            pltpu.sync_copy(sh.at[pl.ds(r0, rows_per_tile)],
                            out_hbm.at[c, r, pl.ds(r0, rows_per_tile)])

    return sc_kernel




def _tc1(x, w0a, w1a, wl, bn):
    h = x.shape[0]
    d_in = x.shape[1]
    dwa = w0a.shape[1]
    dh = wl.shape[1]

    def body(x_ref, w0_ref, w1_ref, wl_ref, y0_ref, y1_ref, xl_ref):
        xb = x_ref[...]
        ones = (lax.broadcasted_iota(jnp.int32, (bn, dwa), 1)
                >= dh).astype(jnp.float32)
        y0_ref[...] = jnp.dot(xb, w0_ref[...],
                              preferred_element_type=jnp.float32) + ones
        y1_ref[...] = jnp.dot(xb, w1_ref[...],
                              preferred_element_type=jnp.float32) + ones
        xl_ref[...] = jnp.dot(xb, wl_ref[...],
                              preferred_element_type=jnp.float32)

    return pl.pallas_call(
        body,
        grid=(h // bn,),
        in_specs=[
            pl.BlockSpec((bn, d_in), lambda i: (i, 0)),
            pl.BlockSpec((d_in, dwa), lambda i: (0, 0)),
            pl.BlockSpec((d_in, dwa), lambda i: (0, 0)),
            pl.BlockSpec((d_in, dh), lambda i: (0, 0)),
        ],
        out_specs=[
            pl.BlockSpec((bn, dwa), lambda i: (i, 0)),
            pl.BlockSpec((bn, dwa), lambda i: (i, 0)),
            pl.BlockSpec((bn, dh), lambda i: (i, 0)),
        ],
        out_shape=[
            jax.ShapeDtypeStruct((h, dwa), jnp.float32),
            jax.ShapeDtypeStruct((h, dwa), jnp.float32),
            jax.ShapeDtypeStruct((h, dh), jnp.float32),
        ],
    )(x, w0a, w1a, wl)


def _tc2(p1, xl, b1, w20, w21, w2l, bn):
    h = xl.shape[0]
    dwa = p1.shape[3]
    dh = xl.shape[1]
    do = w20.shape[1]
    rep = dh // (dwa - dh)

    def body(p_ref, xl_ref, b1_ref, w20_ref, w21_ref, w2l_ref,
             y0_ref, y1_ref, hl_ref, invd_ref):
        a0 = p_ref[0, 0] + p_ref[1, 0]
        a1 = p_ref[0, 1] + p_ref[1, 1]
        invd0 = 1.0 / jnp.maximum(a0[:, dh:], 1.0)
        invd1 = 1.0 / jnp.maximum(a1[:, dh:], 1.0)
        s0 = a0[:, :dh] * jnp.concatenate([invd0] * rep, axis=1)
        s1 = a1[:, :dh] * jnp.concatenate([invd1] * rep, axis=1)
        hb = jnp.maximum(s0 + s1 + xl_ref[...] + b1_ref[...], 0.0)
        y0_ref[...] = jnp.dot(hb, w20_ref[...],
                              preferred_element_type=jnp.float32)
        y1_ref[...] = jnp.dot(hb, w21_ref[...],
                              preferred_element_type=jnp.float32)
        hl_ref[...] = jnp.dot(hb, w2l_ref[...],
                              preferred_element_type=jnp.float32)
        invd_ref[...] = jnp.concatenate([invd0[:, :do], invd1[:, :do]],
                                        axis=1)

    return pl.pallas_call(
        body,
        grid=(h // bn,),
        in_specs=[
            pl.BlockSpec((_NC, 2, bn, dwa), lambda i: (0, 0, i, 0)),
            pl.BlockSpec((bn, dh), lambda i: (i, 0)),
            pl.BlockSpec((1, dh), lambda i: (0, 0)),
            pl.BlockSpec((dh, do), lambda i: (0, 0)),
            pl.BlockSpec((dh, do), lambda i: (0, 0)),
            pl.BlockSpec((dh, do), lambda i: (0, 0)),
        ],
        out_specs=[
            pl.BlockSpec((bn, do), lambda i: (i, 0)),
            pl.BlockSpec((bn, do), lambda i: (i, 0)),
            pl.BlockSpec((bn, do), lambda i: (i, 0)),
            pl.BlockSpec((bn, 2 * do), lambda i: (i, 0)),
        ],
        out_shape=[
            jax.ShapeDtypeStruct((h, do), jnp.float32),
            jax.ShapeDtypeStruct((h, do), jnp.float32),
            jax.ShapeDtypeStruct((h, do), jnp.float32),
            jax.ShapeDtypeStruct((h, 2 * do), jnp.float32),
        ],
    )(p1, xl, b1, w20, w21, w2l)


def _tc3(p2, hl, invd, b2, bn):
    h, do = hl.shape

    def body(p_ref, hl_ref, invd_ref, b2_ref, o_ref):
        a0 = p_ref[0, 0] + p_ref[1, 0]
        a1 = p_ref[0, 1] + p_ref[1, 1]
        o_ref[...] = (a0 * invd_ref[:, :do] + a1 * invd_ref[:, do:]
                      + hl_ref[...] + b2_ref[...])

    return pl.pallas_call(
        body,
        grid=(h // bn,),
        in_specs=[
            pl.BlockSpec((_NC, 2, bn, do), lambda i: (0, 0, i, 0)),
            pl.BlockSpec((bn, do), lambda i: (i, 0)),
            pl.BlockSpec((bn, 2 * do), lambda i: (i, 0)),
            pl.BlockSpec((1, do), lambda i: (0, 0)),
        ],
        out_specs=pl.BlockSpec((bn, do), lambda i: (i, 0)),
        out_shape=jax.ShapeDtypeStruct((h, do), jnp.float32),
    )(p2, hl, invd, b2)




def kernel(x, edge_index0, edge_index1, W1_0, W1_1, W1_loop, b1,
           W2_0, W2_1, W2_loop, b2):
    n, d_in = x.shape
    dh = W1_0.shape[1]
    do = W2_0.shape[1]
    e = edge_index0.shape[1]
    nd = 16
    dwa = dh + nd
    need_dummy = bool(e % _CHUNK)
    h = -(-(n + (1 if need_dummy else 0)) // 80) * 80
    bn = h // 10
    if h != n:
        x = jnp.pad(x, ((0, h - n), (0, 0)))

    w0a = jnp.pad(W1_0, ((0, 0), (0, nd)))
    w1a = jnp.pad(W1_1, ((0, 0), (0, nd)))

    e_pad = -(-e // _CHUNK) * _CHUNK
    nchunks = e_pad // _CHUNK
    chp = _NW * (-(-nchunks // _NW))

    def prep(ei):
        ei = ei.astype(jnp.int32)
        if e_pad != e:
            fill = jnp.stack([jnp.zeros((e_pad - e,), jnp.int32),
                              jnp.full((e_pad - e,), n, jnp.int32)])
            ei = jnp.concatenate([ei, fill], axis=1)
        return jnp.pad(ei.reshape(2, nchunks, _CHUNK),
                       ((0, 0), (0, chp - nchunks), (0, 0))
                       ).reshape(2 * chp, _CHUNK)

    ei0 = prep(edge_index0)
    ei1 = prep(edge_index1)

    y0a, y1a, xl = _tc1(x, w0a, w1a, W1_loop, bn)
    p1 = _make_sc_scatter(h, dwa, nchunks, chp)(y0a, y1a, ei0, ei1)
    y20, y21, hl, invd = _tc2(p1, xl, b1.reshape(1, dh),
                              W2_0, W2_1, W2_loop, bn)
    p2 = _make_sc_scatter(h, do, nchunks, chp)(y20, y21, ei0, ei1)
    o = _tc3(p2, hl, invd, b2.reshape(1, do), bn)
    return o[:n] if h != n else o

# --- scband reference (transcript-rebuilt; emitter-appended) ---
"""Pipeline reference for scband-entity-classify-22282290332037 (READ-ONLY COPY).

The authoritative reference and input builder live on the scoring server;
editing this copy changes nothing except your own understanding.
"""

import jax, jax.numpy as jnp
import numpy as np

N = 10000
E = 160000
D_IN = 128
D_H = 64
D_OUT = 16


def setup_inputs(seed: int = 0) -> dict:
    key = jax.random.key(seed)
    ks = jax.random.split(key, 12)
    x = jax.random.normal(ks[0], (N, D_IN), dtype=jnp.float32)
    edge_index0 = jax.random.randint(ks[1], (2, E), 0, N)
    edge_index1 = jax.random.randint(ks[2], (2, E), 0, N)
    # layer 1 params (in_dim -> h_dim=64), one weight per relation + self-loop linear
    W1_0 = jax.random.normal(ks[3], (D_IN, D_H), dtype=jnp.float32) * 0.05
    W1_1 = jax.random.normal(ks[4], (D_IN, D_H), dtype=jnp.float32) * 0.05
    W1_loop = jax.random.normal(ks[5], (D_IN, D_H), dtype=jnp.float32) * 0.05
    b1 = jnp.zeros((D_H,), dtype=jnp.float32)
    # layer 2 params (h_dim -> out_dim)
    W2_0 = jax.random.normal(ks[6], (D_H, D_OUT), dtype=jnp.float32) * 0.05
    W2_1 = jax.random.normal(ks[7], (D_H, D_OUT), dtype=jnp.float32) * 0.05
    W2_loop = jax.random.normal(ks[8], (D_H, D_OUT), dtype=jnp.float32) * 0.05
    b2 = jnp.zeros((D_OUT,), dtype=jnp.float32)
    return {"x": x, "edge_index0": edge_index0, "edge_index1": edge_index1,
            "W1_0": W1_0, "W1_1": W1_1, "W1_loop": W1_loop, "b1": b1,
            "W2_0": W2_0, "W2_1": W2_1, "W2_loop": W2_loop, "b2": b2}


def _rel_graph_conv(h, edge_index, W, n_nodes):
    # DGL GraphConv(norm='right', weight=W, bias=False):
    # message = h[src] @ W ; aggregate sum onto dst ; normalize by in-degree (clamped to 1)
    src = edge_index[0]
    dst = edge_index[1]
    msg = jnp.take(h, src, axis=0) @ W
    agg = jax.ops.segment_sum(msg, dst, num_segments=n_nodes)
    deg = jax.ops.segment_sum(jnp.ones((edge_index.shape[1],), dtype=h.dtype), dst, num_segments=n_nodes)
    deg = jnp.clip(deg, 1.0, None)
    return agg / deg[:, None]


def reference(x, edge_index0, edge_index1, W1_0, W1_1, W1_loop, b1, W2_0, W2_1, W2_loop, b2):
    n = x.shape[0]
    # Layer 1: HeteroGraphConv (sum over relations) + self-loop linear + relu (dropout=identity at eval)
    h = _rel_graph_conv(x, edge_index0, W1_0, n) + _rel_graph_conv(x, edge_index1, W1_1, n)
    h = h + x @ W1_loop + b1
    h = jax.nn.relu(h)
    # Layer 2: same, no activation
    o = _rel_graph_conv(h, edge_index0, W2_0, n) + _rel_graph_conv(h, edge_index1, W2_1, n)
    o = o + h @ W2_loop + b2
    return o

if __name__ == "__main__":
    import jax
    _d = setup_inputs()
    print(jax.jit(kernel)(*tuple(_d.values())))

</pallas_src>

<mosaic_0001>
#map = affine_map<(d0, d1) -> (0, 0)>
#map1 = affine_map<(d0, d1) -> (0, 0, 0, 0)>
module attributes {stable_mosaic.version = 14 : i64} {
  func.func @sc_kernel(%arg0: i32, %arg1: i32, %arg2: memref<10000x80xf32, #tpu.memory_space<hbm>>, %arg3: memref<10000x80xf32, #tpu.memory_space<hbm>>, %arg4: memref<2560x128xi32, #tpu.memory_space<hbm>>, %arg5: memref<2560x128xi32, #tpu.memory_space<hbm>>, %arg6: memref<2x2x10000x80xf32, #tpu.memory_space<hbm>>, %arg7: memref<10000x80xf32, #tpu.memory_space<vmem_shared>>, %arg8: memref<40x128xi32, #tpu.memory_space<vmem>>, %arg9: memref<40x128xi32, #tpu.memory_space<vmem>>, %arg10: memref<4x128x80xf32, #tpu.memory_space<vmem>>, %arg11: memref<125x80xf32, #tpu.memory_space<vmem>>, %arg12: memref<2x!tpu.dma_semaphore, #tpu.memory_space<semaphore_mem>>, %arg13: memref<4x!tpu.dma_semaphore, #tpu.memory_space<semaphore_mem>>, %arg14: memref<4x!tpu.dma_semaphore, #tpu.memory_space<semaphore_mem>>) attributes {dimension_semantics = [#tpu.dimension_semantics<core_parallel>, #tpu.dimension_semantics<subcore_parallel>], iteration_bounds = array<i64: 2, 16>, scalar_prefetch = 0 : i64, scratch_operands = 8 : i64, tpu.core_type = #tpu.core_type<sc_vector_subcore>, window_params = [{transform_indices = #map}, {transform_indices = #map}, {transform_indices = #map}, {transform_indices = #map}, {transform_indices = #map1}]} {
    %mul3A = arith.constant 2 : i32
    %mul3A_0 = arith.muli %arg1, %mul3A : i32
    %add3A = arith.addi %mul3A_0, %arg0 : i32
    %mul3A_1 = arith.constant 625 : i32
    %mul3A_2 = arith.muli %arg1, %mul3A_1 : i32
    %lt3A = arith.constant 2 : i32
    %lt3A_3 = arith.cmpi slt, %add3A, %lt3A : i32
    %jit3A = arith.constant 1 : i32
    %jit3A_4 = arith.constant 0 : i32
    %select_n3A = arith.select %lt3A_3, %jit3A, %jit3A_4 : i32
    %add3A_5 = arith.constant 39 : i32
    %add3A_6 = arith.addi %add3A_5, %select_n3A : i32
    %mul3A_7 = arith.constant 39 : i32
    %mul3A_8 = arith.muli %add3A, %mul3A_7 : i32
    %min3A = arith.constant 2 : i32
    %min3A_9 = arith.minsi %add3A, %min3A : i32
    %add3A_10 = arith.addi %mul3A_8, %min3A_9 : i32
    %scan3A = arith.constant 0 : i32
    %scan3A_11 = arith.constant 0 : i32
    %scan3A_12 = arith.constant 125 : i32
    %scan3A_13 = arith.addi %scan3A_11, %scan3A_12 : i32
    %scan3A_14 = arith.constant 1 : i32
    scf.for %scan3A_228 = %scan3A_11 to %scan3A_13 step %scan3A_14  : i32 {
      %broadcast_in_dim3A = arith.constant 0.000000e+00 : f32
      %broadcast_in_dim3A_229 = vector.broadcast %broadcast_in_dim3A : f32 to vector<16xf32>
      %swap3A = arith.index_cast %scan3A_228 : i32 to index
      %swap3A_230 = arith.constant 0 : index
      %swap3A_231 = tpu.vector_load %arg11[%swap3A, %swap3A_230] {strides = array<i32>} : memref<125x80xf32, #tpu.memory_space<vmem>>, vector<1x16xf32>,
      %swap3A_232 = vector.shape_cast %swap3A_231 : vector<1x16xf32> to vector<16xf32>
      %swap3A_233 = vector.shape_cast %broadcast_in_dim3A_229 : vector<16xf32> to vector<1x16xf32>
      tpu.vector_store %arg11[%swap3A, %swap3A_230], %swap3A_233 {strides = array<i32>} : memref<125x80xf32, #tpu.memory_space<vmem>>, vector<1x16xf32>,
      %broadcast_in_dim3A_234 = arith.constant 0.000000e+00 : f32
      %broadcast_in_dim3A_235 = vector.broadcast %broadcast_in_dim3A_234 : f32 to vector<16xf32>
      %swap3A_236 = arith.index_cast %scan3A_228 : i32 to index
      %swap3A_237 = arith.constant 16 : index
      %swap3A_238 = tpu.vector_load %arg11[%swap3A_236, %swap3A_237] {strides = array<i32>} : memref<125x80xf32, #tpu.memory_space<vmem>>, vector<1x16xf32>,
      %swap3A_239 = vector.shape_cast %swap3A_238 : vector<1x16xf32> to vector<16xf32>
      %swap3A_240 = vector.shape_cast %broadcast_in_dim3A_235 : vector<16xf32> to vector<1x16xf32>
      tpu.vector_store %arg11[%swap3A_236, %swap3A_237], %swap3A_240 {strides = array<i32>} : memref<125x80xf32, #tpu.memory_space<vmem>>, vector<1x16xf32>,
      %broadcast_in_dim3A_241 = arith.constant 0.000000e+00 : f32
      %broadcast_in_dim3A_242 = vector.broadcast %broadcast_in_dim3A_241 : f32 to vector<16xf32>
      %swap3A_243 = arith.index_cast %scan3A_228 : i32 to index
      %swap3A_244 = arith.constant 32 : index
      %swap3A_245 = tpu.vector_load %arg11[%swap3A_243, %swap3A_244] {strides = array<i32>} : memref<125x80xf32, #tpu.memory_space<vmem>>, vector<1x16xf32>,
      %swap3A_246 = vector.shape_cast %swap3A_245 : vector<1x16xf32> to vector<16xf32>
      %swap3A_247 = vector.shape_cast %broadcast_in_dim3A_242 : vector<16xf32> to vector<1x16xf32>
      tpu.vector_store %arg11[%swap3A_243, %swap3A_244], %swap3A_247 {strides = array<i32>} : memref<125x80xf32, #tpu.memory_space<vmem>>, vector<1x16xf32>,
      %broadcast_in_dim3A_248 = arith.constant 0.000000e+00 : f32
      %broadcast_in_dim3A_249 = vector.broadcast %broadcast_in_dim3A_248 : f32 to vector<16xf32>
      %swap3A_250 = arith.index_cast %scan3A_228 : i32 to index
      %swap3A_251 = arith.constant 48 : index
      %swap3A_252 = tpu.vector_load %arg11[%swap3A_250, %swap3A_251] {strides = array<i32>} : memref<125x80xf32, #tpu.memory_space<vmem>>, vector<1x16xf32>,
      %swap3A_253 = vector.shape_cast %swap3A_252 : vector<1x16xf32> to vector<16xf32>
      %swap3A_254 = vector.shape_cast %broadcast_in_dim3A_249 : vector<16xf32> to vector<1x16xf32>
      tpu.vector_store %arg11[%swap3A_250, %swap3A_251], %swap3A_254 {strides = array<i32>} : memref<125x80xf32, #tpu.memory_space<vmem>>, vector<1x16xf32>,
      %broadcast_in_dim3A_255 = arith.constant 0.000000e+00 : f32
      %broadcast_in_dim3A_256 = vector.broadcast %broadcast_in_dim3A_255 : f32 to vector<16xf32>
      %swap3A_257 = arith.index_cast %scan3A_228 : i32 to index
      %swap3A_258 = arith.constant 64 : index
      %swap3A_259 = tpu.vector_load %arg11[%swap3A_257, %swap3A_258] {strides = array<i32>} : memref<125x80xf32, #tpu.memory_space<vmem>>, vector<1x16xf32>,
      %swap3A_260 = vector.shape_cast %swap3A_259 : vector<1x16xf32> to vector<16xf32>
      %swap3A_261 = vector.shape_cast %broadcast_in_dim3A_256 : vector<16xf32> to vector<1x16xf32>
      tpu.vector_store %arg11[%swap3A_257, %swap3A_258], %swap3A_261 {strides = array<i32>} : memref<125x80xf32, #tpu.memory_space<vmem>>, vector<1x16xf32>,
    }
    %scan3A_15 = arith.constant 125 : i32
    %dma_start3A = arith.constant 0 : i32
    %dma_start3A_16 = arith.constant 0 : i32
    %dma_start3A_17 = tpu.memref_slice %arg4[%add3A_10, %dma_start3A_16] : memref<2560x128xi32, #tpu.memory_space<hbm>> -> memref<40x128xi32, #tpu.memory_space<hbm>>
    %dma_start3A_18 = tpu.memref_slice %arg12[%dma_start3A] : memref<2x!tpu.dma_semaphore, #tpu.memory_space<semaphore_mem>> -> memref<1x!tpu.dma_semaphore, #tpu.memory_space<semaphore_mem>>
    %dma_start3A_19 = tpu.memref_squeeze %dma_start3A_18 : memref<1x!tpu.dma_semaphore, #tpu.memory_space<semaphore_mem>> -> memref<!tpu.dma_semaphore, #tpu.memory_space<semaphore_mem>>
    %dma_start3A_20 = arith.constant 0 : i32
    %dma_start3A_21 = tpu.memref_slice %arg4[%add3A_10, %dma_start3A_20] : memref<2560x128xi32, #tpu.memory_space<hbm>> -> memref<40x128xi32, #tpu.memory_space<hbm>>
    tpu.enqueue_dma source(%dma_start3A_21 : memref<40x128xi32, #tpu.memory_space<hbm>>) target(%arg8 : memref<40x128xi32, #tpu.memory_space<vmem>>) target_semaphore(%dma_start3A_19 : memref<!tpu.dma_semaphore, #tpu.memory_space<semaphore_mem>>)
    %add3A_22 = arith.constant 1280 : i32
    %add3A_23 = arith.addi %add3A_22, %add3A_10 : i32
    %dma_start3A_24 = arith.constant 1 : i32
    %dma_start3A_25 = arith.constant 0 : i32
    %dma_start3A_26 = tpu.memref_slice %arg4[%add3A_23, %dma_start3A_25] : memref<2560x128xi32, #tpu.memory_space<hbm>> -> memref<40x128xi32, #tpu.memory_space<hbm>>
    %dma_start3A_27 = tpu.memref_slice %arg12[%dma_start3A_24] : memref<2x!tpu.dma_semaphore, #tpu.memory_space<semaphore_mem>> -> memref<1x!tpu.dma_semaphore, #tpu.memory_space<semaphore_mem>>
    %dma_start3A_28 = tpu.memref_squeeze %dma_start3A_27 : memref<1x!tpu.dma_semaphore, #tpu.memory_space<semaphore_mem>> -> memref<!tpu.dma_semaphore, #tpu.memory_space<semaphore_mem>>
    %dma_start3A_29 = arith.constant 0 : i32
    %dma_start3A_30 = tpu.memref_slice %arg4[%add3A_23, %dma_start3A_29] : memref<2560x128xi32, #tpu.memory_space<hbm>> -> memref<40x128xi32, #tpu.memory_space<hbm>>
    tpu.enqueue_dma source(%dma_start3A_30 : memref<40x128xi32, #tpu.memory_space<hbm>>) target(%arg9 : memref<40x128xi32, #tpu.memory_space<vmem>>) target_semaphore(%dma_start3A_28 : memref<!tpu.dma_semaphore, #tpu.memory_space<semaphore_mem>>)
    %add3A_31 = arith.constant 0 : i32
    %add3A_32 = arith.addi %mul3A_2, %add3A_31 : i32
    "tpu.region"() ({
      %run_scoped3A_228 = tpu.sem_alloc : memref<!tpu.dma_semaphore, #tpu.memory_space<semaphore_mem>>
      %dma_start3A_229 = arith.constant 0 : i32
      %dma_start3A_230 = tpu.memref_slice %arg7[%add3A_32, %dma_start3A_229] : memref<10000x80xf32, #tpu.memory_space<vmem_shared>> -> memref<125x80xf32, #tpu.memory_space<vmem_shared>>
      %dma_start3A_231 = arith.constant 0 : i32
      %dma_start3A_232 = tpu.memref_slice %arg7[%add3A_32, %dma_start3A_231] : memref<10000x80xf32, #tpu.memory_space<vmem_shared>> -> memref<125x80xf32, #tpu.memory_space<vmem_shared>>
      tpu.enqueue_dma source(%arg11 : memref<125x80xf32, #tpu.memory_space<vmem>>) target(%dma_start3A_232 : memref<125x80xf32, #tpu.memory_space<vmem_shared>>) target_semaphore(%run_scoped3A_228 : memref<!tpu.dma_semaphore, #tpu.memory_space<semaphore_mem>>)
      %dma_wait3A_233 = arith.constant 0 : i32
      %dma_wait3A_234 = tpu.memref_slice %arg7[%add3A_32, %dma_wait3A_233] : memref<10000x80xf32, #tpu.memory_space<vmem_shared>> -> memref<125x80xf32, #tpu.memory_space<vmem_shared>>
      %dma_wait3A_235 = arith.constant 0 : i32
      %dma_wait3A_236 = tpu.memref_slice %arg7[%add3A_32, %dma_wait3A_235] : memref<10000x80xf32, #tpu.memory_space<vmem_shared>> -> memref<125x80xf32, #tpu.memory_space<vmem_shared>>
      tpu.wait_dma2 semaphore(%run_scoped3A_228 : memref<!tpu.dma_semaphore, #tpu.memory_space<semaphore_mem>>) src(%arg11 : memref<125x80xf32, #tpu.memory_space<vmem>>) dst(%dma_wait3A_236 : memref<125x80xf32, #tpu.memory_space<vmem_shared>>)
      tpu.yield
    }) : () -> ()
    %add3A_33 = arith.constant 125 : i32
    %add3A_34 = arith.addi %mul3A_2, %add3A_33 : i32
    "tpu.region"() ({
      %run_scoped3A_228 = tpu.sem_alloc : memref<!tpu.dma_semaphore, #tpu.memory_space<semaphore_mem>>
      %dma_start3A_229 = arith.constant 0 : i32
      %dma_start3A_230 = tpu.memref_slice %arg7[%add3A_34, %dma_start3A_229] : memref<10000x80xf32, #tpu.memory_space<vmem_shared>> -> memref<125x80xf32, #tpu.memory_space<vmem_shared>>
      %dma_start3A_231 = arith.constant 0 : i32
      %dma_start3A_232 = tpu.memref_slice %arg7[%add3A_34, %dma_start3A_231] : memref<10000x80xf32, #tpu.memory_space<vmem_shared>> -> memref<125x80xf32, #tpu.memory_space<vmem_shared>>
      tpu.enqueue_dma source(%arg11 : memref<125x80xf32, #tpu.memory_space<vmem>>) target(%dma_start3A_232 : memref<125x80xf32, #tpu.memory_space<vmem_shared>>) target_semaphore(%run_scoped3A_228 : memref<!tpu.dma_semaphore, #tpu.memory_space<semaphore_mem>>)
      %dma_wait3A_233 = arith.constant 0 : i32
      %dma_wait3A_234 = tpu.memref_slice %arg7[%add3A_34, %dma_wait3A_233] : memref<10000x80xf32, #tpu.memory_space<vmem_shared>> -> memref<125x80xf32, #tpu.memory_space<vmem_shared>>
      %dma_wait3A_235 = arith.constant 0 : i32
      %dma_wait3A_236 = tpu.memref_slice %arg7[%add3A_34, %dma_wait3A_235] : memref<10000x80xf32, #tpu.memory_space<vmem_shared>> -> memref<125x80xf32, #tpu.memory_space<vmem_shared>>
      tpu.wait_dma2 semaphore(%run_scoped3A_228 : memref<!tpu.dma_semaphore, #tpu.memory_space<semaphore_mem>>) src(%arg11 : memref<125x80xf32, #tpu.memory_space<vmem>>) dst(%dma_wait3A_236 : memref<125x80xf32, #tpu.memory_space<vmem_shared>>)
      tpu.yield
    }) : () -> ()
    %add3A_35 = arith.constant 250 : i32
    %add3A_36 = arith.addi %mul3A_2, %add3A_35 : i32
    "tpu.region"() ({
      %run_scoped3A_228 = tpu.sem_alloc : memref<!tpu.dma_semaphore, #tpu.memory_space<semaphore_mem>>
      %dma_start3A_229 = arith.constant 0 : i32
      %dma_start3A_230 = tpu.memref_slice %arg7[%add3A_36, %dma_start3A_229] : memref<10000x80xf32, #tpu.memory_space<vmem_shared>> -> memref<125x80xf32, #tpu.memory_space<vmem_shared>>
      %dma_start3A_231 = arith.constant 0 : i32
      %dma_start3A_232 = tpu.memref_slice %arg7[%add3A_36, %dma_start3A_231] : memref<10000x80xf32, #tpu.memory_space<vmem_shared>> -> memref<125x80xf32, #tpu.memory_space<vmem_shared>>
      tpu.enqueue_dma source(%arg11 : memref<125x80xf32, #tpu.memory_space<vmem>>) target(%dma_start3A_232 : memref<125x80xf32, #tpu.memory_space<vmem_shared>>) target_semaphore(%run_scoped3A_228 : memref<!tpu.dma_semaphore, #tpu.memory_space<semaphore_mem>>)
      %dma_wait3A_233 = arith.constant 0 : i32
      %dma_wait3A_234 = tpu.memref_slice %arg7[%add3A_36, %dma_wait3A_233] : memref<10000x80xf32, #tpu.memory_space<vmem_shared>> -> memref<125x80xf32, #tpu.memory_space<vmem_shared>>
      %dma_wait3A_235 = arith.constant 0 : i32
      %dma_wait3A_236 = tpu.memref_slice %arg7[%add3A_36, %dma_wait3A_235] : memref<10000x80xf32, #tpu.memory_space<vmem_shared>> -> memref<125x80xf32, #tpu.memory_space<vmem_shared>>
      tpu.wait_dma2 semaphore(%run_scoped3A_228 : memref<!tpu.dma_semaphore, #tpu.memory_space<semaphore_mem>>) src(%arg11 : memref<125x80xf32, #tpu.memory_space<vmem>>) dst(%dma_wait3A_236 : memref<125x80xf32, #tpu.memory_space<vmem_shared>>)
      tpu.yield
    }) : () -> ()
    %add3A_37 = arith.constant 375 : i32
    %add3A_38 = arith.addi %mul3A_2, %add3A_37 : i32
    "tpu.region"() ({
      %run_scoped3A_228 = tpu.sem_alloc : memref<!tpu.dma_semaphore, #tpu.memory_space<semaphore_mem>>
      %dma_start3A_229 = arith.constant 0 : i32
      %dma_start3A_230 = tpu.memref_slice %arg7[%add3A_38, %dma_start3A_229] : memref<10000x80xf32, #tpu.memory_space<vmem_shared>> -> memref<125x80xf32, #tpu.memory_space<vmem_shared>>
      %dma_start3A_231 = arith.constant 0 : i32
      %dma_start3A_232 = tpu.memref_slice %arg7[%add3A_38, %dma_start3A_231] : memref<10000x80xf32, #tpu.memory_space<vmem_shared>> -> memref<125x80xf32, #tpu.memory_space<vmem_shared>>
      tpu.enqueue_dma source(%arg11 : memref<125x80xf32, #tpu.memory_space<vmem>>) target(%dma_start3A_232 : memref<125x80xf32, #tpu.memory_space<vmem_shared>>) target_semaphore(%run_scoped3A_228 : memref<!tpu.dma_semaphore, #tpu.memory_space<semaphore_mem>>)
      %dma_wait3A_233 = arith.constant 0 : i32
      %dma_wait3A_234 = tpu.memref_slice %arg7[%add3A_38, %dma_wait3A_233] : memref<10000x80xf32, #tpu.memory_space<vmem_shared>> -> memref<125x80xf32, #tpu.memory_space<vmem_shared>>
      %dma_wait3A_235 = arith.constant 0 : i32
      %dma_wait3A_236 = tpu.memref_slice %arg7[%add3A_38, %dma_wait3A_235] : memref<10000x80xf32, #tpu.memory_space<vmem_shared>> -> memref<125x80xf32, #tpu.memory_space<vmem_shared>>
      tpu.wait_dma2 semaphore(%run_scoped3A_228 : memref<!tpu.dma_semaphore, #tpu.memory_space<semaphore_mem>>) src(%arg11 : memref<125x80xf32, #tpu.memory_space<vmem>>) dst(%dma_wait3A_236 : memref<125x80xf32, #tpu.memory_space<vmem_shared>>)
      tpu.yield
    }) : () -> ()
    %add3A_39 = arith.constant 500 : i32
    %add3A_40 = arith.addi %mul3A_2, %add3A_39 : i32
    "tpu.region"() ({
      %run_scoped3A_228 = tpu.sem_alloc : memref<!tpu.dma_semaphore, #tpu.memory_space<semaphore_mem>>
      %dma_start3A_229 = arith.constant 0 : i32
      %dma_start3A_230 = tpu.memref_slice %arg7[%add3A_40, %dma_start3A_229] : memref<10000x80xf32, #tpu.memory_space<vmem_shared>> -> memref<125x80xf32, #tpu.memory_space<vmem_shared>>
      %dma_start3A_231 = arith.constant 0 : i32
      %dma_start3A_232 = tpu.memref_slice %arg7[%add3A_40, %dma_start3A_231] : memref<10000x80xf32, #tpu.memory_space<vmem_shared>> -> memref<125x80xf32, #tpu.memory_space<vmem_shared>>
      tpu.enqueue_dma source(%arg11 : memref<125x80xf32, #tpu.memory_space<vmem>>) target(%dma_start3A_232 : memref<125x80xf32, #tpu.memory_space<vmem_shared>>) target_semaphore(%run_scoped3A_228 : memref<!tpu.dma_semaphore, #tpu.memory_space<semaphore_mem>>)
      %dma_wait3A_233 = arith.constant 0 : i32
      %dma_wait3A_234 = tpu.memref_slice %arg7[%add3A_40, %dma_wait3A_233] : memref<10000x80xf32, #tpu.memory_space<vmem_shared>> -> memref<125x80xf32, #tpu.memory_space<vmem_shared>>
      %dma_wait3A_235 = arith.constant 0 : i32
      %dma_wait3A_236 = tpu.memref_slice %arg7[%add3A_40, %dma_wait3A_235] : memref<10000x80xf32, #tpu.memory_space<vmem_shared>> -> memref<125x80xf32, #tpu.memory_space<vmem_shared>>
      tpu.wait_dma2 semaphore(%run_scoped3A_228 : memref<!tpu.dma_semaphore, #tpu.memory_space<semaphore_mem>>) src(%arg11 : memref<125x80xf32, #tpu.memory_space<vmem>>) dst(%dma_wait3A_236 : memref<125x80xf32, #tpu.memory_space<vmem_shared>>)
      tpu.yield
    }) : () -> ()
    %dma_wait3A = arith.constant 0 : i32
    %dma_wait3A_41 = arith.constant 0 : i32
    %dma_wait3A_42 = arith.constant 0 : i32
    %dma_wait3A_43 = tpu.memref_slice %arg4[%dma_wait3A_41, %dma_wait3A_42] : memref<2560x128xi32, #tpu.memory_space<hbm>> -> memref<40x128xi32, #tpu.memory_space<hbm>>
    %dma_wait3A_44 = tpu.memref_slice %arg12[%dma_wait3A] : memref<2x!tpu.dma_semaphore, #tpu.memory_space<semaphore_mem>> -> memref<1x!tpu.dma_semaphore, #tpu.memory_space<semaphore_mem>>
    %dma_wait3A_45 = tpu.memref_squeeze %dma_wait3A_44 : memref<1x!tpu.dma_semaphore, #tpu.memory_space<semaphore_mem>> -> memref<!tpu.dma_semaphore, #tpu.memory_space<semaphore_mem>>
    %dma_wait3A_46 = arith.constant 0 : i32
    %dma_wait3A_47 = arith.constant 0 : i32
    %dma_wait3A_48 = tpu.memref_slice %arg4[%dma_wait3A_46, %dma_wait3A_47] : memref<2560x128xi32, #tpu.memory_space<hbm>> -> memref<40x128xi32, #tpu.memory_space<hbm>>
    tpu.wait_dma2 semaphore(%dma_wait3A_45 : memref<!tpu.dma_semaphore, #tpu.memory_space<semaphore_mem>>) src(%dma_wait3A_48 : memref<40x128xi32, #tpu.memory_space<hbm>>) dst(%arg8 : memref<40x128xi32, #tpu.memory_space<vmem>>)
    %dma_wait3A_49 = arith.constant 1 : i32
    %dma_wait3A_50 = arith.constant 0 : i32
    %dma_wait3A_51 = arith.constant 0 : i32
    %dma_wait3A_52 = tpu.memref_slice %arg4[%dma_wait3A_50, %dma_wait3A_51] : memref<2560x128xi32, #tpu.memory_space<hbm>> -> memref<40x128xi32, #tpu.memory_space<hbm>>
    %dma_wait3A_53 = tpu.memref_slice %arg12[%dma_wait3A_49] : memref<2x!tpu.dma_semaphore, #tpu.memory_space<semaphore_mem>> -> memref<1x!tpu.dma_semaphore, #tpu.memory_space<semaphore_mem>>
    %dma_wait3A_54 = tpu.memref_squeeze %dma_wait3A_53 : memref<1x!tpu.dma_semaphore, #tpu.memory_space<semaphore_mem>> -> memref<!tpu.dma_semaphore, #tpu.memory_space<semaphore_mem>>
    %dma_wait3A_55 = arith.constant 0 : i32
    %dma_wait3A_56 = arith.constant 0 : i32
    %dma_wait3A_57 = tpu.memref_slice %arg4[%dma_wait3A_55, %dma_wait3A_56] : memref<2560x128xi32, #tpu.memory_space<hbm>> -> memref<40x128xi32, #tpu.memory_space<hbm>>
    tpu.wait_dma2 semaphore(%dma_wait3A_54 : memref<!tpu.dma_semaphore, #tpu.memory_space<semaphore_mem>>) src(%dma_wait3A_57 : memref<40x128xi32, #tpu.memory_space<hbm>>) dst(%arg9 : memref<40x128xi32, #tpu.memory_space<vmem>>)
    %barrier3A = arith.constant 0 : index
    tpu.barrier barrier_id(%barrier3A)
    %ge3A = arith.constant 1 : i32
    %ge3A_58 = arith.cmpi sge, %add3A_6, %ge3A : i32
    %convert_element_type3A = arith.extui %ge3A_58 : i1 to i32
    %cond3A = arith.constant 0 : i32
    %cond3A_59 = arith.cmpi ne, %convert_element_type3A, %cond3A : i32
    scf.if %cond3A_59 {
      %and3A = arith.constant 0 : i32
      %and3A_228 = arith.constant 3 : i32
      %and3A_229 = arith.andi %and3A, %and3A_228 : i32
      %dma_start3A_230 = arith.constant 0 : i32
      %dma_start3A_231 = arith.constant 0 : i32
      %dma_start3A_232 = arith.constant 0 : i32
      %dma_start3A_233 = tpu.memref_slice %arg10[%and3A_229, %dma_start3A_231, %dma_start3A_232] : memref<4x128x80xf32, #tpu.memory_space<vmem>> -> memref<1x128x80xf32, #tpu.memory_space<vmem>>
      %dma_start3A_234 = tpu.memref_squeeze %dma_start3A_233 : memref<1x128x80xf32, #tpu.memory_space<vmem>> -> memref<128x80xf32, #tpu.memory_space<vmem>>
      %dma_start3A_235 = arith.constant 0 : i32
      %dma_start3A_236 = tpu.memref_slice %arg8[%dma_start3A_230, %dma_start3A_235] : memref<40x128xi32, #tpu.memory_space<vmem>> -> memref<1x128xi32, #tpu.memory_space<vmem>>
      %dma_start3A_237 = tpu.memref_squeeze %dma_start3A_236 : memref<1x128xi32, #tpu.memory_space<vmem>> -> memref<128xi32, #tpu.memory_space<vmem>>
      %dma_start3A_238 = arith.constant 0 : i32
      %dma_start3A_239 = arith.constant 0 : i32
      %dma_start3A_240 = tpu.memref_slice %arg2[%dma_start3A_238, %dma_start3A_239] : memref<10000x80xf32, #tpu.memory_space<hbm>> -> memref<10000x80xf32, #tpu.memory_space<hbm>>
      %dma_start3A_241 = tpu.memref_slice %arg13[%and3A_229] : memref<4x!tpu.dma_semaphore, #tpu.memory_space<semaphore_mem>> -> memref<1x!tpu.dma_semaphore, #tpu.memory_space<semaphore_mem>>
      %dma_start3A_242 = tpu.memref_squeeze %dma_start3A_241 : memref<1x!tpu.dma_semaphore, #tpu.memory_space<semaphore_mem>> -> memref<!tpu.dma_semaphore, #tpu.memory_space<semaphore_mem>>
      tpu.enqueue_indirect_dma source(%dma_start3A_240 : memref<10000x80xf32, #tpu.memory_space<hbm>>) target(%dma_start3A_234 : memref<128x80xf32, #tpu.memory_space<vmem>>) offsets(%dma_start3A_237 : memref<128xi32, #tpu.memory_space<vmem>>) semaphore(%dma_start3A_242 : memref<!tpu.dma_semaphore, #tpu.memory_space<semaphore_mem>>)
    } else {
    }
    %ge3A_60 = arith.constant 2 : i32
    %ge3A_61 = arith.cmpi sge, %add3A_6, %ge3A_60 : i32
    %convert_element_type3A_62 = arith.extui %ge3A_61 : i1 to i32
    %cond3A_63 = arith.constant 0 : i32
    %cond3A_64 = arith.cmpi ne, %convert_element_type3A_62, %cond3A_63 : i32
    scf.if %cond3A_64 {
      %and3A = arith.constant 1 : i32
      %and3A_228 = arith.constant 3 : i32
      %and3A_229 = arith.andi %and3A, %and3A_228 : i32
      %dma_start3A_230 = arith.constant 1 : i32
      %dma_start3A_231 = arith.constant 0 : i32
      %dma_start3A_232 = arith.constant 0 : i32
      %dma_start3A_233 = tpu.memref_slice %arg10[%and3A_229, %dma_start3A_231, %dma_start3A_232] : memref<4x128x80xf32, #tpu.memory_space<vmem>> -> memref<1x128x80xf32, #tpu.memory_space<vmem>>
      %dma_start3A_234 = tpu.memref_squeeze %dma_start3A_233 : memref<1x128x80xf32, #tpu.memory_space<vmem>> -> memref<128x80xf32, #tpu.memory_space<vmem>>
      %dma_start3A_235 = arith.constant 0 : i32
      %dma_start3A_236 = tpu.memref_slice %arg8[%dma_start3A_230, %dma_start3A_235] : memref<40x128xi32, #tpu.memory_space<vmem>> -> memref<1x128xi32, #tpu.memory_space<vmem>>
      %dma_start3A_237 = tpu.memref_squeeze %dma_start3A_236 : memref<1x128xi32, #tpu.memory_space<vmem>> -> memref<128xi32, #tpu.memory_space<vmem>>
      %dma_start3A_238 = arith.constant 0 : i32
      %dma_start3A_239 = arith.constant 0 : i32
      %dma_start3A_240 = tpu.memref_slice %arg2[%dma_start3A_238, %dma_start3A_239] : memref<10000x80xf32, #tpu.memory_space<hbm>> -> memref<10000x80xf32, #tpu.memory_space<hbm>>
      %dma_start3A_241 = tpu.memref_slice %arg13[%and3A_229] : memref<4x!tpu.dma_semaphore, #tpu.memory_space<semaphore_mem>> -> memref<1x!tpu.dma_semaphore, #tpu.memory_space<semaphore_mem>>
      %dma_start3A_242 = tpu.memref_squeeze %dma_start3A_241 : memref<1x!tpu.dma_semaphore, #tpu.memory_space<semaphore_mem>> -> memref<!tpu.dma_semaphore, #tpu.memory_space<semaphore_mem>>
      tpu.enqueue_indirect_dma source(%dma_start3A_240 : memref<10000x80xf32, #tpu.memory_space<hbm>>) target(%dma_start3A_234 : memref<128x80xf32, #tpu.memory_space<vmem>>) offsets(%dma_start3A_237 : memref<128xi32, #tpu.memory_space<vmem>>) semaphore(%dma_start3A_242 : memref<!tpu.dma_semaphore, #tpu.memory_space<semaphore_mem>>)
    } else {
    }
    %ge3A_65 = arith.constant 1 : i32
    %ge3A_66 = arith.cmpi sge, %add3A_6, %ge3A_65 : i32
    %convert_element_type3A_67 = arith.extui %ge3A_66 : i1 to i32
    %cond3A_68 = arith.constant 0 : i32
    %cond3A_69 = arith.cmpi ne, %convert_element_type3A_67, %cond3A_68 : i32
    scf.if %cond3A_69 {
      %and3A = arith.constant 0 : i32
      %and3A_228 = arith.constant 3 : i32
      %and3A_229 = arith.andi %and3A, %and3A_228 : i32
      %dma_wait3A_230 = arith.constant 0 : i32
      %dma_wait3A_231 = arith.constant 0 : i32
      %dma_wait3A_232 = arith.constant 0 : i32
      %dma_wait3A_233 = tpu.memref_slice %arg10[%and3A_229, %dma_wait3A_231, %dma_wait3A_232] : memref<4x128x80xf32, #tpu.memory_space<vmem>> -> memref<1x128x80xf32, #tpu.memory_space<vmem>>
      %dma_wait3A_234 = tpu.memref_squeeze %dma_wait3A_233 : memref<1x128x80xf32, #tpu.memory_space<vmem>> -> memref<128x80xf32, #tpu.memory_space<vmem>>
      %dma_wait3A_235 = arith.constant 0 : i32
      %dma_wait3A_236 = tpu.memref_slice %arg8[%dma_wait3A_230, %dma_wait3A_235] : memref<40x128xi32, #tpu.memory_space<vmem>> -> memref<1x128xi32, #tpu.memory_space<vmem>>
      %dma_wait3A_237 = tpu.memref_squeeze %dma_wait3A_236 : memref<1x128xi32, #tpu.memory_space<vmem>> -> memref<128xi32, #tpu.memory_space<vmem>>
      %dma_wait3A_238 = arith.constant 0 : i32
      %dma_wait3A_239 = arith.constant 0 : i32
      %dma_wait3A_240 = tpu.memref_slice %arg2[%dma_wait3A_238, %dma_wait3A_239] : memref<10000x80xf32, #tpu.memory_space<hbm>> -> memref<10000x80xf32, #tpu.memory_space<hbm>>
      %dma_wait3A_241 = tpu.memref_slice %arg13[%and3A_229] : memref<4x!tpu.dma_semaphore, #tpu.memory_space<semaphore_mem>> -> memref<1x!tpu.dma_semaphore, #tpu.memory_space<semaphore_mem>>
      %dma_wait3A_242 = tpu.memref_squeeze %dma_wait3A_241 : memref<1x!tpu.dma_semaphore, #tpu.memory_space<semaphore_mem>> -> memref<!tpu.dma_semaphore, #tpu.memory_space<semaphore_mem>>
      tpu.wait_indirect_dma semaphore(%dma_wait3A_242 : memref<!tpu.dma_semaphore, #tpu.memory_space<semaphore_mem>>) src(%dma_wait3A_240 : memref<10000x80xf32, #tpu.memory_space<hbm>>) dst(%dma_wait3A_234 : memref<128x80xf32, #tpu.memory_space<vmem>>)
      %and3A_243 = arith.constant 0 : i32
      %and3A_244 = arith.constant 3 : i32
      %and3A_245 = arith.andi %and3A_243, %and3A_244 : i32
      %dma_start3A_246 = arith.constant 0 : i32
      %dma_start3A_247 = arith.constant 0 : i32
      %dma_start3A_248 = arith.constant 0 : i32
      %dma_start3A_249 = tpu.memref_slice %arg10[%and3A_245, %dma_start3A_247, %dma_start3A_248] : memref<4x128x80xf32, #tpu.memory_space<vmem>> -> memref<1x128x80xf32, #tpu.memory_space<vmem>>
      %dma_start3A_250 = tpu.memref_squeeze %dma_start3A_249 : memref<1x128x80xf32, #tpu.memory_space<vmem>> -> memref<128x80xf32, #tpu.memory_space<vmem>>
      %dma_start3A_251 = arith.constant 0 : i32
      %dma_start3A_252 = tpu.memref_slice %arg9[%dma_start3A_246, %dma_start3A_251] : memref<40x128xi32, #tpu.memory_space<vmem>> -> memref<1x128xi32, #tpu.memory_space<vmem>>
      %dma_start3A_253 = tpu.memref_squeeze %dma_start3A_252 : memref<1x128xi32, #tpu.memory_space<vmem>> -> memref<128xi32, #tpu.memory_space<vmem>>
      %dma_start3A_254 = arith.constant 0 : i32
      %dma_start3A_255 = arith.constant 0 : i32
      %dma_start3A_256 = tpu.memref_slice %arg7[%dma_start3A_254, %dma_start3A_255] : memref<10000x80xf32, #tpu.memory_space<vmem_shared>> -> memref<10000x80xf32, #tpu.memory_space<vmem_shared>>
      %dma_start3A_257 = tpu.memref_slice %arg14[%and3A_245] : memref<4x!tpu.dma_semaphore, #tpu.memory_space<semaphore_mem>> -> memref<1x!tpu.dma_semaphore, #tpu.memory_space<semaphore_mem>>
      %dma_start3A_258 = tpu.memref_squeeze %dma_start3A_257 : memref<1x!tpu.dma_semaphore, #tpu.memory_space<semaphore_mem>> -> memref<!tpu.dma_semaphore, #tpu.memory_space<semaphore_mem>>
      tpu.enqueue_indirect_dma source(%dma_start3A_250 : memref<128x80xf32, #tpu.memory_space<vmem>>) target(%dma_start3A_256 : memref<10000x80xf32, #tpu.memory_space<vmem_shared>>) offsets(%dma_start3A_253 : memref<128xi32, #tpu.memory_space<vmem>>) semaphore(%dma_start3A_258 : memref<!tpu.dma_semaphore, #tpu.memory_space<semaphore_mem>>) {add = true}
    } else {
    }
    %ge3A_70 = arith.constant 3 : i32
    %ge3A_71 = arith.cmpi sge, %add3A_6, %ge3A_70 : i32
    %convert_element_type3A_72 = arith.extui %ge3A_71 : i1 to i32
    %cond3A_73 = arith.constant 0 : i32
    %cond3A_74 = arith.cmpi ne, %convert_element_type3A_72, %cond3A_73 : i32
    scf.if %cond3A_74 {
      %and3A = arith.constant 2 : i32
      %and3A_228 = arith.constant 3 : i32
      %and3A_229 = arith.andi %and3A, %and3A_228 : i32
      %dma_start3A_230 = arith.constant 2 : i32
      %dma_start3A_231 = arith.constant 0 : i32
      %dma_start3A_232 = arith.constant 0 : i32
      %dma_start3A_233 = tpu.memref_slice %arg10[%and3A_229, %dma_start3A_231, %dma_start3A_232] : memref<4x128x80xf32, #tpu.memory_space<vmem>> -> memref<1x128x80xf32, #tpu.memory_space<vmem>>
      %dma_start3A_234 = tpu.memref_squeeze %dma_start3A_233 : memref<1x128x80xf32, #tpu.memory_space<vmem>> -> memref<128x80xf32, #tpu.memory_space<vmem>>
      %dma_start3A_235 = arith.constant 0 : i32
      %dma_start3A_236 = tpu.memref_slice %arg8[%dma_start3A_230, %dma_start3A_235] : memref<40x128xi32, #tpu.memory_space<vmem>> -> memref<1x128xi32, #tpu.memory_space<vmem>>
      %dma_start3A_237 = tpu.memref_squeeze %dma_start3A_236 : memref<1x128xi32, #tpu.memory_space<vmem>> -> memref<128xi32, #tpu.memory_space<vmem>>
      %dma_start3A_238 = arith.constant 0 : i32
      %dma_start3A_239 = arith.constant 0 : i32
      %dma_start3A_240 = tpu.memref_slice %arg2[%dma_start3A_238, %dma_start3A_239] : memref<10000x80xf32, #tpu.memory_space<hbm>> -> memref<10000x80xf32, #tpu.memory_space<hbm>>
      %dma_start3A_241 = tpu.memref_slice %arg13[%and3A_229] : memref<4x!tpu.dma_semaphore, #tpu.memory_space<semaphore_mem>> -> memref<1x!tpu.dma_semaphore, #tpu.memory_space<semaphore_mem>>
      %dma_start3A_242 = tpu.memref_squeeze %dma_start3A_241 : memref<1x!tpu.dma_semaphore, #tpu.memory_space<semaphore_mem>> -> memref<!tpu.dma_semaphore, #tpu.memory_space<semaphore_mem>>
      tpu.enqueue_indirect_dma source(%dma_start3A_240 : memref<10000x80xf32, #tpu.memory_space<hbm>>) target(%dma_start3A_234 : memref<128x80xf32, #tpu.memory_space<vmem>>) offsets(%dma_start3A_237 : memref<128xi32, #tpu.memory_space<vmem>>) semaphore(%dma_start3A_242 : memref<!tpu.dma_semaphore, #tpu.memory_space<semaphore_mem>>)
    } else {
    }
    %ge3A_75 = arith.constant 2 : i32
    %ge3A_76 = arith.cmpi sge, %add3A_6, %ge3A_75 : i32
    %convert_element_type3A_77 = arith.extui %ge3A_76 : i1 to i32
    %cond3A_78 = arith.constant 0 : i32
    %cond3A_79 = arith.cmpi ne, %convert_element_type3A_77, %cond3A_78 : i32
    scf.if %cond3A_79 {
      %and3A = arith.constant 1 : i32
      %and3A_228 = arith.constant 3 : i32
      %and3A_229 = arith.andi %and3A, %and3A_228 : i32
      %dma_wait3A_230 = arith.constant 1 : i32
      %dma_wait3A_231 = arith.constant 0 : i32
      %dma_wait3A_232 = arith.constant 0 : i32
      %dma_wait3A_233 = tpu.memref_slice %arg10[%and3A_229, %dma_wait3A_231, %dma_wait3A_232] : memref<4x128x80xf32, #tpu.memory_space<vmem>> -> memref<1x128x80xf32, #tpu.memory_space<vmem>>
      %dma_wait3A_234 = tpu.memref_squeeze %dma_wait3A_233 : memref<1x128x80xf32, #tpu.memory_space<vmem>> -> memref<128x80xf32, #tpu.memory_space<vmem>>
      %dma_wait3A_235 = arith.constant 0 : i32
      %dma_wait3A_236 = tpu.memref_slice %arg8[%dma_wait3A_230, %dma_wait3A_235] : memref<40x128xi32, #tpu.memory_space<vmem>> -> memref<1x128xi32, #tpu.memory_space<vmem>>
      %dma_wait3A_237 = tpu.memref_squeeze %dma_wait3A_236 : memref<1x128xi32, #tpu.memory_space<vmem>> -> memref<128xi32, #tpu.memory_space<vmem>>
      %dma_wait3A_238 = arith.constant 0 : i32
      %dma_wait3A_239 = arith.constant 0 : i32
      %dma_wait3A_240 = tpu.memref_slice %arg2[%dma_wait3A_238, %dma_wait3A_239] : memref<10000x80xf32, #tpu.memory_space<hbm>> -> memref<10000x80xf32, #tpu.memory_space<hbm>>
      %dma_wait3A_241 = tpu.memref_slice %arg13[%and3A_229] : memref<4x!tpu.dma_semaphore, #tpu.memory_space<semaphore_mem>> -> memref<1x!tpu.dma_semaphore, #tpu.memory_space<semaphore_mem>>
      %dma_wait3A_242 = tpu.memref_squeeze %dma_wait3A_241 : memref<1x!tpu.dma_semaphore, #tpu.memory_space<semaphore_mem>> -> memref<!tpu.dma_semaphore, #tpu.memory_space<semaphore_mem>>
      tpu.wait_indirect_dma semaphore(%dma_wait3A_242 : memref<!tpu.dma_semaphore, #tpu.memory_space<semaphore_mem>>) src(%dma_wait3A_240 : memref<10000x80xf32, #tpu.memory_space<hbm>>) dst(%dma_wait3A_234 : memref<128x80xf32, #tpu.memory_space<vmem>>)
      %and3A_243 = arith.constant 1 : i32
      %and3A_244 = arith.constant 3 : i32
      %and3A_245 = arith.andi %and3A_243, %and3A_244 : i32
      %dma_start3A_246 = arith.constant 1 : i32
      %dma_start3A_247 = arith.constant 0 : i32
      %dma_start3A_248 = arith.constant 0 : i32
      %dma_start3A_249 = tpu.memref_slice %arg10[%and3A_245, %dma_start3A_247, %dma_start3A_248] : memref<4x128x80xf32, #tpu.memory_space<vmem>> -> memref<1x128x80xf32, #tpu.memory_space<vmem>>
      %dma_start3A_250 = tpu.memref_squeeze %dma_start3A_249 : memref<1x128x80xf32, #tpu.memory_space<vmem>> -> memref<128x80xf32, #tpu.memory_space<vmem>>
      %dma_start3A_251 = arith.constant 0 : i32
      %dma_start3A_252 = tpu.memref_slice %arg9[%dma_start3A_246, %dma_start3A_251] : memref<40x128xi32, #tpu.memory_space<vmem>> -> memref<1x128xi32, #tpu.memory_space<vmem>>
      %dma_start3A_253 = tpu.memref_squeeze %dma_start3A_252 : memref<1x128xi32, #tpu.memory_space<vmem>> -> memref<128xi32, #tpu.memory_space<vmem>>
      %dma_start3A_254 = arith.constant 0 : i32
      %dma_start3A_255 = arith.constant 0 : i32
      %dma_start3A_256 = tpu.memref_slice %arg7[%dma_start3A_254, %dma_start3A_255] : memref<10000x80xf32, #tpu.memory_space<vmem_shared>> -> memref<10000x80xf32, #tpu.memory_space<vmem_shared>>
      %dma_start3A_257 = tpu.memref_slice %arg14[%and3A_245] : memref<4x!tpu.dma_semaphore, #tpu.memory_space<semaphore_mem>> -> memref<1x!tpu.dma_semaphore, #tpu.memory_space<semaphore_mem>>
      %dma_start3A_258 = tpu.memref_squeeze %dma_start3A_257 : memref<1x!tpu.dma_semaphore, #tpu.memory_space<semaphore_mem>> -> memref<!tpu.dma_semaphore, #tpu.memory_space<semaphore_mem>>
      tpu.enqueue_indirect_dma source(%dma_start3A_250 : memref<128x80xf32, #tpu.memory_space<vmem>>) target(%dma_start3A_256 : memref<10000x80xf32, #tpu.memory_space<vmem_shared>>) offsets(%dma_start3A_253 : memref<128xi32, #tpu.memory_space<vmem>>) semaphore(%dma_start3A_258 : memref<!tpu.dma_semaphore, #tpu.memory_space<semaphore_mem>>) {add = true}
    } else {
    }
    %ge3A_80 = arith.constant 4 : i32
    %ge3A_81 = arith.cmpi sge, %add3A_6, %ge3A_80 : i32
    %convert_element_type3A_82 = arith.extui %ge3A_81 : i1 to i32
    %cond3A_83 = arith.constant 0 : i32
    %cond3A_84 = arith.cmpi ne, %convert_element_type3A_82, %cond3A_83 : i32
    scf.if %cond3A_84 {
      %and3A = arith.constant 3 : i32
      %and3A_228 = arith.constant 3 : i32
      %and3A_229 = arith.andi %and3A, %and3A_228 : i32
      %dma_start3A_230 = arith.constant 3 : i32
      %dma_start3A_231 = arith.constant 0 : i32
      %dma_start3A_232 = arith.constant 0 : i32
      %dma_start3A_233 = tpu.memref_slice %arg10[%and3A_229, %dma_start3A_231, %dma_start3A_232] : memref<4x128x80xf32, #tpu.memory_space<vmem>> -> memref<1x128x80xf32, #tpu.memory_space<vmem>>
      %dma_start3A_234 = tpu.memref_squeeze %dma_start3A_233 : memref<1x128x80xf32, #tpu.memory_space<vmem>> -> memref<128x80xf32, #tpu.memory_space<vmem>>
      %dma_start3A_235 = arith.constant 0 : i32
      %dma_start3A_236 = tpu.memref_slice %arg8[%dma_start3A_230, %dma_start3A_235] : memref<40x128xi32, #tpu.memory_space<vmem>> -> memref<1x128xi32, #tpu.memory_space<vmem>>
      %dma_start3A_237 = tpu.memref_squeeze %dma_start3A_236 : memref<1x128xi32, #tpu.memory_space<vmem>> -> memref<128xi32, #tpu.memory_space<vmem>>
      %dma_start3A_238 = arith.constant 0 : i32
      %dma_start3A_239 = arith.constant 0 : i32
      %dma_start3A_240 = tpu.memref_slice %arg2[%dma_start3A_238, %dma_start3A_239] : memref<10000x80xf32, #tpu.memory_space<hbm>> -> memref<10000x80xf32, #tpu.memory_space<hbm>>
      %dma_start3A_241 = tpu.memref_slice %arg13[%and3A_229] : memref<4x!tpu.dma_semaphore, #tpu.memory_space<semaphore_mem>> -> memref<1x!tpu.dma_semaphore, #tpu.memory_space<semaphore_mem>>
      %dma_start3A_242 = tpu.memref_squeeze %dma_start3A_241 : memref<1x!tpu.dma_semaphore, #tpu.memory_space<semaphore_mem>> -> memref<!tpu.dma_semaphore, #tpu.memory_space<semaphore_mem>>
      tpu.enqueue_indirect_dma source(%dma_start3A_240 : memref<10000x80xf32, #tpu.memory_space<hbm>>) target(%dma_start3A_234 : memref<128x80xf32, #tpu.memory_space<vmem>>) offsets(%dma_start3A_237 : memref<128xi32, #tpu.memory_space<vmem>>) semaphore(%dma_start3A_242 : memref<!tpu.dma_semaphore, #tpu.memory_space<semaphore_mem>>)
    } else {
    }
    %sub3A = arith.constant 2 : i32
    %sub3A_85 = arith.subi %add3A_6, %sub3A : i32
    %max3A = arith.constant 2 : i32
    %max3A_86 = arith.maxsi %sub3A_85, %max3A : i32
    %while3A = arith.constant 0 : i32
    %while3A_87 = arith.constant 2 : i32
    %while3A_88 = arith.subi %max3A_86, %while3A_87 : i32
    %while3A_89 = arith.addi %while3A_87, %while3A_88 : i32
    %while3A_90 = arith.constant 1 : i32
    %while3A_91 = arith.divsi %while3A_88, %while3A_90 : i32
    %while3A_92 = arith.muli %while3A_91, %while3A_90 : i32
    %while3A_93 = arith.addi %while3A_87, %while3A_92 : i32
    %while3A_94 = arith.constant 1 : i32
    scf.for %while3A_228 = %while3A_87 to %while3A_93 step %while3A_94  : i32 {
      %and3A = arith.constant 3 : i32
      %and3A_229 = arith.andi %while3A_228, %and3A : i32
      %dma_wait3A_230 = arith.constant 0 : i32
      %dma_wait3A_231 = arith.constant 0 : i32
      %dma_wait3A_232 = tpu.memref_slice %arg10[%and3A_229, %dma_wait3A_230, %dma_wait3A_231] : memref<4x128x80xf32, #tpu.memory_space<vmem>> -> memref<1x128x80xf32, #tpu.memory_space<vmem>>
      %dma_wait3A_233 = tpu.memref_squeeze %dma_wait3A_232 : memref<1x128x80xf32, #tpu.memory_space<vmem>> -> memref<128x80xf32, #tpu.memory_space<vmem>>
      %dma_wait3A_234 = arith.constant 0 : i32
      %dma_wait3A_235 = tpu.memref_slice %arg8[%while3A_228, %dma_wait3A_234] : memref<40x128xi32, #tpu.memory_space<vmem>> -> memref<1x128xi32, #tpu.memory_space<vmem>>
      %dma_wait3A_236 = tpu.memref_squeeze %dma_wait3A_235 : memref<1x128xi32, #tpu.memory_space<vmem>> -> memref<128xi32, #tpu.memory_space<vmem>>
      %dma_wait3A_237 = arith.constant 0 : i32
      %dma_wait3A_238 = arith.constant 0 : i32
      %dma_wait3A_239 = tpu.memref_slice %arg2[%dma_wait3A_237, %dma_wait3A_238] : memref<10000x80xf32, #tpu.memory_space<hbm>> -> memref<10000x80xf32, #tpu.memory_space<hbm>>
      %dma_wait3A_240 = tpu.memref_slice %arg13[%and3A_229] : memref<4x!tpu.dma_semaphore, #tpu.memory_space<semaphore_mem>> -> memref<1x!tpu.dma_semaphore, #tpu.memory_space<semaphore_mem>>
      %dma_wait3A_241 = tpu.memref_squeeze %dma_wait3A_240 : memref<1x!tpu.dma_semaphore, #tpu.memory_space<semaphore_mem>> -> memref<!tpu.dma_semaphore, #tpu.memory_space<semaphore_mem>>
      tpu.wait_indirect_dma semaphore(%dma_wait3A_241 : memref<!tpu.dma_semaphore, #tpu.memory_space<semaphore_mem>>) src(%dma_wait3A_239 : memref<10000x80xf32, #tpu.memory_space<hbm>>) dst(%dma_wait3A_233 : memref<128x80xf32, #tpu.memory_space<vmem>>)
      %and3A_242 = arith.constant 3 : i32
      %and3A_243 = arith.andi %while3A_228, %and3A_242 : i32
      %dma_start3A_244 = arith.constant 0 : i32
      %dma_start3A_245 = arith.constant 0 : i32
      %dma_start3A_246 = tpu.memref_slice %arg10[%and3A_243, %dma_start3A_244, %dma_start3A_245] : memref<4x128x80xf32, #tpu.memory_space<vmem>> -> memref<1x128x80xf32, #tpu.memory_space<vmem>>
      %dma_start3A_247 = tpu.memref_squeeze %dma_start3A_246 : memref<1x128x80xf32, #tpu.memory_space<vmem>> -> memref<128x80xf32, #tpu.memory_space<vmem>>
      %dma_start3A_248 = arith.constant 0 : i32
      %dma_start3A_249 = tpu.memref_slice %arg9[%while3A_228, %dma_start3A_248] : memref<40x128xi32, #tpu.memory_space<vmem>> -> memref<1x128xi32, #tpu.memory_space<vmem>>
      %dma_start3A_250 = tpu.memref_squeeze %dma_start3A_249 : memref<1x128xi32, #tpu.memory_space<vmem>> -> memref<128xi32, #tpu.memory_space<vmem>>
      %dma_start3A_251 = arith.constant 0 : i32
      %dma_start3A_252 = arith.constant 0 : i32
      %dma_start3A_253 = tpu.memref_slice %arg7[%dma_start3A_251, %dma_start3A_252] : memref<10000x80xf32, #tpu.memory_space<vmem_shared>> -> memref<10000x80xf32, #tpu.memory_space<vmem_shared>>
      %dma_start3A_254 = tpu.memref_slice %arg14[%and3A_243] : memref<4x!tpu.dma_semaphore, #tpu.memory_space<semaphore_mem>> -> memref<1x!tpu.dma_semaphore, #tpu.memory_space<semaphore_mem>>
      %dma_start3A_255 = tpu.memref_squeeze %dma_start3A_254 : memref<1x!tpu.dma_semaphore, #tpu.memory_space<semaphore_mem>> -> memref<!tpu.dma_semaphore, #tpu.memory_space<semaphore_mem>>
      tpu.enqueue_indirect_dma source(%dma_start3A_247 : memref<128x80xf32, #tpu.memory_space<vmem>>) target(%dma_start3A_253 : memref<10000x80xf32, #tpu.memory_space<vmem_shared>>) offsets(%dma_start3A_250 : memref<128xi32, #tpu.memory_space<vmem>>) semaphore(%dma_start3A_255 : memref<!tpu.dma_semaphore, #tpu.memory_space<semaphore_mem>>) {add = true}
      %sub3A_256 = arith.constant 2 : i32
      %sub3A_257 = arith.subi %while3A_228, %sub3A_256 : i32
      %and3A_258 = arith.constant 3 : i32
      %and3A_259 = arith.andi %sub3A_257, %and3A_258 : i32
      %dma_wait3A_260 = arith.constant 0 : i32
      %dma_wait3A_261 = arith.constant 0 : i32
      %dma_wait3A_262 = tpu.memref_slice %arg10[%and3A_259, %dma_wait3A_260, %dma_wait3A_261] : memref<4x128x80xf32, #tpu.memory_space<vmem>> -> memref<1x128x80xf32, #tpu.memory_space<vmem>>
      %dma_wait3A_263 = tpu.memref_squeeze %dma_wait3A_262 : memref<1x128x80xf32, #tpu.memory_space<vmem>> -> memref<128x80xf32, #tpu.memory_space<vmem>>
      %dma_wait3A_264 = arith.constant 0 : i32
      %dma_wait3A_265 = tpu.memref_slice %arg9[%sub3A_257, %dma_wait3A_264] : memref<40x128xi32, #tpu.memory_space<vmem>> -> memref<1x128xi32, #tpu.memory_space<vmem>>
      %dma_wait3A_266 = tpu.memref_squeeze %dma_wait3A_265 : memref<1x128xi32, #tpu.memory_space<vmem>> -> memref<128xi32, #tpu.memory_space<vmem>>
      %dma_wait3A_267 = arith.constant 0 : i32
      %dma_wait3A_268 = arith.constant 0 : i32
      %dma_wait3A_269 = tpu.memref_slice %arg7[%dma_wait3A_267, %dma_wait3A_268] : memref<10000x80xf32, #tpu.memory_space<vmem_shared>> -> memref<10000x80xf32, #tpu.memory_space<vmem_shared>>
      %dma_wait3A_270 = tpu.memref_slice %arg14[%and3A_259] : memref<4x!tpu.dma_semaphore, #tpu.memory_space<semaphore_mem>> -> memref<1x!tpu.dma_semaphore, #tpu.memory_space<semaphore_mem>>
      %dma_wait3A_271 = tpu.memref_squeeze %dma_wait3A_270 : memref<1x!tpu.dma_semaphore, #tpu.memory_space<semaphore_mem>> -> memref<!tpu.dma_semaphore, #tpu.memory_space<semaphore_mem>>
      tpu.wait_indirect_dma semaphore(%dma_wait3A_271 : memref<!tpu.dma_semaphore, #tpu.memory_space<semaphore_mem>>) src(%dma_wait3A_263 : memref<128x80xf32, #tpu.memory_space<vmem>>) dst(%dma_wait3A_269 : memref<10000x80xf32, #tpu.memory_space<vmem_shared>>)
      %add3A_272 = arith.constant 2 : i32
      %add3A_273 = arith.addi %while3A_228, %add3A_272 : i32
      %and3A_274 = arith.constant 3 : i32
      %and3A_275 = arith.andi %add3A_273, %and3A_274 : i32
      %dma_start3A_276 = arith.constant 0 : i32
      %dma_start3A_277 = arith.constant 0 : i32
      %dma_start3A_278 = tpu.memref_slice %arg10[%and3A_275, %dma_start3A_276, %dma_start3A_277] : memref<4x128x80xf32, #tpu.memory_space<vmem>> -> memref<1x128x80xf32, #tpu.memory_space<vmem>>
      %dma_start3A_279 = tpu.memref_squeeze %dma_start3A_278 : memref<1x128x80xf32, #tpu.memory_space<vmem>> -> memref<128x80xf32, #tpu.memory_space<vmem>>
      %dma_start3A_280 = arith.constant 0 : i32
      %dma_start3A_281 = tpu.memref_slice %arg8[%add3A_273, %dma_start3A_280] : memref<40x128xi32, #tpu.memory_space<vmem>> -> memref<1x128xi32, #tpu.memory_space<vmem>>
      %dma_start3A_282 = tpu.memref_squeeze %dma_start3A_281 : memref<1x128xi32, #tpu.memory_space<vmem>> -> memref<128xi32, #tpu.memory_space<vmem>>
      %dma_start3A_283 = arith.constant 0 : i32
      %dma_start3A_284 = arith.constant 0 : i32
      %dma_start3A_285 = tpu.memref_slice %arg2[%dma_start3A_283, %dma_start3A_284] : memref<10000x80xf32, #tpu.memory_space<hbm>> -> memref<10000x80xf32, #tpu.memory_space<hbm>>
      %dma_start3A_286 = tpu.memref_slice %arg13[%and3A_275] : memref<4x!tpu.dma_semaphore, #tpu.memory_space<semaphore_mem>> -> memref<1x!tpu.dma_semaphore, #tpu.memory_space<semaphore_mem>>
      %dma_start3A_287 = tpu.memref_squeeze %dma_start3A_286 : memref<1x!tpu.dma_semaphore, #tpu.memory_space<semaphore_mem>> -> memref<!tpu.dma_semaphore, #tpu.memory_space<semaphore_mem>>
      tpu.enqueue_indirect_dma source(%dma_start3A_285 : memref<10000x80xf32, #tpu.memory_space<hbm>>) target(%dma_start3A_279 : memref<128x80xf32, #tpu.memory_space<vmem>>) offsets(%dma_start3A_282 : memref<128xi32, #tpu.memory_space<vmem>>) semaphore(%dma_start3A_287 : memref<!tpu.dma_semaphore, #tpu.memory_space<semaphore_mem>>)
    }
    %while3A_95 = arith.constant 1 : i32
    scf.for %while3A_228 = %while3A_93 to %while3A_89 step %while3A_95  : i32 {
      %and3A = arith.constant 3 : i32
      %and3A_229 = arith.andi %while3A_228, %and3A : i32
      %dma_wait3A_230 = arith.constant 0 : i32
      %dma_wait3A_231 = arith.constant 0 : i32
      %dma_wait3A_232 = tpu.memref_slice %arg10[%and3A_229, %dma_wait3A_230, %dma_wait3A_231] : memref<4x128x80xf32, #tpu.memory_space<vmem>> -> memref<1x128x80xf32, #tpu.memory_space<vmem>>
      %dma_wait3A_233 = tpu.memref_squeeze %dma_wait3A_232 : memref<1x128x80xf32, #tpu.memory_space<vmem>> -> memref<128x80xf32, #tpu.memory_space<vmem>>
      %dma_wait3A_234 = arith.constant 0 : i32
      %dma_wait3A_235 = tpu.memref_slice %arg8[%while3A_228, %dma_wait3A_234] : memref<40x128xi32, #tpu.memory_space<vmem>> -> memref<1x128xi32, #tpu.memory_space<vmem>>
      %dma_wait3A_236 = tpu.memref_squeeze %dma_wait3A_235 : memref<1x128xi32, #tpu.memory_space<vmem>> -> memref<128xi32, #tpu.memory_space<vmem>>
      %dma_wait3A_237 = arith.constant 0 : i32
      %dma_wait3A_238 = arith.constant 0 : i32
      %dma_wait3A_239 = tpu.memref_slice %arg2[%dma_wait3A_237, %dma_wait3A_238] : memref<10000x80xf32, #tpu.memory_space<hbm>> -> memref<10000x80xf32, #tpu.memory_space<hbm>>
      %dma_wait3A_240 = tpu.memref_slice %arg13[%and3A_229] : memref<4x!tpu.dma_semaphore, #tpu.memory_space<semaphore_mem>> -> memref<1x!tpu.dma_semaphore, #tpu.memory_space<semaphore_mem>>
      %dma_wait3A_241 = tpu.memref_squeeze %dma_wait3A_240 : memref<1x!tpu.dma_semaphore, #tpu.memory_space<semaphore_mem>> -> memref<!tpu.dma_semaphore, #tpu.memory_space<semaphore_mem>>
      tpu.wait_indirect_dma semaphore(%dma_wait3A_241 : memref<!tpu.dma_semaphore, #tpu.memory_space<semaphore_mem>>) src(%dma_wait3A_239 : memref<10000x80xf32, #tpu.memory_space<hbm>>) dst(%dma_wait3A_233 : memref<128x80xf32, #tpu.memory_space<vmem>>)
      %and3A_242 = arith.constant 3 : i32
      %and3A_243 = arith.andi %while3A_228, %and3A_242 : i32
      %dma_start3A_244 = arith.constant 0 : i32
      %dma_start3A_245 = arith.constant 0 : i32
      %dma_start3A_246 = tpu.memref_slice %arg10[%and3A_243, %dma_start3A_244, %dma_start3A_245] : memref<4x128x80xf32, #tpu.memory_space<vmem>> -> memref<1x128x80xf32, #tpu.memory_space<vmem>>
      %dma_start3A_247 = tpu.memref_squeeze %dma_start3A_246 : memref<1x128x80xf32, #tpu.memory_space<vmem>> -> memref<128x80xf32, #tpu.memory_space<vmem>>
      %dma_start3A_248 = arith.constant 0 : i32
      %dma_start3A_249 = tpu.memref_slice %arg9[%while3A_228, %dma_start3A_248] : memref<40x128xi32, #tpu.memory_space<vmem>> -> memref<1x128xi32, #tpu.memory_space<vmem>>
      %dma_start3A_250 = tpu.memref_squeeze %dma_start3A_249 : memref<1x128xi32, #tpu.memory_space<vmem>> -> memref<128xi32, #tpu.memory_space<vmem>>
      %dma_start3A_251 = arith.constant 0 : i32
      %dma_start3A_252 = arith.constant 0 : i32
      %dma_start3A_253 = tpu.memref_slice %arg7[%dma_start3A_251, %dma_start3A_252] : memref<10000x80xf32, #tpu.memory_space<vmem_shared>> -> memref<10000x80xf32, #tpu.memory_space<vmem_shared>>
      %dma_start3A_254 = tpu.memref_slice %arg14[%and3A_243] : memref<4x!tpu.dma_semaphore, #tpu.memory_space<semaphore_mem>> -> memref<1x!tpu.dma_semaphore, #tpu.memory_space<semaphore_mem>>
      %dma_start3A_255 = tpu.memref_squeeze %dma_start3A_254 : memref<1x!tpu.dma_semaphore, #tpu.memory_space<semaphore_mem>> -> memref<!tpu.dma_semaphore, #tpu.memory_space<semaphore_mem>>
      tpu.enqueue_indirect_dma source(%dma_start3A_247 : memref<128x80xf32, #tpu.memory_space<vmem>>) target(%dma_start3A_253 : memref<10000x80xf32, #tpu.memory_space<vmem_shared>>) offsets(%dma_start3A_250 : memref<128xi32, #tpu.memory_space<vmem>>) semaphore(%dma_start3A_255 : memref<!tpu.dma_semaphore, #tpu.memory_space<semaphore_mem>>) {add = true}
      %sub3A_256 = arith.constant 2 : i32
      %sub3A_257 = arith.subi %while3A_228, %sub3A_256 : i32
      %and3A_258 = arith.constant 3 : i32
      %and3A_259 = arith.andi %sub3A_257, %and3A_258 : i32
      %dma_wait3A_260 = arith.constant 0 : i32
      %dma_wait3A_261 = arith.constant 0 : i32
      %dma_wait3A_262 = tpu.memref_slice %arg10[%and3A_259, %dma_wait3A_260, %dma_wait3A_261] : memref<4x128x80xf32, #tpu.memory_space<vmem>> -> memref<1x128x80xf32, #tpu.memory_space<vmem>>
      %dma_wait3A_263 = tpu.memref_squeeze %dma_wait3A_262 : memref<1x128x80xf32, #tpu.memory_space<vmem>> -> memref<128x80xf32, #tpu.memory_space<vmem>>
      %dma_wait3A_264 = arith.constant 0 : i32
      %dma_wait3A_265 = tpu.memref_slice %arg9[%sub3A_257, %dma_wait3A_264] : memref<40x128xi32, #tpu.memory_space<vmem>> -> memref<1x128xi32, #tpu.memory_space<vmem>>
      %dma_wait3A_266 = tpu.memref_squeeze %dma_wait3A_265 : memref<1x128xi32, #tpu.memory_space<vmem>> -> memref<128xi32, #tpu.memory_space<vmem>>
      %dma_wait3A_267 = arith.constant 0 : i32
      %dma_wait3A_268 = arith.constant 0 : i32
      %dma_wait3A_269 = tpu.memref_slice %arg7[%dma_wait3A_267, %dma_wait3A_268] : memref<10000x80xf32, #tpu.memory_space<vmem_shared>> -> memref<10000x80xf32, #tpu.memory_space<vmem_shared>>
      %dma_wait3A_270 = tpu.memref_slice %arg14[%and3A_259] : memref<4x!tpu.dma_semaphore, #tpu.memory_space<semaphore_mem>> -> memref<1x!tpu.dma_semaphore, #tpu.memory_space<semaphore_mem>>
      %dma_wait3A_271 = tpu.memref_squeeze %dma_wait3A_270 : memref<1x!tpu.dma_semaphore, #tpu.memory_space<semaphore_mem>> -> memref<!tpu.dma_semaphore, #tpu.memory_space<semaphore_mem>>
      tpu.wait_indirect_dma semaphore(%dma_wait3A_271 : memref<!tpu.dma_semaphore, #tpu.memory_space<semaphore_mem>>) src(%dma_wait3A_263 : memref<128x80xf32, #tpu.memory_space<vmem>>) dst(%dma_wait3A_269 : memref<10000x80xf32, #tpu.memory_space<vmem_shared>>)
      %add3A_272 = arith.constant 2 : i32
      %add3A_273 = arith.addi %while3A_228, %add3A_272 : i32
      %and3A_274 = arith.constant 3 : i32
      %and3A_275 = arith.andi %add3A_273, %and3A_274 : i32
      %dma_start3A_276 = arith.constant 0 : i32
      %dma_start3A_277 = arith.constant 0 : i32
      %dma_start3A_278 = tpu.memref_slice %arg10[%and3A_275, %dma_start3A_276, %dma_start3A_277] : memref<4x128x80xf32, #tpu.memory_space<vmem>> -> memref<1x128x80xf32, #tpu.memory_space<vmem>>
      %dma_start3A_279 = tpu.memref_squeeze %dma_start3A_278 : memref<1x128x80xf32, #tpu.memory_space<vmem>> -> memref<128x80xf32, #tpu.memory_space<vmem>>
      %dma_start3A_280 = arith.constant 0 : i32
      %dma_start3A_281 = tpu.memref_slice %arg8[%add3A_273, %dma_start3A_280] : memref<40x128xi32, #tpu.memory_space<vmem>> -> memref<1x128xi32, #tpu.memory_space<vmem>>
      %dma_start3A_282 = tpu.memref_squeeze %dma_start3A_281 : memref<1x128xi32, #tpu.memory_space<vmem>> -> memref<128xi32, #tpu.memory_space<vmem>>
      %dma_start3A_283 = arith.constant 0 : i32
      %dma_start3A_284 = arith.constant 0 : i32
      %dma_start3A_285 = tpu.memref_slice %arg2[%dma_start3A_283, %dma_start3A_284] : memref<10000x80xf32, #tpu.memory_space<hbm>> -> memref<10000x80xf32, #tpu.memory_space<hbm>>
      %dma_start3A_286 = tpu.memref_slice %arg13[%and3A_275] : memref<4x!tpu.dma_semaphore, #tpu.memory_space<semaphore_mem>> -> memref<1x!tpu.dma_semaphore, #tpu.memory_space<semaphore_mem>>
      %dma_start3A_287 = tpu.memref_squeeze %dma_start3A_286 : memref<1x!tpu.dma_semaphore, #tpu.memory_space<semaphore_mem>> -> memref<!tpu.dma_semaphore, #tpu.memory_space<semaphore_mem>>
      tpu.enqueue_indirect_dma source(%dma_start3A_285 : memref<10000x80xf32, #tpu.memory_space<hbm>>) target(%dma_start3A_279 : memref<128x80xf32, #tpu.memory_space<vmem>>) offsets(%dma_start3A_282 : memref<128xi32, #tpu.memory_space<vmem>>) semaphore(%dma_start3A_287 : memref<!tpu.dma_semaphore, #tpu.memory_space<semaphore_mem>>)
    }
    %ge3A_96 = arith.constant 4 : i32
    %ge3A_97 = arith.cmpi sge, %add3A_6, %ge3A_96 : i32
    %convert_element_type3A_98 = arith.extui %ge3A_97 : i1 to i32
    %cond3A_99 = arith.constant 0 : i32
    %cond3A_100 = arith.cmpi ne, %convert_element_type3A_98, %cond3A_99 : i32
    scf.if %cond3A_100 {
      %sub3A_228 = arith.constant 2 : i32
      %sub3A_229 = arith.subi %add3A_6, %sub3A_228 : i32
      %and3A = arith.constant 3 : i32
      %and3A_230 = arith.andi %sub3A_229, %and3A : i32
      %dma_wait3A_231 = arith.constant 0 : i32
      %dma_wait3A_232 = arith.constant 0 : i32
      %dma_wait3A_233 = tpu.memref_slice %arg10[%and3A_230, %dma_wait3A_231, %dma_wait3A_232] : memref<4x128x80xf32, #tpu.memory_space<vmem>> -> memref<1x128x80xf32, #tpu.memory_space<vmem>>
      %dma_wait3A_234 = tpu.memref_squeeze %dma_wait3A_233 : memref<1x128x80xf32, #tpu.memory_space<vmem>> -> memref<128x80xf32, #tpu.memory_space<vmem>>
      %dma_wait3A_235 = arith.constant 0 : i32
      %dma_wait3A_236 = tpu.memref_slice %arg8[%sub3A_229, %dma_wait3A_235] : memref<40x128xi32, #tpu.memory_space<vmem>> -> memref<1x128xi32, #tpu.memory_space<vmem>>
      %dma_wait3A_237 = tpu.memref_squeeze %dma_wait3A_236 : memref<1x128xi32, #tpu.memory_space<vmem>> -> memref<128xi32, #tpu.memory_space<vmem>>
      %dma_wait3A_238 = arith.constant 0 : i32
      %dma_wait3A_239 = arith.constant 0 : i32
      %dma_wait3A_240 = tpu.memref_slice %arg2[%dma_wait3A_238, %dma_wait3A_239] : memref<10000x80xf32, #tpu.memory_space<hbm>> -> memref<10000x80xf32, #tpu.memory_space<hbm>>
      %dma_wait3A_241 = tpu.memref_slice %arg13[%and3A_230] : memref<4x!tpu.dma_semaphore, #tpu.memory_space<semaphore_mem>> -> memref<1x!tpu.dma_semaphore, #tpu.memory_space<semaphore_mem>>
      %dma_wait3A_242 = tpu.memref_squeeze %dma_wait3A_241 : memref<1x!tpu.dma_semaphore, #tpu.memory_space<semaphore_mem>> -> memref<!tpu.dma_semaphore, #tpu.memory_space<semaphore_mem>>
      tpu.wait_indirect_dma semaphore(%dma_wait3A_242 : memref<!tpu.dma_semaphore, #tpu.memory_space<semaphore_mem>>) src(%dma_wait3A_240 : memref<10000x80xf32, #tpu.memory_space<hbm>>) dst(%dma_wait3A_234 : memref<128x80xf32, #tpu.memory_space<vmem>>)
      %sub3A_243 = arith.constant 2 : i32
      %sub3A_244 = arith.subi %add3A_6, %sub3A_243 : i32
      %and3A_245 = arith.constant 3 : i32
      %and3A_246 = arith.andi %sub3A_244, %and3A_245 : i32
      %dma_start3A_247 = arith.constant 0 : i32
      %dma_start3A_248 = arith.constant 0 : i32
      %dma_start3A_249 = tpu.memref_slice %arg10[%and3A_246, %dma_start3A_247, %dma_start3A_248] : memref<4x128x80xf32, #tpu.memory_space<vmem>> -> memref<1x128x80xf32, #tpu.memory_space<vmem>>
      %dma_start3A_250 = tpu.memref_squeeze %dma_start3A_249 : memref<1x128x80xf32, #tpu.memory_space<vmem>> -> memref<128x80xf32, #tpu.memory_space<vmem>>
      %dma_start3A_251 = arith.constant 0 : i32
      %dma_start3A_252 = tpu.memref_slice %arg9[%sub3A_244, %dma_start3A_251] : memref<40x128xi32, #tpu.memory_space<vmem>> -> memref<1x128xi32, #tpu.memory_space<vmem>>
      %dma_start3A_253 = tpu.memref_squeeze %dma_start3A_252 : memref<1x128xi32, #tpu.memory_space<vmem>> -> memref<128xi32, #tpu.memory_space<vmem>>
      %dma_start3A_254 = arith.constant 0 : i32
      %dma_start3A_255 = arith.constant 0 : i32
      %dma_start3A_256 = tpu.memref_slice %arg7[%dma_start3A_254, %dma_start3A_255] : memref<10000x80xf32, #tpu.memory_space<vmem_shared>> -> memref<10000x80xf32, #tpu.memory_space<vmem_shared>>
      %dma_start3A_257 = tpu.memref_slice %arg14[%and3A_246] : memref<4x!tpu.dma_semaphore, #tpu.memory_space<semaphore_mem>> -> memref<1x!tpu.dma_semaphore, #tpu.memory_space<semaphore_mem>>
      %dma_start3A_258 = tpu.memref_squeeze %dma_start3A_257 : memref<1x!tpu.dma_semaphore, #tpu.memory_space<semaphore_mem>> -> memref<!tpu.dma_semaphore, #tpu.memory_space<semaphore_mem>>
      tpu.enqueue_indirect_dma source(%dma_start3A_250 : memref<128x80xf32, #tpu.memory_space<vmem>>) target(%dma_start3A_256 : memref<10000x80xf32, #tpu.memory_space<vmem_shared>>) offsets(%dma_start3A_253 : memref<128xi32, #tpu.memory_space<vmem>>) semaphore(%dma_start3A_258 : memref<!tpu.dma_semaphore, #tpu.memory_space<semaphore_mem>>) {add = true}
      %sub3A_259 = arith.constant 4 : i32
      %sub3A_260 = arith.subi %add3A_6, %sub3A_259 : i32
      %and3A_261 = arith.constant 3 : i32
      %and3A_262 = arith.andi %sub3A_260, %and3A_261 : i32
      %dma_wait3A_263 = arith.constant 0 : i32
      %dma_wait3A_264 = arith.constant 0 : i32
      %dma_wait3A_265 = tpu.memref_slice %arg10[%and3A_262, %dma_wait3A_263, %dma_wait3A_264] : memref<4x128x80xf32, #tpu.memory_space<vmem>> -> memref<1x128x80xf32, #tpu.memory_space<vmem>>
      %dma_wait3A_266 = tpu.memref_squeeze %dma_wait3A_265 : memref<1x128x80xf32, #tpu.memory_space<vmem>> -> memref<128x80xf32, #tpu.memory_space<vmem>>
      %dma_wait3A_267 = arith.constant 0 : i32
      %dma_wait3A_268 = tpu.memref_slice %arg9[%sub3A_260, %dma_wait3A_267] : memref<40x128xi32, #tpu.memory_space<vmem>> -> memref<1x128xi32, #tpu.memory_space<vmem>>
      %dma_wait3A_269 = tpu.memref_squeeze %dma_wait3A_268 : memref<1x128xi32, #tpu.memory_space<vmem>> -> memref<128xi32, #tpu.memory_space<vmem>>
      %dma_wait3A_270 = arith.constant 0 : i32
      %dma_wait3A_271 = arith.constant 0 : i32
      %dma_wait3A_272 = tpu.memref_slice %arg7[%dma_wait3A_270, %dma_wait3A_271] : memref<10000x80xf32, #tpu.memory_space<vmem_shared>> -> memref<10000x80xf32, #tpu.memory_space<vmem_shared>>
      %dma_wait3A_273 = tpu.memref_slice %arg14[%and3A_262] : memref<4x!tpu.dma_semaphore, #tpu.memory_space<semaphore_mem>> -> memref<1x!tpu.dma_semaphore, #tpu.memory_space<semaphore_mem>>
      %dma_wait3A_274 = tpu.memref_squeeze %dma_wait3A_273 : memref<1x!tpu.dma_semaphore, #tpu.memory_space<semaphore_mem>> -> memref<!tpu.dma_semaphore, #tpu.memory_space<semaphore_mem>>
      tpu.wait_indirect_dma semaphore(%dma_wait3A_274 : memref<!tpu.dma_semaphore, #tpu.memory_space<semaphore_mem>>) src(%dma_wait3A_266 : memref<128x80xf32, #tpu.memory_space<vmem>>) dst(%dma_wait3A_272 : memref<10000x80xf32, #tpu.memory_space<vmem_shared>>)
    } else {
    }
    %ge3A_101 = arith.constant 3 : i32
    %ge3A_102 = arith.cmpi sge, %add3A_6, %ge3A_101 : i32
    %convert_element_type3A_103 = arith.extui %ge3A_102 : i1 to i32
    %cond3A_104 = arith.constant 0 : i32
    %cond3A_105 = arith.cmpi ne, %convert_element_type3A_103, %cond3A_104 : i32
    scf.if %cond3A_105 {
      %sub3A_228 = arith.constant 1 : i32
      %sub3A_229 = arith.subi %add3A_6, %sub3A_228 : i32
      %and3A = arith.constant 3 : i32
      %and3A_230 = arith.andi %sub3A_229, %and3A : i32
      %dma_wait3A_231 = arith.constant 0 : i32
      %dma_wait3A_232 = arith.constant 0 : i32
      %dma_wait3A_233 = tpu.memref_slice %arg10[%and3A_230, %dma_wait3A_231, %dma_wait3A_232] : memref<4x128x80xf32, #tpu.memory_space<vmem>> -> memref<1x128x80xf32, #tpu.memory_space<vmem>>
      %dma_wait3A_234 = tpu.memref_squeeze %dma_wait3A_233 : memref<1x128x80xf32, #tpu.memory_space<vmem>> -> memref<128x80xf32, #tpu.memory_space<vmem>>
      %dma_wait3A_235 = arith.constant 0 : i32
      %dma_wait3A_236 = tpu.memref_slice %arg8[%sub3A_229, %dma_wait3A_235] : memref<40x128xi32, #tpu.memory_space<vmem>> -> memref<1x128xi32, #tpu.memory_space<vmem>>
      %dma_wait3A_237 = tpu.memref_squeeze %dma_wait3A_236 : memref<1x128xi32, #tpu.memory_space<vmem>> -> memref<128xi32, #tpu.memory_space<vmem>>
      %dma_wait3A_238 = arith.constant 0 : i32
      %dma_wait3A_239 = arith.constant 0 : i32
      %dma_wait3A_240 = tpu.memref_slice %arg2[%dma_wait3A_238, %dma_wait3A_239] : memref<10000x80xf32, #tpu.memory_space<hbm>> -> memref<10000x80xf32, #tpu.memory_space<hbm>>
      %dma_wait3A_241 = tpu.memref_slice %arg13[%and3A_230] : memref<4x!tpu.dma_semaphore, #tpu.memory_space<semaphore_mem>> -> memref<1x!tpu.dma_semaphore, #tpu.memory_space<semaphore_mem>>
      %dma_wait3A_242 = tpu.memref_squeeze %dma_wait3A_241 : memref<1x!tpu.dma_semaphore, #tpu.memory_space<semaphore_mem>> -> memref<!tpu.dma_semaphore, #tpu.memory_space<semaphore_mem>>
      tpu.wait_indirect_dma semaphore(%dma_wait3A_242 : memref<!tpu.dma_semaphore, #tpu.memory_space<semaphore_mem>>) src(%dma_wait3A_240 : memref<10000x80xf32, #tpu.memory_space<hbm>>) dst(%dma_wait3A_234 : memref<128x80xf32, #tpu.memory_space<vmem>>)
      %sub3A_243 = arith.constant 1 : i32
      %sub3A_244 = arith.subi %add3A_6, %sub3A_243 : i32
      %and3A_245 = arith.constant 3 : i32
      %and3A_246 = arith.andi %sub3A_244, %and3A_245 : i32
      %dma_start3A_247 = arith.constant 0 : i32
      %dma_start3A_248 = arith.constant 0 : i32
      %dma_start3A_249 = tpu.memref_slice %arg10[%and3A_246, %dma_start3A_247, %dma_start3A_248] : memref<4x128x80xf32, #tpu.memory_space<vmem>> -> memref<1x128x80xf32, #tpu.memory_space<vmem>>
      %dma_start3A_250 = tpu.memref_squeeze %dma_start3A_249 : memref<1x128x80xf32, #tpu.memory_space<vmem>> -> memref<128x80xf32, #tpu.memory_space<vmem>>
      %dma_start3A_251 = arith.constant 0 : i32
      %dma_start3A_252 = tpu.memref_slice %arg9[%sub3A_244, %dma_start3A_251] : memref<40x128xi32, #tpu.memory_space<vmem>> -> memref<1x128xi32, #tpu.memory_space<vmem>>
      %dma_start3A_253 = tpu.memref_squeeze %dma_start3A_252 : memref<1x128xi32, #tpu.memory_space<vmem>> -> memref<128xi32, #tpu.memory_space<vmem>>
      %dma_start3A_254 = arith.constant 0 : i32
      %dma_start3A_255 = arith.constant 0 : i32
      %dma_start3A_256 = tpu.memref_slice %arg7[%dma_start3A_254, %dma_start3A_255] : memref<10000x80xf32, #tpu.memory_space<vmem_shared>> -> memref<10000x80xf32, #tpu.memory_space<vmem_shared>>
      %dma_start3A_257 = tpu.memref_slice %arg14[%and3A_246] : memref<4x!tpu.dma_semaphore, #tpu.memory_space<semaphore_mem>> -> memref<1x!tpu.dma_semaphore, #tpu.memory_space<semaphore_mem>>
      %dma_start3A_258 = tpu.memref_squeeze %dma_start3A_257 : memref<1x!tpu.dma_semaphore, #tpu.memory_space<semaphore_mem>> -> memref<!tpu.dma_semaphore, #tpu.memory_space<semaphore_mem>>
      tpu.enqueue_indirect_dma source(%dma_start3A_250 : memref<128x80xf32, #tpu.memory_space<vmem>>) target(%dma_start3A_256 : memref<10000x80xf32, #tpu.memory_space<vmem_shared>>) offsets(%dma_start3A_253 : memref<128xi32, #tpu.memory_space<vmem>>) semaphore(%dma_start3A_258 : memref<!tpu.dma_semaphore, #tpu.memory_space<semaphore_mem>>) {add = true}
      %sub3A_259 = arith.constant 3 : i32
      %sub3A_260 = arith.subi %add3A_6, %sub3A_259 : i32
      %and3A_261 = arith.constant 3 : i32
      %and3A_262 = arith.andi %sub3A_260, %and3A_261 : i32
      %dma_wait3A_263 = arith.constant 0 : i32
      %dma_wait3A_264 = arith.constant 0 : i32
      %dma_wait3A_265 = tpu.memref_slice %arg10[%and3A_262, %dma_wait3A_263, %dma_wait3A_264] : memref<4x128x80xf32, #tpu.memory_space<vmem>> -> memref<1x128x80xf32, #tpu.memory_space<vmem>>
      %dma_wait3A_266 = tpu.memref_squeeze %dma_wait3A_265 : memref<1x128x80xf32, #tpu.memory_space<vmem>> -> memref<128x80xf32, #tpu.memory_space<vmem>>
      %dma_wait3A_267 = arith.constant 0 : i32
      %dma_wait3A_268 = tpu.memref_slice %arg9[%sub3A_260, %dma_wait3A_267] : memref<40x128xi32, #tpu.memory_space<vmem>> -> memref<1x128xi32, #tpu.memory_space<vmem>>
      %dma_wait3A_269 = tpu.memref_squeeze %dma_wait3A_268 : memref<1x128xi32, #tpu.memory_space<vmem>> -> memref<128xi32, #tpu.memory_space<vmem>>
      %dma_wait3A_270 = arith.constant 0 : i32
      %dma_wait3A_271 = arith.constant 0 : i32
      %dma_wait3A_272 = tpu.memref_slice %arg7[%dma_wait3A_270, %dma_wait3A_271] : memref<10000x80xf32, #tpu.memory_space<vmem_shared>> -> memref<10000x80xf32, #tpu.memory_space<vmem_shared>>
      %dma_wait3A_273 = tpu.memref_slice %arg14[%and3A_262] : memref<4x!tpu.dma_semaphore, #tpu.memory_space<semaphore_mem>> -> memref<1x!tpu.dma_semaphore, #tpu.memory_space<semaphore_mem>>
      %dma_wait3A_274 = tpu.memref_squeeze %dma_wait3A_273 : memref<1x!tpu.dma_semaphore, #tpu.memory_space<semaphore_mem>> -> memref<!tpu.dma_semaphore, #tpu.memory_space<semaphore_mem>>
      tpu.wait_indirect_dma semaphore(%dma_wait3A_274 : memref<!tpu.dma_semaphore, #tpu.memory_space<semaphore_mem>>) src(%dma_wait3A_266 : memref<128x80xf32, #tpu.memory_space<vmem>>) dst(%dma_wait3A_272 : memref<10000x80xf32, #tpu.memory_space<vmem_shared>>)
    } else {
    }
    %ge3A_106 = arith.constant 2 : i32
    %ge3A_107 = arith.cmpi sge, %add3A_6, %ge3A_106 : i32
    %convert_element_type3A_108 = arith.extui %ge3A_107 : i1 to i32
    %cond3A_109 = arith.constant 0 : i32
    %cond3A_110 = arith.cmpi ne, %convert_element_type3A_108, %cond3A_109 : i32
    scf.if %cond3A_110 {
      %sub3A_228 = arith.constant 2 : i32
      %sub3A_229 = arith.subi %add3A_6, %sub3A_228 : i32
      %and3A = arith.constant 3 : i32
      %and3A_230 = arith.andi %sub3A_229, %and3A : i32
      %dma_wait3A_231 = arith.constant 0 : i32
      %dma_wait3A_232 = arith.constant 0 : i32
      %dma_wait3A_233 = tpu.memref_slice %arg10[%and3A_230, %dma_wait3A_231, %dma_wait3A_232] : memref<4x128x80xf32, #tpu.memory_space<vmem>> -> memref<1x128x80xf32, #tpu.memory_space<vmem>>
      %dma_wait3A_234 = tpu.memref_squeeze %dma_wait3A_233 : memref<1x128x80xf32, #tpu.memory_space<vmem>> -> memref<128x80xf32, #tpu.memory_space<vmem>>
      %dma_wait3A_235 = arith.constant 0 : i32
      %dma_wait3A_236 = tpu.memref_slice %arg9[%sub3A_229, %dma_wait3A_235] : memref<40x128xi32, #tpu.memory_space<vmem>> -> memref<1x128xi32, #tpu.memory_space<vmem>>
      %dma_wait3A_237 = tpu.memref_squeeze %dma_wait3A_236 : memref<1x128xi32, #tpu.memory_space<vmem>> -> memref<128xi32, #tpu.memory_space<vmem>>
      %dma_wait3A_238 = arith.constant 0 : i32
      %dma_wait3A_239 = arith.constant 0 : i32
      %dma_wait3A_240 = tpu.memref_slice %arg7[%dma_wait3A_238, %dma_wait3A_239] : memref<10000x80xf32, #tpu.memory_space<vmem_shared>> -> memref<10000x80xf32, #tpu.memory_space<vmem_shared>>
      %dma_wait3A_241 = tpu.memref_slice %arg14[%and3A_230] : memref<4x!tpu.dma_semaphore, #tpu.memory_space<semaphore_mem>> -> memref<1x!tpu.dma_semaphore, #tpu.memory_space<semaphore_mem>>
      %dma_wait3A_242 = tpu.memref_squeeze %dma_wait3A_241 : memref<1x!tpu.dma_semaphore, #tpu.memory_space<semaphore_mem>> -> memref<!tpu.dma_semaphore, #tpu.memory_space<semaphore_mem>>
      tpu.wait_indirect_dma semaphore(%dma_wait3A_242 : memref<!tpu.dma_semaphore, #tpu.memory_space<semaphore_mem>>) src(%dma_wait3A_234 : memref<128x80xf32, #tpu.memory_space<vmem>>) dst(%dma_wait3A_240 : memref<10000x80xf32, #tpu.memory_space<vmem_shared>>)
    } else {
    }
    %ge3A_111 = arith.constant 1 : i32
    %ge3A_112 = arith.cmpi sge, %add3A_6, %ge3A_111 : i32
    %convert_element_type3A_113 = arith.extui %ge3A_112 : i1 to i32
    %cond3A_114 = arith.constant 0 : i32
    %cond3A_115 = arith.cmpi ne, %convert_element_type3A_113, %cond3A_114 : i32
    scf.if %cond3A_115 {
      %sub3A_228 = arith.constant 1 : i32
      %sub3A_229 = arith.subi %add3A_6, %sub3A_228 : i32
      %and3A = arith.constant 3 : i32
      %and3A_230 = arith.andi %sub3A_229, %and3A : i32
      %dma_wait3A_231 = arith.constant 0 : i32
      %dma_wait3A_232 = arith.constant 0 : i32
      %dma_wait3A_233 = tpu.memref_slice %arg10[%and3A_230, %dma_wait3A_231, %dma_wait3A_232] : memref<4x128x80xf32, #tpu.memory_space<vmem>> -> memref<1x128x80xf32, #tpu.memory_space<vmem>>
      %dma_wait3A_234 = tpu.memref_squeeze %dma_wait3A_233 : memref<1x128x80xf32, #tpu.memory_space<vmem>> -> memref<128x80xf32, #tpu.memory_space<vmem>>
      %dma_wait3A_235 = arith.constant 0 : i32
      %dma_wait3A_236 = tpu.memref_slice %arg9[%sub3A_229, %dma_wait3A_235] : memref<40x128xi32, #tpu.memory_space<vmem>> -> memref<1x128xi32, #tpu.memory_space<vmem>>
      %dma_wait3A_237 = tpu.memref_squeeze %dma_wait3A_236 : memref<1x128xi32, #tpu.memory_space<vmem>> -> memref<128xi32, #tpu.memory_space<vmem>>
      %dma_wait3A_238 = arith.constant 0 : i32
      %dma_wait3A_239 = arith.constant 0 : i32
      %dma_wait3A_240 = tpu.memref_slice %arg7[%dma_wait3A_238, %dma_wait3A_239] : memref<10000x80xf32, #tpu.memory_space<vmem_shared>> -> memref<10000x80xf32, #tpu.memory_space<vmem_shared>>
      %dma_wait3A_241 = tpu.memref_slice %arg14[%and3A_230] : memref<4x!tpu.dma_semaphore, #tpu.memory_space<semaphore_mem>> -> memref<1x!tpu.dma_semaphore, #tpu.memory_space<semaphore_mem>>
      %dma_wait3A_242 = tpu.memref_squeeze %dma_wait3A_241 : memref<1x!tpu.dma_semaphore, #tpu.memory_space<semaphore_mem>> -> memref<!tpu.dma_semaphore, #tpu.memory_space<semaphore_mem>>
      tpu.wait_indirect_dma semaphore(%dma_wait3A_242 : memref<!tpu.dma_semaphore, #tpu.memory_space<semaphore_mem>>) src(%dma_wait3A_234 : memref<128x80xf32, #tpu.memory_space<vmem>>) dst(%dma_wait3A_240 : memref<10000x80xf32, #tpu.memory_space<vmem_shared>>)
    } else {
    }
    %barrier3A_116 = arith.constant 0 : index
    tpu.barrier barrier_id(%barrier3A_116)
    %run_scoped3A = arith.constant 0 : i32
    "tpu.region"() ({
      %run_scoped3A_228 = tpu.sem_alloc : memref<!tpu.dma_semaphore, #tpu.memory_space<semaphore_mem>>
      %dma_start3A_229 = arith.constant 0 : i32
      %dma_start3A_230 = tpu.memref_slice %arg6[%arg0, %run_scoped3A, %mul3A_2, %dma_start3A_229] : memref<2x2x10000x80xf32, #tpu.memory_space<hbm>> -> memref<1x1x625x80xf32, #tpu.memory_space<hbm>>
      %dma_start3A_231 = tpu.memref_squeeze %dma_start3A_230 : memref<1x1x625x80xf32, #tpu.memory_space<hbm>> -> memref<625x80xf32, #tpu.memory_space<hbm>>
      %dma_start3A_232 = arith.constant 0 : i32
      %dma_start3A_233 = tpu.memref_slice %arg7[%mul3A_2, %dma_start3A_232] : memref<10000x80xf32, #tpu.memory_space<vmem_shared>> -> memref<625x80xf32, #tpu.memory_space<vmem_shared>>
      tpu.enqueue_dma source(%dma_start3A_233 : memref<625x80xf32, #tpu.memory_space<vmem_shared>>) target(%dma_start3A_231 : memref<625x80xf32, #tpu.memory_space<hbm>>) target_semaphore(%run_scoped3A_228 : memref<!tpu.dma_semaphore, #tpu.memory_space<semaphore_mem>>)
      %dma_wait3A_234 = arith.constant 0 : i32
      %dma_wait3A_235 = tpu.memref_slice %arg6[%arg0, %run_scoped3A, %mul3A_2, %dma_wait3A_234] : memref<2x2x10000x80xf32, #tpu.memory_space<hbm>> -> memref<1x1x625x80xf32, #tpu.memory_space<hbm>>
      %dma_wait3A_236 = tpu.memref_squeeze %dma_wait3A_235 : memref<1x1x625x80xf32, #tpu.memory_space<hbm>> -> memref<625x80xf32, #tpu.memory_space<hbm>>
      %dma_wait3A_237 = arith.constant 0 : i32
      %dma_wait3A_238 = tpu.memref_slice %arg7[%mul3A_2, %dma_wait3A_237] : memref<10000x80xf32, #tpu.memory_space<vmem_shared>> -> memref<625x80xf32, #tpu.memory_space<vmem_shared>>
      tpu.wait_dma2 semaphore(%run_scoped3A_228 : memref<!tpu.dma_semaphore, #tpu.memory_space<semaphore_mem>>) src(%dma_wait3A_238 : memref<625x80xf32, #tpu.memory_space<vmem_shared>>) dst(%dma_wait3A_236 : memref<625x80xf32, #tpu.memory_space<hbm>>)
      tpu.yield
    }) : () -> ()
    %dma_start3A_117 = arith.constant 0 : i32
    %dma_start3A_118 = arith.constant 0 : i32
    %dma_start3A_119 = tpu.memref_slice %arg5[%add3A_10, %dma_start3A_118] : memref<2560x128xi32, #tpu.memory_space<hbm>> -> memref<40x128xi32, #tpu.memory_space<hbm>>
    %dma_start3A_120 = tpu.memref_slice %arg12[%dma_start3A_117] : memref<2x!tpu.dma_semaphore, #tpu.memory_space<semaphore_mem>> -> memref<1x!tpu.dma_semaphore, #tpu.memory_space<semaphore_mem>>
    %dma_start3A_121 = tpu.memref_squeeze %dma_start3A_120 : memref<1x!tpu.dma_semaphore, #tpu.memory_space<semaphore_mem>> -> memref<!tpu.dma_semaphore, #tpu.memory_space<semaphore_mem>>
    %dma_start3A_122 = arith.constant 0 : i32
    %dma_start3A_123 = tpu.memref_slice %arg5[%add3A_10, %dma_start3A_122] : memref<2560x128xi32, #tpu.memory_space<hbm>> -> memref<40x128xi32, #tpu.memory_space<hbm>>
    tpu.enqueue_dma source(%dma_start3A_123 : memref<40x128xi32, #tpu.memory_space<hbm>>) target(%arg8 : memref<40x128xi32, #tpu.memory_space<vmem>>) target_semaphore(%dma_start3A_121 : memref<!tpu.dma_semaphore, #tpu.memory_space<semaphore_mem>>)
    %add3A_124 = arith.constant 1280 : i32
    %add3A_125 = arith.addi %add3A_124, %add3A_10 : i32
    %dma_start3A_126 = arith.constant 1 : i32
    %dma_start3A_127 = arith.constant 0 : i32
    %dma_start3A_128 = tpu.memref_slice %arg5[%add3A_125, %dma_start3A_127] : memref<2560x128xi32, #tpu.memory_space<hbm>> -> memref<40x128xi32, #tpu.memory_space<hbm>>
    %dma_start3A_129 = tpu.memref_slice %arg12[%dma_start3A_126] : memref<2x!tpu.dma_semaphore, #tpu.memory_space<semaphore_mem>> -> memref<1x!tpu.dma_semaphore, #tpu.memory_space<semaphore_mem>>
    %dma_start3A_130 = tpu.memref_squeeze %dma_start3A_129 : memref<1x!tpu.dma_semaphore, #tpu.memory_space<semaphore_mem>> -> memref<!tpu.dma_semaphore, #tpu.memory_space<semaphore_mem>>
    %dma_start3A_131 = arith.constant 0 : i32
    %dma_start3A_132 = tpu.memref_slice %arg5[%add3A_125, %dma_start3A_131] : memref<2560x128xi32, #tpu.memory_space<hbm>> -> memref<40x128xi32, #tpu.memory_space<hbm>>
    tpu.enqueue_dma source(%dma_start3A_132 : memref<40x128xi32, #tpu.memory_space<hbm>>) target(%arg9 : memref<40x128xi32, #tpu.memory_space<vmem>>) target_semaphore(%dma_start3A_130 : memref<!tpu.dma_semaphore, #tpu.memory_space<semaphore_mem>>)
    %add3A_133 = arith.constant 0 : i32
    %add3A_134 = arith.addi %mul3A_2, %add3A_133 : i32
    "tpu.region"() ({
      %run_scoped3A_228 = tpu.sem_alloc : memref<!tpu.dma_semaphore, #tpu.memory_space<semaphore_mem>>
      %dma_start3A_229 = arith.constant 0 : i32
      %dma_start3A_230 = tpu.memref_slice %arg7[%add3A_134, %dma_start3A_229] : memref<10000x80xf32, #tpu.memory_space<vmem_shared>> -> memref<125x80xf32, #tpu.memory_space<vmem_shared>>
      %dma_start3A_231 = arith.constant 0 : i32
      %dma_start3A_232 = tpu.memref_slice %arg7[%add3A_134, %dma_start3A_231] : memref<10000x80xf32, #tpu.memory_space<vmem_shared>> -> memref<125x80xf32, #tpu.memory_space<vmem_shared>>
      tpu.enqueue_dma source(%arg11 : memref<125x80xf32, #tpu.memory_space<vmem>>) target(%dma_start3A_232 : memref<125x80xf32, #tpu.memory_space<vmem_shared>>) target_semaphore(%run_scoped3A_228 : memref<!tpu.dma_semaphore, #tpu.memory_space<semaphore_mem>>)
      %dma_wait3A_233 = arith.constant 0 : i32
      %dma_wait3A_234 = tpu.memref_slice %arg7[%add3A_134, %dma_wait3A_233] : memref<10000x80xf32, #tpu.memory_space<vmem_shared>> -> memref<125x80xf32, #tpu.memory_space<vmem_shared>>
      %dma_wait3A_235 = arith.constant 0 : i32
      %dma_wait3A_236 = tpu.memref_slice %arg7[%add3A_134, %dma_wait3A_235] : memref<10000x80xf32, #tpu.memory_space<vmem_shared>> -> memref<125x80xf32, #tpu.memory_space<vmem_shared>>
      tpu.wait_dma2 semaphore(%run_scoped3A_228 : memref<!tpu.dma_semaphore, #tpu.memory_space<semaphore_mem>>) src(%arg11 : memref<125x80xf32, #tpu.memory_space<vmem>>) dst(%dma_wait3A_236 : memref<125x80xf32, #tpu.memory_space<vmem_shared>>)
      tpu.yield
    }) : () -> ()
    %add3A_135 = arith.constant 125 : i32
    %add3A_136 = arith.addi %mul3A_2, %add3A_135 : i32
    "tpu.region"() ({
      %run_scoped3A_228 = tpu.sem_alloc : memref<!tpu.dma_semaphore, #tpu.memory_space<semaphore_mem>>
      %dma_start3A_229 = arith.constant 0 : i32
      %dma_start3A_230 = tpu.memref_slice %arg7[%add3A_136, %dma_start3A_229] : memref<10000x80xf32, #tpu.memory_space<vmem_shared>> -> memref<125x80xf32, #tpu.memory_space<vmem_shared>>
      %dma_start3A_231 = arith.constant 0 : i32
      %dma_start3A_232 = tpu.memref_slice %arg7[%add3A_136, %dma_start3A_231] : memref<10000x80xf32, #tpu.memory_space<vmem_shared>> -> memref<125x80xf32, #tpu.memory_space<vmem_shared>>
      tpu.enqueue_dma source(%arg11 : memref<125x80xf32, #tpu.memory_space<vmem>>) target(%dma_start3A_232 : memref<125x80xf32, #tpu.memory_space<vmem_shared>>) target_semaphore(%run_scoped3A_228 : memref<!tpu.dma_semaphore, #tpu.memory_space<semaphore_mem>>)
      %dma_wait3A_233 = arith.constant 0 : i32
      %dma_wait3A_234 = tpu.memref_slice %arg7[%add3A_136, %dma_wait3A_233] : memref<10000x80xf32, #tpu.memory_space<vmem_shared>> -> memref<125x80xf32, #tpu.memory_space<vmem_shared>>
      %dma_wait3A_235 = arith.constant 0 : i32
      %dma_wait3A_236 = tpu.memref_slice %arg7[%add3A_136, %dma_wait3A_235] : memref<10000x80xf32, #tpu.memory_space<vmem_shared>> -> memref<125x80xf32, #tpu.memory_space<vmem_shared>>
      tpu.wait_dma2 semaphore(%run_scoped3A_228 : memref<!tpu.dma_semaphore, #tpu.memory_space<semaphore_mem>>) src(%arg11 : memref<125x80xf32, #tpu.memory_space<vmem>>) dst(%dma_wait3A_236 : memref<125x80xf32, #tpu.memory_space<vmem_shared>>)
      tpu.yield
    }) : () -> ()
    %add3A_137 = arith.constant 250 : i32
    %add3A_138 = arith.addi %mul3A_2, %add3A_137 : i32
    "tpu.region"() ({
      %run_scoped3A_228 = tpu.sem_alloc : memref<!tpu.dma_semaphore, #tpu.memory_space<semaphore_mem>>
      %dma_start3A_229 = arith.constant 0 : i32
      %dma_start3A_230 = tpu.memref_slice %arg7[%add3A_138, %dma_start3A_229] : memref<10000x80xf32, #tpu.memory_space<vmem_shared>> -> memref<125x80xf32, #tpu.memory_space<vmem_shared>>
      %dma_start3A_231 = arith.constant 0 : i32
      %dma_start3A_232 = tpu.memref_slice %arg7[%add3A_138, %dma_start3A_231] : memref<10000x80xf32, #tpu.memory_space<vmem_shared>> -> memref<125x80xf32, #tpu.memory_space<vmem_shared>>
      tpu.enqueue_dma source(%arg11 : memref<125x80xf32, #tpu.memory_space<vmem>>) target(%dma_start3A_232 : memref<125x80xf32, #tpu.memory_space<vmem_shared>>) target_semaphore(%run_scoped3A_228 : memref<!tpu.dma_semaphore, #tpu.memory_space<semaphore_mem>>)
      %dma_wait3A_233 = arith.constant 0 : i32
      %dma_wait3A_234 = tpu.memref_slice %arg7[%add3A_138, %dma_wait3A_233] : memref<10000x80xf32, #tpu.memory_space<vmem_shared>> -> memref<125x80xf32, #tpu.memory_space<vmem_shared>>
      %dma_wait3A_235 = arith.constant 0 : i32
      %dma_wait3A_236 = tpu.memref_slice %arg7[%add3A_138, %dma_wait3A_235] : memref<10000x80xf32, #tpu.memory_space<vmem_shared>> -> memref<125x80xf32, #tpu.memory_space<vmem_shared>>
      tpu.wait_dma2 semaphore(%run_scoped3A_228 : memref<!tpu.dma_semaphore, #tpu.memory_space<semaphore_mem>>) src(%arg11 : memref<125x80xf32, #tpu.memory_space<vmem>>) dst(%dma_wait3A_236 : memref<125x80xf32, #tpu.memory_space<vmem_shared>>)
      tpu.yield
    }) : () -> ()
    %add3A_139 = arith.constant 375 : i32
    %add3A_140 = arith.addi %mul3A_2, %add3A_139 : i32
    "tpu.region"() ({
      %run_scoped3A_228 = tpu.sem_alloc : memref<!tpu.dma_semaphore, #tpu.memory_space<semaphore_mem>>
      %dma_start3A_229 = arith.constant 0 : i32
      %dma_start3A_230 = tpu.memref_slice %arg7[%add3A_140, %dma_start3A_229] : memref<10000x80xf32, #tpu.memory_space<vmem_shared>> -> memref<125x80xf32, #tpu.memory_space<vmem_shared>>
      %dma_start3A_231 = arith.constant 0 : i32
      %dma_start3A_232 = tpu.memref_slice %arg7[%add3A_140, %dma_start3A_231] : memref<10000x80xf32, #tpu.memory_space<vmem_shared>> -> memref<125x80xf32, #tpu.memory_space<vmem_shared>>
      tpu.enqueue_dma source(%arg11 : memref<125x80xf32, #tpu.memory_space<vmem>>) target(%dma_start3A_232 : memref<125x80xf32, #tpu.memory_space<vmem_shared>>) target_semaphore(%run_scoped3A_228 : memref<!tpu.dma_semaphore, #tpu.memory_space<semaphore_mem>>)
      %dma_wait3A_233 = arith.constant 0 : i32
      %dma_wait3A_234 = tpu.memref_slice %arg7[%add3A_140, %dma_wait3A_233] : memref<10000x80xf32, #tpu.memory_space<vmem_shared>> -> memref<125x80xf32, #tpu.memory_space<vmem_shared>>
      %dma_wait3A_235 = arith.constant 0 : i32
      %dma_wait3A_236 = tpu.memref_slice %arg7[%add3A_140, %dma_wait3A_235] : memref<10000x80xf32, #tpu.memory_space<vmem_shared>> -> memref<125x80xf32, #tpu.memory_space<vmem_shared>>
      tpu.wait_dma2 semaphore(%run_scoped3A_228 : memref<!tpu.dma_semaphore, #tpu.memory_space<semaphore_mem>>) src(%arg11 : memref<125x80xf32, #tpu.memory_space<vmem>>) dst(%dma_wait3A_236 : memref<125x80xf32, #tpu.memory_space<vmem_shared>>)
      tpu.yield
    }) : () -> ()
    %add3A_141 = arith.constant 500 : i32
    %add3A_142 = arith.addi %mul3A_2, %add3A_141 : i32
    "tpu.region"() ({
      %run_scoped3A_228 = tpu.sem_alloc : memref<!tpu.dma_semaphore, #tpu.memory_space<semaphore_mem>>
      %dma_start3A_229 = arith.constant 0 : i32
      %dma_start3A_230 = tpu.memref_slice %arg7[%add3A_142, %dma_start3A_229] : memref<10000x80xf32, #tpu.memory_space<vmem_shared>> -> memref<125x80xf32, #tpu.memory_space<vmem_shared>>
      %dma_start3A_231 = arith.constant 0 : i32
      %dma_start3A_232 = tpu.memref_slice %arg7[%add3A_142, %dma_start3A_231] : memref<10000x80xf32, #tpu.memory_space<vmem_shared>> -> memref<125x80xf32, #tpu.memory_space<vmem_shared>>
      tpu.enqueue_dma source(%arg11 : memref<125x80xf32, #tpu.memory_space<vmem>>) target(%dma_start3A_232 : memref<125x80xf32, #tpu.memory_space<vmem_shared>>) target_semaphore(%run_scoped3A_228 : memref<!tpu.dma_semaphore, #tpu.memory_space<semaphore_mem>>)
      %dma_wait3A_233 = arith.constant 0 : i32
      %dma_wait3A_234 = tpu.memref_slice %arg7[%add3A_142, %dma_wait3A_233] : memref<10000x80xf32, #tpu.memory_space<vmem_shared>> -> memref<125x80xf32, #tpu.memory_space<vmem_shared>>
      %dma_wait3A_235 = arith.constant 0 : i32
      %dma_wait3A_236 = tpu.memref_slice %arg7[%add3A_142, %dma_wait3A_235] : memref<10000x80xf32, #tpu.memory_space<vmem_shared>> -> memref<125x80xf32, #tpu.memory_space<vmem_shared>>
      tpu.wait_dma2 semaphore(%run_scoped3A_228 : memref<!tpu.dma_semaphore, #tpu.memory_space<semaphore_mem>>) src(%arg11 : memref<125x80xf32, #tpu.memory_space<vmem>>) dst(%dma_wait3A_236 : memref<125x80xf32, #tpu.memory_space<vmem_shared>>)
      tpu.yield
    }) : () -> ()
    %dma_wait3A_143 = arith.constant 0 : i32
    %dma_wait3A_144 = arith.constant 0 : i32
    %dma_wait3A_145 = arith.constant 0 : i32
    %dma_wait3A_146 = tpu.memref_slice %arg5[%dma_wait3A_144, %dma_wait3A_145] : memref<2560x128xi32, #tpu.memory_space<hbm>> -> memref<40x128xi32, #tpu.memory_space<hbm>>
    %dma_wait3A_147 = tpu.memref_slice %arg12[%dma_wait3A_143] : memref<2x!tpu.dma_semaphore, #tpu.memory_space<semaphore_mem>> -> memref<1x!tpu.dma_semaphore, #tpu.memory_space<semaphore_mem>>
    %dma_wait3A_148 = tpu.memref_squeeze %dma_wait3A_147 : memref<1x!tpu.dma_semaphore, #tpu.memory_space<semaphore_mem>> -> memref<!tpu.dma_semaphore, #tpu.memory_space<semaphore_mem>>
    %dma_wait3A_149 = arith.constant 0 : i32
    %dma_wait3A_150 = arith.constant 0 : i32
    %dma_wait3A_151 = tpu.memref_slice %arg5[%dma_wait3A_149, %dma_wait3A_150] : memref<2560x128xi32, #tpu.memory_space<hbm>> -> memref<40x128xi32, #tpu.memory_space<hbm>>
    tpu.wait_dma2 semaphore(%dma_wait3A_148 : memref<!tpu.dma_semaphore, #tpu.memory_space<semaphore_mem>>) src(%dma_wait3A_151 : memref<40x128xi32, #tpu.memory_space<hbm>>) dst(%arg8 : memref<40x128xi32, #tpu.memory_space<vmem>>)
    %dma_wait3A_152 = arith.constant 1 : i32
    %dma_wait3A_153 = arith.constant 0 : i32
    %dma_wait3A_154 = arith.constant 0 : i32
    %dma_wait3A_155 = tpu.memref_slice %arg5[%dma_wait3A_153, %dma_wait3A_154] : memref<2560x128xi32, #tpu.memory_space<hbm>> -> memref<40x128xi32, #tpu.memory_space<hbm>>
    %dma_wait3A_156 = tpu.memref_slice %arg12[%dma_wait3A_152] : memref<2x!tpu.dma_semaphore, #tpu.memory_space<semaphore_mem>> -> memref<1x!tpu.dma_semaphore, #tpu.memory_space<semaphore_mem>>
    %dma_wait3A_157 = tpu.memref_squeeze %dma_wait3A_156 : memref<1x!tpu.dma_semaphore, #tpu.memory_space<semaphore_mem>> -> memref<!tpu.dma_semaphore, #tpu.memory_space<semaphore_mem>>
    %dma_wait3A_158 = arith.constant 0 : i32
    %dma_wait3A_159 = arith.constant 0 : i32
    %dma_wait3A_160 = tpu.memref_slice %arg5[%dma_wait3A_158, %dma_wait3A_159] : memref<2560x128xi32, #tpu.memory_space<hbm>> -> memref<40x128xi32, #tpu.memory_space<hbm>>
    tpu.wait_dma2 semaphore(%dma_wait3A_157 : memref<!tpu.dma_semaphore, #tpu.memory_space<semaphore_mem>>) src(%dma_wait3A_160 : memref<40x128xi32, #tpu.memory_space<hbm>>) dst(%arg9 : memref<40x128xi32, #tpu.memory_space<vmem>>)
    %barrier3A_161 = arith.constant 0 : index
    tpu.barrier barrier_id(%barrier3A_161)
    %ge3A_162 = arith.constant 1 : i32
    %ge3A_163 = arith.cmpi sge, %add3A_6, %ge3A_162 : i32
    %convert_element_type3A_164 = arith.extui %ge3A_163 : i1 to i32
    %cond3A_165 = arith.constant 0 : i32
    %cond3A_166 = arith.cmpi ne, %convert_element_type3A_164, %cond3A_165 : i32
    scf.if %cond3A_166 {
      %and3A = arith.constant 0 : i32
      %and3A_228 = arith.constant 3 : i32
      %and3A_229 = arith.andi %and3A, %and3A_228 : i32
      %dma_start3A_230 = arith.constant 0 : i32
      %dma_start3A_231 = arith.constant 0 : i32
      %dma_start3A_232 = arith.constant 0 : i32
      %dma_start3A_233 = tpu.memref_slice %arg10[%and3A_229, %dma_start3A_231, %dma_start3A_232] : memref<4x128x80xf32, #tpu.memory_space<vmem>> -> memref<1x128x80xf32, #tpu.memory_space<vmem>>
      %dma_start3A_234 = tpu.memref_squeeze %dma_start3A_233 : memref<1x128x80xf32, #tpu.memory_space<vmem>> -> memref<128x80xf32, #tpu.memory_space<vmem>>
      %dma_start3A_235 = arith.constant 0 : i32
      %dma_start3A_236 = tpu.memref_slice %arg8[%dma_start3A_230, %dma_start3A_235] : memref<40x128xi32, #tpu.memory_space<vmem>> -> memref<1x128xi32, #tpu.memory_space<vmem>>
      %dma_start3A_237 = tpu.memref_squeeze %dma_start3A_236 : memref<1x128xi32, #tpu.memory_space<vmem>> -> memref<128xi32, #tpu.memory_space<vmem>>
      %dma_start3A_238 = arith.constant 0 : i32
      %dma_start3A_239 = arith.constant 0 : i32
      %dma_start3A_240 = tpu.memref_slice %arg3[%dma_start3A_238, %dma_start3A_239] : memref<10000x80xf32, #tpu.memory_space<hbm>> -> memref<10000x80xf32, #tpu.memory_space<hbm>>
      %dma_start3A_241 = tpu.memref_slice %arg13[%and3A_229] : memref<4x!tpu.dma_semaphore, #tpu.memory_space<semaphore_mem>> -> memref<1x!tpu.dma_semaphore, #tpu.memory_space<semaphore_mem>>
      %dma_start3A_242 = tpu.memref_squeeze %dma_start3A_241 : memref<1x!tpu.dma_semaphore, #tpu.memory_space<semaphore_mem>> -> memref<!tpu.dma_semaphore, #tpu.memory_space<semaphore_mem>>
      tpu.enqueue_indirect_dma source(%dma_start3A_240 : memref<10000x80xf32, #tpu.memory_space<hbm>>) target(%dma_start3A_234 : memref<128x80xf32, #tpu.memory_space<vmem>>) offsets(%dma_start3A_237 : memref<128xi32, #tpu.memory_space<vmem>>) semaphore(%dma_start3A_242 : memref<!tpu.dma_semaphore, #tpu.memory_space<semaphore_mem>>)
    } else {
    }
    %ge3A_167 = arith.constant 2 : i32
    %ge3A_168 = arith.cmpi sge, %add3A_6, %ge3A_167 : i32
    %convert_element_type3A_169 = arith.extui %ge3A_168 : i1 to i32
    %cond3A_170 = arith.constant 0 : i32
    %cond3A_171 = arith.cmpi ne, %convert_element_type3A_169, %cond3A_170 : i32
    scf.if %cond3A_171 {
      %and3A = arith.constant 1 : i32
      %and3A_228 = arith.constant 3 : i32
      %and3A_229 = arith.andi %and3A, %and3A_228 : i32
      %dma_start3A_230 = arith.constant 1 : i32
      %dma_start3A_231 = arith.constant 0 : i32
      %dma_start3A_232 = arith.constant 0 : i32
      %dma_start3A_233 = tpu.memref_slice %arg10[%and3A_229, %dma_start3A_231, %dma_start3A_232] : memref<4x128x80xf32, #tpu.memory_space<vmem>> -> memref<1x128x80xf32, #tpu.memory_space<vmem>>
      %dma_start3A_234 = tpu.memref_squeeze %dma_start3A_233 : memref<1x128x80xf32, #tpu.memory_space<vmem>> -> memref<128x80xf32, #tpu.memory_space<vmem>>
      %dma_start3A_235 = arith.constant 0 : i32
      %dma_start3A_236 = tpu.memref_slice %arg8[%dma_start3A_230, %dma_start3A_235] : memref<40x128xi32, #tpu.memory_space<vmem>> -> memref<1x128xi32, #tpu.memory_space<vmem>>
      %dma_start3A_237 = tpu.memref_squeeze %dma_start3A_236 : memref<1x128xi32, #tpu.memory_space<vmem>> -> memref<128xi32, #tpu.memory_space<vmem>>
      %dma_start3A_238 = arith.constant 0 : i32
      %dma_start3A_239 = arith.constant 0 : i32
      %dma_start3A_240 = tpu.memref_slice %arg3[%dma_start3A_238, %dma_start3A_239] : memref<10000x80xf32, #tpu.memory_space<hbm>> -> memref<10000x80xf32, #tpu.memory_space<hbm>>
      %dma_start3A_241 = tpu.memref_slice %arg13[%and3A_229] : memref<4x!tpu.dma_semaphore, #tpu.memory_space<semaphore_mem>> -> memref<1x!tpu.dma_semaphore, #tpu.memory_space<semaphore_mem>>
      %dma_start3A_242 = tpu.memref_squeeze %dma_start3A_241 : memref<1x!tpu.dma_semaphore, #tpu.memory_space<semaphore_mem>> -> memref<!tpu.dma_semaphore, #tpu.memory_space<semaphore_mem>>
      tpu.enqueue_indirect_dma source(%dma_start3A_240 : memref<10000x80xf32, #tpu.memory_space<hbm>>) target(%dma_start3A_234 : memref<128x80xf32, #tpu.memory_space<vmem>>) offsets(%dma_start3A_237 : memref<128xi32, #tpu.memory_space<vmem>>) semaphore(%dma_start3A_242 : memref<!tpu.dma_semaphore, #tpu.memory_space<semaphore_mem>>)
    } else {
    }
    %ge3A_172 = arith.constant 1 : i32
    %ge3A_173 = arith.cmpi sge, %add3A_6, %ge3A_172 : i32
    %convert_element_type3A_174 = arith.extui %ge3A_173 : i1 to i32
    %cond3A_175 = arith.constant 0 : i32
    %cond3A_176 = arith.cmpi ne, %convert_element_type3A_174, %cond3A_175 : i32
    scf.if %cond3A_176 {
      %and3A = arith.constant 0 : i32
      %and3A_228 = arith.constant 3 : i32
      %and3A_229 = arith.andi %and3A, %and3A_228 : i32
      %dma_wait3A_230 = arith.constant 0 : i32
      %dma_wait3A_231 = arith.constant 0 : i32
      %dma_wait3A_232 = arith.constant 0 : i32
      %dma_wait3A_233 = tpu.memref_slice %arg10[%and3A_229, %dma_wait3A_231, %dma_wait3A_232] : memref<4x128x80xf32, #tpu.memory_space<vmem>> -> memref<1x128x80xf32, #tpu.memory_space<vmem>>
      %dma_wait3A_234 = tpu.memref_squeeze %dma_wait3A_233 : memref<1x128x80xf32, #tpu.memory_space<vmem>> -> memref<128x80xf32, #tpu.memory_space<vmem>>
      %dma_wait3A_235 = arith.constant 0 : i32
      %dma_wait3A_236 = tpu.memref_slice %arg8[%dma_wait3A_230, %dma_wait3A_235] : memref<40x128xi32, #tpu.memory_space<vmem>> -> memref<1x128xi32, #tpu.memory_space<vmem>>
      %dma_wait3A_237 = tpu.memref_squeeze %dma_wait3A_236 : memref<1x128xi32, #tpu.memory_space<vmem>> -> memref<128xi32, #tpu.memory_space<vmem>>
      %dma_wait3A_238 = arith.constant 0 : i32
      %dma_wait3A_239 = arith.constant 0 : i32
      %dma_wait3A_240 = tpu.memref_slice %arg3[%dma_wait3A_238, %dma_wait3A_239] : memref<10000x80xf32, #tpu.memory_space<hbm>> -> memref<10000x80xf32, #tpu.memory_space<hbm>>
      %dma_wait3A_241 = tpu.memref_slice %arg13[%and3A_229] : memref<4x!tpu.dma_semaphore, #tpu.memory_space<semaphore_mem>> -> memref<1x!tpu.dma_semaphore, #tpu.memory_space<semaphore_mem>>
      %dma_wait3A_242 = tpu.memref_squeeze %dma_wait3A_241 : memref<1x!tpu.dma_semaphore, #tpu.memory_space<semaphore_mem>> -> memref<!tpu.dma_semaphore, #tpu.memory_space<semaphore_mem>>
      tpu.wait_indirect_dma semaphore(%dma_wait3A_242 : memref<!tpu.dma_semaphore, #tpu.memory_space<semaphore_mem>>) src(%dma_wait3A_240 : memref<10000x80xf32, #tpu.memory_space<hbm>>) dst(%dma_wait3A_234 : memref<128x80xf32, #tpu.memory_space<vmem>>)
      %and3A_243 = arith.constant 0 : i32
      %and3A_244 = arith.constant 3 : i32
      %and3A_245 = arith.andi %and3A_243, %and3A_244 : i32
      %dma_start3A_246 = arith.constant 0 : i32
      %dma_start3A_247 = arith.constant 0 : i32
      %dma_start3A_248 = arith.constant 0 : i32
      %dma_start3A_249 = tpu.memref_slice %arg10[%and3A_245, %dma_start3A_247, %dma_start3A_248] : memref<4x128x80xf32, #tpu.memory_space<vmem>> -> memref<1x128x80xf32, #tpu.memory_space<vmem>>
      %dma_start3A_250 = tpu.memref_squeeze %dma_start3A_249 : memref<1x128x80xf32, #tpu.memory_space<vmem>> -> memref<128x80xf32, #tpu.memory_space<vmem>>
      %dma_start3A_251 = arith.constant 0 : i32
      %dma_start3A_252 = tpu.memref_slice %arg9[%dma_start3A_246, %dma_start3A_251] : memref<40x128xi32, #tpu.memory_space<vmem>> -> memref<1x128xi32, #tpu.memory_space<vmem>>
      %dma_start3A_253 = tpu.memref_squeeze %dma_start3A_252 : memref<1x128xi32, #tpu.memory_space<vmem>> -> memref<128xi32, #tpu.memory_space<vmem>>
      %dma_start3A_254 = arith.constant 0 : i32
      %dma_start3A_255 = arith.constant 0 : i32
      %dma_start3A_256 = tpu.memref_slice %arg7[%dma_start3A_254, %dma_start3A_255] : memref<10000x80xf32, #tpu.memory_space<vmem_shared>> -> memref<10000x80xf32, #tpu.memory_space<vmem_shared>>
      %dma_start3A_257 = tpu.memref_slice %arg14[%and3A_245] : memref<4x!tpu.dma_semaphore, #tpu.memory_space<semaphore_mem>> -> memref<1x!tpu.dma_semaphore, #tpu.memory_space<semaphore_mem>>
      %dma_start3A_258 = tpu.memref_squeeze %dma_start3A_257 : memref<1x!tpu.dma_semaphore, #tpu.memory_space<semaphore_mem>> -> memref<!tpu.dma_semaphore, #tpu.memory_space<semaphore_mem>>
      tpu.enqueue_indirect_dma source(%dma_start3A_250 : memref<128x80xf32, #tpu.memory_space<vmem>>) target(%dma_start3A_256 : memref<10000x80xf32, #tpu.memory_space<vmem_shared>>) offsets(%dma_start3A_253 : memref<128xi32, #tpu.memory_space<vmem>>) semaphore(%dma_start3A_258 : memref<!tpu.dma_semaphore, #tpu.memory_space<semaphore_mem>>) {add = true}
    } else {
    }
    %ge3A_177 = arith.constant 3 : i32
    %ge3A_178 = arith.cmpi sge, %add3A_6, %ge3A_177 : i32
    %convert_element_type3A_179 = arith.extui %ge3A_178 : i1 to i32
    %cond3A_180 = arith.constant 0 : i32
    %cond3A_181 = arith.cmpi ne, %convert_element_type3A_179, %cond3A_180 : i32
    scf.if %cond3A_181 {
      %and3A = arith.constant 2 : i32
      %and3A_228 = arith.constant 3 : i32
      %and3A_229 = arith.andi %and3A, %and3A_228 : i32
      %dma_start3A_230 = arith.constant 2 : i32
      %dma_start3A_231 = arith.constant 0 : i32
      %dma_start3A_232 = arith.constant 0 : i32
      %dma_start3A_233 = tpu.memref_slice %arg10[%and3A_229, %dma_start3A_231, %dma_start3A_232] : memref<4x128x80xf32, #tpu.memory_space<vmem>> -> memref<1x128x80xf32, #tpu.memory_space<vmem>>
      %dma_start3A_234 = tpu.memref_squeeze %dma_start3A_233 : memref<1x128x80xf32, #tpu.memory_space<vmem>> -> memref<128x80xf32, #tpu.memory_space<vmem>>
      %dma_start3A_235 = arith.constant 0 : i32
      %dma_start3A_236 = tpu.memref_slice %arg8[%dma_start3A_230, %dma_start3A_235] : memref<40x128xi32, #tpu.memory_space<vmem>> -> memref<1x128xi32, #tpu.memory_space<vmem>>
      %dma_start3A_237 = tpu.memref_squeeze %dma_start3A_236 : memref<1x128xi32, #tpu.memory_space<vmem>> -> memref<128xi32, #tpu.memory_space<vmem>>
      %dma_start3A_238 = arith.constant 0 : i32
      %dma_start3A_239 = arith.constant 0 : i32
      %dma_start3A_240 = tpu.memref_slice %arg3[%dma_start3A_238, %dma_start3A_239] : memref<10000x80xf32, #tpu.memory_space<hbm>> -> memref<10000x80xf32, #tpu.memory_space<hbm>>
      %dma_start3A_241 = tpu.memref_slice %arg13[%and3A_229] : memref<4x!tpu.dma_semaphore, #tpu.memory_space<semaphore_mem>> -> memref<1x!tpu.dma_semaphore, #tpu.memory_space<semaphore_mem>>
      %dma_start3A_242 = tpu.memref_squeeze %dma_start3A_241 : memref<1x!tpu.dma_semaphore, #tpu.memory_space<semaphore_mem>> -> memref<!tpu.dma_semaphore, #tpu.memory_space<semaphore_mem>>
      tpu.enqueue_indirect_dma source(%dma_start3A_240 : memref<10000x80xf32, #tpu.memory_space<hbm>>) target(%dma_start3A_234 : memref<128x80xf32, #tpu.memory_space<vmem>>) offsets(%dma_start3A_237 : memref<128xi32, #tpu.memory_space<vmem>>) semaphore(%dma_start3A_242 : memref<!tpu.dma_semaphore, #tpu.memory_space<semaphore_mem>>)
    } else {
    }
    %ge3A_182 = arith.constant 2 : i32
    %ge3A_183 = arith.cmpi sge, %add3A_6, %ge3A_182 : i32
    %convert_element_type3A_184 = arith.extui %ge3A_183 : i1 to i32
    %cond3A_185 = arith.constant 0 : i32
    %cond3A_186 = arith.cmpi ne, %convert_element_type3A_184, %cond3A_185 : i32
    scf.if %cond3A_186 {
      %and3A = arith.constant 1 : i32
      %and3A_228 = arith.constant 3 : i32
      %and3A_229 = arith.andi %and3A, %and3A_228 : i32
      %dma_wait3A_230 = arith.constant 1 : i32
      %dma_wait3A_231 = arith.constant 0 : i32
      %dma_wait3A_232 = arith.constant 0 : i32
      %dma_wait3A_233 = tpu.memref_slice %arg10[%and3A_229, %dma_wait3A_231, %dma_wait3A_232] : memref<4x128x80xf32, #tpu.memory_space<vmem>> -> memref<1x128x80xf32, #tpu.memory_space<vmem>>
      %dma_wait3A_234 = tpu.memref_squeeze %dma_wait3A_233 : memref<1x128x80xf32, #tpu.memory_space<vmem>> -> memref<128x80xf32, #tpu.memory_space<vmem>>
      %dma_wait3A_235 = arith.constant 0 : i32
      %dma_wait3A_236 = tpu.memref_slice %arg8[%dma_wait3A_230, %dma_wait3A_235] : memref<40x128xi32, #tpu.memory_space<vmem>> -> memref<1x128xi32, #tpu.memory_space<vmem>>
      %dma_wait3A_237 = tpu.memref_squeeze %dma_wait3A_236 : memref<1x128xi32, #tpu.memory_space<vmem>> -> memref<128xi32, #tpu.memory_space<vmem>>
      %dma_wait3A_238 = arith.constant 0 : i32
      %dma_wait3A_239 = arith.constant 0 : i32
      %dma_wait3A_240 = tpu.memref_slice %arg3[%dma_wait3A_238, %dma_wait3A_239] : memref<10000x80xf32, #tpu.memory_space<hbm>> -> memref<10000x80xf32, #tpu.memory_space<hbm>>
      %dma_wait3A_241 = tpu.memref_slice %arg13[%and3A_229] : memref<4x!tpu.dma_semaphore, #tpu.memory_space<semaphore_mem>> -> memref<1x!tpu.dma_semaphore, #tpu.memory_space<semaphore_mem>>
      %dma_wait3A_242 = tpu.memref_squeeze %dma_wait3A_241 : memref<1x!tpu.dma_semaphore, #tpu.memory_space<semaphore_mem>> -> memref<!tpu.dma_semaphore, #tpu.memory_space<semaphore_mem>>
      tpu.wait_indirect_dma semaphore(%dma_wait3A_242 : memref<!tpu.dma_semaphore, #tpu.memory_space<semaphore_mem>>) src(%dma_wait3A_240 : memref<10000x80xf32, #tpu.memory_space<hbm>>) dst(%dma_wait3A_234 : memref<128x80xf32, #tpu.memory_space<vmem>>)
      %and3A_243 = arith.constant 1 : i32
      %and3A_244 = arith.constant 3 : i32
      %and3A_245 = arith.andi %and3A_243, %and3A_244 : i32
      %dma_start3A_246 = arith.constant 1 : i32
      %dma_start3A_247 = arith.constant 0 : i32
      %dma_start3A_248 = arith.constant 0 : i32
      %dma_start3A_249 = tpu.memref_slice %arg10[%and3A_245, %dma_start3A_247, %dma_start3A_248] : memref<4x128x80xf32, #tpu.memory_space<vmem>> -> memref<1x128x80xf32, #tpu.memory_space<vmem>>
      %dma_start3A_250 = tpu.memref_squeeze %dma_start3A_249 : memref<1x128x80xf32, #tpu.memory_space<vmem>> -> memref<128x80xf32, #tpu.memory_space<vmem>>
      %dma_start3A_251 = arith.constant 0 : i32
      %dma_start3A_252 = tpu.memref_slice %arg9[%dma_start3A_246, %dma_start3A_251] : memref<40x128xi32, #tpu.memory_space<vmem>> -> memref<1x128xi32, #tpu.memory_space<vmem>>
      %dma_start3A_253 = tpu.memref_squeeze %dma_start3A_252 : memref<1x128xi32, #tpu.memory_space<vmem>> -> memref<128xi32, #tpu.memory_space<vmem>>
      %dma_start3A_254 = arith.constant 0 : i32
      %dma_start3A_255 = arith.constant 0 : i32
      %dma_start3A_256 = tpu.memref_slice %arg7[%dma_start3A_254, %dma_start3A_255] : memref<10000x80xf32, #tpu.memory_space<vmem_shared>> -> memref<10000x80xf32, #tpu.memory_space<vmem_shared>>
      %dma_start3A_257 = tpu.memref_slice %arg14[%and3A_245] : memref<4x!tpu.dma_semaphore, #tpu.memory_space<semaphore_mem>> -> memref<1x!tpu.dma_semaphore, #tpu.memory_space<semaphore_mem>>
      %dma_start3A_258 = tpu.memref_squeeze %dma_start3A_257 : memref<1x!tpu.dma_semaphore, #tpu.memory_space<semaphore_mem>> -> memref<!tpu.dma_semaphore, #tpu.memory_space<semaphore_mem>>
      tpu.enqueue_indirect_dma source(%dma_start3A_250 : memref<128x80xf32, #tpu.memory_space<vmem>>) target(%dma_start3A_256 : memref<10000x80xf32, #tpu.memory_space<vmem_shared>>) offsets(%dma_start3A_253 : memref<128xi32, #tpu.memory_space<vmem>>) semaphore(%dma_start3A_258 : memref<!tpu.dma_semaphore, #tpu.memory_space<semaphore_mem>>) {add = true}
    } else {
    }
    %ge3A_187 = arith.constant 4 : i32
    %ge3A_188 = arith.cmpi sge, %add3A_6, %ge3A_187 : i32
    %convert_element_type3A_189 = arith.extui %ge3A_188 : i1 to i32
    %cond3A_190 = arith.constant 0 : i32
    %cond3A_191 = arith.cmpi ne, %convert_element_type3A_189, %cond3A_190 : i32
    scf.if %cond3A_191 {
      %and3A = arith.constant 3 : i32
      %and3A_228 = arith.constant 3 : i32
      %and3A_229 = arith.andi %and3A, %and3A_228 : i32
      %dma_start3A_230 = arith.constant 3 : i32
      %dma_start3A_231 = arith.constant 0 : i32
      %dma_start3A_232 = arith.constant 0 : i32
      %dma_start3A_233 = tpu.memref_slice %arg10[%and3A_229, %dma_start3A_231, %dma_start3A_232] : memref<4x128x80xf32, #tpu.memory_space<vmem>> -> memref<1x128x80xf32, #tpu.memory_space<vmem>>
      %dma_start3A_234 = tpu.memref_squeeze %dma_start3A_233 : memref<1x128x80xf32, #tpu.memory_space<vmem>> -> memref<128x80xf32, #tpu.memory_space<vmem>>
      %dma_start3A_235 = arith.constant 0 : i32
      %dma_start3A_236 = tpu.memref_slice %arg8[%dma_start3A_230, %dma_start3A_235] : memref<40x128xi32, #tpu.memory_space<vmem>> -> memref<1x128xi32, #tpu.memory_space<vmem>>
      %dma_start3A_237 = tpu.memref_squeeze %dma_start3A_236 : memref<1x128xi32, #tpu.memory_space<vmem>> -> memref<128xi32, #tpu.memory_space<vmem>>
      %dma_start3A_238 = arith.constant 0 : i32
      %dma_start3A_239 = arith.constant 0 : i32
      %dma_start3A_240 = tpu.memref_slice %arg3[%dma_start3A_238, %dma_start3A_239] : memref<10000x80xf32, #tpu.memory_space<hbm>> -> memref<10000x80xf32, #tpu.memory_space<hbm>>
      %dma_start3A_241 = tpu.memref_slice %arg13[%and3A_229] : memref<4x!tpu.dma_semaphore, #tpu.memory_space<semaphore_mem>> -> memref<1x!tpu.dma_semaphore, #tpu.memory_space<semaphore_mem>>
      %dma_start3A_242 = tpu.memref_squeeze %dma_start3A_241 : memref<1x!tpu.dma_semaphore, #tpu.memory_space<semaphore_mem>> -> memref<!tpu.dma_semaphore, #tpu.memory_space<semaphore_mem>>
      tpu.enqueue_indirect_dma source(%dma_start3A_240 : memref<10000x80xf32, #tpu.memory_space<hbm>>) target(%dma_start3A_234 : memref<128x80xf32, #tpu.memory_space<vmem>>) offsets(%dma_start3A_237 : memref<128xi32, #tpu.memory_space<vmem>>) semaphore(%dma_start3A_242 : memref<!tpu.dma_semaphore, #tpu.memory_space<semaphore_mem>>)
    } else {
    }
    %sub3A_192 = arith.constant 2 : i32
    %sub3A_193 = arith.subi %add3A_6, %sub3A_192 : i32
    %max3A_194 = arith.constant 2 : i32
    %max3A_195 = arith.maxsi %sub3A_193, %max3A_194 : i32
    %while3A_196 = arith.constant 0 : i32
    %while3A_197 = arith.constant 2 : i32
    %while3A_198 = arith.subi %max3A_195, %while3A_197 : i32
    %while3A_199 = arith.addi %while3A_197, %while3A_198 : i32
    %while3A_200 = arith.constant 1 : i32
    %while3A_201 = arith.divsi %while3A_198, %while3A_200 : i32
    %while3A_202 = arith.muli %while3A_201, %while3A_200 : i32
    %while3A_203 = arith.addi %while3A_197, %while3A_202 : i32
    %while3A_204 = arith.constant 1 : i32
    scf.for %while3A_228 = %while3A_197 to %while3A_203 step %while3A_204  : i32 {
      %and3A = arith.constant 3 : i32
      %and3A_229 = arith.andi %while3A_228, %and3A : i32
      %dma_wait3A_230 = arith.constant 0 : i32
      %dma_wait3A_231 = arith.constant 0 : i32
      %dma_wait3A_232 = tpu.memref_slice %arg10[%and3A_229, %dma_wait3A_230, %dma_wait3A_231] : memref<4x128x80xf32, #tpu.memory_space<vmem>> -> memref<1x128x80xf32, #tpu.memory_space<vmem>>
      %dma_wait3A_233 = tpu.memref_squeeze %dma_wait3A_232 : memref<1x128x80xf32, #tpu.memory_space<vmem>> -> memref<128x80xf32, #tpu.memory_space<vmem>>
      %dma_wait3A_234 = arith.constant 0 : i32
      %dma_wait3A_235 = tpu.memref_slice %arg8[%while3A_228, %dma_wait3A_234] : memref<40x128xi32, #tpu.memory_space<vmem>> -> memref<1x128xi32, #tpu.memory_space<vmem>>
      %dma_wait3A_236 = tpu.memref_squeeze %dma_wait3A_235 : memref<1x128xi32, #tpu.memory_space<vmem>> -> memref<128xi32, #tpu.memory_space<vmem>>
      %dma_wait3A_237 = arith.constant 0 : i32
      %dma_wait3A_238 = arith.constant 0 : i32
      %dma_wait3A_239 = tpu.memref_slice %arg3[%dma_wait3A_237, %dma_wait3A_238] : memref<10000x80xf32, #tpu.memory_space<hbm>> -> memref<10000x80xf32, #tpu.memory_space<hbm>>
      %dma_wait3A_240 = tpu.memref_slice %arg13[%and3A_229] : memref<4x!tpu.dma_semaphore, #tpu.memory_space<semaphore_mem>> -> memref<1x!tpu.dma_semaphore, #tpu.memory_space<semaphore_mem>>
      %dma_wait3A_241 = tpu.memref_squeeze %dma_wait3A_240 : memref<1x!tpu.dma_semaphore, #tpu.memory_space<semaphore_mem>> -> memref<!tpu.dma_semaphore, #tpu.memory_space<semaphore_mem>>
      tpu.wait_indirect_dma semaphore(%dma_wait3A_241 : memref<!tpu.dma_semaphore, #tpu.memory_space<semaphore_mem>>) src(%dma_wait3A_239 : memref<10000x80xf32, #tpu.memory_space<hbm>>) dst(%dma_wait3A_233 : memref<128x80xf32, #tpu.memory_space<vmem>>)
      %and3A_242 = arith.constant 3 : i32
      %and3A_243 = arith.andi %while3A_228, %and3A_242 : i32
      %dma_start3A_244 = arith.constant 0 : i32
      %dma_start3A_245 = arith.constant 0 : i32
      %dma_start3A_246 = tpu.memref_slice %arg10[%and3A_243, %dma_start3A_244, %dma_start3A_245] : memref<4x128x80xf32, #tpu.memory_space<vmem>> -> memref<1x128x80xf32, #tpu.memory_space<vmem>>
      %dma_start3A_247 = tpu.memref_squeeze %dma_start3A_246 : memref<1x128x80xf32, #tpu.memory_space<vmem>> -> memref<128x80xf32, #tpu.memory_space<vmem>>
      %dma_start3A_248 = arith.constant 0 : i32
      %dma_start3A_249 = tpu.memref_slice %arg9[%while3A_228, %dma_start3A_248] : memref<40x128xi32, #tpu.memory_space<vmem>> -> memref<1x128xi32, #tpu.memory_space<vmem>>
      %dma_start3A_250 = tpu.memref_squeeze %dma_start3A_249 : memref<1x128xi32, #tpu.memory_space<vmem>> -> memref<128xi32, #tpu.memory_space<vmem>>
      %dma_start3A_251 = arith.constant 0 : i32
      %dma_start3A_252 = arith.constant 0 : i32
      %dma_start3A_253 = tpu.memref_slice %arg7[%dma_start3A_251, %dma_start3A_252] : memref<10000x80xf32, #tpu.memory_space<vmem_shared>> -> memref<10000x80xf32, #tpu.memory_space<vmem_shared>>
      %dma_start3A_254 = tpu.memref_slice %arg14[%and3A_243] : memref<4x!tpu.dma_semaphore, #tpu.memory_space<semaphore_mem>> -> memref<1x!tpu.dma_semaphore, #tpu.memory_space<semaphore_mem>>
      %dma_start3A_255 = tpu.memref_squeeze %dma_start3A_254 : memref<1x!tpu.dma_semaphore, #tpu.memory_space<semaphore_mem>> -> memref<!tpu.dma_semaphore, #tpu.memory_space<semaphore_mem>>
      tpu.enqueue_indirect_dma source(%dma_start3A_247 : memref<128x80xf32, #tpu.memory_space<vmem>>) target(%dma_start3A_253 : memref<10000x80xf32, #tpu.memory_space<vmem_shared>>) offsets(%dma_start3A_250 : memref<128xi32, #tpu.memory_space<vmem>>) semaphore(%dma_start3A_255 : memref<!tpu.dma_semaphore, #tpu.memory_space<semaphore_mem>>) {add = true}
      %sub3A_256 = arith.constant 2 : i32
      %sub3A_257 = arith.subi %while3A_228, %sub3A_256 : i32
      %and3A_258 = arith.constant 3 : i32
      %and3A_259 = arith.andi %sub3A_257, %and3A_258 : i32
      %dma_wait3A_260 = arith.constant 0 : i32
      %dma_wait3A_261 = arith.constant 0 : i32
      %dma_wait3A_262 = tpu.memref_slice %arg10[%and3A_259, %dma_wait3A_260, %dma_wait3A_261] : memref<4x128x80xf32, #tpu.memory_space<vmem>> -> memref<1x128x80xf32, #tpu.memory_space<vmem>>
      %dma_wait3A_263 = tpu.memref_squeeze %dma_wait3A_262 : memref<1x128x80xf32, #tpu.memory_space<vmem>> -> memref<128x80xf32, #tpu.memory_space<vmem>>
      %dma_wait3A_264 = arith.constant 0 : i32
      %dma_wait3A_265 = tpu.memref_slice %arg9[%sub3A_257, %dma_wait3A_264] : memref<40x128xi32, #tpu.memory_space<vmem>> -> memref<1x128xi32, #tpu.memory_space<vmem>>
      %dma_wait3A_266 = tpu.memref_squeeze %dma_wait3A_265 : memref<1x128xi32, #tpu.memory_space<vmem>> -> memref<128xi32, #tpu.memory_space<vmem>>
      %dma_wait3A_267 = arith.constant 0 : i32
      %dma_wait3A_268 = arith.constant 0 : i32
      %dma_wait3A_269 = tpu.memref_slice %arg7[%dma_wait3A_267, %dma_wait3A_268] : memref<10000x80xf32, #tpu.memory_space<vmem_shared>> -> memref<10000x80xf32, #tpu.memory_space<vmem_shared>>
      %dma_wait3A_270 = tpu.memref_slice %arg14[%and3A_259] : memref<4x!tpu.dma_semaphore, #tpu.memory_space<semaphore_mem>> -> memref<1x!tpu.dma_semaphore, #tpu.memory_space<semaphore_mem>>
      %dma_wait3A_271 = tpu.memref_squeeze %dma_wait3A_270 : memref<1x!tpu.dma_semaphore, #tpu.memory_space<semaphore_mem>> -> memref<!tpu.dma_semaphore, #tpu.memory_space<semaphore_mem>>
      tpu.wait_indirect_dma semaphore(%dma_wait3A_271 : memref<!tpu.dma_semaphore, #tpu.memory_space<semaphore_mem>>) src(%dma_wait3A_263 : memref<128x80xf32, #tpu.memory_space<vmem>>) dst(%dma_wait3A_269 : memref<10000x80xf32, #tpu.memory_space<vmem_shared>>)
      %add3A_272 = arith.constant 2 : i32
      %add3A_273 = arith.addi %while3A_228, %add3A_272 : i32
      %and3A_274 = arith.constant 3 : i32
      %and3A_275 = arith.andi %add3A_273, %and3A_274 : i32
      %dma_start3A_276 = arith.constant 0 : i32
      %dma_start3A_277 = arith.constant 0 : i32
      %dma_start3A_278 = tpu.memref_slice %arg10[%and3A_275, %dma_start3A_276, %dma_start3A_277] : memref<4x128x80xf32, #tpu.memory_space<vmem>> -> memref<1x128x80xf32, #tpu.memory_space<vmem>>
      %dma_start3A_279 = tpu.memref_squeeze %dma_start3A_278 : memref<1x128x80xf32, #tpu.memory_space<vmem>> -> memref<128x80xf32, #tpu.memory_space<vmem>>
      %dma_start3A_280 = arith.constant 0 : i32
      %dma_start3A_281 = tpu.memref_slice %arg8[%add3A_273, %dma_start3A_280] : memref<40x128xi32, #tpu.memory_space<vmem>> -> memref<1x128xi32, #tpu.memory_space<vmem>>
      %dma_start3A_282 = tpu.memref_squeeze %dma_start3A_281 : memref<1x128xi32, #tpu.memory_space<vmem>> -> memref<128xi32, #tpu.memory_space<vmem>>
      %dma_start3A_283 = arith.constant 0 : i32
      %dma_start3A_284 = arith.constant 0 : i32
      %dma_start3A_285 = tpu.memref_slice %arg3[%dma_start3A_283, %dma_start3A_284] : memref<10000x80xf32, #tpu.memory_space<hbm>> -> memref<10000x80xf32, #tpu.memory_space<hbm>>
      %dma_start3A_286 = tpu.memref_slice %arg13[%and3A_275] : memref<4x!tpu.dma_semaphore, #tpu.memory_space<semaphore_mem>> -> memref<1x!tpu.dma_semaphore, #tpu.memory_space<semaphore_mem>>
      %dma_start3A_287 = tpu.memref_squeeze %dma_start3A_286 : memref<1x!tpu.dma_semaphore, #tpu.memory_space<semaphore_mem>> -> memref<!tpu.dma_semaphore, #tpu.memory_space<semaphore_mem>>
      tpu.enqueue_indirect_dma source(%dma_start3A_285 : memref<10000x80xf32, #tpu.memory_space<hbm>>) target(%dma_start3A_279 : memref<128x80xf32, #tpu.memory_space<vmem>>) offsets(%dma_start3A_282 : memref<128xi32, #tpu.memory_space<vmem>>) semaphore(%dma_start3A_287 : memref<!tpu.dma_semaphore, #tpu.memory_space<semaphore_mem>>)
    }
    %while3A_205 = arith.constant 1 : i32
    scf.for %while3A_228 = %while3A_203 to %while3A_199 step %while3A_205  : i32 {
      %and3A = arith.constant 3 : i32
      %and3A_229 = arith.andi %while3A_228, %and3A : i32
      %dma_wait3A_230 = arith.constant 0 : i32
      %dma_wait3A_231 = arith.constant 0 : i32
      %dma_wait3A_232 = tpu.memref_slice %arg10[%and3A_229, %dma_wait3A_230, %dma_wait3A_231] : memref<4x128x80xf32, #tpu.memory_space<vmem>> -> memref<1x128x80xf32, #tpu.memory_space<vmem>>
      %dma_wait3A_233 = tpu.memref_squeeze %dma_wait3A_232 : memref<1x128x80xf32, #tpu.memory_space<vmem>> -> memref<128x80xf32, #tpu.memory_space<vmem>>
      %dma_wait3A_234 = arith.constant 0 : i32
      %dma_wait3A_235 = tpu.memref_slice %arg8[%while3A_228, %dma_wait3A_234] : memref<40x128xi32, #tpu.memory_space<vmem>> -> memref<1x128xi32, #tpu.memory_space<vmem>>
      %dma_wait3A_236 = tpu.memref_squeeze %dma_wait3A_235 : memref<1x128xi32, #tpu.memory_space<vmem>> -> memref<128xi32, #tpu.memory_space<vmem>>
      %dma_wait3A_237 = arith.constant 0 : i32
      %dma_wait3A_238 = arith.constant 0 : i32
      %dma_wait3A_239 = tpu.memref_slice %arg3[%dma_wait3A_237, %dma_wait3A_238] : memref<10000x80xf32, #tpu.memory_space<hbm>> -> memref<10000x80xf32, #tpu.memory_space<hbm>>
      %dma_wait3A_240 = tpu.memref_slice %arg13[%and3A_229] : memref<4x!tpu.dma_semaphore, #tpu.memory_space<semaphore_mem>> -> memref<1x!tpu.dma_semaphore, #tpu.memory_space<semaphore_mem>>
      %dma_wait3A_241 = tpu.memref_squeeze %dma_wait3A_240 : memref<1x!tpu.dma_semaphore, #tpu.memory_space<semaphore_mem>> -> memref<!tpu.dma_semaphore, #tpu.memory_space<semaphore_mem>>
      tpu.wait_indirect_dma semaphore(%dma_wait3A_241 : memref<!tpu.dma_semaphore, #tpu.memory_space<semaphore_mem>>) src(%dma_wait3A_239 : memref<10000x80xf32, #tpu.memory_space<hbm>>) dst(%dma_wait3A_233 : memref<128x80xf32, #tpu.memory_space<vmem>>)
      %and3A_242 = arith.constant 3 : i32
      %and3A_243 = arith.andi %while3A_228, %and3A_242 : i32
      %dma_start3A_244 = arith.constant 0 : i32
      %dma_start3A_245 = arith.constant 0 : i32
      %dma_start3A_246 = tpu.memref_slice %arg10[%and3A_243, %dma_start3A_244, %dma_start3A_245] : memref<4x128x80xf32, #tpu.memory_space<vmem>> -> memref<1x128x80xf32, #tpu.memory_space<vmem>>
      %dma_start3A_247 = tpu.memref_squeeze %dma_start3A_246 : memref<1x128x80xf32, #tpu.memory_space<vmem>> -> memref<128x80xf32, #tpu.memory_space<vmem>>
      %dma_start3A_248 = arith.constant 0 : i32
      %dma_start3A_249 = tpu.memref_slice %arg9[%while3A_228, %dma_start3A_248] : memref<40x128xi32, #tpu.memory_space<vmem>> -> memref<1x128xi32, #tpu.memory_space<vmem>>
      %dma_start3A_250 = tpu.memref_squeeze %dma_start3A_249 : memref<1x128xi32, #tpu.memory_space<vmem>> -> memref<128xi32, #tpu.memory_space<vmem>>
      %dma_start3A_251 = arith.constant 0 : i32
      %dma_start3A_252 = arith.constant 0 : i32
      %dma_start3A_253 = tpu.memref_slice %arg7[%dma_start3A_251, %dma_start3A_252] : memref<10000x80xf32, #tpu.memory_space<vmem_shared>> -> memref<10000x80xf32, #tpu.memory_space<vmem_shared>>
      %dma_start3A_254 = tpu.memref_slice %arg14[%and3A_243] : memref<4x!tpu.dma_semaphore, #tpu.memory_space<semaphore_mem>> -> memref<1x!tpu.dma_semaphore, #tpu.memory_space<semaphore_mem>>
      %dma_start3A_255 = tpu.memref_squeeze %dma_start3A_254 : memref<1x!tpu.dma_semaphore, #tpu.memory_space<semaphore_mem>> -> memref<!tpu.dma_semaphore, #tpu.memory_space<semaphore_mem>>
      tpu.enqueue_indirect_dma source(%dma_start3A_247 : memref<128x80xf32, #tpu.memory_space<vmem>>) target(%dma_start3A_253 : memref<10000x80xf32, #tpu.memory_space<vmem_shared>>) offsets(%dma_start3A_250 : memref<128xi32, #tpu.memory_space<vmem>>) semaphore(%dma_start3A_255 : memref<!tpu.dma_semaphore, #tpu.memory_space<semaphore_mem>>) {add = true}
      %sub3A_256 = arith.constant 2 : i32
      %sub3A_257 = arith.subi %while3A_228, %sub3A_256 : i32
      %and3A_258 = arith.constant 3 : i32
      %and3A_259 = arith.andi %sub3A_257, %and3A_258 : i32
      %dma_wait3A_260 = arith.constant 0 : i32
      %dma_wait3A_261 = arith.constant 0 : i32
      %dma_wait3A_262 = tpu.memref_slice %arg10[%and3A_259, %dma_wait3A_260, %dma_wait3A_261] : memref<4x128x80xf32, #tpu.memory_space<vmem>> -> memref<1x128x80xf32, #tpu.memory_space<vmem>>
      %dma_wait3A_263 = tpu.memref_squeeze %dma_wait3A_262 : memref<1x128x80xf32, #tpu.memory_space<vmem>> -> memref<128x80xf32, #tpu.memory_space<vmem>>
      %dma_wait3A_264 = arith.constant 0 : i32
      %dma_wait3A_265 = tpu.memref_slice %arg9[%sub3A_257, %dma_wait3A_264] : memref<40x128xi32, #tpu.memory_space<vmem>> -> memref<1x128xi32, #tpu.memory_space<vmem>>
      %dma_wait3A_266 = tpu.memref_squeeze %dma_wait3A_265 : memref<1x128xi32, #tpu.memory_space<vmem>> -> memref<128xi32, #tpu.memory_space<vmem>>
      %dma_wait3A_267 = arith.constant 0 : i32
      %dma_wait3A_268 = arith.constant 0 : i32
      %dma_wait3A_269 = tpu.memref_slice %arg7[%dma_wait3A_267, %dma_wait3A_268] : memref<10000x80xf32, #tpu.memory_space<vmem_shared>> -> memref<10000x80xf32, #tpu.memory_space<vmem_shared>>
      %dma_wait3A_270 = tpu.memref_slice %arg14[%and3A_259] : memref<4x!tpu.dma_semaphore, #tpu.memory_space<semaphore_mem>> -> memref<1x!tpu.dma_semaphore, #tpu.memory_space<semaphore_mem>>
      %dma_wait3A_271 = tpu.memref_squeeze %dma_wait3A_270 : memref<1x!tpu.dma_semaphore, #tpu.memory_space<semaphore_mem>> -> memref<!tpu.dma_semaphore, #tpu.memory_space<semaphore_mem>>
      tpu.wait_indirect_dma semaphore(%dma_wait3A_271 : memref<!tpu.dma_semaphore, #tpu.memory_space<semaphore_mem>>) src(%dma_wait3A_263 : memref<128x80xf32, #tpu.memory_space<vmem>>) dst(%dma_wait3A_269 : memref<10000x80xf32, #tpu.memory_space<vmem_shared>>)
      %add3A_272 = arith.constant 2 : i32
      %add3A_273 = arith.addi %while3A_228, %add3A_272 : i32
      %and3A_274 = arith.constant 3 : i32
      %and3A_275 = arith.andi %add3A_273, %and3A_274 : i32
      %dma_start3A_276 = arith.constant 0 : i32
      %dma_start3A_277 = arith.constant 0 : i32
      %dma_start3A_278 = tpu.memref_slice %arg10[%and3A_275, %dma_start3A_276, %dma_start3A_277] : memref<4x128x80xf32, #tpu.memory_space<vmem>> -> memref<1x128x80xf32, #tpu.memory_space<vmem>>
      %dma_start3A_279 = tpu.memref_squeeze %dma_start3A_278 : memref<1x128x80xf32, #tpu.memory_space<vmem>> -> memref<128x80xf32, #tpu.memory_space<vmem>>
      %dma_start3A_280 = arith.constant 0 : i32
      %dma_start3A_281 = tpu.memref_slice %arg8[%add3A_273, %dma_start3A_280] : memref<40x128xi32, #tpu.memory_space<vmem>> -> memref<1x128xi32, #tpu.memory_space<vmem>>
      %dma_start3A_282 = tpu.memref_squeeze %dma_start3A_281 : memref<1x128xi32, #tpu.memory_space<vmem>> -> memref<128xi32, #tpu.memory_space<vmem>>
      %dma_start3A_283 = arith.constant 0 : i32
      %dma_start3A_284 = arith.constant 0 : i32
      %dma_start3A_285 = tpu.memref_slice %arg3[%dma_start3A_283, %dma_start3A_284] : memref<10000x80xf32, #tpu.memory_space<hbm>> -> memref<10000x80xf32, #tpu.memory_space<hbm>>
      %dma_start3A_286 = tpu.memref_slice %arg13[%and3A_275] : memref<4x!tpu.dma_semaphore, #tpu.memory_space<semaphore_mem>> -> memref<1x!tpu.dma_semaphore, #tpu.memory_space<semaphore_mem>>
      %dma_start3A_287 = tpu.memref_squeeze %dma_start3A_286 : memref<1x!tpu.dma_semaphore, #tpu.memory_space<semaphore_mem>> -> memref<!tpu.dma_semaphore, #tpu.memory_space<semaphore_mem>>
      tpu.enqueue_indirect_dma source(%dma_start3A_285 : memref<10000x80xf32, #tpu.memory_space<hbm>>) target(%dma_start3A_279 : memref<128x80xf32, #tpu.memory_space<vmem>>) offsets(%dma_start3A_282 : memref<128xi32, #tpu.memory_space<vmem>>) semaphore(%dma_start3A_287 : memref<!tpu.dma_semaphore, #tpu.memory_space<semaphore_mem>>)
    }
    %ge3A_206 = arith.constant 4 : i32
    %ge3A_207 = arith.cmpi sge, %add3A_6, %ge3A_206 : i32
    %convert_element_type3A_208 = arith.extui %ge3A_207 : i1 to i32
    %cond3A_209 = arith.constant 0 : i32
    %cond3A_210 = arith.cmpi ne, %convert_element_type3A_208, %cond3A_209 : i32
    scf.if %cond3A_210 {
      %sub3A_228 = arith.constant 2 : i32
      %sub3A_229 = arith.subi %add3A_6, %sub3A_228 : i32
      %and3A = arith.constant 3 : i32
      %and3A_230 = arith.andi %sub3A_229, %and3A : i32
      %dma_wait3A_231 = arith.constant 0 : i32
      %dma_wait3A_232 = arith.constant 0 : i32
      %dma_wait3A_233 = tpu.memref_slice %arg10[%and3A_230, %dma_wait3A_231, %dma_wait3A_232] : memref<4x128x80xf32, #tpu.memory_space<vmem>> -> memref<1x128x80xf32, #tpu.memory_space<vmem>>
      %dma_wait3A_234 = tpu.memref_squeeze %dma_wait3A_233 : memref<1x128x80xf32, #tpu.memory_space<vmem>> -> memref<128x80xf32, #tpu.memory_space<vmem>>
      %dma_wait3A_235 = arith.constant 0 : i32
      %dma_wait3A_236 = tpu.memref_slice %arg8[%sub3A_229, %dma_wait3A_235] : memref<40x128xi32, #tpu.memory_space<vmem>> -> memref<1x128xi32, #tpu.memory_space<vmem>>
      %dma_wait3A_237 = tpu.memref_squeeze %dma_wait3A_236 : memref<1x128xi32, #tpu.memory_space<vmem>> -> memref<128xi32, #tpu.memory_space<vmem>>
      %dma_wait3A_238 = arith.constant 0 : i32
      %dma_wait3A_239 = arith.constant 0 : i32
      %dma_wait3A_240 = tpu.memref_slice %arg3[%dma_wait3A_238, %dma_wait3A_239] : memref<10000x80xf32, #tpu.memory_space<hbm>> -> memref<10000x80xf32, #tpu.memory_space<hbm>>
      %dma_wait3A_241 = tpu.memref_slice %arg13[%and3A_230] : memref<4x!tpu.dma_semaphore, #tpu.memory_space<semaphore_mem>> -> memref<1x!tpu.dma_semaphore, #tpu.memory_space<semaphore_mem>>
      %dma_wait3A_242 = tpu.memref_squeeze %dma_wait3A_241 : memref<1x!tpu.dma_semaphore, #tpu.memory_space<semaphore_mem>> -> memref<!tpu.dma_semaphore, #tpu.memory_space<semaphore_mem>>
      tpu.wait_indirect_dma semaphore(%dma_wait3A_242 : memref<!tpu.dma_semaphore, #tpu.memory_space<semaphore_mem>>) src(%dma_wait3A_240 : memref<10000x80xf32, #tpu.memory_space<hbm>>) dst(%dma_wait3A_234 : memref<128x80xf32, #tpu.memory_space<vmem>>)
      %sub3A_243 = arith.constant 2 : i32
      %sub3A_244 = arith.subi %add3A_6, %sub3A_243 : i32
      %and3A_245 = arith.constant 3 : i32
      %and3A_246 = arith.andi %sub3A_244, %and3A_245 : i32
      %dma_start3A_247 = arith.constant 0 : i32
      %dma_start3A_248 = arith.constant 0 : i32
      %dma_start3A_249 = tpu.memref_slice %arg10[%and3A_246, %dma_start3A_247, %dma_start3A_248] : memref<4x128x80xf32, #tpu.memory_space<vmem>> -> memref<1x128x80xf32, #tpu.memory_space<vmem>>
      %dma_start3A_250 = tpu.memref_squeeze %dma_start3A_249 : memref<1x128x80xf32, #tpu.memory_space<vmem>> -> memref<128x80xf32, #tpu.memory_space<vmem>>
      %dma_start3A_251 = arith.constant 0 : i32
      %dma_start3A_252 = tpu.memref_slice %arg9[%sub3A_244, %dma_start3A_251] : memref<40x128xi32, #tpu.memory_space<vmem>> -> memref<1x128xi32, #tpu.memory_space<vmem>>
      %dma_start3A_253 = tpu.memref_squeeze %dma_start3A_252 : memref<1x128xi32, #tpu.memory_space<vmem>> -> memref<128xi32, #tpu.memory_space<vmem>>
      %dma_start3A_254 = arith.constant 0 : i32
      %dma_start3A_255 = arith.constant 0 : i32
      %dma_start3A_256 = tpu.memref_slice %arg7[%dma_start3A_254, %dma_start3A_255] : memref<10000x80xf32, #tpu.memory_space<vmem_shared>> -> memref<10000x80xf32, #tpu.memory_space<vmem_shared>>
      %dma_start3A_257 = tpu.memref_slice %arg14[%and3A_246] : memref<4x!tpu.dma_semaphore, #tpu.memory_space<semaphore_mem>> -> memref<1x!tpu.dma_semaphore, #tpu.memory_space<semaphore_mem>>
      %dma_start3A_258 = tpu.memref_squeeze %dma_start3A_257 : memref<1x!tpu.dma_semaphore, #tpu.memory_space<semaphore_mem>> -> memref<!tpu.dma_semaphore, #tpu.memory_space<semaphore_mem>>
      tpu.enqueue_indirect_dma source(%dma_start3A_250 : memref<128x80xf32, #tpu.memory_space<vmem>>) target(%dma_start3A_256 : memref<10000x80xf32, #tpu.memory_space<vmem_shared>>) offsets(%dma_start3A_253 : memref<128xi32, #tpu.memory_space<vmem>>) semaphore(%dma_start3A_258 : memref<!tpu.dma_semaphore, #tpu.memory_space<semaphore_mem>>) {add = true}
      %sub3A_259 = arith.constant 4 : i32
      %sub3A_260 = arith.subi %add3A_6, %sub3A_259 : i32
      %and3A_261 = arith.constant 3 : i32
      %and3A_262 = arith.andi %sub3A_260, %and3A_261 : i32
      %dma_wait3A_263 = arith.constant 0 : i32
      %dma_wait3A_264 = arith.constant 0 : i32
      %dma_wait3A_265 = tpu.memref_slice %arg10[%and3A_262, %dma_wait3A_263, %dma_wait3A_264] : memref<4x128x80xf32, #tpu.memory_space<vmem>> -> memref<1x128x80xf32, #tpu.memory_space<vmem>>
      %dma_wait3A_266 = tpu.memref_squeeze %dma_wait3A_265 : memref<1x128x80xf32, #tpu.memory_space<vmem>> -> memref<128x80xf32, #tpu.memory_space<vmem>>
      %dma_wait3A_267 = arith.constant 0 : i32
      %dma_wait3A_268 = tpu.memref_slice %arg9[%sub3A_260, %dma_wait3A_267] : memref<40x128xi32, #tpu.memory_space<vmem>> -> memref<1x128xi32, #tpu.memory_space<vmem>>
      %dma_wait3A_269 = tpu.memref_squeeze %dma_wait3A_268 : memref<1x128xi32, #tpu.memory_space<vmem>> -> memref<128xi32, #tpu.memory_space<vmem>>
      %dma_wait3A_270 = arith.constant 0 : i32
      %dma_wait3A_271 = arith.constant 0 : i32
      %dma_wait3A_272 = tpu.memref_slice %arg7[%dma_wait3A_270, %dma_wait3A_271] : memref<10000x80xf32, #tpu.memory_space<vmem_shared>> -> memref<10000x80xf32, #tpu.memory_space<vmem_shared>>
      %dma_wait3A_273 = tpu.memref_slice %arg14[%and3A_262] : memref<4x!tpu.dma_semaphore, #tpu.memory_space<semaphore_mem>> -> memref<1x!tpu.dma_semaphore, #tpu.memory_space<semaphore_mem>>
      %dma_wait3A_274 = tpu.memref_squeeze %dma_wait3A_273 : memref<1x!tpu.dma_semaphore, #tpu.memory_space<semaphore_mem>> -> memref<!tpu.dma_semaphore, #tpu.memory_space<semaphore_mem>>
      tpu.wait_indirect_dma semaphore(%dma_wait3A_274 : memref<!tpu.dma_semaphore, #tpu.memory_space<semaphore_mem>>) src(%dma_wait3A_266 : memref<128x80xf32, #tpu.memory_space<vmem>>) dst(%dma_wait3A_272 : memref<10000x80xf32, #tpu.memory_space<vmem_shared>>)
    } else {
    }
    %ge3A_211 = arith.constant 3 : i32
    %ge3A_212 = arith.cmpi sge, %add3A_6, %ge3A_211 : i32
    %convert_element_type3A_213 = arith.extui %ge3A_212 : i1 to i32
    %cond3A_214 = arith.constant 0 : i32
    %cond3A_215 = arith.cmpi ne, %convert_element_type3A_213, %cond3A_214 : i32
    scf.if %cond3A_215 {
      %sub3A_228 = arith.constant 1 : i32
      %sub3A_229 = arith.subi %add3A_6, %sub3A_228 : i32
      %and3A = arith.constant 3 : i32
      %and3A_230 = arith.andi %sub3A_229, %and3A : i32
      %dma_wait3A_231 = arith.constant 0 : i32
      %dma_wait3A_232 = arith.constant 0 : i32
      %dma_wait3A_233 = tpu.memref_slice %arg10[%and3A_230, %dma_wait3A_231, %dma_wait3A_232] : memref<4x128x80xf32, #tpu.memory_space<vmem>> -> memref<1x128x80xf32, #tpu.memory_space<vmem>>
      %dma_wait3A_234 = tpu.memref_squeeze %dma_wait3A_233 : memref<1x128x80xf32, #tpu.memory_space<vmem>> -> memref<128x80xf32, #tpu.memory_space<vmem>>
      %dma_wait3A_235 = arith.constant 0 : i32
      %dma_wait3A_236 = tpu.memref_slice %arg8[%sub3A_229, %dma_wait3A_235] : memref<40x128xi32, #tpu.memory_space<vmem>> -> memref<1x128xi32, #tpu.memory_space<vmem>>
      %dma_wait3A_237 = tpu.memref_squeeze %dma_wait3A_236 : memref<1x128xi32, #tpu.memory_space<vmem>> -> memref<128xi32, #tpu.memory_space<vmem>>
      %dma_wait3A_238 = arith.constant 0 : i32
      %dma_wait3A_239 = arith.constant 0 : i32
      %dma_wait3A_240 = tpu.memref_slice %arg3[%dma_wait3A_238, %dma_wait3A_239] : memref<10000x80xf32, #tpu.memory_space<hbm>> -> memref<10000x80xf32, #tpu.memory_space<hbm>>
      %dma_wait3A_241 = tpu.memref_slice %arg13[%and3A_230] : memref<4x!tpu.dma_semaphore, #tpu.memory_space<semaphore_mem>> -> memref<1x!tpu.dma_semaphore, #tpu.memory_space<semaphore_mem>>
      %dma_wait3A_242 = tpu.memref_squeeze %dma_wait3A_241 : memref<1x!tpu.dma_semaphore, #tpu.memory_space<semaphore_mem>> -> memref<!tpu.dma_semaphore, #tpu.memory_space<semaphore_mem>>
      tpu.wait_indirect_dma semaphore(%dma_wait3A_242 : memref<!tpu.dma_semaphore, #tpu.memory_space<semaphore_mem>>) src(%dma_wait3A_240 : memref<10000x80xf32, #tpu.memory_space<hbm>>) dst(%dma_wait3A_234 : memref<128x80xf32, #tpu.memory_space<vmem>>)
      %sub3A_243 = arith.constant 1 : i32
      %sub3A_244 = arith.subi %add3A_6, %sub3A_243 : i32
      %and3A_245 = arith.constant 3 : i32
      %and3A_246 = arith.andi %sub3A_244, %and3A_245 : i32
      %dma_start3A_247 = arith.constant 0 : i32
      %dma_start3A_248 = arith.constant 0 : i32
      %dma_start3A_249 = tpu.memref_slice %arg10[%and3A_246, %dma_start3A_247, %dma_start3A_248] : memref<4x128x80xf32, #tpu.memory_space<vmem>> -> memref<1x128x80xf32, #tpu.memory_space<vmem>>
      %dma_start3A_250 = tpu.memref_squeeze %dma_start3A_249 : memref<1x128x80xf32, #tpu.memory_space<vmem>> -> memref<128x80xf32, #tpu.memory_space<vmem>>
      %dma_start3A_251 = arith.constant 0 : i32
      %dma_start3A_252 = tpu.memref_slice %arg9[%sub3A_244, %dma_start3A_251] : memref<40x128xi32, #tpu.memory_space<vmem>> -> memref<1x128xi32, #tpu.memory_space<vmem>>
      %dma_start3A_253 = tpu.memref_squeeze %dma_start3A_252 : memref<1x128xi32, #tpu.memory_space<vmem>> -> memref<128xi32, #tpu.memory_space<vmem>>
      %dma_start3A_254 = arith.constant 0 : i32
      %dma_start3A_255 = arith.constant 0 : i32
      %dma_start3A_256 = tpu.memref_slice %arg7[%dma_start3A_254, %dma_start3A_255] : memref<10000x80xf32, #tpu.memory_space<vmem_shared>> -> memref<10000x80xf32, #tpu.memory_space<vmem_shared>>
      %dma_start3A_257 = tpu.memref_slice %arg14[%and3A_246] : memref<4x!tpu.dma_semaphore, #tpu.memory_space<semaphore_mem>> -> memref<1x!tpu.dma_semaphore, #tpu.memory_space<semaphore_mem>>
      %dma_start3A_258 = tpu.memref_squeeze %dma_start3A_257 : memref<1x!tpu.dma_semaphore, #tpu.memory_space<semaphore_mem>> -> memref<!tpu.dma_semaphore, #tpu.memory_space<semaphore_mem>>
      tpu.enqueue_indirect_dma source(%dma_start3A_250 : memref<128x80xf32, #tpu.memory_space<vmem>>) target(%dma_start3A_256 : memref<10000x80xf32, #tpu.memory_space<vmem_shared>>) offsets(%dma_start3A_253 : memref<128xi32, #tpu.memory_space<vmem>>) semaphore(%dma_start3A_258 : memref<!tpu.dma_semaphore, #tpu.memory_space<semaphore_mem>>) {add = true}
      %sub3A_259 = arith.constant 3 : i32
      %sub3A_260 = arith.subi %add3A_6, %sub3A_259 : i32
      %and3A_261 = arith.constant 3 : i32
      %and3A_262 = arith.andi %sub3A_260, %and3A_261 : i32
      %dma_wait3A_263 = arith.constant 0 : i32
      %dma_wait3A_264 = arith.constant 0 : i32
      %dma_wait3A_265 = tpu.memref_slice %arg10[%and3A_262, %dma_wait3A_263, %dma_wait3A_264] : memref<4x128x80xf32, #tpu.memory_space<vmem>> -> memref<1x128x80xf32, #tpu.memory_space<vmem>>
      %dma_wait3A_266 = tpu.memref_squeeze %dma_wait3A_265 : memref<1x128x80xf32, #tpu.memory_space<vmem>> -> memref<128x80xf32, #tpu.memory_space<vmem>>
      %dma_wait3A_267 = arith.constant 0 : i32
      %dma_wait3A_268 = tpu.memref_slice %arg9[%sub3A_260, %dma_wait3A_267] : memref<40x128xi32, #tpu.memory_space<vmem>> -> memref<1x128xi32, #tpu.memory_space<vmem>>
      %dma_wait3A_269 = tpu.memref_squeeze %dma_wait3A_268 : memref<1x128xi32, #tpu.memory_space<vmem>> -> memref<128xi32, #tpu.memory_space<vmem>>
      %dma_wait3A_270 = arith.constant 0 : i32
      %dma_wait3A_271 = arith.constant 0 : i32
      %dma_wait3A_272 = tpu.memref_slice %arg7[%dma_wait3A_270, %dma_wait3A_271] : memref<10000x80xf32, #tpu.memory_space<vmem_shared>> -> memref<10000x80xf32, #tpu.memory_space<vmem_shared>>
      %dma_wait3A_273 = tpu.memref_slice %arg14[%and3A_262] : memref<4x!tpu.dma_semaphore, #tpu.memory_space<semaphore_mem>> -> memref<1x!tpu.dma_semaphore, #tpu.memory_space<semaphore_mem>>
      %dma_wait3A_274 = tpu.memref_squeeze %dma_wait3A_273 : memref<1x!tpu.dma_semaphore, #tpu.memory_space<semaphore_mem>> -> memref<!tpu.dma_semaphore, #tpu.memory_space<semaphore_mem>>
      tpu.wait_indirect_dma semaphore(%dma_wait3A_274 : memref<!tpu.dma_semaphore, #tpu.memory_space<semaphore_mem>>) src(%dma_wait3A_266 : memref<128x80xf32, #tpu.memory_space<vmem>>) dst(%dma_wait3A_272 : memref<10000x80xf32, #tpu.memory_space<vmem_shared>>)
    } else {
    }
    %ge3A_216 = arith.constant 2 : i32
    %ge3A_217 = arith.cmpi sge, %add3A_6, %ge3A_216 : i32
    %convert_element_type3A_218 = arith.extui %ge3A_217 : i1 to i32
    %cond3A_219 = arith.constant 0 : i32
    %cond3A_220 = arith.cmpi ne, %convert_element_type3A_218, %cond3A_219 : i32
    scf.if %cond3A_220 {
      %sub3A_228 = arith.constant 2 : i32
      %sub3A_229 = arith.subi %add3A_6, %sub3A_228 : i32
      %and3A = arith.constant 3 : i32
      %and3A_230 = arith.andi %sub3A_229, %and3A : i32
      %dma_wait3A_231 = arith.constant 0 : i32
      %dma_wait3A_232 = arith.constant 0 : i32
      %dma_wait3A_233 = tpu.memref_slice %arg10[%and3A_230, %dma_wait3A_231, %dma_wait3A_232] : memref<4x128x80xf32, #tpu.memory_space<vmem>> -> memref<1x128x80xf32, #tpu.memory_space<vmem>>
      %dma_wait3A_234 = tpu.memref_squeeze %dma_wait3A_233 : memref<1x128x80xf32, #tpu.memory_space<vmem>> -> memref<128x80xf32, #tpu.memory_space<vmem>>
      %dma_wait3A_235 = arith.constant 0 : i32
      %dma_wait3A_236 = tpu.memref_slice %arg9[%sub3A_229, %dma_wait3A_235] : memref<40x128xi32, #tpu.memory_space<vmem>> -> memref<1x128xi32, #tpu.memory_space<vmem>>
      %dma_wait3A_237 = tpu.memref_squeeze %dma_wait3A_236 : memref<1x128xi32, #tpu.memory_space<vmem>> -> memref<128xi32, #tpu.memory_space<vmem>>
      %dma_wait3A_238 = arith.constant 0 : i32
      %dma_wait3A_239 = arith.constant 0 : i32
      %dma_wait3A_240 = tpu.memref_slice %arg7[%dma_wait3A_238, %dma_wait3A_239] : memref<10000x80xf32, #tpu.memory_space<vmem_shared>> -> memref<10000x80xf32, #tpu.memory_space<vmem_shared>>
      %dma_wait3A_241 = tpu.memref_slice %arg14[%and3A_230] : memref<4x!tpu.dma_semaphore, #tpu.memory_space<semaphore_mem>> -> memref<1x!tpu.dma_semaphore, #tpu.memory_space<semaphore_mem>>
      %dma_wait3A_242 = tpu.memref_squeeze %dma_wait3A_241 : memref<1x!tpu.dma_semaphore, #tpu.memory_space<semaphore_mem>> -> memref<!tpu.dma_semaphore, #tpu.memory_space<semaphore_mem>>
      tpu.wait_indirect_dma semaphore(%dma_wait3A_242 : memref<!tpu.dma_semaphore, #tpu.memory_space<semaphore_mem>>) src(%dma_wait3A_234 : memref<128x80xf32, #tpu.memory_space<vmem>>) dst(%dma_wait3A_240 : memref<10000x80xf32, #tpu.memory_space<vmem_shared>>)
    } else {
    }
    %ge3A_221 = arith.constant 1 : i32
    %ge3A_222 = arith.cmpi sge, %add3A_6, %ge3A_221 : i32
    %convert_element_type3A_223 = arith.extui %ge3A_222 : i1 to i32
    %cond3A_224 = arith.constant 0 : i32
    %cond3A_225 = arith.cmpi ne, %convert_element_type3A_223, %cond3A_224 : i32
    scf.if %cond3A_225 {
      %sub3A_228 = arith.constant 1 : i32
      %sub3A_229 = arith.subi %add3A_6, %sub3A_228 : i32
      %and3A = arith.constant 3 : i32
      %and3A_230 = arith.andi %sub3A_229, %and3A : i32
      %dma_wait3A_231 = arith.constant 0 : i32
      %dma_wait3A_232 = arith.constant 0 : i32
      %dma_wait3A_233 = tpu.memref_slice %arg10[%and3A_230, %dma_wait3A_231, %dma_wait3A_232] : memref<4x128x80xf32, #tpu.memory_space<vmem>> -> memref<1x128x80xf32, #tpu.memory_space<vmem>>
      %dma_wait3A_234 = tpu.memref_squeeze %dma_wait3A_233 : memref<1x128x80xf32, #tpu.memory_space<vmem>> -> memref<128x80xf32, #tpu.memory_space<vmem>>
      %dma_wait3A_235 = arith.constant 0 : i32
      %dma_wait3A_236 = tpu.memref_slice %arg9[%sub3A_229, %dma_wait3A_235] : memref<40x128xi32, #tpu.memory_space<vmem>> -> memref<1x128xi32, #tpu.memory_space<vmem>>
      %dma_wait3A_237 = tpu.memref_squeeze %dma_wait3A_236 : memref<1x128xi32, #tpu.memory_space<vmem>> -> memref<128xi32, #tpu.memory_space<vmem>>
      %dma_wait3A_238 = arith.constant 0 : i32
      %dma_wait3A_239 = arith.constant 0 : i32
      %dma_wait3A_240 = tpu.memref_slice %arg7[%dma_wait3A_238, %dma_wait3A_239] : memref<10000x80xf32, #tpu.memory_space<vmem_shared>> -> memref<10000x80xf32, #tpu.memory_space<vmem_shared>>
      %dma_wait3A_241 = tpu.memref_slice %arg14[%and3A_230] : memref<4x!tpu.dma_semaphore, #tpu.memory_space<semaphore_mem>> -> memref<1x!tpu.dma_semaphore, #tpu.memory_space<semaphore_mem>>
      %dma_wait3A_242 = tpu.memref_squeeze %dma_wait3A_241 : memref<1x!tpu.dma_semaphore, #tpu.memory_space<semaphore_mem>> -> memref<!tpu.dma_semaphore, #tpu.memory_space<semaphore_mem>>
      tpu.wait_indirect_dma semaphore(%dma_wait3A_242 : memref<!tpu.dma_semaphore, #tpu.memory_space<semaphore_mem>>) src(%dma_wait3A_234 : memref<128x80xf32, #tpu.memory_space<vmem>>) dst(%dma_wait3A_240 : memref<10000x80xf32, #tpu.memory_space<vmem_shared>>)
    } else {
    }
    %barrier3A_226 = arith.constant 0 : index
    tpu.barrier barrier_id(%barrier3A_226)
    %run_scoped3A_227 = arith.constant 1 : i32
    "tpu.region"() ({
      %run_scoped3A_228 = tpu.sem_alloc : memref<!tpu.dma_semaphore, #tpu.memory_space<semaphore_mem>>
      %dma_start3A_229 = arith.constant 0 : i32
      %dma_start3A_230 = tpu.memref_slice %arg6[%arg0, %run_scoped3A_227, %mul3A_2, %dma_start3A_229] : memref<2x2x10000x80xf32, #tpu.memory_space<hbm>> -> memref<1x1x625x80xf32, #tpu.memory_space<hbm>>
      %dma_start3A_231 = tpu.memref_squeeze %dma_start3A_230 : memref<1x1x625x80xf32, #tpu.memory_space<hbm>> -> memref<625x80xf32, #tpu.memory_space<hbm>>
      %dma_start3A_232 = arith.constant 0 : i32
      %dma_start3A_233 = tpu.memref_slice %arg7[%mul3A_2, %dma_start3A_232] : memref<10000x80xf32, #tpu.memory_space<vmem_shared>> -> memref<625x80xf32, #tpu.memory_space<vmem_shared>>
      tpu.enqueue_dma source(%dma_start3A_233 : memref<625x80xf32, #tpu.memory_space<vmem_shared>>) target(%dma_start3A_231 : memref<625x80xf32, #tpu.memory_space<hbm>>) target_semaphore(%run_scoped3A_228 : memref<!tpu.dma_semaphore, #tpu.memory_space<semaphore_mem>>)
      %dma_wait3A_234 = arith.constant 0 : i32
      %dma_wait3A_235 = tpu.memref_slice %arg6[%arg0, %run_scoped3A_227, %mul3A_2, %dma_wait3A_234] : memref<2x2x10000x80xf32, #tpu.memory_space<hbm>> -> memref<1x1x625x80xf32, #tpu.memory_space<hbm>>
      %dma_wait3A_236 = tpu.memref_squeeze %dma_wait3A_235 : memref<1x1x625x80xf32, #tpu.memory_space<hbm>> -> memref<625x80xf32, #tpu.memory_space<hbm>>
      %dma_wait3A_237 = arith.constant 0 : i32
      %dma_wait3A_238 = tpu.memref_slice %arg7[%mul3A_2, %dma_wait3A_237] : memref<10000x80xf32, #tpu.memory_space<vmem_shared>> -> memref<625x80xf32, #tpu.memory_space<vmem_shared>>
      tpu.wait_dma2 semaphore(%run_scoped3A_228 : memref<!tpu.dma_semaphore, #tpu.memory_space<semaphore_mem>>) src(%dma_wait3A_238 : memref<625x80xf32, #tpu.memory_space<vmem_shared>>) dst(%dma_wait3A_236 : memref<625x80xf32, #tpu.memory_space<hbm>>)
      tpu.yield
    }) : () -> ()
    return
  }
}

#map = affine_map<(d0, d1) -> (0, 0)>
#map1 = affine_map<(d0, d1) -> (0, 0, 0, 0)>
module attributes {stable_mosaic.version = 14 : i64} {
  func.func @sc_kernel(%arg0: i32, %arg1: i32, %arg2: memref<10000x16xf32, #tpu.memory_space<hbm>>, %arg3: memref<10000x16xf32, #tpu.memory_space<hbm>>, %arg4: memref<2560x128xi32, #tpu.memory_space<hbm>>, %arg5: memref<2560x128xi32, #tpu.memory_space<hbm>>, %arg6: memref<2x2x10000x16xf32, #tpu.memory_space<hbm>>, %arg7: memref<10000x16xf32, #tpu.memory_space<vmem_shared>>, %arg8: memref<40x128xi32, #tpu.memory_space<vmem>>, %arg9: memref<40x128xi32, #tpu.memory_space<vmem>>, %arg10: memref<4x128x16xf32, #tpu.memory_space<vmem>>, %arg11: memref<125x16xf32, #tpu.memory_space<vmem>>, %arg12: memref<2x!tpu.dma_semaphore, #tpu.memory_space<semaphore_mem>>, %arg13: memref<4x!tpu.dma_semaphore, #tpu.memory_space<semaphore_mem>>, %arg14: memref<4x!tpu.dma_semaphore, #tpu.memory_space<semaphore_mem>>) attributes {dimension_semantics = [#tpu.dimension_semantics<core_parallel>, #tpu.dimension_semantics<subcore_parallel>], iteration_bounds = array<i64: 2, 16>, scalar_prefetch = 0 : i64, scratch_operands = 8 : i64, tpu.core_type = #tpu.core_type<sc_vector_subcore>, window_params = [{transform_indices = #map}, {transform_indices = #map}, {transform_indices = #map}, {transform_indices = #map}, {transform_indices = #map1}]} {
    %mul3A = arith.constant 2 : i32
    %mul3A_0 = arith.muli %arg1, %mul3A : i32
    %add3A = arith.addi %mul3A_0, %arg0 : i32
    %mul3A_1 = arith.constant 625 : i32
    %mul3A_2 = arith.muli %arg1, %mul3A_1 : i32
    %lt3A = arith.constant 2 : i32
    %lt3A_3 = arith.cmpi slt, %add3A, %lt3A : i32
    %jit3A = arith.constant 1 : i32
    %jit3A_4 = arith.constant 0 : i32
    %select_n3A = arith.select %lt3A_3, %jit3A, %jit3A_4 : i32
    %add3A_5 = arith.constant 39 : i32
    %add3A_6 = arith.addi %add3A_5, %select_n3A : i32
    %mul3A_7 = arith.constant 39 : i32
    %mul3A_8 = arith.muli %add3A, %mul3A_7 : i32
    %min3A = arith.constant 2 : i32
    %min3A_9 = arith.minsi %add3A, %min3A : i32
    %add3A_10 = arith.addi %mul3A_8, %min3A_9 : i32
    %scan3A = arith.constant 0 : i32
    %scan3A_11 = arith.constant 0 : i32
    %scan3A_12 = arith.constant 125 : i32
    %scan3A_13 = arith.addi %scan3A_11, %scan3A_12 : i32
    %scan3A_14 = arith.constant 1 : i32
    scf.for %scan3A_228 = %scan3A_11 to %scan3A_13 step %scan3A_14  : i32 {
      %broadcast_in_dim3A = arith.constant 0.000000e+00 : f32
      %broadcast_in_dim3A_229 = vector.broadcast %broadcast_in_dim3A : f32 to vector<16xf32>
      %swap3A = arith.index_cast %scan3A_228 : i32 to index
      %swap3A_230 = arith.constant 0 : index
      %swap3A_231 = tpu.vector_load %arg11[%swap3A, %swap3A_230] {strides = array<i32>} : memref<125x16xf32, #tpu.memory_space<vmem>>, vector<1x16xf32>,
      %swap3A_232 = vector.shape_cast %swap3A_231 : vector<1x16xf32> to vector<16xf32>
      %swap3A_233 = vector.shape_cast %broadcast_in_dim3A_229 : vector<16xf32> to vector<1x16xf32>
      tpu.vector_store %arg11[%swap3A, %swap3A_230], %swap3A_233 {strides = array<i32>} : memref<125x16xf32, #tpu.memory_space<vmem>>, vector<1x16xf32>,
    }
    %scan3A_15 = arith.constant 125 : i32
    %dma_start3A = arith.constant 0 : i32
    %dma_start3A_16 = arith.constant 0 : i32
    %dma_start3A_17 = tpu.memref_slice %arg4[%add3A_10, %dma_start3A_16] : memref<2560x128xi32, #tpu.memory_space<hbm>> -> memref<40x128xi32, #tpu.memory_space<hbm>>
    %dma_start3A_18 = tpu.memref_slice %arg12[%dma_start3A] : memref<2x!tpu.dma_semaphore, #tpu.memory_space<semaphore_mem>> -> memref<1x!tpu.dma_semaphore, #tpu.memory_space<semaphore_mem>>
    %dma_start3A_19 = tpu.memref_squeeze %dma_start3A_18 : memref<1x!tpu.dma_semaphore, #tpu.memory_space<semaphore_mem>> -> memref<!tpu.dma_semaphore, #tpu.memory_space<semaphore_mem>>
    %dma_start3A_20 = arith.constant 0 : i32
    %dma_start3A_21 = tpu.memref_slice %arg4[%add3A_10, %dma_start3A_20] : memref<2560x128xi32, #tpu.memory_space<hbm>> -> memref<40x128xi32, #tpu.memory_space<hbm>>
    tpu.enqueue_dma source(%dma_start3A_21 : memref<40x128xi32, #tpu.memory_space<hbm>>) target(%arg8 : memref<40x128xi32, #tpu.memory_space<vmem>>) target_semaphore(%dma_start3A_19 : memref<!tpu.dma_semaphore, #tpu.memory_space<semaphore_mem>>)
    %add3A_22 = arith.constant 1280 : i32
    %add3A_23 = arith.addi %add3A_22, %add3A_10 : i32
    %dma_start3A_24 = arith.constant 1 : i32
    %dma_start3A_25 = arith.constant 0 : i32
    %dma_start3A_26 = tpu.memref_slice %arg4[%add3A_23, %dma_start3A_25] : memref<2560x128xi32, #tpu.memory_space<hbm>> -> memref<40x128xi32, #tpu.memory_space<hbm>>
    %dma_start3A_27 = tpu.memref_slice %arg12[%dma_start3A_24] : memref<2x!tpu.dma_semaphore, #tpu.memory_space<semaphore_mem>> -> memref<1x!tpu.dma_semaphore, #tpu.memory_space<semaphore_mem>>
    %dma_start3A_28 = tpu.memref_squeeze %dma_start3A_27 : memref<1x!tpu.dma_semaphore, #tpu.memory_space<semaphore_mem>> -> memref<!tpu.dma_semaphore, #tpu.memory_space<semaphore_mem>>
    %dma_start3A_29 = arith.constant 0 : i32
    %dma_start3A_30 = tpu.memref_slice %arg4[%add3A_23, %dma_start3A_29] : memref<2560x128xi32, #tpu.memory_space<hbm>> -> memref<40x128xi32, #tpu.memory_space<hbm>>
    tpu.enqueue_dma source(%dma_start3A_30 : memref<40x128xi32, #tpu.memory_space<hbm>>) target(%arg9 : memref<40x128xi32, #tpu.memory_space<vmem>>) target_semaphore(%dma_start3A_28 : memref<!tpu.dma_semaphore, #tpu.memory_space<semaphore_mem>>)
    %add3A_31 = arith.constant 0 : i32
    %add3A_32 = arith.addi %mul3A_2, %add3A_31 : i32
    "tpu.region"() ({
      %run_scoped3A_228 = tpu.sem_alloc : memref<!tpu.dma_semaphore, #tpu.memory_space<semaphore_mem>>
      %dma_start3A_229 = arith.constant 0 : i32
      %dma_start3A_230 = tpu.memref_slice %arg7[%add3A_32, %dma_start3A_229] : memref<10000x16xf32, #tpu.memory_space<vmem_shared>> -> memref<125x16xf32, #tpu.memory_space<vmem_shared>>
      %dma_start3A_231 = arith.constant 0 : i32
      %dma_start3A_232 = tpu.memref_slice %arg7[%add3A_32, %dma_start3A_231] : memref<10000x16xf32, #tpu.memory_space<vmem_shared>> -> memref<125x16xf32, #tpu.memory_space<vmem_shared>>
      tpu.enqueue_dma source(%arg11 : memref<125x16xf32, #tpu.memory_space<vmem>>) target(%dma_start3A_232 : memref<125x16xf32, #tpu.memory_space<vmem_shared>>) target_semaphore(%run_scoped3A_228 : memref<!tpu.dma_semaphore, #tpu.memory_space<semaphore_mem>>)
      %dma_wait3A_233 = arith.constant 0 : i32
      %dma_wait3A_234 = tpu.memref_slice %arg7[%add3A_32, %dma_wait3A_233] : memref<10000x16xf32, #tpu.memory_space<vmem_shared>> -> memref<125x16xf32, #tpu.memory_space<vmem_shared>>
      %dma_wait3A_235 = arith.constant 0 : i32
      %dma_wait3A_236 = tpu.memref_slice %arg7[%add3A_32, %dma_wait3A_235] : memref<10000x16xf32, #tpu.memory_space<vmem_shared>> -> memref<125x16xf32, #tpu.memory_space<vmem_shared>>
      tpu.wait_dma2 semaphore(%run_scoped3A_228 : memref<!tpu.dma_semaphore, #tpu.memory_space<semaphore_mem>>) src(%arg11 : memref<125x16xf32, #tpu.memory_space<vmem>>) dst(%dma_wait3A_236 : memref<125x16xf32, #tpu.memory_space<vmem_shared>>)
      tpu.yield
    }) : () -> ()
    %add3A_33 = arith.constant 125 : i32
    %add3A_34 = arith.addi %mul3A_2, %add3A_33 : i32
    "tpu.region"() ({
      %run_scoped3A_228 = tpu.sem_alloc : memref<!tpu.dma_semaphore, #tpu.memory_space<semaphore_mem>>
      %dma_start3A_229 = arith.constant 0 : i32
      %dma_start3A_230 = tpu.memref_slice %arg7[%add3A_34, %dma_start3A_229] : memref<10000x16xf32, #tpu.memory_space<vmem_shared>> -> memref<125x16xf32, #tpu.memory_space<vmem_shared>>
      %dma_start3A_231 = arith.constant 0 : i32
      %dma_start3A_232 = tpu.memref_slice %arg7[%add3A_34, %dma_start3A_231] : memref<10000x16xf32, #tpu.memory_space<vmem_shared>> -> memref<125x16xf32, #tpu.memory_space<vmem_shared>>
      tpu.enqueue_dma source(%arg11 : memref<125x16xf32, #tpu.memory_space<vmem>>) target(%dma_start3A_232 : memref<125x16xf32, #tpu.memory_space<vmem_shared>>) target_semaphore(%run_scoped3A_228 : memref<!tpu.dma_semaphore, #tpu.memory_space<semaphore_mem>>)
      %dma_wait3A_233 = arith.constant 0 : i32
      %dma_wait3A_234 = tpu.memref_slice %arg7[%add3A_34, %dma_wait3A_233] : memref<10000x16xf32, #tpu.memory_space<vmem_shared>> -> memref<125x16xf32, #tpu.memory_space<vmem_shared>>
      %dma_wait3A_235 = arith.constant 0 : i32
      %dma_wait3A_236 = tpu.memref_slice %arg7[%add3A_34, %dma_wait3A_235] : memref<10000x16xf32, #tpu.memory_space<vmem_shared>> -> memref<125x16xf32, #tpu.memory_space<vmem_shared>>
      tpu.wait_dma2 semaphore(%run_scoped3A_228 : memref<!tpu.dma_semaphore, #tpu.memory_space<semaphore_mem>>) src(%arg11 : memref<125x16xf32, #tpu.memory_space<vmem>>) dst(%dma_wait3A_236 : memref<125x16xf32, #tpu.memory_space<vmem_shared>>)
      tpu.yield
    }) : () -> ()
    %add3A_35 = arith.constant 250 : i32
    %add3A_36 = arith.addi %mul3A_2, %add3A_35 : i32
    "tpu.region"() ({
      %run_scoped3A_228 = tpu.sem_alloc : memref<!tpu.dma_semaphore, #tpu.memory_space<semaphore_mem>>
      %dma_start3A_229 = arith.constant 0 : i32
      %dma_start3A_230 = tpu.memref_slice %arg7[%add3A_36, %dma_start3A_229] : memref<10000x16xf32, #tpu.memory_space<vmem_shared>> -> memref<125x16xf32, #tpu.memory_space<vmem_shared>>
      %dma_start3A_231 = arith.constant 0 : i32
      %dma_start3A_232 = tpu.memref_slice %arg7[%add3A_36, %dma_start3A_231] : memref<10000x16xf32, #tpu.memory_space<vmem_shared>> -> memref<125x16xf32, #tpu.memory_space<vmem_shared>>
      tpu.enqueue_dma source(%arg11 : memref<125x16xf32, #tpu.memory_space<vmem>>) target(%dma_start3A_232 : memref<125x16xf32, #tpu.memory_space<vmem_shared>>) target_semaphore(%run_scoped3A_228 : memref<!tpu.dma_semaphore, #tpu.memory_space<semaphore_mem>>)
      %dma_wait3A_233 = arith.constant 0 : i32
      %dma_wait3A_234 = tpu.memref_slice %arg7[%add3A_36, %dma_wait3A_233] : memref<10000x16xf32, #tpu.memory_space<vmem_shared>> -> memref<125x16xf32, #tpu.memory_space<vmem_shared>>
      %dma_wait3A_235 = arith.constant 0 : i32
      %dma_wait3A_236 = tpu.memref_slice %arg7[%add3A_36, %dma_wait3A_235] : memref<10000x16xf32, #tpu.memory_space<vmem_shared>> -> memref<125x16xf32, #tpu.memory_space<vmem_shared>>
      tpu.wait_dma2 semaphore(%run_scoped3A_228 : memref<!tpu.dma_semaphore, #tpu.memory_space<semaphore_mem>>) src(%arg11 : memref<125x16xf32, #tpu.memory_space<vmem>>) dst(%dma_wait3A_236 : memref<125x16xf32, #tpu.memory_space<vmem_shared>>)
      tpu.yield
    }) : () -> ()
    %add3A_37 = arith.constant 375 : i32
    %add3A_38 = arith.addi %mul3A_2, %add3A_37 : i32
    "tpu.region"() ({
      %run_scoped3A_228 = tpu.sem_alloc : memref<!tpu.dma_semaphore, #tpu.memory_space<semaphore_mem>>
      %dma_start3A_229 = arith.constant 0 : i32
      %dma_start3A_230 = tpu.memref_slice %arg7[%add3A_38, %dma_start3A_229] : memref<10000x16xf32, #tpu.memory_space<vmem_shared>> -> memref<125x16xf32, #tpu.memory_space<vmem_shared>>
      %dma_start3A_231 = arith.constant 0 : i32
      %dma_start3A_232 = tpu.memref_slice %arg7[%add3A_38, %dma_start3A_231] : memref<10000x16xf32, #tpu.memory_space<vmem_shared>> -> memref<125x16xf32, #tpu.memory_space<vmem_shared>>
      tpu.enqueue_dma source(%arg11 : memref<125x16xf32, #tpu.memory_space<vmem>>) target(%dma_start3A_232 : memref<125x16xf32, #tpu.memory_space<vmem_shared>>) target_semaphore(%run_scoped3A_228 : memref<!tpu.dma_semaphore, #tpu.memory_space<semaphore_mem>>)
      %dma_wait3A_233 = arith.constant 0 : i32
      %dma_wait3A_234 = tpu.memref_slice %arg7[%add3A_38, %dma_wait3A_233] : memref<10000x16xf32, #tpu.memory_space<vmem_shared>> -> memref<125x16xf32, #tpu.memory_space<vmem_shared>>
      %dma_wait3A_235 = arith.constant 0 : i32
      %dma_wait3A_236 = tpu.memref_slice %arg7[%add3A_38, %dma_wait3A_235] : memref<10000x16xf32, #tpu.memory_space<vmem_shared>> -> memref<125x16xf32, #tpu.memory_space<vmem_shared>>
      tpu.wait_dma2 semaphore(%run_scoped3A_228 : memref<!tpu.dma_semaphore, #tpu.memory_space<semaphore_mem>>) src(%arg11 : memref<125x16xf32, #tpu.memory_space<vmem>>) dst(%dma_wait3A_236 : memref<125x16xf32, #tpu.memory_space<vmem_shared>>)
      tpu.yield
    }) : () -> ()
    %add3A_39 = arith.constant 500 : i32
    %add3A_40 = arith.addi %mul3A_2, %add3A_39 : i32
    "tpu.region"() ({
      %run_scoped3A_228 = tpu.sem_alloc : memref<!tpu.dma_semaphore, #tpu.memory_space<semaphore_mem>>
      %dma_start3A_229 = arith.constant 0 : i32
      %dma_start3A_230 = tpu.memref_slice %arg7[%add3A_40, %dma_start3A_229] : memref<10000x16xf32, #tpu.memory_space<vmem_shared>> -> memref<125x16xf32, #tpu.memory_space<vmem_shared>>
      %dma_start3A_231 = arith.constant 0 : i32
      %dma_start3A_232 = tpu.memref_slice %arg7[%add3A_40, %dma_start3A_231] : memref<10000x16xf32, #tpu.memory_space<vmem_shared>> -> memref<125x16xf32, #tpu.memory_space<vmem_shared>>
      tpu.enqueue_dma source(%arg11 : memref<125x16xf32, #tpu.memory_space<vmem>>) target(%dma_start3A_232 : memref<125x16xf32, #tpu.memory_space<vmem_shared>>) target_semaphore(%run_scoped3A_228 : memref<!tpu.dma_semaphore, #tpu.memory_space<semaphore_mem>>)
      %dma_wait3A_233 = arith.constant 0 : i32
      %dma_wait3A_234 = tpu.memref_slice %arg7[%add3A_40, %dma_wait3A_233] : memref<10000x16xf32, #tpu.memory_space<vmem_shared>> -> memref<125x16xf32, #tpu.memory_space<vmem_shared>>
      %dma_wait3A_235 = arith.constant 0 : i32
      %dma_wait3A_236 = tpu.memref_slice %arg7[%add3A_40, %dma_wait3A_235] : memref<10000x16xf32, #tpu.memory_space<vmem_shared>> -> memref<125x16xf32, #tpu.memory_space<vmem_shared>>
      tpu.wait_dma2 semaphore(%run_scoped3A_228 : memref<!tpu.dma_semaphore, #tpu.memory_space<semaphore_mem>>) src(%arg11 : memref<125x16xf32, #tpu.memory_space<vmem>>) dst(%dma_wait3A_236 : memref<125x16xf32, #tpu.memory_space<vmem_shared>>)
      tpu.yield
    }) : () -> ()
    %dma_wait3A = arith.constant 0 : i32
    %dma_wait3A_41 = arith.constant 0 : i32
    %dma_wait3A_42 = arith.constant 0 : i32
    %dma_wait3A_43 = tpu.memref_slice %arg4[%dma_wait3A_41, %dma_wait3A_42] : memref<2560x128xi32, #tpu.memory_space<hbm>> -> memref<40x128xi32, #tpu.memory_space<hbm>>
    %dma_wait3A_44 = tpu.memref_slice %arg12[%dma_wait3A] : memref<2x!tpu.dma_semaphore, #tpu.memory_space<semaphore_mem>> -> memref<1x!tpu.dma_semaphore, #tpu.memory_space<semaphore_mem>>
    %dma_wait3A_45 = tpu.memref_squeeze %dma_wait3A_44 : memref<1x!tpu.dma_semaphore, #tpu.memory_space<semaphore_mem>> -> memref<!tpu.dma_semaphore, #tpu.memory_space<semaphore_mem>>
    %dma_wait3A_46 = arith.constant 0 : i32
    %dma_wait3A_47 = arith.constant 0 : i32
    %dma_wait3A_48 = tpu.memref_slice %arg4[%dma_wait3A_46, %dma_wait3A_47] : memref<2560x128xi32, #tpu.memory_space<hbm>> -> memref<40x128xi32, #tpu.memory_space<hbm>>
    tpu.wait_dma2 semaphore(%dma_wait3A_45 : memref<!tpu.dma_semaphore, #tpu.memory_space<semaphore_mem>>) src(%dma_wait3A_48 : memref<40x128xi32, #tpu.memory_space<hbm>>) dst(%arg8 : memref<40x128xi32, #tpu.memory_space<vmem>>)
    %dma_wait3A_49 = arith.constant 1 : i32
    %dma_wait3A_50 = arith.constant 0 : i32
    %dma_wait3A_51 = arith.constant 0 : i32
    %dma_wait3A_52 = tpu.memref_slice %arg4[%dma_wait3A_50, %dma_wait3A_51] : memref<2560x128xi32, #tpu.memory_space<hbm>> -> memref<40x128xi32, #tpu.memory_space<hbm>>
    %dma_wait3A_53 = tpu.memref_slice %arg12[%dma_wait3A_49] : memref<2x!tpu.dma_semaphore, #tpu.memory_space<semaphore_mem>> -> memref<1x!tpu.dma_semaphore, #tpu.memory_space<semaphore_mem>>
    %dma_wait3A_54 = tpu.memref_squeeze %dma_wait3A_53 : memref<1x!tpu.dma_semaphore, #tpu.memory_space<semaphore_mem>> -> memref<!tpu.dma_semaphore, #tpu.memory_space<semaphore_mem>>
    %dma_wait3A_55 = arith.constant 0 : i32
    %dma_wait3A_56 = arith.constant 0 : i32
    %dma_wait3A_57 = tpu.memref_slice %arg4[%dma_wait3A_55, %dma_wait3A_56] : memref<2560x128xi32, #tpu.memory_space<hbm>> -> memref<40x128xi32, #tpu.memory_space<hbm>>
    tpu.wait_dma2 semaphore(%dma_wait3A_54 : memref<!tpu.dma_semaphore, #tpu.memory_space<semaphore_mem>>) src(%dma_wait3A_57 : memref<40x128xi32, #tpu.memory_space<hbm>>) dst(%arg9 : memref<40x128xi32, #tpu.memory_space<vmem>>)
    %barrier3A = arith.constant 0 : index
    tpu.barrier barrier_id(%barrier3A)
    %ge3A = arith.constant 1 : i32
    %ge3A_58 = arith.cmpi sge, %add3A_6, %ge3A : i32
    %convert_element_type3A = arith.extui %ge3A_58 : i1 to i32
    %cond3A = arith.constant 0 : i32
    %cond3A_59 = arith.cmpi ne, %convert_element_type3A, %cond3A : i32
    scf.if %cond3A_59 {
      %and3A = arith.constant 0 : i32
      %and3A_228 = arith.constant 3 : i32
      %and3A_229 = arith.andi %and3A, %and3A_228 : i32
      %dma_start3A_230 = arith.constant 0 : i32
      %dma_start3A_231 = arith.constant 0 : i32
      %dma_start3A_232 = arith.constant 0 : i32
      %dma_start3A_233 = tpu.memref_slice %arg10[%and3A_229, %dma_start3A_231, %dma_start3A_232] : memref<4x128x16xf32, #tpu.memory_space<vmem>> -> memref<1x128x16xf32, #tpu.memory_space<vmem>>
      %dma_start3A_234 = tpu.memref_squeeze %dma_start3A_233 : memref<1x128x16xf32, #tpu.memory_space<vmem>> -> memref<128x16xf32, #tpu.memory_space<vmem>>
      %dma_start3A_235 = arith.constant 0 : i32
      %dma_start3A_236 = tpu.memref_slice %arg8[%dma_start3A_230, %dma_start3A_235] : memref<40x128xi32, #tpu.memory_space<vmem>> -> memref<1x128xi32, #tpu.memory_space<vmem>>
      %dma_start3A_237 = tpu.memref_squeeze %dma_start3A_236 : memref<1x128xi32, #tpu.memory_space<vmem>> -> memref<128xi32, #tpu.memory_space<vmem>>
      %dma_start3A_238 = arith.constant 0 : i32
      %dma_start3A_239 = arith.constant 0 : i32
      %dma_start3A_240 = tpu.memref_slice %arg2[%dma_start3A_238, %dma_start3A_239] : memref<10000x16xf32, #tpu.memory_space<hbm>> -> memref<10000x16xf32, #tpu.memory_space<hbm>>
      %dma_start3A_241 = tpu.memref_slice %arg13[%and3A_229] : memref<4x!tpu.dma_semaphore, #tpu.memory_space<semaphore_mem>> -> memref<1x!tpu.dma_semaphore, #tpu.memory_space<semaphore_mem>>
      %dma_start3A_242 = tpu.memref_squeeze %dma_start3A_241 : memref<1x!tpu.dma_semaphore, #tpu.memory_space<semaphore_mem>> -> memref<!tpu.dma_semaphore, #tpu.memory_space<semaphore_mem>>
      tpu.enqueue_indirect_dma source(%dma_start3A_240 : memref<10000x16xf32, #tpu.memory_space<hbm>>) target(%dma_start3A_234 : memref<128x16xf32, #tpu.memory_space<vmem>>) offsets(%dma_start3A_237 : memref<128xi32, #tpu.memory_space<vmem>>) semaphore(%dma_start3A_242 : memref<!tpu.dma_semaphore, #tpu.memory_space<semaphore_mem>>)
    } else {
    }
    %ge3A_60 = arith.constant 2 : i32
    %ge3A_61 = arith.cmpi sge, %add3A_6, %ge3A_60 : i32
    %convert_element_type3A_62 = arith.extui %ge3A_61 : i1 to i32
    %cond3A_63 = arith.constant 0 : i32
    %cond3A_64 = arith.cmpi ne, %convert_element_type3A_62, %cond3A_63 : i32
    scf.if %cond3A_64 {
      %and3A = arith.constant 1 : i32
      %and3A_228 = arith.constant 3 : i32
      %and3A_229 = arith.andi %and3A, %and3A_228 : i32
      %dma_start3A_230 = arith.constant 1 : i32
      %dma_start3A_231 = arith.constant 0 : i32
      %dma_start3A_232 = arith.constant 0 : i32
      %dma_start3A_233 = tpu.memref_slice %arg10[%and3A_229, %dma_start3A_231, %dma_start3A_232] : memref<4x128x16xf32, #tpu.memory_space<vmem>> -> memref<1x128x16xf32, #tpu.memory_space<vmem>>
      %dma_start3A_234 = tpu.memref_squeeze %dma_start3A_233 : memref<1x128x16xf32, #tpu.memory_space<vmem>> -> memref<128x16xf32, #tpu.memory_space<vmem>>
      %dma_start3A_235 = arith.constant 0 : i32
      %dma_start3A_236 = tpu.memref_slice %arg8[%dma_start3A_230, %dma_start3A_235] : memref<40x128xi32, #tpu.memory_space<vmem>> -> memref<1x128xi32, #tpu.memory_space<vmem>>
      %dma_start3A_237 = tpu.memref_squeeze %dma_start3A_236 : memref<1x128xi32, #tpu.memory_space<vmem>> -> memref<128xi32, #tpu.memory_space<vmem>>
      %dma_start3A_238 = arith.constant 0 : i32
      %dma_start3A_239 = arith.constant 0 : i32
      %dma_start3A_240 = tpu.memref_slice %arg2[%dma_start3A_238, %dma_start3A_239] : memref<10000x16xf32, #tpu.memory_space<hbm>> -> memref<10000x16xf32, #tpu.memory_space<hbm>>
      %dma_start3A_241 = tpu.memref_slice %arg13[%and3A_229] : memref<4x!tpu.dma_semaphore, #tpu.memory_space<semaphore_mem>> -> memref<1x!tpu.dma_semaphore, #tpu.memory_space<semaphore_mem>>
      %dma_start3A_242 = tpu.memref_squeeze %dma_start3A_241 : memref<1x!tpu.dma_semaphore, #tpu.memory_space<semaphore_mem>> -> memref<!tpu.dma_semaphore, #tpu.memory_space<semaphore_mem>>
      tpu.enqueue_indirect_dma source(%dma_start3A_240 : memref<10000x16xf32, #tpu.memory_space<hbm>>) target(%dma_start3A_234 : memref<128x16xf32, #tpu.memory_space<vmem>>) offsets(%dma_start3A_237 : memref<128xi32, #tpu.memory_space<vmem>>) semaphore(%dma_start3A_242 : memref<!tpu.dma_semaphore, #tpu.memory_space<semaphore_mem>>)
    } else {
    }
    %ge3A_65 = arith.constant 1 : i32
    %ge3A_66 = arith.cmpi sge, %add3A_6, %ge3A_65 : i32
    %convert_element_type3A_67 = arith.extui %ge3A_66 : i1 to i32
    %cond3A_68 = arith.constant 0 : i32
    %cond3A_69 = arith.cmpi ne, %convert_element_type3A_67, %cond3A_68 : i32
    scf.if %cond3A_69 {
      %and3A = arith.constant 0 : i32
      %and3A_228 = arith.constant 3 : i32
      %and3A_229 = arith.andi %and3A, %and3A_228 : i32
      %dma_wait3A_230 = arith.constant 0 : i32
      %dma_wait3A_231 = arith.constant 0 : i32
      %dma_wait3A_232 = arith.constant 0 : i32
      %dma_wait3A_233 = tpu.memref_slice %arg10[%and3A_229, %dma_wait3A_231, %dma_wait3A_232] : memref<4x128x16xf32, #tpu.memory_space<vmem>> -> memref<1x128x16xf32, #tpu.memory_space<vmem>>
      %dma_wait3A_234 = tpu.memref_squeeze %dma_wait3A_233 : memref<1x128x16xf32, #tpu.memory_space<vmem>> -> memref<128x16xf32, #tpu.memory_space<vmem>>
      %dma_wait3A_235 = arith.constant 0 : i32
      %dma_wait3A_236 = tpu.memref_slice %arg8[%dma_wait3A_230, %dma_wait3A_235] : memref<40x128xi32, #tpu.memory_space<vmem>> -> memref<1x128xi32, #tpu.memory_space<vmem>>
      %dma_wait3A_237 = tpu.memref_squeeze %dma_wait3A_236 : memref<1x128xi32, #tpu.memory_space<vmem>> -> memref<128xi32, #tpu.memory_space<vmem>>
      %dma_wait3A_238 = arith.constant 0 : i32
      %dma_wait3A_239 = arith.constant 0 : i32
      %dma_wait3A_240 = tpu.memref_slice %arg2[%dma_wait3A_238, %dma_wait3A_239] : memref<10000x16xf32, #tpu.memory_space<hbm>> -> memref<10000x16xf32, #tpu.memory_space<hbm>>
      %dma_wait3A_241 = tpu.memref_slice %arg13[%and3A_229] : memref<4x!tpu.dma_semaphore, #tpu.memory_space<semaphore_mem>> -> memref<1x!tpu.dma_semaphore, #tpu.memory_space<semaphore_mem>>
      %dma_wait3A_242 = tpu.memref_squeeze %dma_wait3A_241 : memref<1x!tpu.dma_semaphore, #tpu.memory_space<semaphore_mem>> -> memref<!tpu.dma_semaphore, #tpu.memory_space<semaphore_mem>>
      tpu.wait_indirect_dma semaphore(%dma_wait3A_242 : memref<!tpu.dma_semaphore, #tpu.memory_space<semaphore_mem>>) src(%dma_wait3A_240 : memref<10000x16xf32, #tpu.memory_space<hbm>>) dst(%dma_wait3A_234 : memref<128x16xf32, #tpu.memory_space<vmem>>)
      %and3A_243 = arith.constant 0 : i32
      %and3A_244 = arith.constant 3 : i32
      %and3A_245 = arith.andi %and3A_243, %and3A_244 : i32
      %dma_start3A_246 = arith.constant 0 : i32
      %dma_start3A_247 = arith.constant 0 : i32
      %dma_start3A_248 = arith.constant 0 : i32
      %dma_start3A_249 = tpu.memref_slice %arg10[%and3A_245, %dma_start3A_247, %dma_start3A_248] : memref<4x128x16xf32, #tpu.memory_space<vmem>> -> memref<1x128x16xf32, #tpu.memory_space<vmem>>
      %dma_start3A_250 = tpu.memref_squeeze %dma_start3A_249 : memref<1x128x16xf32, #tpu.memory_space<vmem>> -> memref<128x16xf32, #tpu.memory_space<vmem>>
      %dma_start3A_251 = arith.constant 0 : i32
      %dma_start3A_252 = tpu.memref_slice %arg9[%dma_start3A_246, %dma_start3A_251] : memref<40x128xi32, #tpu.memory_space<vmem>> -> memref<1x128xi32, #tpu.memory_space<vmem>>
      %dma_start3A_253 = tpu.memref_squeeze %dma_start3A_252 : memref<1x128xi32, #tpu.memory_space<vmem>> -> memref<128xi32, #tpu.memory_space<vmem>>
      %dma_start3A_254 = arith.constant 0 : i32
      %dma_start3A_255 = arith.constant 0 : i32
      %dma_start3A_256 = tpu.memref_slice %arg7[%dma_start3A_254, %dma_start3A_255] : memref<10000x16xf32, #tpu.memory_space<vmem_shared>> -> memref<10000x16xf32, #tpu.memory_space<vmem_shared>>
      %dma_start3A_257 = tpu.memref_slice %arg14[%and3A_245] : memref<4x!tpu.dma_semaphore, #tpu.memory_space<semaphore_mem>> -> memref<1x!tpu.dma_semaphore, #tpu.memory_space<semaphore_mem>>
      %dma_start3A_258 = tpu.memref_squeeze %dma_start3A_257 : memref<1x!tpu.dma_semaphore, #tpu.memory_space<semaphore_mem>> -> memref<!tpu.dma_semaphore, #tpu.memory_space<semaphore_mem>>
      tpu.enqueue_indirect_dma source(%dma_start3A_250 : memref<128x16xf32, #tpu.memory_space<vmem>>) target(%dma_start3A_256 : memref<10000x16xf32, #tpu.memory_space<vmem_shared>>) offsets(%dma_start3A_253 : memref<128xi32, #tpu.memory_space<vmem>>) semaphore(%dma_start3A_258 : memref<!tpu.dma_semaphore, #tpu.memory_space<semaphore_mem>>) {add = true}
    } else {
    }
    %ge3A_70 = arith.constant 3 : i32
    %ge3A_71 = arith.cmpi sge, %add3A_6, %ge3A_70 : i32
    %convert_element_type3A_72 = arith.extui %ge3A_71 : i1 to i32
    %cond3A_73 = arith.constant 0 : i32
    %cond3A_74 = arith.cmpi ne, %convert_element_type3A_72, %cond3A_73 : i32
    scf.if %cond3A_74 {
      %and3A = arith.constant 2 : i32
      %and3A_228 = arith.constant 3 : i32
      %and3A_229 = arith.andi %and3A, %and3A_228 : i32
      %dma_start3A_230 = arith.constant 2 : i32
      %dma_start3A_231 = arith.constant 0 : i32
      %dma_start3A_232 = arith.constant 0 : i32
      %dma_start3A_233 = tpu.memref_slice %arg10[%and3A_229, %dma_start3A_231, %dma_start3A_232] : memref<4x128x16xf32, #tpu.memory_space<vmem>> -> memref<1x128x16xf32, #tpu.memory_space<vmem>>
      %dma_start3A_234 = tpu.memref_squeeze %dma_start3A_233 : memref<1x128x16xf32, #tpu.memory_space<vmem>> -> memref<128x16xf32, #tpu.memory_space<vmem>>
      %dma_start3A_235 = arith.constant 0 : i32
      %dma_start3A_236 = tpu.memref_slice %arg8[%dma_start3A_230, %dma_start3A_235] : memref<40x128xi32, #tpu.memory_space<vmem>> -> memref<1x128xi32, #tpu.memory_space<vmem>>
      %dma_start3A_237 = tpu.memref_squeeze %dma_start3A_236 : memref<1x128xi32, #tpu.memory_space<vmem>> -> memref<128xi32, #tpu.memory_space<vmem>>
      %dma_start3A_238 = arith.constant 0 : i32
      %dma_start3A_239 = arith.constant 0 : i32
      %dma_start3A_240 = tpu.memref_slice %arg2[%dma_start3A_238, %dma_start3A_239] : memref<10000x16xf32, #tpu.memory_space<hbm>> -> memref<10000x16xf32, #tpu.memory_space<hbm>>
      %dma_start3A_241 = tpu.memref_slice %arg13[%and3A_229] : memref<4x!tpu.dma_semaphore, #tpu.memory_space<semaphore_mem>> -> memref<1x!tpu.dma_semaphore, #tpu.memory_space<semaphore_mem>>
      %dma_start3A_242 = tpu.memref_squeeze %dma_start3A_241 : memref<1x!tpu.dma_semaphore, #tpu.memory_space<semaphore_mem>> -> memref<!tpu.dma_semaphore, #tpu.memory_space<semaphore_mem>>
      tpu.enqueue_indirect_dma source(%dma_start3A_240 : memref<10000x16xf32, #tpu.memory_space<hbm>>) target(%dma_start3A_234 : memref<128x16xf32, #tpu.memory_space<vmem>>) offsets(%dma_start3A_237 : memref<128xi32, #tpu.memory_space<vmem>>) semaphore(%dma_start3A_242 : memref<!tpu.dma_semaphore, #tpu.memory_space<semaphore_mem>>)
    } else {
    }
    %ge3A_75 = arith.constant 2 : i32
    %ge3A_76 = arith.cmpi sge, %add3A_6, %ge3A_75 : i32
    %convert_element_type3A_77 = arith.extui %ge3A_76 : i1 to i32
    %cond3A_78 = arith.constant 0 : i32
    %cond3A_79 = arith.cmpi ne, %convert_element_type3A_77, %cond3A_78 : i32
    scf.if %cond3A_79 {
      %and3A = arith.constant 1 : i32
      %and3A_228 = arith.constant 3 : i32
      %and3A_229 = arith.andi %and3A, %and3A_228 : i32
      %dma_wait3A_230 = arith.constant 1 : i32
      %dma_wait3A_231 = arith.constant 0 : i32
      %dma_wait3A_232 = arith.constant 0 : i32
      %dma_wait3A_233 = tpu.memref_slice %arg10[%and3A_229, %dma_wait3A_231, %dma_wait3A_232] : memref<4x128x16xf32, #tpu.memory_space<vmem>> -> memref<1x128x16xf32, #tpu.memory_space<vmem>>
      %dma_wait3A_234 = tpu.memref_squeeze %dma_wait3A_233 : memref<1x128x16xf32, #tpu.memory_space<vmem>> -> memref<128x16xf32, #tpu.memory_space<vmem>>
      %dma_wait3A_235 = arith.constant 0 : i32
      %dma_wait3A_236 = tpu.memref_slice %arg8[%dma_wait3A_230, %dma_wait3A_235] : memref<40x128xi32, #tpu.memory_space<vmem>> -> memref<1x128xi32, #tpu.memory_space<vmem>>
      %dma_wait3A_237 = tpu.memref_squeeze %dma_wait3A_236 : memref<1x128xi32, #tpu.memory_space<vmem>> -> memref<128xi32, #tpu.memory_space<vmem>>
      %dma_wait3A_238 = arith.constant 0 : i32
      %dma_wait3A_239 = arith.constant 0 : i32
      %dma_wait3A_240 = tpu.memref_slice %arg2[%dma_wait3A_238, %dma_wait3A_239] : memref<10000x16xf32, #tpu.memory_space<hbm>> -> memref<10000x16xf32, #tpu.memory_space<hbm>>
      %dma_wait3A_241 = tpu.memref_slice %arg13[%and3A_229] : memref<4x!tpu.dma_semaphore, #tpu.memory_space<semaphore_mem>> -> memref<1x!tpu.dma_semaphore, #tpu.memory_space<semaphore_mem>>
      %dma_wait3A_242 = tpu.memref_squeeze %dma_wait3A_241 : memref<1x!tpu.dma_semaphore, #tpu.memory_space<semaphore_mem>> -> memref<!tpu.dma_semaphore, #tpu.memory_space<semaphore_mem>>
      tpu.wait_indirect_dma semaphore(%dma_wait3A_242 : memref<!tpu.dma_semaphore, #tpu.memory_space<semaphore_mem>>) src(%dma_wait3A_240 : memref<10000x16xf32, #tpu.memory_space<hbm>>) dst(%dma_wait3A_234 : memref<128x16xf32, #tpu.memory_space<vmem>>)
      %and3A_243 = arith.constant 1 : i32
      %and3A_244 = arith.constant 3 : i32
      %and3A_245 = arith.andi %and3A_243, %and3A_244 : i32
      %dma_start3A_246 = arith.constant 1 : i32
      %dma_start3A_247 = arith.constant 0 : i32
      %dma_start3A_248 = arith.constant 0 : i32
      %dma_start3A_249 = tpu.memref_slice %arg10[%and3A_245, %dma_start3A_247, %dma_start3A_248] : memref<4x128x16xf32, #tpu.memory_space<vmem>> -> memref<1x128x16xf32, #tpu.memory_space<vmem>>
      %dma_start3A_250 = tpu.memref_squeeze %dma_start3A_249 : memref<1x128x16xf32, #tpu.memory_space<vmem>> -> memref<128x16xf32, #tpu.memory_space<vmem>>
      %dma_start3A_251 = arith.constant 0 : i32
      %dma_start3A_252 = tpu.memref_slice %arg9[%dma_start3A_246, %dma_start3A_251] : memref<40x128xi32, #tpu.memory_space<vmem>> -> memref<1x128xi32, #tpu.memory_space<vmem>>
      %dma_start3A_253 = tpu.memref_squeeze %dma_start3A_252 : memref<1x128xi32, #tpu.memory_space<vmem>> -> memref<128xi32, #tpu.memory_space<vmem>>
      %dma_start3A_254 = arith.constant 0 : i32
      %dma_start3A_255 = arith.constant 0 : i32
      %dma_start3A_256 = tpu.memref_slice %arg7[%dma_start3A_254, %dma_start3A_255] : memref<10000x16xf32, #tpu.memory_space<vmem_shared>> -> memref<10000x16xf32, #tpu.memory_space<vmem_shared>>
      %dma_start3A_257 = tpu.memref_slice %arg14[%and3A_245] : memref<4x!tpu.dma_semaphore, #tpu.memory_space<semaphore_mem>> -> memref<1x!tpu.dma_semaphore, #tpu.memory_space<semaphore_mem>>
      %dma_start3A_258 = tpu.memref_squeeze %dma_start3A_257 : memref<1x!tpu.dma_semaphore, #tpu.memory_space<semaphore_mem>> -> memref<!tpu.dma_semaphore, #tpu.memory_space<semaphore_mem>>
      tpu.enqueue_indirect_dma source(%dma_start3A_250 : memref<128x16xf32, #tpu.memory_space<vmem>>) target(%dma_start3A_256 : memref<10000x16xf32, #tpu.memory_space<vmem_shared>>) offsets(%dma_start3A_253 : memref<128xi32, #tpu.memory_space<vmem>>) semaphore(%dma_start3A_258 : memref<!tpu.dma_semaphore, #tpu.memory_space<semaphore_mem>>) {add = true}
    } else {
    }
    %ge3A_80 = arith.constant 4 : i32
    %ge3A_81 = arith.cmpi sge, %add3A_6, %ge3A_80 : i32
    %convert_element_type3A_82 = arith.extui %ge3A_81 : i1 to i32
    %cond3A_83 = arith.constant 0 : i32
    %cond3A_84 = arith.cmpi ne, %convert_element_type3A_82, %cond3A_83 : i32
    scf.if %cond3A_84 {
      %and3A = arith.constant 3 : i32
      %and3A_228 = arith.constant 3 : i32
      %and3A_229 = arith.andi %and3A, %and3A_228 : i32
      %dma_start3A_230 = arith.constant 3 : i32
      %dma_start3A_231 = arith.constant 0 : i32
      %dma_start3A_232 = arith.constant 0 : i32
      %dma_start3A_233 = tpu.memref_slice %arg10[%and3A_229, %dma_start3A_231, %dma_start3A_232] : memref<4x128x16xf32, #tpu.memory_space<vmem>> -> memref<1x128x16xf32, #tpu.memory_space<vmem>>
      %dma_start3A_234 = tpu.memref_squeeze %dma_start3A_233 : memref<1x128x16xf32, #tpu.memory_space<vmem>> -> memref<128x16xf32, #tpu.memory_space<vmem>>
      %dma_start3A_235 = arith.constant 0 : i32
      %dma_start3A_236 = tpu.memref_slice %arg8[%dma_start3A_230, %dma_start3A_235] : memref<40x128xi32, #tpu.memory_space<vmem>> -> memref<1x128xi32, #tpu.memory_space<vmem>>
      %dma_start3A_237 = tpu.memref_squeeze %dma_start3A_236 : memref<1x128xi32, #tpu.memory_space<vmem>> -> memref<128xi32, #tpu.memory_space<vmem>>
      %dma_start3A_238 = arith.constant 0 : i32
      %dma_start3A_239 = arith.constant 0 : i32
      %dma_start3A_240 = tpu.memref_slice %arg2[%dma_start3A_238, %dma_start3A_239] : memref<10000x16xf32, #tpu.memory_space<hbm>> -> memref<10000x16xf32, #tpu.memory_space<hbm>>
      %dma_start3A_241 = tpu.memref_slice %arg13[%and3A_229] : memref<4x!tpu.dma_semaphore, #tpu.memory_space<semaphore_mem>> -> memref<1x!tpu.dma_semaphore, #tpu.memory_space<semaphore_mem>>
      %dma_start3A_242 = tpu.memref_squeeze %dma_start3A_241 : memref<1x!tpu.dma_semaphore, #tpu.memory_space<semaphore_mem>> -> memref<!tpu.dma_semaphore, #tpu.memory_space<semaphore_mem>>
      tpu.enqueue_indirect_dma source(%dma_start3A_240 : memref<10000x16xf32, #tpu.memory_space<hbm>>) target(%dma_start3A_234 : memref<128x16xf32, #tpu.memory_space<vmem>>) offsets(%dma_start3A_237 : memref<128xi32, #tpu.memory_space<vmem>>) semaphore(%dma_start3A_242 : memref<!tpu.dma_semaphore, #tpu.memory_space<semaphore_mem>>)
    } else {
    }
    %sub3A = arith.constant 2 : i32
    %sub3A_85 = arith.subi %add3A_6, %sub3A : i32
    %max3A = arith.constant 2 : i32
    %max3A_86 = arith.maxsi %sub3A_85, %max3A : i32
    %while3A = arith.constant 0 : i32
    %while3A_87 = arith.constant 2 : i32
    %while3A_88 = arith.subi %max3A_86, %while3A_87 : i32
    %while3A_89 = arith.addi %while3A_87, %while3A_88 : i32
    %while3A_90 = arith.constant 1 : i32
    %while3A_91 = arith.divsi %while3A_88, %while3A_90 : i32
    %while3A_92 = arith.muli %while3A_91, %while3A_90 : i32
    %while3A_93 = arith.addi %while3A_87, %while3A_92 : i32
    %while3A_94 = arith.constant 1 : i32
    scf.for %while3A_228 = %while3A_87 to %while3A_93 step %while3A_94  : i32 {
      %and3A = arith.constant 3 : i32
      %and3A_229 = arith.andi %while3A_228, %and3A : i32
      %dma_wait3A_230 = arith.constant 0 : i32
      %dma_wait3A_231 = arith.constant 0 : i32
      %dma_wait3A_232 = tpu.memref_slice %arg10[%and3A_229, %dma_wait3A_230, %dma_wait3A_231] : memref<4x128x16xf32, #tpu.memory_space<vmem>> -> memref<1x128x16xf32, #tpu.memory_space<vmem>>
      %dma_wait3A_233 = tpu.memref_squeeze %dma_wait3A_232 : memref<1x128x16xf32, #tpu.memory_space<vmem>> -> memref<128x16xf32, #tpu.memory_space<vmem>>
      %dma_wait3A_234 = arith.constant 0 : i32
      %dma_wait3A_235 = tpu.memref_slice %arg8[%while3A_228, %dma_wait3A_234] : memref<40x128xi32, #tpu.memory_space<vmem>> -> memref<1x128xi32, #tpu.memory_space<vmem>>
      %dma_wait3A_236 = tpu.memref_squeeze %dma_wait3A_235 : memref<1x128xi32, #tpu.memory_space<vmem>> -> memref<128xi32, #tpu.memory_space<vmem>>
      %dma_wait3A_237 = arith.constant 0 : i32
      %dma_wait3A_238 = arith.constant 0 : i32
      %dma_wait3A_239 = tpu.memref_slice %arg2[%dma_wait3A_237, %dma_wait3A_238] : memref<10000x16xf32, #tpu.memory_space<hbm>> -> memref<10000x16xf32, #tpu.memory_space<hbm>>
      %dma_wait3A_240 = tpu.memref_slice %arg13[%and3A_229] : memref<4x!tpu.dma_semaphore, #tpu.memory_space<semaphore_mem>> -> memref<1x!tpu.dma_semaphore, #tpu.memory_space<semaphore_mem>>
      %dma_wait3A_241 = tpu.memref_squeeze %dma_wait3A_240 : memref<1x!tpu.dma_semaphore, #tpu.memory_space<semaphore_mem>> -> memref<!tpu.dma_semaphore, #tpu.memory_space<semaphore_mem>>
      tpu.wait_indirect_dma semaphore(%dma_wait3A_241 : memref<!tpu.dma_semaphore, #tpu.memory_space<semaphore_mem>>) src(%dma_wait3A_239 : memref<10000x16xf32, #tpu.memory_space<hbm>>) dst(%dma_wait3A_233 : memref<128x16xf32, #tpu.memory_space<vmem>>)
      %and3A_242 = arith.constant 3 : i32
      %and3A_243 = arith.andi %while3A_228, %and3A_242 : i32
      %dma_start3A_244 = arith.constant 0 : i32
      %dma_start3A_245 = arith.constant 0 : i32
      %dma_start3A_246 = tpu.memref_slice %arg10[%and3A_243, %dma_start3A_244, %dma_start3A_245] : memref<4x128x16xf32, #tpu.memory_space<vmem>> -> memref<1x128x16xf32, #tpu.memory_space<vmem>>
      %dma_start3A_247 = tpu.memref_squeeze %dma_start3A_246 : memref<1x128x16xf32, #tpu.memory_space<vmem>> -> memref<128x16xf32, #tpu.memory_space<vmem>>
      %dma_start3A_248 = arith.constant 0 : i32
      %dma_start3A_249 = tpu.memref_slice %arg9[%while3A_228, %dma_start3A_248] : memref<40x128xi32, #tpu.memory_space<vmem>> -> memref<1x128xi32, #tpu.memory_space<vmem>>
      %dma_start3A_250 = tpu.memref_squeeze %dma_start3A_249 : memref<1x128xi32, #tpu.memory_space<vmem>> -> memref<128xi32, #tpu.memory_space<vmem>>
      %dma_start3A_251 = arith.constant 0 : i32
      %dma_start3A_252 = arith.constant 0 : i32
      %dma_start3A_253 = tpu.memref_slice %arg7[%dma_start3A_251, %dma_start3A_252] : memref<10000x16xf32, #tpu.memory_space<vmem_shared>> -> memref<10000x16xf32, #tpu.memory_space<vmem_shared>>
      %dma_start3A_254 = tpu.memref_slice %arg14[%and3A_243] : memref<4x!tpu.dma_semaphore, #tpu.memory_space<semaphore_mem>> -> memref<1x!tpu.dma_semaphore, #tpu.memory_space<semaphore_mem>>
      %dma_start3A_255 = tpu.memref_squeeze %dma_start3A_254 : memref<1x!tpu.dma_semaphore, #tpu.memory_space<semaphore_mem>> -> memref<!tpu.dma_semaphore, #tpu.memory_space<semaphore_mem>>
      tpu.enqueue_indirect_dma source(%dma_start3A_247 : memref<128x16xf32, #tpu.memory_space<vmem>>) target(%dma_start3A_253 : memref<10000x16xf32, #tpu.memory_space<vmem_shared>>) offsets(%dma_start3A_250 : memref<128xi32, #tpu.memory_space<vmem>>) semaphore(%dma_start3A_255 : memref<!tpu.dma_semaphore, #tpu.memory_space<semaphore_mem>>) {add = true}
      %sub3A_256 = arith.constant 2 : i32
      %sub3A_257 = arith.subi %while3A_228, %sub3A_256 : i32
      %and3A_258 = arith.constant 3 : i32
      %and3A_259 = arith.andi %sub3A_257, %and3A_258 : i32
      %dma_wait3A_260 = arith.constant 0 : i32
      %dma_wait3A_261 = arith.constant 0 : i32
      %dma_wait3A_262 = tpu.memref_slice %arg10[%and3A_259, %dma_wait3A_260, %dma_wait3A_261] : memref<4x128x16xf32, #tpu.memory_space<vmem>> -> memref<1x128x16xf32, #tpu.memory_space<vmem>>
      %dma_wait3A_263 = tpu.memref_squeeze %dma_wait3A_262 : memref<1x128x16xf32, #tpu.memory_space<vmem>> -> memref<128x16xf32, #tpu.memory_space<vmem>>
      %dma_wait3A_264 = arith.constant 0 : i32
      %dma_wait3A_265 = tpu.memref_slice %arg9[%sub3A_257, %dma_wait3A_264] : memref<40x128xi32, #tpu.memory_space<vmem>> -> memref<1x128xi32, #tpu.memory_space<vmem>>
      %dma_wait3A_266 = tpu.memref_squeeze %dma_wait3A_265 : memref<1x128xi32, #tpu.memory_space<vmem>> -> memref<128xi32, #tpu.memory_space<vmem>>
      %dma_wait3A_267 = arith.constant 0 : i32
      %dma_wait3A_268 = arith.constant 0 : i32
      %dma_wait3A_269 = tpu.memref_slice %arg7[%dma_wait3A_267, %dma_wait3A_268] : memref<10000x16xf32, #tpu.memory_space<vmem_shared>> -> memref<10000x16xf32, #tpu.memory_space<vmem_shared>>
      %dma_wait3A_270 = tpu.memref_slice %arg14[%and3A_259] : memref<4x!tpu.dma_semaphore, #tpu.memory_space<semaphore_mem>> -> memref<1x!tpu.dma_semaphore, #tpu.memory_space<semaphore_mem>>
      %dma_wait3A_271 = tpu.memref_squeeze %dma_wait3A_270 : memref<1x!tpu.dma_semaphore, #tpu.memory_space<semaphore_mem>> -> memref<!tpu.dma_semaphore, #tpu.memory_space<semaphore_mem>>
      tpu.wait_indirect_dma semaphore(%dma_wait3A_271 : memref<!tpu.dma_semaphore, #tpu.memory_space<semaphore_mem>>) src(%dma_wait3A_263 : memref<128x16xf32, #tpu.memory_space<vmem>>) dst(%dma_wait3A_269 : memref<10000x16xf32, #tpu.memory_space<vmem_shared>>)
      %add3A_272 = arith.constant 2 : i32
      %add3A_273 = arith.addi %while3A_228, %add3A_272 : i32
      %and3A_274 = arith.constant 3 : i32
      %and3A_275 = arith.andi %add3A_273, %and3A_274 : i32
      %dma_start3A_276 = arith.constant 0 : i32
      %dma_start3A_277 = arith.constant 0 : i32
      %dma_start3A_278 = tpu.memref_slice %arg10[%and3A_275, %dma_start3A_276, %dma_start3A_277] : memref<4x128x16xf32, #tpu.memory_space<vmem>> -> memref<1x128x16xf32, #tpu.memory_space<vmem>>
      %dma_start3A_279 = tpu.memref_squeeze %dma_start3A_278 : memref<1x128x16xf32, #tpu.memory_space<vmem>> -> memref<128x16xf32, #tpu.memory_space<vmem>>
      %dma_start3A_280 = arith.constant 0 : i32
      %dma_start3A_281 = tpu.memref_slice %arg8[%add3A_273, %dma_start3A_280] : memref<40x128xi32, #tpu.memory_space<vmem>> -> memref<1x128xi32, #tpu.memory_space<vmem>>
      %dma_start3A_282 = tpu.memref_squeeze %dma_start3A_281 : memref<1x128xi32, #tpu.memory_space<vmem>> -> memref<128xi32, #tpu.memory_space<vmem>>
      %dma_start3A_283 = arith.constant 0 : i32
      %dma_start3A_284 = arith.constant 0 : i32
      %dma_start3A_285 = tpu.memref_slice %arg2[%dma_start3A_283, %dma_start3A_284] : memref<10000x16xf32, #tpu.memory_space<hbm>> -> memref<10000x16xf32, #tpu.memory_space<hbm>>
      %dma_start3A_286 = tpu.memref_slice %arg13[%and3A_275] : memref<4x!tpu.dma_semaphore, #tpu.memory_space<semaphore_mem>> -> memref<1x!tpu.dma_semaphore, #tpu.memory_space<semaphore_mem>>
      %dma_start3A_287 = tpu.memref_squeeze %dma_start3A_286 : memref<1x!tpu.dma_semaphore, #tpu.memory_space<semaphore_mem>> -> memref<!tpu.dma_semaphore, #tpu.memory_space<semaphore_mem>>
      tpu.enqueue_indirect_dma source(%dma_start3A_285 : memref<10000x16xf32, #tpu.memory_space<hbm>>) target(%dma_start3A_279 : memref<128x16xf32, #tpu.memory_space<vmem>>) offsets(%dma_start3A_282 : memref<128xi32, #tpu.memory_space<vmem>>) semaphore(%dma_start3A_287 : memref<!tpu.dma_semaphore, #tpu.memory_space<semaphore_mem>>)
    }
    %while3A_95 = arith.constant 1 : i32
    scf.for %while3A_228 = %while3A_93 to %while3A_89 step %while3A_95  : i32 {
      %and3A = arith.constant 3 : i32
      %and3A_229 = arith.andi %while3A_228, %and3A : i32
      %dma_wait3A_230 = arith.constant 0 : i32
      %dma_wait3A_231 = arith.constant 0 : i32
      %dma_wait3A_232 = tpu.memref_slice %arg10[%and3A_229, %dma_wait3A_230, %dma_wait3A_231] : memref<4x128x16xf32, #tpu.memory_space<vmem>> -> memref<1x128x16xf32, #tpu.memory_space<vmem>>
      %dma_wait3A_233 = tpu.memref_squeeze %dma_wait3A_232 : memref<1x128x16xf32, #tpu.memory_space<vmem>> -> memref<128x16xf32, #tpu.memory_space<vmem>>
      %dma_wait3A_234 = arith.constant 0 : i32
      %dma_wait3A_235 = tpu.memref_slice %arg8[%while3A_228, %dma_wait3A_234] : memref<40x128xi32, #tpu.memory_space<vmem>> -> memref<1x128xi32, #tpu.memory_space<vmem>>
      %dma_wait3A_236 = tpu.memref_squeeze %dma_wait3A_235 : memref<1x128xi32, #tpu.memory_space<vmem>> -> memref<128xi32, #tpu.memory_space<vmem>>
      %dma_wait3A_237 = arith.constant 0 : i32
      %dma_wait3A_238 = arith.constant 0 : i32
      %dma_wait3A_239 = tpu.memref_slice %arg2[%dma_wait3A_237, %dma_wait3A_238] : memref<10000x16xf32, #tpu.memory_space<hbm>> -> memref<10000x16xf32, #tpu.memory_space<hbm>>
      %dma_wait3A_240 = tpu.memref_slice %arg13[%and3A_229] : memref<4x!tpu.dma_semaphore, #tpu.memory_space<semaphore_mem>> -> memref<1x!tpu.dma_semaphore, #tpu.memory_space<semaphore_mem>>
      %dma_wait3A_241 = tpu.memref_squeeze %dma_wait3A_240 : memref<1x!tpu.dma_semaphore, #tpu.memory_space<semaphore_mem>> -> memref<!tpu.dma_semaphore, #tpu.memory_space<semaphore_mem>>
      tpu.wait_indirect_dma semaphore(%dma_wait3A_241 : memref<!tpu.dma_semaphore, #tpu.memory_space<semaphore_mem>>) src(%dma_wait3A_239 : memref<10000x16xf32, #tpu.memory_space<hbm>>) dst(%dma_wait3A_233 : memref<128x16xf32, #tpu.memory_space<vmem>>)
      %and3A_242 = arith.constant 3 : i32
      %and3A_243 = arith.andi %while3A_228, %and3A_242 : i32
      %dma_start3A_244 = arith.constant 0 : i32
      %dma_start3A_245 = arith.constant 0 : i32
      %dma_start3A_246 = tpu.memref_slice %arg10[%and3A_243, %dma_start3A_244, %dma_start3A_245] : memref<4x128x16xf32, #tpu.memory_space<vmem>> -> memref<1x128x16xf32, #tpu.memory_space<vmem>>
      %dma_start3A_247 = tpu.memref_squeeze %dma_start3A_246 : memref<1x128x16xf32, #tpu.memory_space<vmem>> -> memref<128x16xf32, #tpu.memory_space<vmem>>
      %dma_start3A_248 = arith.constant 0 : i32
      %dma_start3A_249 = tpu.memref_slice %arg9[%while3A_228, %dma_start3A_248] : memref<40x128xi32, #tpu.memory_space<vmem>> -> memref<1x128xi32, #tpu.memory_space<vmem>>
      %dma_start3A_250 = tpu.memref_squeeze %dma_start3A_249 : memref<1x128xi32, #tpu.memory_space<vmem>> -> memref<128xi32, #tpu.memory_space<vmem>>
      %dma_start3A_251 = arith.constant 0 : i32
      %dma_start3A_252 = arith.constant 0 : i32
      %dma_start3A_253 = tpu.memref_slice %arg7[%dma_start3A_251, %dma_start3A_252] : memref<10000x16xf32, #tpu.memory_space<vmem_shared>> -> memref<10000x16xf32, #tpu.memory_space<vmem_shared>>
      %dma_start3A_254 = tpu.memref_slice %arg14[%and3A_243] : memref<4x!tpu.dma_semaphore, #tpu.memory_space<semaphore_mem>> -> memref<1x!tpu.dma_semaphore, #tpu.memory_space<semaphore_mem>>
      %dma_start3A_255 = tpu.memref_squeeze %dma_start3A_254 : memref<1x!tpu.dma_semaphore, #tpu.memory_space<semaphore_mem>> -> memref<!tpu.dma_semaphore, #tpu.memory_space<semaphore_mem>>
      tpu.enqueue_indirect_dma source(%dma_start3A_247 : memref<128x16xf32, #tpu.memory_space<vmem>>) target(%dma_start3A_253 : memref<10000x16xf32, #tpu.memory_space<vmem_shared>>) offsets(%dma_start3A_250 : memref<128xi32, #tpu.memory_space<vmem>>) semaphore(%dma_start3A_255 : memref<!tpu.dma_semaphore, #tpu.memory_space<semaphore_mem>>) {add = true}
      %sub3A_256 = arith.constant 2 : i32
      %sub3A_257 = arith.subi %while3A_228, %sub3A_256 : i32
      %and3A_258 = arith.constant 3 : i32
      %and3A_259 = arith.andi %sub3A_257, %and3A_258 : i32
      %dma_wait3A_260 = arith.constant 0 : i32
      %dma_wait3A_261 = arith.constant 0 : i32
      %dma_wait3A_262 = tpu.memref_slice %arg10[%and3A_259, %dma_wait3A_260, %dma_wait3A_261] : memref<4x128x16xf32, #tpu.memory_space<vmem>> -> memref<1x128x16xf32, #tpu.memory_space<vmem>>
      %dma_wait3A_263 = tpu.memref_squeeze %dma_wait3A_262 : memref<1x128x16xf32, #tpu.memory_space<vmem>> -> memref<128x16xf32, #tpu.memory_space<vmem>>
      %dma_wait3A_264 = arith.constant 0 : i32
      %dma_wait3A_265 = tpu.memref_slice %arg9[%sub3A_257, %dma_wait3A_264] : memref<40x128xi32, #tpu.memory_space<vmem>> -> memref<1x128xi32, #tpu.memory_space<vmem>>
      %dma_wait3A_266 = tpu.memref_squeeze %dma_wait3A_265 : memref<1x128xi32, #tpu.memory_space<vmem>> -> memref<128xi32, #tpu.memory_space<vmem>>
      %dma_wait3A_267 = arith.constant 0 : i32
      %dma_wait3A_268 = arith.constant 0 : i32
      %dma_wait3A_269 = tpu.memref_slice %arg7[%dma_wait3A_267, %dma_wait3A_268] : memref<10000x16xf32, #tpu.memory_space<vmem_shared>> -> memref<10000x16xf32, #tpu.memory_space<vmem_shared>>
      %dma_wait3A_270 = tpu.memref_slice %arg14[%and3A_259] : memref<4x!tpu.dma_semaphore, #tpu.memory_space<semaphore_mem>> -> memref<1x!tpu.dma_semaphore, #tpu.memory_space<semaphore_mem>>
      %dma_wait3A_271 = tpu.memref_squeeze %dma_wait3A_270 : memref<1x!tpu.dma_semaphore, #tpu.memory_space<semaphore_mem>> -> memref<!tpu.dma_semaphore, #tpu.memory_space<semaphore_mem>>
      tpu.wait_indirect_dma semaphore(%dma_wait3A_271 : memref<!tpu.dma_semaphore, #tpu.memory_space<semaphore_mem>>) src(%dma_wait3A_263 : memref<128x16xf32, #tpu.memory_space<vmem>>) dst(%dma_wait3A_269 : memref<10000x16xf32, #tpu.memory_space<vmem_shared>>)
      %add3A_272 = arith.constant 2 : i32
      %add3A_273 = arith.addi %while3A_228, %add3A_272 : i32
      %and3A_274 = arith.constant 3 : i32
      %and3A_275 = arith.andi %add3A_273, %and3A_274 : i32
      %dma_start3A_276 = arith.constant 0 : i32
      %dma_start3A_277 = arith.constant 0 : i32
      %dma_start3A_278 = tpu.memref_slice %arg10[%and3A_275, %dma_start3A_276, %dma_start3A_277] : memref<4x128x16xf32, #tpu.memory_space<vmem>> -> memref<1x128x16xf32, #tpu.memory_space<vmem>>
      %dma_start3A_279 = tpu.memref_squeeze %dma_start3A_278 : memref<1x128x16xf32, #tpu.memory_space<vmem>> -> memref<128x16xf32, #tpu.memory_space<vmem>>
      %dma_start3A_280 = arith.constant 0 : i32
      %dma_start3A_281 = tpu.memref_slice %arg8[%add3A_273, %dma_start3A_280] : memref<40x128xi32, #tpu.memory_space<vmem>> -> memref<1x128xi32, #tpu.memory_space<vmem>>
      %dma_start3A_282 = tpu.memref_squeeze %dma_start3A_281 : memref<1x128xi32, #tpu.memory_space<vmem>> -> memref<128xi32, #tpu.memory_space<vmem>>
      %dma_start3A_283 = arith.constant 0 : i32
      %dma_start3A_284 = arith.constant 0 : i32
      %dma_start3A_285 = tpu.memref_slice %arg2[%dma_start3A_283, %dma_start3A_284] : memref<10000x16xf32, #tpu.memory_space<hbm>> -> memref<10000x16xf32, #tpu.memory_space<hbm>>
      %dma_start3A_286 = tpu.memref_slice %arg13[%and3A_275] : memref<4x!tpu.dma_semaphore, #tpu.memory_space<semaphore_mem>> -> memref<1x!tpu.dma_semaphore, #tpu.memory_space<semaphore_mem>>
      %dma_start3A_287 = tpu.memref_squeeze %dma_start3A_286 : memref<1x!tpu.dma_semaphore, #tpu.memory_space<semaphore_mem>> -> memref<!tpu.dma_semaphore, #tpu.memory_space<semaphore_mem>>
      tpu.enqueue_indirect_dma source(%dma_start3A_285 : memref<10000x16xf32, #tpu.memory_space<hbm>>) target(%dma_start3A_279 : memref<128x16xf32, #tpu.memory_space<vmem>>) offsets(%dma_start3A_282 : memref<128xi32, #tpu.memory_space<vmem>>) semaphore(%dma_start3A_287 : memref<!tpu.dma_semaphore, #tpu.memory_space<semaphore_mem>>)
    }
    %ge3A_96 = arith.constant 4 : i32
    %ge3A_97 = arith.cmpi sge, %add3A_6, %ge3A_96 : i32
    %convert_element_type3A_98 = arith.extui %ge3A_97 : i1 to i32
    %cond3A_99 = arith.constant 0 : i32
    %cond3A_100 = arith.cmpi ne, %convert_element_type3A_98, %cond3A_99 : i32
    scf.if %cond3A_100 {
      %sub3A_228 = arith.constant 2 : i32
      %sub3A_229 = arith.subi %add3A_6, %sub3A_228 : i32
      %and3A = arith.constant 3 : i32
      %and3A_230 = arith.andi %sub3A_229, %and3A : i32
      %dma_wait3A_231 = arith.constant 0 : i32
      %dma_wait3A_232 = arith.constant 0 : i32
      %dma_wait3A_233 = tpu.memref_slice %arg10[%and3A_230, %dma_wait3A_231, %dma_wait3A_232] : memref<4x128x16xf32, #tpu.memory_space<vmem>> -> memref<1x128x16xf32, #tpu.memory_space<vmem>>
      %dma_wait3A_234 = tpu.memref_squeeze %dma_wait3A_233 : memref<1x128x16xf32, #tpu.memory_space<vmem>> -> memref<128x16xf32, #tpu.memory_space<vmem>>
      %dma_wait3A_235 = arith.constant 0 : i32
      %dma_wait3A_236 = tpu.memref_slice %arg8[%sub3A_229, %dma_wait3A_235] : memref<40x128xi32, #tpu.memory_space<vmem>> -> memref<1x128xi32, #tpu.memory_space<vmem>>
      %dma_wait3A_237 = tpu.memref_squeeze %dma_wait3A_236 : memref<1x128xi32, #tpu.memory_space<vmem>> -> memref<128xi32, #tpu.memory_space<vmem>>
      %dma_wait3A_238 = arith.constant 0 : i32
      %dma_wait3A_239 = arith.constant 0 : i32
      %dma_wait3A_240 = tpu.memref_slice %arg2[%dma_wait3A_238, %dma_wait3A_239] : memref<10000x16xf32, #tpu.memory_space<hbm>> -> memref<10000x16xf32, #tpu.memory_space<hbm>>
      %dma_wait3A_241 = tpu.memref_slice %arg13[%and3A_230] : memref<4x!tpu.dma_semaphore, #tpu.memory_space<semaphore_mem>> -> memref<1x!tpu.dma_semaphore, #tpu.memory_space<semaphore_mem>>
      %dma_wait3A_242 = tpu.memref_squeeze %dma_wait3A_241 : memref<1x!tpu.dma_semaphore, #tpu.memory_space<semaphore_mem>> -> memref<!tpu.dma_semaphore, #tpu.memory_space<semaphore_mem>>
      tpu.wait_indirect_dma semaphore(%dma_wait3A_242 : memref<!tpu.dma_semaphore, #tpu.memory_space<semaphore_mem>>) src(%dma_wait3A_240 : memref<10000x16xf32, #tpu.memory_space<hbm>>) dst(%dma_wait3A_234 : memref<128x16xf32, #tpu.memory_space<vmem>>)
      %sub3A_243 = arith.constant 2 : i32
      %sub3A_244 = arith.subi %add3A_6, %sub3A_243 : i32
      %and3A_245 = arith.constant 3 : i32
      %and3A_246 = arith.andi %sub3A_244, %and3A_245 : i32
      %dma_start3A_247 = arith.constant 0 : i32
      %dma_start3A_248 = arith.constant 0 : i32
      %dma_start3A_249 = tpu.memref_slice %arg10[%and3A_246, %dma_start3A_247, %dma_start3A_248] : memref<4x128x16xf32, #tpu.memory_space<vmem>> -> memref<1x128x16xf32, #tpu.memory_space<vmem>>
      %dma_start3A_250 = tpu.memref_squeeze %dma_start3A_249 : memref<1x128x16xf32, #tpu.memory_space<vmem>> -> memref<128x16xf32, #tpu.memory_space<vmem>>
      %dma_start3A_251 = arith.constant 0 : i32
      %dma_start3A_252 = tpu.memref_slice %arg9[%sub3A_244, %dma_start3A_251] : memref<40x128xi32, #tpu.memory_space<vmem>> -> memref<1x128xi32, #tpu.memory_space<vmem>>
      %dma_start3A_253 = tpu.memref_squeeze %dma_start3A_252 : memref<1x128xi32, #tpu.memory_space<vmem>> -> memref<128xi32, #tpu.memory_space<vmem>>
      %dma_start3A_254 = arith.constant 0 : i32
      %dma_start3A_255 = arith.constant 0 : i32
      %dma_start3A_256 = tpu.memref_slice %arg7[%dma_start3A_254, %dma_start3A_255] : memref<10000x16xf32, #tpu.memory_space<vmem_shared>> -> memref<10000x16xf32, #tpu.memory_space<vmem_shared>>
      %dma_start3A_257 = tpu.memref_slice %arg14[%and3A_246] : memref<4x!tpu.dma_semaphore, #tpu.memory_space<semaphore_mem>> -> memref<1x!tpu.dma_semaphore, #tpu.memory_space<semaphore_mem>>
      %dma_start3A_258 = tpu.memref_squeeze %dma_start3A_257 : memref<1x!tpu.dma_semaphore, #tpu.memory_space<semaphore_mem>> -> memref<!tpu.dma_semaphore, #tpu.memory_space<semaphore_mem>>
      tpu.enqueue_indirect_dma source(%dma_start3A_250 : memref<128x16xf32, #tpu.memory_space<vmem>>) target(%dma_start3A_256 : memref<10000x16xf32, #tpu.memory_space<vmem_shared>>) offsets(%dma_start3A_253 : memref<128xi32, #tpu.memory_space<vmem>>) semaphore(%dma_start3A_258 : memref<!tpu.dma_semaphore, #tpu.memory_space<semaphore_mem>>) {add = true}
      %sub3A_259 = arith.constant 4 : i32
      %sub3A_260 = arith.subi %add3A_6, %sub3A_259 : i32
      %and3A_261 = arith.constant 3 : i32
      %and3A_262 = arith.andi %sub3A_260, %and3A_261 : i32
      %dma_wait3A_263 = arith.constant 0 : i32
      %dma_wait3A_264 = arith.constant 0 : i32
      %dma_wait3A_265 = tpu.memref_slice %arg10[%and3A_262, %dma_wait3A_263, %dma_wait3A_264] : memref<4x128x16xf32, #tpu.memory_space<vmem>> -> memref<1x128x16xf32, #tpu.memory_space<vmem>>
      %dma_wait3A_266 = tpu.memref_squeeze %dma_wait3A_265 : memref<1x128x16xf32, #tpu.memory_space<vmem>> -> memref<128x16xf32, #tpu.memory_space<vmem>>
      %dma_wait3A_267 = arith.constant 0 : i32
      %dma_wait3A_268 = tpu.memref_slice %arg9[%sub3A_260, %dma_wait3A_267] : memref<40x128xi32, #tpu.memory_space<vmem>> -> memref<1x128xi32, #tpu.memory_space<vmem>>
      %dma_wait3A_269 = tpu.memref_squeeze %dma_wait3A_268 : memref<1x128xi32, #tpu.memory_space<vmem>> -> memref<128xi32, #tpu.memory_space<vmem>>
      %dma_wait3A_270 = arith.constant 0 : i32
      %dma_wait3A_271 = arith.constant 0 : i32
      %dma_wait3A_272 = tpu.memref_slice %arg7[%dma_wait3A_270, %dma_wait3A_271] : memref<10000x16xf32, #tpu.memory_space<vmem_shared>> -> memref<10000x16xf32, #tpu.memory_space<vmem_shared>>
      %dma_wait3A_273 = tpu.memref_slice %arg14[%and3A_262] : memref<4x!tpu.dma_semaphore, #tpu.memory_space<semaphore_mem>> -> memref<1x!tpu.dma_semaphore, #tpu.memory_space<semaphore_mem>>
      %dma_wait3A_274 = tpu.memref_squeeze %dma_wait3A_273 : memref<1x!tpu.dma_semaphore, #tpu.memory_space<semaphore_mem>> -> memref<!tpu.dma_semaphore, #tpu.memory_space<semaphore_mem>>
      tpu.wait_indirect_dma semaphore(%dma_wait3A_274 : memref<!tpu.dma_semaphore, #tpu.memory_space<semaphore_mem>>) src(%dma_wait3A_266 : memref<128x16xf32, #tpu.memory_space<vmem>>) dst(%dma_wait3A_272 : memref<10000x16xf32, #tpu.memory_space<vmem_shared>>)
    } else {
    }
    %ge3A_101 = arith.constant 3 : i32
    %ge3A_102 = arith.cmpi sge, %add3A_6, %ge3A_101 : i32
    %convert_element_type3A_103 = arith.extui %ge3A_102 : i1 to i32
    %cond3A_104 = arith.constant 0 : i32
    %cond3A_105 = arith.cmpi ne, %convert_element_type3A_103, %cond3A_104 : i32
    scf.if %cond3A_105 {
      %sub3A_228 = arith.constant 1 : i32
      %sub3A_229 = arith.subi %add3A_6, %sub3A_228 : i32
      %and3A = arith.constant 3 : i32
      %and3A_230 = arith.andi %sub3A_229, %and3A : i32
      %dma_wait3A_231 = arith.constant 0 : i32
      %dma_wait3A_232 = arith.constant 0 : i32
      %dma_wait3A_233 = tpu.memref_slice %arg10[%and3A_230, %dma_wait3A_231, %dma_wait3A_232] : memref<4x128x16xf32, #tpu.memory_space<vmem>> -> memref<1x128x16xf32, #tpu.memory_space<vmem>>
      %dma_wait3A_234 = tpu.memref_squeeze %dma_wait3A_233 : memref<1x128x16xf32, #tpu.memory_space<vmem>> -> memref<128x16xf32, #tpu.memory_space<vmem>>
      %dma_wait3A_235 = arith.constant 0 : i32
      %dma_wait3A_236 = tpu.memref_slice %arg8[%sub3A_229, %dma_wait3A_235] : memref<40x128xi32, #tpu.memory_space<vmem>> -> memref<1x128xi32, #tpu.memory_space<vmem>>
      %dma_wait3A_237 = tpu.memref_squeeze %dma_wait3A_236 : memref<1x128xi32, #tpu.memory_space<vmem>> -> memref<128xi32, #tpu.memory_space<vmem>>
      %dma_wait3A_238 = arith.constant 0 : i32
      %dma_wait3A_239 = arith.constant 0 : i32
      %dma_wait3A_240 = tpu.memref_slice %arg2[%dma_wait3A_238, %dma_wait3A_239] : memref<10000x16xf32, #tpu.memory_space<hbm>> -> memref<10000x16xf32, #tpu.memory_space<hbm>>
      %dma_wait3A_241 = tpu.memref_slice %arg13[%and3A_230] : memref<4x!tpu.dma_semaphore, #tpu.memory_space<semaphore_mem>> -> memref<1x!tpu.dma_semaphore, #tpu.memory_space<semaphore_mem>>
      %dma_wait3A_242 = tpu.memref_squeeze %dma_wait3A_241 : memref<1x!tpu.dma_semaphore, #tpu.memory_space<semaphore_mem>> -> memref<!tpu.dma_semaphore, #tpu.memory_space<semaphore_mem>>
      tpu.wait_indirect_dma semaphore(%dma_wait3A_242 : memref<!tpu.dma_semaphore, #tpu.memory_space<semaphore_mem>>) src(%dma_wait3A_240 : memref<10000x16xf32, #tpu.memory_space<hbm>>) dst(%dma_wait3A_234 : memref<128x16xf32, #tpu.memory_space<vmem>>)
      %sub3A_243 = arith.constant 1 : i32
      %sub3A_244 = arith.subi %add3A_6, %sub3A_243 : i32
      %and3A_245 = arith.constant 3 : i32
      %and3A_246 = arith.andi %sub3A_244, %and3A_245 : i32
      %dma_start3A_247 = arith.constant 0 : i32
      %dma_start3A_248 = arith.constant 0 : i32
      %dma_start3A_249 = tpu.memref_slice %arg10[%and3A_246, %dma_start3A_247, %dma_start3A_248] : memref<4x128x16xf32, #tpu.memory_space<vmem>> -> memref<1x128x16xf32, #tpu.memory_space<vmem>>
      %dma_start3A_250 = tpu.memref_squeeze %dma_start3A_249 : memref<1x128x16xf32, #tpu.memory_space<vmem>> -> memref<128x16xf32, #tpu.memory_space<vmem>>
      %dma_start3A_251 = arith.constant 0 : i32
      %dma_start3A_252 = tpu.memref_slice %arg9[%sub3A_244, %dma_start3A_251] : memref<40x128xi32, #tpu.memory_space<vmem>> -> memref<1x128xi32, #tpu.memory_space<vmem>>
      %dma_start3A_253 = tpu.memref_squeeze %dma_start3A_252 : memref<1x128xi32, #tpu.memory_space<vmem>> -> memref<128xi32, #tpu.memory_space<vmem>>
      %dma_start3A_254 = arith.constant 0 : i32
      %dma_start3A_255 = arith.constant 0 : i32
      %dma_start3A_256 = tpu.memref_slice %arg7[%dma_start3A_254, %dma_start3A_255] : memref<10000x16xf32, #tpu.memory_space<vmem_shared>> -> memref<10000x16xf32, #tpu.memory_space<vmem_shared>>
      %dma_start3A_257 = tpu.memref_slice %arg14[%and3A_246] : memref<4x!tpu.dma_semaphore, #tpu.memory_space<semaphore_mem>> -> memref<1x!tpu.dma_semaphore, #tpu.memory_space<semaphore_mem>>
      %dma_start3A_258 = tpu.memref_squeeze %dma_start3A_257 : memref<1x!tpu.dma_semaphore, #tpu.memory_space<semaphore_mem>> -> memref<!tpu.dma_semaphore, #tpu.memory_space<semaphore_mem>>
      tpu.enqueue_indirect_dma source(%dma_start3A_250 : memref<128x16xf32, #tpu.memory_space<vmem>>) target(%dma_start3A_256 : memref<10000x16xf32, #tpu.memory_space<vmem_shared>>) offsets(%dma_start3A_253 : memref<128xi32, #tpu.memory_space<vmem>>) semaphore(%dma_start3A_258 : memref<!tpu.dma_semaphore, #tpu.memory_space<semaphore_mem>>) {add = true}
      %sub3A_259 = arith.constant 3 : i32
      %sub3A_260 = arith.subi %add3A_6, %sub3A_259 : i32
      %and3A_261 = arith.constant 3 : i32
      %and3A_262 = arith.andi %sub3A_260, %and3A_261 : i32
      %dma_wait3A_263 = arith.constant 0 : i32
      %dma_wait3A_264 = arith.constant 0 : i32
      %dma_wait3A_265 = tpu.memref_slice %arg10[%and3A_262, %dma_wait3A_263, %dma_wait3A_264] : memref<4x128x16xf32, #tpu.memory_space<vmem>> -> memref<1x128x16xf32, #tpu.memory_space<vmem>>
      %dma_wait3A_266 = tpu.memref_squeeze %dma_wait3A_265 : memref<1x128x16xf32, #tpu.memory_space<vmem>> -> memref<128x16xf32, #tpu.memory_space<vmem>>
      %dma_wait3A_267 = arith.constant 0 : i32
      %dma_wait3A_268 = tpu.memref_slice %arg9[%sub3A_260, %dma_wait3A_267] : memref<40x128xi32, #tpu.memory_space<vmem>> -> memref<1x128xi32, #tpu.memory_space<vmem>>
      %dma_wait3A_269 = tpu.memref_squeeze %dma_wait3A_268 : memref<1x128xi32, #tpu.memory_space<vmem>> -> memref<128xi32, #tpu.memory_space<vmem>>
      %dma_wait3A_270 = arith.constant 0 : i32
      %dma_wait3A_271 = arith.constant 0 : i32
      %dma_wait3A_272 = tpu.memref_slice %arg7[%dma_wait3A_270, %dma_wait3A_271] : memref<10000x16xf32, #tpu.memory_space<vmem_shared>> -> memref<10000x16xf32, #tpu.memory_space<vmem_shared>>
      %dma_wait3A_273 = tpu.memref_slice %arg14[%and3A_262] : memref<4x!tpu.dma_semaphore, #tpu.memory_space<semaphore_mem>> -> memref<1x!tpu.dma_semaphore, #tpu.memory_space<semaphore_mem>>
      %dma_wait3A_274 = tpu.memref_squeeze %dma_wait3A_273 : memref<1x!tpu.dma_semaphore, #tpu.memory_space<semaphore_mem>> -> memref<!tpu.dma_semaphore, #tpu.memory_space<semaphore_mem>>
      tpu.wait_indirect_dma semaphore(%dma_wait3A_274 : memref<!tpu.dma_semaphore, #tpu.memory_space<semaphore_mem>>) src(%dma_wait3A_266 : memref<128x16xf32, #tpu.memory_space<vmem>>) dst(%dma_wait3A_272 : memref<10000x16xf32, #tpu.memory_space<vmem_shared>>)
    } else {
    }
    %ge3A_106 = arith.constant 2 : i32
    %ge3A_107 = arith.cmpi sge, %add3A_6, %ge3A_106 : i32
    %convert_element_type3A_108 = arith.extui %ge3A_107 : i1 to i32
    %cond3A_109 = arith.constant 0 : i32
    %cond3A_110 = arith.cmpi ne, %convert_element_type3A_108, %cond3A_109 : i32
    scf.if %cond3A_110 {
      %sub3A_228 = arith.constant 2 : i32
      %sub3A_229 = arith.subi %add3A_6, %sub3A_228 : i32
      %and3A = arith.constant 3 : i32
      %and3A_230 = arith.andi %sub3A_229, %and3A : i32
      %dma_wait3A_231 = arith.constant 0 : i32
      %dma_wait3A_232 = arith.constant 0 : i32
      %dma_wait3A_233 = tpu.memref_slice %arg10[%and3A_230, %dma_wait3A_231, %dma_wait3A_232] : memref<4x128x16xf32, #tpu.memory_space<vmem>> -> memref<1x128x16xf32, #tpu.memory_space<vmem>>
      %dma_wait3A_234 = tpu.memref_squeeze %dma_wait3A_233 : memref<1x128x16xf32, #tpu.memory_space<vmem>> -> memref<128x16xf32, #tpu.memory_space<vmem>>
      %dma_wait3A_235 = arith.constant 0 : i32
      %dma_wait3A_236 = tpu.memref_slice %arg9[%sub3A_229, %dma_wait3A_235] : memref<40x128xi32, #tpu.memory_space<vmem>> -> memref<1x128xi32, #tpu.memory_space<vmem>>
      %dma_wait3A_237 = tpu.memref_squeeze %dma_wait3A_236 : memref<1x128xi32, #tpu.memory_space<vmem>> -> memref<128xi32, #tpu.memory_space<vmem>>
      %dma_wait3A_238 = arith.constant 0 : i32
      %dma_wait3A_239 = arith.constant 0 : i32
      %dma_wait3A_240 = tpu.memref_slice %arg7[%dma_wait3A_238, %dma_wait3A_239] : memref<10000x16xf32, #tpu.memory_space<vmem_shared>> -> memref<10000x16xf32, #tpu.memory_space<vmem_shared>>
      %dma_wait3A_241 = tpu.memref_slice %arg14[%and3A_230] : memref<4x!tpu.dma_semaphore, #tpu.memory_space<semaphore_mem>> -> memref<1x!tpu.dma_semaphore, #tpu.memory_space<semaphore_mem>>
      %dma_wait3A_242 = tpu.memref_squeeze %dma_wait3A_241 : memref<1x!tpu.dma_semaphore, #tpu.memory_space<semaphore_mem>> -> memref<!tpu.dma_semaphore, #tpu.memory_space<semaphore_mem>>
      tpu.wait_indirect_dma semaphore(%dma_wait3A_242 : memref<!tpu.dma_semaphore, #tpu.memory_space<semaphore_mem>>) src(%dma_wait3A_234 : memref<128x16xf32, #tpu.memory_space<vmem>>) dst(%dma_wait3A_240 : memref<10000x16xf32, #tpu.memory_space<vmem_shared>>)
    } else {
    }
    %ge3A_111 = arith.constant 1 : i32
    %ge3A_112 = arith.cmpi sge, %add3A_6, %ge3A_111 : i32
    %convert_element_type3A_113 = arith.extui %ge3A_112 : i1 to i32
    %cond3A_114 = arith.constant 0 : i32
    %cond3A_115 = arith.cmpi ne, %convert_element_type3A_113, %cond3A_114 : i32
    scf.if %cond3A_115 {
      %sub3A_228 = arith.constant 1 : i32
      %sub3A_229 = arith.subi %add3A_6, %sub3A_228 : i32
      %and3A = arith.constant 3 : i32
      %and3A_230 = arith.andi %sub3A_229, %and3A : i32
      %dma_wait3A_231 = arith.constant 0 : i32
      %dma_wait3A_232 = arith.constant 0 : i32
      %dma_wait3A_233 = tpu.memref_slice %arg10[%and3A_230, %dma_wait3A_231, %dma_wait3A_232] : memref<4x128x16xf32, #tpu.memory_space<vmem>> -> memref<1x128x16xf32, #tpu.memory_space<vmem>>
      %dma_wait3A_234 = tpu.memref_squeeze %dma_wait3A_233 : memref<1x128x16xf32, #tpu.memory_space<vmem>> -> memref<128x16xf32, #tpu.memory_space<vmem>>
      %dma_wait3A_235 = arith.constant 0 : i32
      %dma_wait3A_236 = tpu.memref_slice %arg9[%sub3A_229, %dma_wait3A_235] : memref<40x128xi32, #tpu.memory_space<vmem>> -> memref<1x128xi32, #tpu.memory_space<vmem>>
      %dma_wait3A_237 = tpu.memref_squeeze %dma_wait3A_236 : memref<1x128xi32, #tpu.memory_space<vmem>> -> memref<128xi32, #tpu.memory_space<vmem>>
      %dma_wait3A_238 = arith.constant 0 : i32
      %dma_wait3A_239 = arith.constant 0 : i32
      %dma_wait3A_240 = tpu.memref_slice %arg7[%dma_wait3A_238, %dma_wait3A_239] : memref<10000x16xf32, #tpu.memory_space<vmem_shared>> -> memref<10000x16xf32, #tpu.memory_space<vmem_shared>>
      %dma_wait3A_241 = tpu.memref_slice %arg14[%and3A_230] : memref<4x!tpu.dma_semaphore, #tpu.memory_space<semaphore_mem>> -> memref<1x!tpu.dma_semaphore, #tpu.memory_space<semaphore_mem>>
      %dma_wait3A_242 = tpu.memref_squeeze %dma_wait3A_241 : memref<1x!tpu.dma_semaphore, #tpu.memory_space<semaphore_mem>> -> memref<!tpu.dma_semaphore, #tpu.memory_space<semaphore_mem>>
      tpu.wait_indirect_dma semaphore(%dma_wait3A_242 : memref<!tpu.dma_semaphore, #tpu.memory_space<semaphore_mem>>) src(%dma_wait3A_234 : memref<128x16xf32, #tpu.memory_space<vmem>>) dst(%dma_wait3A_240 : memref<10000x16xf32, #tpu.memory_space<vmem_shared>>)
    } else {
    }
    %barrier3A_116 = arith.constant 0 : index
    tpu.barrier barrier_id(%barrier3A_116)
    %run_scoped3A = arith.constant 0 : i32
    "tpu.region"() ({
      %run_scoped3A_228 = tpu.sem_alloc : memref<!tpu.dma_semaphore, #tpu.memory_space<semaphore_mem>>
      %dma_start3A_229 = arith.constant 0 : i32
      %dma_start3A_230 = tpu.memref_slice %arg6[%arg0, %run_scoped3A, %mul3A_2, %dma_start3A_229] : memref<2x2x10000x16xf32, #tpu.memory_space<hbm>> -> memref<1x1x625x16xf32, #tpu.memory_space<hbm>>
      %dma_start3A_231 = tpu.memref_squeeze %dma_start3A_230 : memref<1x1x625x16xf32, #tpu.memory_space<hbm>> -> memref<625x16xf32, #tpu.memory_space<hbm>>
      %dma_start3A_232 = arith.constant 0 : i32
      %dma_start3A_233 = tpu.memref_slice %arg7[%mul3A_2, %dma_start3A_232] : memref<10000x16xf32, #tpu.memory_space<vmem_shared>> -> memref<625x16xf32, #tpu.memory_space<vmem_shared>>
      tpu.enqueue_dma source(%dma_start3A_233 : memref<625x16xf32, #tpu.memory_space<vmem_shared>>) target(%dma_start3A_231 : memref<625x16xf32, #tpu.memory_space<hbm>>) target_semaphore(%run_scoped3A_228 : memref<!tpu.dma_semaphore, #tpu.memory_space<semaphore_mem>>)
      %dma_wait3A_234 = arith.constant 0 : i32
      %dma_wait3A_235 = tpu.memref_slice %arg6[%arg0, %run_scoped3A, %mul3A_2, %dma_wait3A_234] : memref<2x2x10000x16xf32, #tpu.memory_space<hbm>> -> memref<1x1x625x16xf32, #tpu.memory_space<hbm>>
      %dma_wait3A_236 = tpu.memref_squeeze %dma_wait3A_235 : memref<1x1x625x16xf32, #tpu.memory_space<hbm>> -> memref<625x16xf32, #tpu.memory_space<hbm>>
      %dma_wait3A_237 = arith.constant 0 : i32
      %dma_wait3A_238 = tpu.memref_slice %arg7[%mul3A_2, %dma_wait3A_237] : memref<10000x16xf32, #tpu.memory_space<vmem_shared>> -> memref<625x16xf32, #tpu.memory_space<vmem_shared>>
      tpu.wait_dma2 semaphore(%run_scoped3A_228 : memref<!tpu.dma_semaphore, #tpu.memory_space<semaphore_mem>>) src(%dma_wait3A_238 : memref<625x16xf32, #tpu.memory_space<vmem_shared>>) dst(%dma_wait3A_236 : memref<625x16xf32, #tpu.memory_space<hbm>>)
      tpu.yield
    }) : () -> ()
    %dma_start3A_117 = arith.constant 0 : i32
    %dma_start3A_118 = arith.constant 0 : i32
    %dma_start3A_119 = tpu.memref_slice %arg5[%add3A_10, %dma_start3A_118] : memref<2560x128xi32, #tpu.memory_space<hbm>> -> memref<40x128xi32, #tpu.memory_space<hbm>>
    %dma_start3A_120 = tpu.memref_slice %arg12[%dma_start3A_117] : memref<2x!tpu.dma_semaphore, #tpu.memory_space<semaphore_mem>> -> memref<1x!tpu.dma_semaphore, #tpu.memory_space<semaphore_mem>>
    %dma_start3A_121 = tpu.memref_squeeze %dma_start3A_120 : memref<1x!tpu.dma_semaphore, #tpu.memory_space<semaphore_mem>> -> memref<!tpu.dma_semaphore, #tpu.memory_space<semaphore_mem>>
    %dma_start3A_122 = arith.constant 0 : i32
    %dma_start3A_123 = tpu.memref_slice %arg5[%add3A_10, %dma_start3A_122] : memref<2560x128xi32, #tpu.memory_space<hbm>> -> memref<40x128xi32, #tpu.memory_space<hbm>>
    tpu.enqueue_dma source(%dma_start3A_123 : memref<40x128xi32, #tpu.memory_space<hbm>>) target(%arg8 : memref<40x128xi32, #tpu.memory_space<vmem>>) target_semaphore(%dma_start3A_121 : memref<!tpu.dma_semaphore, #tpu.memory_space<semaphore_mem>>)
    %add3A_124 = arith.constant 1280 : i32
    %add3A_125 = arith.addi %add3A_124, %add3A_10 : i32
    %dma_start3A_126 = arith.constant 1 : i32
    %dma_start3A_127 = arith.constant 0 : i32
    %dma_start3A_128 = tpu.memref_slice %arg5[%add3A_125, %dma_start3A_127] : memref<2560x128xi32, #tpu.memory_space<hbm>> -> memref<40x128xi32, #tpu.memory_space<hbm>>
    %dma_start3A_129 = tpu.memref_slice %arg12[%dma_start3A_126] : memref<2x!tpu.dma_semaphore, #tpu.memory_space<semaphore_mem>> -> memref<1x!tpu.dma_semaphore, #tpu.memory_space<semaphore_mem>>
    %dma_start3A_130 = tpu.memref_squeeze %dma_start3A_129 : memref<1x!tpu.dma_semaphore, #tpu.memory_space<semaphore_mem>> -> memref<!tpu.dma_semaphore, #tpu.memory_space<semaphore_mem>>
    %dma_start3A_131 = arith.constant 0 : i32
    %dma_start3A_132 = tpu.memref_slice %arg5[%add3A_125, %dma_start3A_131] : memref<2560x128xi32, #tpu.memory_space<hbm>> -> memref<40x128xi32, #tpu.memory_space<hbm>>
    tpu.enqueue_dma source(%dma_start3A_132 : memref<40x128xi32, #tpu.memory_space<hbm>>) target(%arg9 : memref<40x128xi32, #tpu.memory_space<vmem>>) target_semaphore(%dma_start3A_130 : memref<!tpu.dma_semaphore, #tpu.memory_space<semaphore_mem>>)
    %add3A_133 = arith.constant 0 : i32
    %add3A_134 = arith.addi %mul3A_2, %add3A_133 : i32
    "tpu.region"() ({
      %run_scoped3A_228 = tpu.sem_alloc : memref<!tpu.dma_semaphore, #tpu.memory_space<semaphore_mem>>
      %dma_start3A_229 = arith.constant 0 : i32
      %dma_start3A_230 = tpu.memref_slice %arg7[%add3A_134, %dma_start3A_229] : memref<10000x16xf32, #tpu.memory_space<vmem_shared>> -> memref<125x16xf32, #tpu.memory_space<vmem_shared>>
      %dma_start3A_231 = arith.constant 0 : i32
      %dma_start3A_232 = tpu.memref_slice %arg7[%add3A_134, %dma_start3A_231] : memref<10000x16xf32, #tpu.memory_space<vmem_shared>> -> memref<125x16xf32, #tpu.memory_space<vmem_shared>>
      tpu.enqueue_dma source(%arg11 : memref<125x16xf32, #tpu.memory_space<vmem>>) target(%dma_start3A_232 : memref<125x16xf32, #tpu.memory_space<vmem_shared>>) target_semaphore(%run_scoped3A_228 : memref<!tpu.dma_semaphore, #tpu.memory_space<semaphore_mem>>)
      %dma_wait3A_233 = arith.constant 0 : i32
      %dma_wait3A_234 = tpu.memref_slice %arg7[%add3A_134, %dma_wait3A_233] : memref<10000x16xf32, #tpu.memory_space<vmem_shared>> -> memref<125x16xf32, #tpu.memory_space<vmem_shared>>
      %dma_wait3A_235 = arith.constant 0 : i32
      %dma_wait3A_236 = tpu.memref_slice %arg7[%add3A_134, %dma_wait3A_235] : memref<10000x16xf32, #tpu.memory_space<vmem_shared>> -> memref<125x16xf32, #tpu.memory_space<vmem_shared>>
      tpu.wait_dma2 semaphore(%run_scoped3A_228 : memref<!tpu.dma_semaphore, #tpu.memory_space<semaphore_mem>>) src(%arg11 : memref<125x16xf32, #tpu.memory_space<vmem>>) dst(%dma_wait3A_236 : memref<125x16xf32, #tpu.memory_space<vmem_shared>>)
      tpu.yield
    }) : () -> ()
    %add3A_135 = arith.constant 125 : i32
    %add3A_136 = arith.addi %mul3A_2, %add3A_135 : i32
    "tpu.region"() ({
      %run_scoped3A_228 = tpu.sem_alloc : memref<!tpu.dma_semaphore, #tpu.memory_space<semaphore_mem>>
      %dma_start3A_229 = arith.constant 0 : i32
      %dma_start3A_230 = tpu.memref_slice %arg7[%add3A_136, %dma_start3A_229] : memref<10000x16xf32, #tpu.memory_space<vmem_shared>> -> memref<125x16xf32, #tpu.memory_space<vmem_shared>>
      %dma_start3A_231 = arith.constant 0 : i32
      %dma_start3A_232 = tpu.memref_slice %arg7[%add3A_136, %dma_start3A_231] : memref<10000x16xf32, #tpu.memory_space<vmem_shared>> -> memref<125x16xf32, #tpu.memory_space<vmem_shared>>
      tpu.enqueue_dma source(%arg11 : memref<125x16xf32, #tpu.memory_space<vmem>>) target(%dma_start3A_232 : memref<125x16xf32, #tpu.memory_space<vmem_shared>>) target_semaphore(%run_scoped3A_228 : memref<!tpu.dma_semaphore, #tpu.memory_space<semaphore_mem>>)
      %dma_wait3A_233 = arith.constant 0 : i32
      %dma_wait3A_234 = tpu.memref_slice %arg7[%add3A_136, %dma_wait3A_233] : memref<10000x16xf32, #tpu.memory_space<vmem_shared>> -> memref<125x16xf32, #tpu.memory_space<vmem_shared>>
      %dma_wait3A_235 = arith.constant 0 : i32
      %dma_wait3A_236 = tpu.memref_slice %arg7[%add3A_136, %dma_wait3A_235] : memref<10000x16xf32, #tpu.memory_space<vmem_shared>> -> memref<125x16xf32, #tpu.memory_space<vmem_shared>>
      tpu.wait_dma2 semaphore(%run_scoped3A_228 : memref<!tpu.dma_semaphore, #tpu.memory_space<semaphore_mem>>) src(%arg11 : memref<125x16xf32, #tpu.memory_space<vmem>>) dst(%dma_wait3A_236 : memref<125x16xf32, #tpu.memory_space<vmem_shared>>)
      tpu.yield
    }) : () -> ()
    %add3A_137 = arith.constant 250 : i32
    %add3A_138 = arith.addi %mul3A_2, %add3A_137 : i32
    "tpu.region"() ({
      %run_scoped3A_228 = tpu.sem_alloc : memref<!tpu.dma_semaphore, #tpu.memory_space<semaphore_mem>>
      %dma_start3A_229 = arith.constant 0 : i32
      %dma_start3A_230 = tpu.memref_slice %arg7[%add3A_138, %dma_start3A_229] : memref<10000x16xf32, #tpu.memory_space<vmem_shared>> -> memref<125x16xf32, #tpu.memory_space<vmem_shared>>
      %dma_start3A_231 = arith.constant 0 : i32
      %dma_start3A_232 = tpu.memref_slice %arg7[%add3A_138, %dma_start3A_231] : memref<10000x16xf32, #tpu.memory_space<vmem_shared>> -> memref<125x16xf32, #tpu.memory_space<vmem_shared>>
      tpu.enqueue_dma source(%arg11 : memref<125x16xf32, #tpu.memory_space<vmem>>) target(%dma_start3A_232 : memref<125x16xf32, #tpu.memory_space<vmem_shared>>) target_semaphore(%run_scoped3A_228 : memref<!tpu.dma_semaphore, #tpu.memory_space<semaphore_mem>>)
      %dma_wait3A_233 = arith.constant 0 : i32
      %dma_wait3A_234 = tpu.memref_slice %arg7[%add3A_138, %dma_wait3A_233] : memref<10000x16xf32, #tpu.memory_space<vmem_shared>> -> memref<125x16xf32, #tpu.memory_space<vmem_shared>>
      %dma_wait3A_235 = arith.constant 0 : i32
      %dma_wait3A_236 = tpu.memref_slice %arg7[%add3A_138, %dma_wait3A_235] : memref<10000x16xf32, #tpu.memory_space<vmem_shared>> -> memref<125x16xf32, #tpu.memory_space<vmem_shared>>
      tpu.wait_dma2 semaphore(%run_scoped3A_228 : memref<!tpu.dma_semaphore, #tpu.memory_space<semaphore_mem>>) src(%arg11 : memref<125x16xf32, #tpu.memory_space<vmem>>) dst(%dma_wait3A_236 : memref<125x16xf32, #tpu.memory_space<vmem_shared>>)
      tpu.yield
    }) : () -> ()
    %add3A_139 = arith.constant 375 : i32
    %add3A_140 = arith.addi %mul3A_2, %add3A_139 : i32
    "tpu.region"() ({
      %run_scoped3A_228 = tpu.sem_alloc : memref<!tpu.dma_semaphore, #tpu.memory_space<semaphore_mem>>
      %dma_start3A_229 = arith.constant 0 : i32
      %dma_start3A_230 = tpu.memref_slice %arg7[%add3A_140, %dma_start3A_229] : memref<10000x16xf32, #tpu.memory_space<vmem_shared>> -> memref<125x16xf32, #tpu.memory_space<vmem_shared>>
      %dma_start3A_231 = arith.constant 0 : i32
      %dma_start3A_232 = tpu.memref_slice %arg7[%add3A_140, %dma_start3A_231] : memref<10000x16xf32, #tpu.memory_space<vmem_shared>> -> memref<125x16xf32, #tpu.memory_space<vmem_shared>>
      tpu.enqueue_dma source(%arg11 : memref<125x16xf32, #tpu.memory_space<vmem>>) target(%dma_start3A_232 : memref<125x16xf32, #tpu.memory_space<vmem_shared>>) target_semaphore(%run_scoped3A_228 : memref<!tpu.dma_semaphore, #tpu.memory_space<semaphore_mem>>)
      %dma_wait3A_233 = arith.constant 0 : i32
      %dma_wait3A_234 = tpu.memref_slice %arg7[%add3A_140, %dma_wait3A_233] : memref<10000x16xf32, #tpu.memory_space<vmem_shared>> -> memref<125x16xf32, #tpu.memory_space<vmem_shared>>
      %dma_wait3A_235 = arith.constant 0 : i32
      %dma_wait3A_236 = tpu.memref_slice %arg7[%add3A_140, %dma_wait3A_235] : memref<10000x16xf32, #tpu.memory_space<vmem_shared>> -> memref<125x16xf32, #tpu.memory_space<vmem_shared>>
      tpu.wait_dma2 semaphore(%run_scoped3A_228 : memref<!tpu.dma_semaphore, #tpu.memory_space<semaphore_mem>>) src(%arg11 : memref<125x16xf32, #tpu.memory_space<vmem>>) dst(%dma_wait3A_236 : memref<125x16xf32, #tpu.memory_space<vmem_shared>>)
      tpu.yield
    }) : () -> ()
    %add3A_141 = arith.constant 500 : i32
    %add3A_142 = arith.addi %mul3A_2, %add3A_141 : i32
    "tpu.region"() ({
      %run_scoped3A_228 = tpu.sem_alloc : memref<!tpu.dma_semaphore, #tpu.memory_space<semaphore_mem>>
      %dma_start3A_229 = arith.constant 0 : i32
      %dma_start3A_230 = tpu.memref_slice %arg7[%add3A_142, %dma_start3A_229] : memref<10000x16xf32, #tpu.memory_space<vmem_shared>> -> memref<125x16xf32, #tpu.memory_space<vmem_shared>>
      %dma_start3A_231 = arith.constant 0 : i32
      %dma_start3A_232 = tpu.memref_slice %arg7[%add3A_142, %dma_start3A_231] : memref<10000x16xf32, #tpu.memory_space<vmem_shared>> -> memref<125x16xf32, #tpu.memory_space<vmem_shared>>
      tpu.enqueue_dma source(%arg11 : memref<125x16xf32, #tpu.memory_space<vmem>>) target(%dma_start3A_232 : memref<125x16xf32, #tpu.memory_space<vmem_shared>>) target_semaphore(%run_scoped3A_228 : memref<!tpu.dma_semaphore, #tpu.memory_space<semaphore_mem>>)
      %dma_wait3A_233 = arith.constant 0 : i32
      %dma_wait3A_234 = tpu.memref_slice %arg7[%add3A_142, %dma_wait3A_233] : memref<10000x16xf32, #tpu.memory_space<vmem_shared>> -> memref<125x16xf32, #tpu.memory_space<vmem_shared>>
      %dma_wait3A_235 = arith.constant 0 : i32
      %dma_wait3A_236 = tpu.memref_slice %arg7[%add3A_142, %dma_wait3A_235] : memref<10000x16xf32, #tpu.memory_space<vmem_shared>> -> memref<125x16xf32, #tpu.memory_space<vmem_shared>>
      tpu.wait_dma2 semaphore(%run_scoped3A_228 : memref<!tpu.dma_semaphore, #tpu.memory_space<semaphore_mem>>) src(%arg11 : memref<125x16xf32, #tpu.memory_space<vmem>>) dst(%dma_wait3A_236 : memref<125x16xf32, #tpu.memory_space<vmem_shared>>)
      tpu.yield
    }) : () -> ()
    %dma_wait3A_143 = arith.constant 0 : i32
    %dma_wait3A_144 = arith.constant 0 : i32
    %dma_wait3A_145 = arith.constant 0 : i32
    %dma_wait3A_146 = tpu.memref_slice %arg5[%dma_wait3A_144, %dma_wait3A_145] : memref<2560x128xi32, #tpu.memory_space<hbm>> -> memref<40x128xi32, #tpu.memory_space<hbm>>
    %dma_wait3A_147 = tpu.memref_slice %arg12[%dma_wait3A_143] : memref<2x!tpu.dma_semaphore, #tpu.memory_space<semaphore_mem>> -> memref<1x!tpu.dma_semaphore, #tpu.memory_space<semaphore_mem>>
    %dma_wait3A_148 = tpu.memref_squeeze %dma_wait3A_147 : memref<1x!tpu.dma_semaphore, #tpu.memory_space<semaphore_mem>> -> memref<!tpu.dma_semaphore, #tpu.memory_space<semaphore_mem>>
    %dma_wait3A_149 = arith.constant 0 : i32
    %dma_wait3A_150 = arith.constant 0 : i32
    %dma_wait3A_151 = tpu.memref_slice %arg5[%dma_wait3A_149, %dma_wait3A_150] : memref<2560x128xi32, #tpu.memory_space<hbm>> -> memref<40x128xi32, #tpu.memory_space<hbm>>
    tpu.wait_dma2 semaphore(%dma_wait3A_148 : memref<!tpu.dma_semaphore, #tpu.memory_space<semaphore_mem>>) src(%dma_wait3A_151 : memref<40x128xi32, #tpu.memory_space<hbm>>) dst(%arg8 : memref<40x128xi32, #tpu.memory_space<vmem>>)
    %dma_wait3A_152 = arith.constant 1 : i32
    %dma_wait3A_153 = arith.constant 0 : i32
    %dma_wait3A_154 = arith.constant 0 : i32
    %dma_wait3A_155 = tpu.memref_slice %arg5[%dma_wait3A_153, %dma_wait3A_154] : memref<2560x128xi32, #tpu.memory_space<hbm>> -> memref<40x128xi32, #tpu.memory_space<hbm>>
    %dma_wait3A_156 = tpu.memref_slice %arg12[%dma_wait3A_152] : memref<2x!tpu.dma_semaphore, #tpu.memory_space<semaphore_mem>> -> memref<1x!tpu.dma_semaphore, #tpu.memory_space<semaphore_mem>>
    %dma_wait3A_157 = tpu.memref_squeeze %dma_wait3A_156 : memref<1x!tpu.dma_semaphore, #tpu.memory_space<semaphore_mem>> -> memref<!tpu.dma_semaphore, #tpu.memory_space<semaphore_mem>>
    %dma_wait3A_158 = arith.constant 0 : i32
    %dma_wait3A_159 = arith.constant 0 : i32
    %dma_wait3A_160 = tpu.memref_slice %arg5[%dma_wait3A_158, %dma_wait3A_159] : memref<2560x128xi32, #tpu.memory_space<hbm>> -> memref<40x128xi32, #tpu.memory_space<hbm>>
    tpu.wait_dma2 semaphore(%dma_wait3A_157 : memref<!tpu.dma_semaphore, #tpu.memory_space<semaphore_mem>>) src(%dma_wait3A_160 : memref<40x128xi32, #tpu.memory_space<hbm>>) dst(%arg9 : memref<40x128xi32, #tpu.memory_space<vmem>>)
    %barrier3A_161 = arith.constant 0 : index
    tpu.barrier barrier_id(%barrier3A_161)
    %ge3A_162 = arith.constant 1 : i32
    %ge3A_163 = arith.cmpi sge, %add3A_6, %ge3A_162 : i32
    %convert_element_type3A_164 = arith.extui %ge3A_163 : i1 to i32
    %cond3A_165 = arith.constant 0 : i32
    %cond3A_166 = arith.cmpi ne, %convert_element_type3A_164, %cond3A_165 : i32
    scf.if %cond3A_166 {
      %and3A = arith.constant 0 : i32
      %and3A_228 = arith.constant 3 : i32
      %and3A_229 = arith.andi %and3A, %and3A_228 : i32
      %dma_start3A_230 = arith.constant 0 : i32
      %dma_start3A_231 = arith.constant 0 : i32
      %dma_start3A_232 = arith.constant 0 : i32
      %dma_start3A_233 = tpu.memref_slice %arg10[%and3A_229, %dma_start3A_231, %dma_start3A_232] : memref<4x128x16xf32, #tpu.memory_space<vmem>> -> memref<1x128x16xf32, #tpu.memory_space<vmem>>
      %dma_start3A_234 = tpu.memref_squeeze %dma_start3A_233 : memref<1x128x16xf32, #tpu.memory_space<vmem>> -> memref<128x16xf32, #tpu.memory_space<vmem>>
      %dma_start3A_235 = arith.constant 0 : i32
      %dma_start3A_236 = tpu.memref_slice %arg8[%dma_start3A_230, %dma_start3A_235] : memref<40x128xi32, #tpu.memory_space<vmem>> -> memref<1x128xi32, #tpu.memory_space<vmem>>
      %dma_start3A_237 = tpu.memref_squeeze %dma_start3A_236 : memref<1x128xi32, #tpu.memory_space<vmem>> -> memref<128xi32, #tpu.memory_space<vmem>>
      %dma_start3A_238 = arith.constant 0 : i32
      %dma_start3A_239 = arith.constant 0 : i32
      %dma_start3A_240 = tpu.memref_slice %arg3[%dma_start3A_238, %dma_start3A_239] : memref<10000x16xf32, #tpu.memory_space<hbm>> -> memref<10000x16xf32, #tpu.memory_space<hbm>>
      %dma_start3A_241 = tpu.memref_slice %arg13[%and3A_229] : memref<4x!tpu.dma_semaphore, #tpu.memory_space<semaphore_mem>> -> memref<1x!tpu.dma_semaphore, #tpu.memory_space<semaphore_mem>>
      %dma_start3A_242 = tpu.memref_squeeze %dma_start3A_241 : memref<1x!tpu.dma_semaphore, #tpu.memory_space<semaphore_mem>> -> memref<!tpu.dma_semaphore, #tpu.memory_space<semaphore_mem>>
      tpu.enqueue_indirect_dma source(%dma_start3A_240 : memref<10000x16xf32, #tpu.memory_space<hbm>>) target(%dma_start3A_234 : memref<128x16xf32, #tpu.memory_space<vmem>>) offsets(%dma_start3A_237 : memref<128xi32, #tpu.memory_space<vmem>>) semaphore(%dma_start3A_242 : memref<!tpu.dma_semaphore, #tpu.memory_space<semaphore_mem>>)
    } else {
    }
    %ge3A_167 = arith.constant 2 : i32
    %ge3A_168 = arith.cmpi sge, %add3A_6, %ge3A_167 : i32
    %convert_element_type3A_169 = arith.extui %ge3A_168 : i1 to i32
    %cond3A_170 = arith.constant 0 : i32
    %cond3A_171 = arith.cmpi ne, %convert_element_type3A_169, %cond3A_170 : i32
    scf.if %cond3A_171 {
      %and3A = arith.constant 1 : i32
      %and3A_228 = arith.constant 3 : i32
      %and3A_229 = arith.andi %and3A, %and3A_228 : i32
      %dma_start3A_230 = arith.constant 1 : i32
      %dma_start3A_231 = arith.constant 0 : i32
      %dma_start3A_232 = arith.constant 0 : i32
      %dma_start3A_233 = tpu.memref_slice %arg10[%and3A_229, %dma_start3A_231, %dma_start3A_232] : memref<4x128x16xf32, #tpu.memory_space<vmem>> -> memref<1x128x16xf32, #tpu.memory_space<vmem>>
      %dma_start3A_234 = tpu.memref_squeeze %dma_start3A_233 : memref<1x128x16xf32, #tpu.memory_space<vmem>> -> memref<128x16xf32, #tpu.memory_space<vmem>>
      %dma_start3A_235 = arith.constant 0 : i32
      %dma_start3A_236 = tpu.memref_slice %arg8[%dma_start3A_230, %dma_start3A_235] : memref<40x128xi32, #tpu.memory_space<vmem>> -> memref<1x128xi32, #tpu.memory_space<vmem>>
      %dma_start3A_237 = tpu.memref_squeeze %dma_start3A_236 : memref<1x128xi32, #tpu.memory_space<vmem>> -> memref<128xi32, #tpu.memory_space<vmem>>
      %dma_start3A_238 = arith.constant 0 : i32
      %dma_start3A_239 = arith.constant 0 : i32
      %dma_start3A_240 = tpu.memref_slice %arg3[%dma_start3A_238, %dma_start3A_239] : memref<10000x16xf32, #tpu.memory_space<hbm>> -> memref<10000x16xf32, #tpu.memory_space<hbm>>
      %dma_start3A_241 = tpu.memref_slice %arg13[%and3A_229] : memref<4x!tpu.dma_semaphore, #tpu.memory_space<semaphore_mem>> -> memref<1x!tpu.dma_semaphore, #tpu.memory_space<semaphore_mem>>
      %dma_start3A_242 = tpu.memref_squeeze %dma_start3A_241 : memref<1x!tpu.dma_semaphore, #tpu.memory_space<semaphore_mem>> -> memref<!tpu.dma_semaphore, #tpu.memory_space<semaphore_mem>>
      tpu.enqueue_indirect_dma source(%dma_start3A_240 : memref<10000x16xf32, #tpu.memory_space<hbm>>) target(%dma_start3A_234 : memref<128x16xf32, #tpu.memory_space<vmem>>) offsets(%dma_start3A_237 : memref<128xi32, #tpu.memory_space<vmem>>) semaphore(%dma_start3A_242 : memref<!tpu.dma_semaphore, #tpu.memory_space<semaphore_mem>>)
    } else {
    }
    %ge3A_172 = arith.constant 1 : i32
    %ge3A_173 = arith.cmpi sge, %add3A_6, %ge3A_172 : i32
    %convert_element_type3A_174 = arith.extui %ge3A_173 : i1 to i32
    %cond3A_175 = arith.constant 0 : i32
    %cond3A_176 = arith.cmpi ne, %convert_element_type3A_174, %cond3A_175 : i32
    scf.if %cond3A_176 {
      %and3A = arith.constant 0 : i32
      %and3A_228 = arith.constant 3 : i32
      %and3A_229 = arith.andi %and3A, %and3A_228 : i32
      %dma_wait3A_230 = arith.constant 0 : i32
      %dma_wait3A_231 = arith.constant 0 : i32
      %dma_wait3A_232 = arith.constant 0 : i32
      %dma_wait3A_233 = tpu.memref_slice %arg10[%and3A_229, %dma_wait3A_231, %dma_wait3A_232] : memref<4x128x16xf32, #tpu.memory_space<vmem>> -> memref<1x128x16xf32, #tpu.memory_space<vmem>>
      %dma_wait3A_234 = tpu.memref_squeeze %dma_wait3A_233 : memref<1x128x16xf32, #tpu.memory_space<vmem>> -> memref<128x16xf32, #tpu.memory_space<vmem>>
      %dma_wait3A_235 = arith.constant 0 : i32
      %dma_wait3A_236 = tpu.memref_slice %arg8[%dma_wait3A_230, %dma_wait3A_235] : memref<40x128xi32, #tpu.memory_space<vmem>> -> memref<1x128xi32, #tpu.memory_space<vmem>>
      %dma_wait3A_237 = tpu.memref_squeeze %dma_wait3A_236 : memref<1x128xi32, #tpu.memory_space<vmem>> -> memref<128xi32, #tpu.memory_space<vmem>>
      %dma_wait3A_238 = arith.constant 0 : i32
      %dma_wait3A_239 = arith.constant 0 : i32
      %dma_wait3A_240 = tpu.memref_slice %arg3[%dma_wait3A_238, %dma_wait3A_239] : memref<10000x16xf32, #tpu.memory_space<hbm>> -> memref<10000x16xf32, #tpu.memory_space<hbm>>
      %dma_wait3A_241 = tpu.memref_slice %arg13[%and3A_229] : memref<4x!tpu.dma_semaphore, #tpu.memory_space<semaphore_mem>> -> memref<1x!tpu.dma_semaphore, #tpu.memory_space<semaphore_mem>>
      %dma_wait3A_242 = tpu.memref_squeeze %dma_wait3A_241 : memref<1x!tpu.dma_semaphore, #tpu.memory_space<semaphore_mem>> -> memref<!tpu.dma_semaphore, #tpu.memory_space<semaphore_mem>>
      tpu.wait_indirect_dma semaphore(%dma_wait3A_242 : memref<!tpu.dma_semaphore, #tpu.memory_space<semaphore_mem>>) src(%dma_wait3A_240 : memref<10000x16xf32, #tpu.memory_space<hbm>>) dst(%dma_wait3A_234 : memref<128x16xf32, #tpu.memory_space<vmem>>)
      %and3A_243 = arith.constant 0 : i32
      %and3A_244 = arith.constant 3 : i32
      %and3A_245 = arith.andi %and3A_243, %and3A_244 : i32
      %dma_start3A_246 = arith.constant 0 : i32
      %dma_start3A_247 = arith.constant 0 : i32
      %dma_start3A_248 = arith.constant 0 : i32
      %dma_start3A_249 = tpu.memref_slice %arg10[%and3A_245, %dma_start3A_247, %dma_start3A_248] : memref<4x128x16xf32, #tpu.memory_space<vmem>> -> memref<1x128x16xf32, #tpu.memory_space<vmem>>
      %dma_start3A_250 = tpu.memref_squeeze %dma_start3A_249 : memref<1x128x16xf32, #tpu.memory_space<vmem>> -> memref<128x16xf32, #tpu.memory_space<vmem>>
      %dma_start3A_251 = arith.constant 0 : i32
      %dma_start3A_252 = tpu.memref_slice %arg9[%dma_start3A_246, %dma_start3A_251] : memref<40x128xi32, #tpu.memory_space<vmem>> -> memref<1x128xi32, #tpu.memory_space<vmem>>
      %dma_start3A_253 = tpu.memref_squeeze %dma_start3A_252 : memref<1x128xi32, #tpu.memory_space<vmem>> -> memref<128xi32, #tpu.memory_space<vmem>>
      %dma_start3A_254 = arith.constant 0 : i32
      %dma_start3A_255 = arith.constant 0 : i32
      %dma_start3A_256 = tpu.memref_slice %arg7[%dma_start3A_254, %dma_start3A_255] : memref<10000x16xf32, #tpu.memory_space<vmem_shared>> -> memref<10000x16xf32, #tpu.memory_space<vmem_shared>>
      %dma_start3A_257 = tpu.memref_slice %arg14[%and3A_245] : memref<4x!tpu.dma_semaphore, #tpu.memory_space<semaphore_mem>> -> memref<1x!tpu.dma_semaphore, #tpu.memory_space<semaphore_mem>>
      %dma_start3A_258 = tpu.memref_squeeze %dma_start3A_257 : memref<1x!tpu.dma_semaphore, #tpu.memory_space<semaphore_mem>> -> memref<!tpu.dma_semaphore, #tpu.memory_space<semaphore_mem>>
      tpu.enqueue_indirect_dma source(%dma_start3A_250 : memref<128x16xf32, #tpu.memory_space<vmem>>) target(%dma_start3A_256 : memref<10000x16xf32, #tpu.memory_space<vmem_shared>>) offsets(%dma_start3A_253 : memref<128xi32, #tpu.memory_space<vmem>>) semaphore(%dma_start3A_258 : memref<!tpu.dma_semaphore, #tpu.memory_space<semaphore_mem>>) {add = true}
    } else {
    }
    %ge3A_177 = arith.constant 3 : i32
    %ge3A_178 = arith.cmpi sge, %add3A_6, %ge3A_177 : i32
    %convert_element_type3A_179 = arith.extui %ge3A_178 : i1 to i32
    %cond3A_180 = arith.constant 0 : i32
    %cond3A_181 = arith.cmpi ne, %convert_element_type3A_179, %cond3A_180 : i32
    scf.if %cond3A_181 {
      %and3A = arith.constant 2 : i32
      %and3A_228 = arith.constant 3 : i32
      %and3A_229 = arith.andi %and3A, %and3A_228 : i32
      %dma_start3A_230 = arith.constant 2 : i32
      %dma_start3A_231 = arith.constant 0 : i32
      %dma_start3A_232 = arith.constant 0 : i32
      %dma_start3A_233 = tpu.memref_slice %arg10[%and3A_229, %dma_start3A_231, %dma_start3A_232] : memref<4x128x16xf32, #tpu.memory_space<vmem>> -> memref<1x128x16xf32, #tpu.memory_space<vmem>>
      %dma_start3A_234 = tpu.memref_squeeze %dma_start3A_233 : memref<1x128x16xf32, #tpu.memory_space<vmem>> -> memref<128x16xf32, #tpu.memory_space<vmem>>
      %dma_start3A_235 = arith.constant 0 : i32
      %dma_start3A_236 = tpu.memref_slice %arg8[%dma_start3A_230, %dma_start3A_235] : memref<40x128xi32, #tpu.memory_space<vmem>> -> memref<1x128xi32, #tpu.memory_space<vmem>>
      %dma_start3A_237 = tpu.memref_squeeze %dma_start3A_236 : memref<1x128xi32, #tpu.memory_space<vmem>> -> memref<128xi32, #tpu.memory_space<vmem>>
      %dma_start3A_238 = arith.constant 0 : i32
      %dma_start3A_239 = arith.constant 0 : i32
      %dma_start3A_240 = tpu.memref_slice %arg3[%dma_start3A_238, %dma_start3A_239] : memref<10000x16xf32, #tpu.memory_space<hbm>> -> memref<10000x16xf32, #tpu.memory_space<hbm>>
      %dma_start3A_241 = tpu.memref_slice %arg13[%and3A_229] : memref<4x!tpu.dma_semaphore, #tpu.memory_space<semaphore_mem>> -> memref<1x!tpu.dma_semaphore, #tpu.memory_space<semaphore_mem>>
      %dma_start3A_242 = tpu.memref_squeeze %dma_start3A_241 : memref<1x!tpu.dma_semaphore, #tpu.memory_space<semaphore_mem>> -> memref<!tpu.dma_semaphore, #tpu.memory_space<semaphore_mem>>
      tpu.enqueue_indirect_dma source(%dma_start3A_240 : memref<10000x16xf32, #tpu.memory_space<hbm>>) target(%dma_start3A_234 : memref<128x16xf32, #tpu.memory_space<vmem>>) offsets(%dma_start3A_237 : memref<128xi32, #tpu.memory_space<vmem>>) semaphore(%dma_start3A_242 : memref<!tpu.dma_semaphore, #tpu.memory_space<semaphore_mem>>)
    } else {
    }
    %ge3A_182 = arith.constant 2 : i32
    %ge3A_183 = arith.cmpi sge, %add3A_6, %ge3A_182 : i32
    %convert_element_type3A_184 = arith.extui %ge3A_183 : i1 to i32
    %cond3A_185 = arith.constant 0 : i32
    %cond3A_186 = arith.cmpi ne, %convert_element_type3A_184, %cond3A_185 : i32
    scf.if %cond3A_186 {
      %and3A = arith.constant 1 : i32
      %and3A_228 = arith.constant 3 : i32
      %and3A_229 = arith.andi %and3A, %and3A_228 : i32
      %dma_wait3A_230 = arith.constant 1 : i32
      %dma_wait3A_231 = arith.constant 0 : i32
      %dma_wait3A_232 = arith.constant 0 : i32
      %dma_wait3A_233 = tpu.memref_slice %arg10[%and3A_229, %dma_wait3A_231, %dma_wait3A_232] : memref<4x128x16xf32, #tpu.memory_space<vmem>> -> memref<1x128x16xf32, #tpu.memory_space<vmem>>
      %dma_wait3A_234 = tpu.memref_squeeze %dma_wait3A_233 : memref<1x128x16xf32, #tpu.memory_space<vmem>> -> memref<128x16xf32, #tpu.memory_space<vmem>>
      %dma_wait3A_235 = arith.constant 0 : i32
      %dma_wait3A_236 = tpu.memref_slice %arg8[%dma_wait3A_230, %dma_wait3A_235] : memref<40x128xi32, #tpu.memory_space<vmem>> -> memref<1x128xi32, #tpu.memory_space<vmem>>
      %dma_wait3A_237 = tpu.memref_squeeze %dma_wait3A_236 : memref<1x128xi32, #tpu.memory_space<vmem>> -> memref<128xi32, #tpu.memory_space<vmem>>
      %dma_wait3A_238 = arith.constant 0 : i32
      %dma_wait3A_239 = arith.constant 0 : i32
      %dma_wait3A_240 = tpu.memref_slice %arg3[%dma_wait3A_238, %dma_wait3A_239] : memref<10000x16xf32, #tpu.memory_space<hbm>> -> memref<10000x16xf32, #tpu.memory_space<hbm>>
      %dma_wait3A_241 = tpu.memref_slice %arg13[%and3A_229] : memref<4x!tpu.dma_semaphore, #tpu.memory_space<semaphore_mem>> -> memref<1x!tpu.dma_semaphore, #tpu.memory_space<semaphore_mem>>
      %dma_wait3A_242 = tpu.memref_squeeze %dma_wait3A_241 : memref<1x!tpu.dma_semaphore, #tpu.memory_space<semaphore_mem>> -> memref<!tpu.dma_semaphore, #tpu.memory_space<semaphore_mem>>
      tpu.wait_indirect_dma semaphore(%dma_wait3A_242 : memref<!tpu.dma_semaphore, #tpu.memory_space<semaphore_mem>>) src(%dma_wait3A_240 : memref<10000x16xf32, #tpu.memory_space<hbm>>) dst(%dma_wait3A_234 : memref<128x16xf32, #tpu.memory_space<vmem>>)
      %and3A_243 = arith.constant 1 : i32
      %and3A_244 = arith.constant 3 : i32
      %and3A_245 = arith.andi %and3A_243, %and3A_244 : i32
      %dma_start3A_246 = arith.constant 1 : i32
      %dma_start3A_247 = arith.constant 0 : i32
      %dma_start3A_248 = arith.constant 0 : i32
      %dma_start3A_249 = tpu.memref_slice %arg10[%and3A_245, %dma_start3A_247, %dma_start3A_248] : memref<4x128x16xf32, #tpu.memory_space<vmem>> -> memref<1x128x16xf32, #tpu.memory_space<vmem>>
      %dma_start3A_250 = tpu.memref_squeeze %dma_start3A_249 : memref<1x128x16xf32, #tpu.memory_space<vmem>> -> memref<128x16xf32, #tpu.memory_space<vmem>>
      %dma_start3A_251 = arith.constant 0 : i32
      %dma_start3A_252 = tpu.memref_slice %arg9[%dma_start3A_246, %dma_start3A_251] : memref<40x128xi32, #tpu.memory_space<vmem>> -> memref<1x128xi32, #tpu.memory_space<vmem>>
      %dma_start3A_253 = tpu.memref_squeeze %dma_start3A_252 : memref<1x128xi32, #tpu.memory_space<vmem>> -> memref<128xi32, #tpu.memory_space<vmem>>
      %dma_start3A_254 = arith.constant 0 : i32
      %dma_start3A_255 = arith.constant 0 : i32
      %dma_start3A_256 = tpu.memref_slice %arg7[%dma_start3A_254, %dma_start3A_255] : memref<10000x16xf32, #tpu.memory_space<vmem_shared>> -> memref<10000x16xf32, #tpu.memory_space<vmem_shared>>
      %dma_start3A_257 = tpu.memref_slice %arg14[%and3A_245] : memref<4x!tpu.dma_semaphore, #tpu.memory_space<semaphore_mem>> -> memref<1x!tpu.dma_semaphore, #tpu.memory_space<semaphore_mem>>
      %dma_start3A_258 = tpu.memref_squeeze %dma_start3A_257 : memref<1x!tpu.dma_semaphore, #tpu.memory_space<semaphore_mem>> -> memref<!tpu.dma_semaphore, #tpu.memory_space<semaphore_mem>>
      tpu.enqueue_indirect_dma source(%dma_start3A_250 : memref<128x16xf32, #tpu.memory_space<vmem>>) target(%dma_start3A_256 : memref<10000x16xf32, #tpu.memory_space<vmem_shared>>) offsets(%dma_start3A_253 : memref<128xi32, #tpu.memory_space<vmem>>) semaphore(%dma_start3A_258 : memref<!tpu.dma_semaphore, #tpu.memory_space<semaphore_mem>>) {add = true}
    } else {
    }
    %ge3A_187 = arith.constant 4 : i32
    %ge3A_188 = arith.cmpi sge, %add3A_6, %ge3A_187 : i32
    %convert_element_type3A_189 = arith.extui %ge3A_188 : i1 to i32
    %cond3A_190 = arith.constant 0 : i32
    %cond3A_191 = arith.cmpi ne, %convert_element_type3A_189, %cond3A_190 : i32
    scf.if %cond3A_191 {
      %and3A = arith.constant 3 : i32
      %and3A_228 = arith.constant 3 : i32
      %and3A_229 = arith.andi %and3A, %and3A_228 : i32
      %dma_start3A_230 = arith.constant 3 : i32
      %dma_start3A_231 = arith.constant 0 : i32
      %dma_start3A_232 = arith.constant 0 : i32
      %dma_start3A_233 = tpu.memref_slice %arg10[%and3A_229, %dma_start3A_231, %dma_start3A_232] : memref<4x128x16xf32, #tpu.memory_space<vmem>> -> memref<1x128x16xf32, #tpu.memory_space<vmem>>
      %dma_start3A_234 = tpu.memref_squeeze %dma_start3A_233 : memref<1x128x16xf32, #tpu.memory_space<vmem>> -> memref<128x16xf32, #tpu.memory_space<vmem>>
      %dma_start3A_235 = arith.constant 0 : i32
      %dma_start3A_236 = tpu.memref_slice %arg8[%dma_start3A_230, %dma_start3A_235] : memref<40x128xi32, #tpu.memory_space<vmem>> -> memref<1x128xi32, #tpu.memory_space<vmem>>
      %dma_start3A_237 = tpu.memref_squeeze %dma_start3A_236 : memref<1x128xi32, #tpu.memory_space<vmem>> -> memref<128xi32, #tpu.memory_space<vmem>>
      %dma_start3A_238 = arith.constant 0 : i32
      %dma_start3A_239 = arith.constant 0 : i32
      %dma_start3A_240 = tpu.memref_slice %arg3[%dma_start3A_238, %dma_start3A_239] : memref<10000x16xf32, #tpu.memory_space<hbm>> -> memref<10000x16xf32, #tpu.memory_space<hbm>>
      %dma_start3A_241 = tpu.memref_slice %arg13[%and3A_229] : memref<4x!tpu.dma_semaphore, #tpu.memory_space<semaphore_mem>> -> memref<1x!tpu.dma_semaphore, #tpu.memory_space<semaphore_mem>>
      %dma_start3A_242 = tpu.memref_squeeze %dma_start3A_241 : memref<1x!tpu.dma_semaphore, #tpu.memory_space<semaphore_mem>> -> memref<!tpu.dma_semaphore, #tpu.memory_space<semaphore_mem>>
      tpu.enqueue_indirect_dma source(%dma_start3A_240 : memref<10000x16xf32, #tpu.memory_space<hbm>>) target(%dma_start3A_234 : memref<128x16xf32, #tpu.memory_space<vmem>>) offsets(%dma_start3A_237 : memref<128xi32, #tpu.memory_space<vmem>>) semaphore(%dma_start3A_242 : memref<!tpu.dma_semaphore, #tpu.memory_space<semaphore_mem>>)
    } else {
    }
    %sub3A_192 = arith.constant 2 : i32
    %sub3A_193 = arith.subi %add3A_6, %sub3A_192 : i32
    %max3A_194 = arith.constant 2 : i32
    %max3A_195 = arith.maxsi %sub3A_193, %max3A_194 : i32
    %while3A_196 = arith.constant 0 : i32
    %while3A_197 = arith.constant 2 : i32
    %while3A_198 = arith.subi %max3A_195, %while3A_197 : i32
    %while3A_199 = arith.addi %while3A_197, %while3A_198 : i32
    %while3A_200 = arith.constant 1 : i32
    %while3A_201 = arith.divsi %while3A_198, %while3A_200 : i32
    %while3A_202 = arith.muli %while3A_201, %while3A_200 : i32
    %while3A_203 = arith.addi %while3A_197, %while3A_202 : i32
    %while3A_204 = arith.constant 1 : i32
    scf.for %while3A_228 = %while3A_197 to %while3A_203 step %while3A_204  : i32 {
      %and3A = arith.constant 3 : i32
      %and3A_229 = arith.andi %while3A_228, %and3A : i32
      %dma_wait3A_230 = arith.constant 0 : i32
      %dma_wait3A_231 = arith.constant 0 : i32
      %dma_wait3A_232 = tpu.memref_slice %arg10[%and3A_229, %dma_wait3A_230, %dma_wait3A_231] : memref<4x128x16xf32, #tpu.memory_space<vmem>> -> memref<1x128x16xf32, #tpu.memory_space<vmem>>
      %dma_wait3A_233 = tpu.memref_squeeze %dma_wait3A_232 : memref<1x128x16xf32, #tpu.memory_space<vmem>> -> memref<128x16xf32, #tpu.memory_space<vmem>>
      %dma_wait3A_234 = arith.constant 0 : i32
      %dma_wait3A_235 = tpu.memref_slice %arg8[%while3A_228, %dma_wait3A_234] : memref<40x128xi32, #tpu.memory_space<vmem>> -> memref<1x128xi32, #tpu.memory_space<vmem>>
      %dma_wait3A_236 = tpu.memref_squeeze %dma_wait3A_235 : memref<1x128xi32, #tpu.memory_space<vmem>> -> memref<128xi32, #tpu.memory_space<vmem>>
      %dma_wait3A_237 = arith.constant 0 : i32
      %dma_wait3A_238 = arith.constant 0 : i32
      %dma_wait3A_239 = tpu.memref_slice %arg3[%dma_wait3A_237, %dma_wait3A_238] : memref<10000x16xf32, #tpu.memory_space<hbm>> -> memref<10000x16xf32, #tpu.memory_space<hbm>>
      %dma_wait3A_240 = tpu.memref_slice %arg13[%and3A_229] : memref<4x!tpu.dma_semaphore, #tpu.memory_space<semaphore_mem>> -> memref<1x!tpu.dma_semaphore, #tpu.memory_space<semaphore_mem>>
      %dma_wait3A_241 = tpu.memref_squeeze %dma_wait3A_240 : memref<1x!tpu.dma_semaphore, #tpu.memory_space<semaphore_mem>> -> memref<!tpu.dma_semaphore, #tpu.memory_space<semaphore_mem>>
      tpu.wait_indirect_dma semaphore(%dma_wait3A_241 : memref<!tpu.dma_semaphore, #tpu.memory_space<semaphore_mem>>) src(%dma_wait3A_239 : memref<10000x16xf32, #tpu.memory_space<hbm>>) dst(%dma_wait3A_233 : memref<128x16xf32, #tpu.memory_space<vmem>>)
      %and3A_242 = arith.constant 3 : i32
      %and3A_243 = arith.andi %while3A_228, %and3A_242 : i32
      %dma_start3A_244 = arith.constant 0 : i32
      %dma_start3A_245 = arith.constant 0 : i32
      %dma_start3A_246 = tpu.memref_slice %arg10[%and3A_243, %dma_start3A_244, %dma_start3A_245] : memref<4x128x16xf32, #tpu.memory_space<vmem>> -> memref<1x128x16xf32, #tpu.memory_space<vmem>>
      %dma_start3A_247 = tpu.memref_squeeze %dma_start3A_246 : memref<1x128x16xf32, #tpu.memory_space<vmem>> -> memref<128x16xf32, #tpu.memory_space<vmem>>
      %dma_start3A_248 = arith.constant 0 : i32
      %dma_start3A_249 = tpu.memref_slice %arg9[%while3A_228, %dma_start3A_248] : memref<40x128xi32, #tpu.memory_space<vmem>> -> memref<1x128xi32, #tpu.memory_space<vmem>>
      %dma_start3A_250 = tpu.memref_squeeze %dma_start3A_249 : memref<1x128xi32, #tpu.memory_space<vmem>> -> memref<128xi32, #tpu.memory_space<vmem>>
      %dma_start3A_251 = arith.constant 0 : i32
      %dma_start3A_252 = arith.constant 0 : i32
      %dma_start3A_253 = tpu.memref_slice %arg7[%dma_start3A_251, %dma_start3A_252] : memref<10000x16xf32, #tpu.memory_space<vmem_shared>> -> memref<10000x16xf32, #tpu.memory_space<vmem_shared>>
      %dma_start3A_254 = tpu.memref_slice %arg14[%and3A_243] : memref<4x!tpu.dma_semaphore, #tpu.memory_space<semaphore_mem>> -> memref<1x!tpu.dma_semaphore, #tpu.memory_space<semaphore_mem>>
      %dma_start3A_255 = tpu.memref_squeeze %dma_start3A_254 : memref<1x!tpu.dma_semaphore, #tpu.memory_space<semaphore_mem>> -> memref<!tpu.dma_semaphore, #tpu.memory_space<semaphore_mem>>
      tpu.enqueue_indirect_dma source(%dma_start3A_247 : memref<128x16xf32, #tpu.memory_space<vmem>>) target(%dma_start3A_253 : memref<10000x16xf32, #tpu.memory_space<vmem_shared>>) offsets(%dma_start3A_250 : memref<128xi32, #tpu.memory_space<vmem>>) semaphore(%dma_start3A_255 : memref<!tpu.dma_semaphore, #tpu.memory_space<semaphore_mem>>) {add = true}
      %sub3A_256 = arith.constant 2 : i32
      %sub3A_257 = arith.subi %while3A_228, %sub3A_256 : i32
      %and3A_258 = arith.constant 3 : i32
      %and3A_259 = arith.andi %sub3A_257, %and3A_258 : i32
      %dma_wait3A_260 = arith.constant 0 : i32
      %dma_wait3A_261 = arith.constant 0 : i32
      %dma_wait3A_262 = tpu.memref_slice %arg10[%and3A_259, %dma_wait3A_260, %dma_wait3A_261] : memref<4x128x16xf32, #tpu.memory_space<vmem>> -> memref<1x128x16xf32, #tpu.memory_space<vmem>>
      %dma_wait3A_263 = tpu.memref_squeeze %dma_wait3A_262 : memref<1x128x16xf32, #tpu.memory_space<vmem>> -> memref<128x16xf32, #tpu.memory_space<vmem>>
      %dma_wait3A_264 = arith.constant 0 : i32
      %dma_wait3A_265 = tpu.memref_slice %arg9[%sub3A_257, %dma_wait3A_264] : memref<40x128xi32, #tpu.memory_space<vmem>> -> memref<1x128xi32, #tpu.memory_space<vmem>>
      %dma_wait3A_266 = tpu.memref_squeeze %dma_wait3A_265 : memref<1x128xi32, #tpu.memory_space<vmem>> -> memref<128xi32, #tpu.memory_space<vmem>>
      %dma_wait3A_267 = arith.constant 0 : i32
      %dma_wait3A_268 = arith.constant 0 : i32
      %dma_wait3A_269 = tpu.memref_slice %arg7[%dma_wait3A_267, %dma_wait3A_268] : memref<10000x16xf32, #tpu.memory_space<vmem_shared>> -> memref<10000x16xf32, #tpu.memory_space<vmem_shared>>
      %dma_wait3A_270 = tpu.memref_slice %arg14[%and3A_259] : memref<4x!tpu.dma_semaphore, #tpu.memory_space<semaphore_mem>> -> memref<1x!tpu.dma_semaphore, #tpu.memory_space<semaphore_mem>>
      %dma_wait3A_271 = tpu.memref_squeeze %dma_wait3A_270 : memref<1x!tpu.dma_semaphore, #tpu.memory_space<semaphore_mem>> -> memref<!tpu.dma_semaphore, #tpu.memory_space<semaphore_mem>>
      tpu.wait_indirect_dma semaphore(%dma_wait3A_271 : memref<!tpu.dma_semaphore, #tpu.memory_space<semaphore_mem>>) src(%dma_wait3A_263 : memref<128x16xf32, #tpu.memory_space<vmem>>) dst(%dma_wait3A_269 : memref<10000x16xf32, #tpu.memory_space<vmem_shared>>)
      %add3A_272 = arith.constant 2 : i32
      %add3A_273 = arith.addi %while3A_228, %add3A_272 : i32
      %and3A_274 = arith.constant 3 : i32
      %and3A_275 = arith.andi %add3A_273, %and3A_274 : i32
      %dma_start3A_276 = arith.constant 0 : i32
      %dma_start3A_277 = arith.constant 0 : i32
      %dma_start3A_278 = tpu.memref_slice %arg10[%and3A_275, %dma_start3A_276, %dma_start3A_277] : memref<4x128x16xf32, #tpu.memory_space<vmem>> -> memref<1x128x16xf32, #tpu.memory_space<vmem>>
      %dma_start3A_279 = tpu.memref_squeeze %dma_start3A_278 : memref<1x128x16xf32, #tpu.memory_space<vmem>> -> memref<128x16xf32, #tpu.memory_space<vmem>>
      %dma_start3A_280 = arith.constant 0 : i32
      %dma_start3A_281 = tpu.memref_slice %arg8[%add3A_273, %dma_start3A_280] : memref<40x128xi32, #tpu.memory_space<vmem>> -> memref<1x128xi32, #tpu.memory_space<vmem>>
      %dma_start3A_282 = tpu.memref_squeeze %dma_start3A_281 : memref<1x128xi32, #tpu.memory_space<vmem>> -> memref<128xi32, #tpu.memory_space<vmem>>
      %dma_start3A_283 = arith.constant 0 : i32
      %dma_start3A_284 = arith.constant 0 : i32
      %dma_start3A_285 = tpu.memref_slice %arg3[%dma_start3A_283, %dma_start3A_284] : memref<10000x16xf32, #tpu.memory_space<hbm>> -> memref<10000x16xf32, #tpu.memory_space<hbm>>
      %dma_start3A_286 = tpu.memref_slice %arg13[%and3A_275] : memref<4x!tpu.dma_semaphore, #tpu.memory_space<semaphore_mem>> -> memref<1x!tpu.dma_semaphore, #tpu.memory_space<semaphore_mem>>
      %dma_start3A_287 = tpu.memref_squeeze %dma_start3A_286 : memref<1x!tpu.dma_semaphore, #tpu.memory_space<semaphore_mem>> -> memref<!tpu.dma_semaphore, #tpu.memory_space<semaphore_mem>>
      tpu.enqueue_indirect_dma source(%dma_start3A_285 : memref<10000x16xf32, #tpu.memory_space<hbm>>) target(%dma_start3A_279 : memref<128x16xf32, #tpu.memory_space<vmem>>) offsets(%dma_start3A_282 : memref<128xi32, #tpu.memory_space<vmem>>) semaphore(%dma_start3A_287 : memref<!tpu.dma_semaphore, #tpu.memory_space<semaphore_mem>>)
    }
    %while3A_205 = arith.constant 1 : i32
    scf.for %while3A_228 = %while3A_203 to %while3A_199 step %while3A_205  : i32 {
      %and3A = arith.constant 3 : i32
      %and3A_229 = arith.andi %while3A_228, %and3A : i32
      %dma_wait3A_230 = arith.constant 0 : i32
      %dma_wait3A_231 = arith.constant 0 : i32
      %dma_wait3A_232 = tpu.memref_slice %arg10[%and3A_229, %dma_wait3A_230, %dma_wait3A_231] : memref<4x128x16xf32, #tpu.memory_space<vmem>> -> memref<1x128x16xf32, #tpu.memory_space<vmem>>
      %dma_wait3A_233 = tpu.memref_squeeze %dma_wait3A_232 : memref<1x128x16xf32, #tpu.memory_space<vmem>> -> memref<128x16xf32, #tpu.memory_space<vmem>>
      %dma_wait3A_234 = arith.constant 0 : i32
      %dma_wait3A_235 = tpu.memref_slice %arg8[%while3A_228, %dma_wait3A_234] : memref<40x128xi32, #tpu.memory_space<vmem>> -> memref<1x128xi32, #tpu.memory_space<vmem>>
      %dma_wait3A_236 = tpu.memref_squeeze %dma_wait3A_235 : memref<1x128xi32, #tpu.memory_space<vmem>> -> memref<128xi32, #tpu.memory_space<vmem>>
      %dma_wait3A_237 = arith.constant 0 : i32
      %dma_wait3A_238 = arith.constant 0 : i32
      %dma_wait3A_239 = tpu.memref_slice %arg3[%dma_wait3A_237, %dma_wait3A_238] : memref<10000x16xf32, #tpu.memory_space<hbm>> -> memref<10000x16xf32, #tpu.memory_space<hbm>>
      %dma_wait3A_240 = tpu.memref_slice %arg13[%and3A_229] : memref<4x!tpu.dma_semaphore, #tpu.memory_space<semaphore_mem>> -> memref<1x!tpu.dma_semaphore, #tpu.memory_space<semaphore_mem>>
      %dma_wait3A_241 = tpu.memref_squeeze %dma_wait3A_240 : memref<1x!tpu.dma_semaphore, #tpu.memory_space<semaphore_mem>> -> memref<!tpu.dma_semaphore, #tpu.memory_space<semaphore_mem>>
      tpu.wait_indirect_dma semaphore(%dma_wait3A_241 : memref<!tpu.dma_semaphore, #tpu.memory_space<semaphore_mem>>) src(%dma_wait3A_239 : memref<10000x16xf32, #tpu.memory_space<hbm>>) dst(%dma_wait3A_233 : memref<128x16xf32, #tpu.memory_space<vmem>>)
      %and3A_242 = arith.constant 3 : i32
      %and3A_243 = arith.andi %while3A_228, %and3A_242 : i32
      %dma_start3A_244 = arith.constant 0 : i32
      %dma_start3A_245 = arith.constant 0 : i32
      %dma_start3A_246 = tpu.memref_slice %arg10[%and3A_243, %dma_start3A_244, %dma_start3A_245] : memref<4x128x16xf32, #tpu.memory_space<vmem>> -> memref<1x128x16xf32, #tpu.memory_space<vmem>>
      %dma_start3A_247 = tpu.memref_squeeze %dma_start3A_246 : memref<1x128x16xf32, #tpu.memory_space<vmem>> -> memref<128x16xf32, #tpu.memory_space<vmem>>
      %dma_start3A_248 = arith.constant 0 : i32
      %dma_start3A_249 = tpu.memref_slice %arg9[%while3A_228, %dma_start3A_248] : memref<40x128xi32, #tpu.memory_space<vmem>> -> memref<1x128xi32, #tpu.memory_space<vmem>>
      %dma_start3A_250 = tpu.memref_squeeze %dma_start3A_249 : memref<1x128xi32, #tpu.memory_space<vmem>> -> memref<128xi32, #tpu.memory_space<vmem>>
      %dma_start3A_251 = arith.constant 0 : i32
      %dma_start3A_252 = arith.constant 0 : i32
      %dma_start3A_253 = tpu.memref_slice %arg7[%dma_start3A_251, %dma_start3A_252] : memref<10000x16xf32, #tpu.memory_space<vmem_shared>> -> memref<10000x16xf32, #tpu.memory_space<vmem_shared>>
      %dma_start3A_254 = tpu.memref_slice %arg14[%and3A_243] : memref<4x!tpu.dma_semaphore, #tpu.memory_space<semaphore_mem>> -> memref<1x!tpu.dma_semaphore, #tpu.memory_space<semaphore_mem>>
      %dma_start3A_255 = tpu.memref_squeeze %dma_start3A_254 : memref<1x!tpu.dma_semaphore, #tpu.memory_space<semaphore_mem>> -> memref<!tpu.dma_semaphore, #tpu.memory_space<semaphore_mem>>
      tpu.enqueue_indirect_dma source(%dma_start3A_247 : memref<128x16xf32, #tpu.memory_space<vmem>>) target(%dma_start3A_253 : memref<10000x16xf32, #tpu.memory_space<vmem_shared>>) offsets(%dma_start3A_250 : memref<128xi32, #tpu.memory_space<vmem>>) semaphore(%dma_start3A_255 : memref<!tpu.dma_semaphore, #tpu.memory_space<semaphore_mem>>) {add = true}
      %sub3A_256 = arith.constant 2 : i32
      %sub3A_257 = arith.subi %while3A_228, %sub3A_256 : i32
      %and3A_258 = arith.constant 3 : i32
      %and3A_259 = arith.andi %sub3A_257, %and3A_258 : i32
      %dma_wait3A_260 = arith.constant 0 : i32
      %dma_wait3A_261 = arith.constant 0 : i32
      %dma_wait3A_262 = tpu.memref_slice %arg10[%and3A_259, %dma_wait3A_260, %dma_wait3A_261] : memref<4x128x16xf32, #tpu.memory_space<vmem>> -> memref<1x128x16xf32, #tpu.memory_space<vmem>>
      %dma_wait3A_263 = tpu.memref_squeeze %dma_wait3A_262 : memref<1x128x16xf32, #tpu.memory_space<vmem>> -> memref<128x16xf32, #tpu.memory_space<vmem>>
      %dma_wait3A_264 = arith.constant 0 : i32
      %dma_wait3A_265 = tpu.memref_slice %arg9[%sub3A_257, %dma_wait3A_264] : memref<40x128xi32, #tpu.memory_space<vmem>> -> memref<1x128xi32, #tpu.memory_space<vmem>>
      %dma_wait3A_266 = tpu.memref_squeeze %dma_wait3A_265 : memref<1x128xi32, #tpu.memory_space<vmem>> -> memref<128xi32, #tpu.memory_space<vmem>>
      %dma_wait3A_267 = arith.constant 0 : i32
      %dma_wait3A_268 = arith.constant 0 : i32
      %dma_wait3A_269 = tpu.memref_slice %arg7[%dma_wait3A_267, %dma_wait3A_268] : memref<10000x16xf32, #tpu.memory_space<vmem_shared>> -> memref<10000x16xf32, #tpu.memory_space<vmem_shared>>
      %dma_wait3A_270 = tpu.memref_slice %arg14[%and3A_259] : memref<4x!tpu.dma_semaphore, #tpu.memory_space<semaphore_mem>> -> memref<1x!tpu.dma_semaphore, #tpu.memory_space<semaphore_mem>>
      %dma_wait3A_271 = tpu.memref_squeeze %dma_wait3A_270 : memref<1x!tpu.dma_semaphore, #tpu.memory_space<semaphore_mem>> -> memref<!tpu.dma_semaphore, #tpu.memory_space<semaphore_mem>>
      tpu.wait_indirect_dma semaphore(%dma_wait3A_271 : memref<!tpu.dma_semaphore, #tpu.memory_space<semaphore_mem>>) src(%dma_wait3A_263 : memref<128x16xf32, #tpu.memory_space<vmem>>) dst(%dma_wait3A_269 : memref<10000x16xf32, #tpu.memory_space<vmem_shared>>)
      %add3A_272 = arith.constant 2 : i32
      %add3A_273 = arith.addi %while3A_228, %add3A_272 : i32
      %and3A_274 = arith.constant 3 : i32
      %and3A_275 = arith.andi %add3A_273, %and3A_274 : i32
      %dma_start3A_276 = arith.constant 0 : i32
      %dma_start3A_277 = arith.constant 0 : i32
      %dma_start3A_278 = tpu.memref_slice %arg10[%and3A_275, %dma_start3A_276, %dma_start3A_277] : memref<4x128x16xf32, #tpu.memory_space<vmem>> -> memref<1x128x16xf32, #tpu.memory_space<vmem>>
      %dma_start3A_279 = tpu.memref_squeeze %dma_start3A_278 : memref<1x128x16xf32, #tpu.memory_space<vmem>> -> memref<128x16xf32, #tpu.memory_space<vmem>>
      %dma_start3A_280 = arith.constant 0 : i32
      %dma_start3A_281 = tpu.memref_slice %arg8[%add3A_273, %dma_start3A_280] : memref<40x128xi32, #tpu.memory_space<vmem>> -> memref<1x128xi32, #tpu.memory_space<vmem>>
      %dma_start3A_282 = tpu.memref_squeeze %dma_start3A_281 : memref<1x128xi32, #tpu.memory_space<vmem>> -> memref<128xi32, #tpu.memory_space<vmem>>
      %dma_start3A_283 = arith.constant 0 : i32
      %dma_start3A_284 = arith.constant 0 : i32
      %dma_start3A_285 = tpu.memref_slice %arg3[%dma_start3A_283, %dma_start3A_284] : memref<10000x16xf32, #tpu.memory_space<hbm>> -> memref<10000x16xf32, #tpu.memory_space<hbm>>
      %dma_start3A_286 = tpu.memref_slice %arg13[%and3A_275] : memref<4x!tpu.dma_semaphore, #tpu.memory_space<semaphore_mem>> -> memref<1x!tpu.dma_semaphore, #tpu.memory_space<semaphore_mem>>
      %dma_start3A_287 = tpu.memref_squeeze %dma_start3A_286 : memref<1x!tpu.dma_semaphore, #tpu.memory_space<semaphore_mem>> -> memref<!tpu.dma_semaphore, #tpu.memory_space<semaphore_mem>>
      tpu.enqueue_indirect_dma source(%dma_start3A_285 : memref<10000x16xf32, #tpu.memory_space<hbm>>) target(%dma_start3A_279 : memref<128x16xf32, #tpu.memory_space<vmem>>) offsets(%dma_start3A_282 : memref<128xi32, #tpu.memory_space<vmem>>) semaphore(%dma_start3A_287 : memref<!tpu.dma_semaphore, #tpu.memory_space<semaphore_mem>>)
    }
    %ge3A_206 = arith.constant 4 : i32
    %ge3A_207 = arith.cmpi sge, %add3A_6, %ge3A_206 : i32
    %convert_element_type3A_208 = arith.extui %ge3A_207 : i1 to i32
    %cond3A_209 = arith.constant 0 : i32
    %cond3A_210 = arith.cmpi ne, %convert_element_type3A_208, %cond3A_209 : i32
    scf.if %cond3A_210 {
      %sub3A_228 = arith.constant 2 : i32
      %sub3A_229 = arith.subi %add3A_6, %sub3A_228 : i32
      %and3A = arith.constant 3 : i32
      %and3A_230 = arith.andi %sub3A_229, %and3A : i32
      %dma_wait3A_231 = arith.constant 0 : i32
      %dma_wait3A_232 = arith.constant 0 : i32
      %dma_wait3A_233 = tpu.memref_slice %arg10[%and3A_230, %dma_wait3A_231, %dma_wait3A_232] : memref<4x128x16xf32, #tpu.memory_space<vmem>> -> memref<1x128x16xf32, #tpu.memory_space<vmem>>
      %dma_wait3A_234 = tpu.memref_squeeze %dma_wait3A_233 : memref<1x128x16xf32, #tpu.memory_space<vmem>> -> memref<128x16xf32, #tpu.memory_space<vmem>>
      %dma_wait3A_235 = arith.constant 0 : i32
      %dma_wait3A_236 = tpu.memref_slice %arg8[%sub3A_229, %dma_wait3A_235] : memref<40x128xi32, #tpu.memory_space<vmem>> -> memref<1x128xi32, #tpu.memory_space<vmem>>
      %dma_wait3A_237 = tpu.memref_squeeze %dma_wait3A_236 : memref<1x128xi32, #tpu.memory_space<vmem>> -> memref<128xi32, #tpu.memory_space<vmem>>
      %dma_wait3A_238 = arith.constant 0 : i32
      %dma_wait3A_239 = arith.constant 0 : i32
      %dma_wait3A_240 = tpu.memref_slice %arg3[%dma_wait3A_238, %dma_wait3A_239] : memref<10000x16xf32, #tpu.memory_space<hbm>> -> memref<10000x16xf32, #tpu.memory_space<hbm>>
      %dma_wait3A_241 = tpu.memref_slice %arg13[%and3A_230] : memref<4x!tpu.dma_semaphore, #tpu.memory_space<semaphore_mem>> -> memref<1x!tpu.dma_semaphore, #tpu.memory_space<semaphore_mem>>
      %dma_wait3A_242 = tpu.memref_squeeze %dma_wait3A_241 : memref<1x!tpu.dma_semaphore, #tpu.memory_space<semaphore_mem>> -> memref<!tpu.dma_semaphore, #tpu.memory_space<semaphore_mem>>
      tpu.wait_indirect_dma semaphore(%dma_wait3A_242 : memref<!tpu.dma_semaphore, #tpu.memory_space<semaphore_mem>>) src(%dma_wait3A_240 : memref<10000x16xf32, #tpu.memory_space<hbm>>) dst(%dma_wait3A_234 : memref<128x16xf32, #tpu.memory_space<vmem>>)
      %sub3A_243 = arith.constant 2 : i32
      %sub3A_244 = arith.subi %add3A_6, %sub3A_243 : i32
      %and3A_245 = arith.constant 3 : i32
      %and3A_246 = arith.andi %sub3A_244, %and3A_245 : i32
      %dma_start3A_247 = arith.constant 0 : i32
      %dma_start3A_248 = arith.constant 0 : i32
      %dma_start3A_249 = tpu.memref_slice %arg10[%and3A_246, %dma_start3A_247, %dma_start3A_248] : memref<4x128x16xf32, #tpu.memory_space<vmem>> -> memref<1x128x16xf32, #tpu.memory_space<vmem>>
      %dma_start3A_250 = tpu.memref_squeeze %dma_start3A_249 : memref<1x128x16xf32, #tpu.memory_space<vmem>> -> memref<128x16xf32, #tpu.memory_space<vmem>>
      %dma_start3A_251 = arith.constant 0 : i32
      %dma_start3A_252 = tpu.memref_slice %arg9[%sub3A_244, %dma_start3A_251] : memref<40x128xi32, #tpu.memory_space<vmem>> -> memref<1x128xi32, #tpu.memory_space<vmem>>
      %dma_start3A_253 = tpu.memref_squeeze %dma_start3A_252 : memref<1x128xi32, #tpu.memory_space<vmem>> -> memref<128xi32, #tpu.memory_space<vmem>>
      %dma_start3A_254 = arith.constant 0 : i32
      %dma_start3A_255 = arith.constant 0 : i32
      %dma_start3A_256 = tpu.memref_slice %arg7[%dma_start3A_254, %dma_start3A_255] : memref<10000x16xf32, #tpu.memory_space<vmem_shared>> -> memref<10000x16xf32, #tpu.memory_space<vmem_shared>>
      %dma_start3A_257 = tpu.memref_slice %arg14[%and3A_246] : memref<4x!tpu.dma_semaphore, #tpu.memory_space<semaphore_mem>> -> memref<1x!tpu.dma_semaphore, #tpu.memory_space<semaphore_mem>>
      %dma_start3A_258 = tpu.memref_squeeze %dma_start3A_257 : memref<1x!tpu.dma_semaphore, #tpu.memory_space<semaphore_mem>> -> memref<!tpu.dma_semaphore, #tpu.memory_space<semaphore_mem>>
      tpu.enqueue_indirect_dma source(%dma_start3A_250 : memref<128x16xf32, #tpu.memory_space<vmem>>) target(%dma_start3A_256 : memref<10000x16xf32, #tpu.memory_space<vmem_shared>>) offsets(%dma_start3A_253 : memref<128xi32, #tpu.memory_space<vmem>>) semaphore(%dma_start3A_258 : memref<!tpu.dma_semaphore, #tpu.memory_space<semaphore_mem>>) {add = true}
      %sub3A_259 = arith.constant 4 : i32
      %sub3A_260 = arith.subi %add3A_6, %sub3A_259 : i32
      %and3A_261 = arith.constant 3 : i32
      %and3A_262 = arith.andi %sub3A_260, %and3A_261 : i32
      %dma_wait3A_263 = arith.constant 0 : i32
      %dma_wait3A_264 = arith.constant 0 : i32
      %dma_wait3A_265 = tpu.memref_slice %arg10[%and3A_262, %dma_wait3A_263, %dma_wait3A_264] : memref<4x128x16xf32, #tpu.memory_space<vmem>> -> memref<1x128x16xf32, #tpu.memory_space<vmem>>
      %dma_wait3A_266 = tpu.memref_squeeze %dma_wait3A_265 : memref<1x128x16xf32, #tpu.memory_space<vmem>> -> memref<128x16xf32, #tpu.memory_space<vmem>>
      %dma_wait3A_267 = arith.constant 0 : i32
      %dma_wait3A_268 = tpu.memref_slice %arg9[%sub3A_260, %dma_wait3A_267] : memref<40x128xi32, #tpu.memory_space<vmem>> -> memref<1x128xi32, #tpu.memory_space<vmem>>
      %dma_wait3A_269 = tpu.memref_squeeze %dma_wait3A_268 : memref<1x128xi32, #tpu.memory_space<vmem>> -> memref<128xi32, #tpu.memory_space<vmem>>
      %dma_wait3A_270 = arith.constant 0 : i32
      %dma_wait3A_271 = arith.constant 0 : i32
      %dma_wait3A_272 = tpu.memref_slice %arg7[%dma_wait3A_270, %dma_wait3A_271] : memref<10000x16xf32, #tpu.memory_space<vmem_shared>> -> memref<10000x16xf32, #tpu.memory_space<vmem_shared>>
      %dma_wait3A_273 = tpu.memref_slice %arg14[%and3A_262] : memref<4x!tpu.dma_semaphore, #tpu.memory_space<semaphore_mem>> -> memref<1x!tpu.dma_semaphore, #tpu.memory_space<semaphore_mem>>
      %dma_wait3A_274 = tpu.memref_squeeze %dma_wait3A_273 : memref<1x!tpu.dma_semaphore, #tpu.memory_space<semaphore_mem>> -> memref<!tpu.dma_semaphore, #tpu.memory_space<semaphore_mem>>
      tpu.wait_indirect_dma semaphore(%dma_wait3A_274 : memref<!tpu.dma_semaphore, #tpu.memory_space<semaphore_mem>>) src(%dma_wait3A_266 : memref<128x16xf32, #tpu.memory_space<vmem>>) dst(%dma_wait3A_272 : memref<10000x16xf32, #tpu.memory_space<vmem_shared>>)
    } else {
    }
    %ge3A_211 = arith.constant 3 : i32
    %ge3A_212 = arith.cmpi sge, %add3A_6, %ge3A_211 : i32
    %convert_element_type3A_213 = arith.extui %ge3A_212 : i1 to i32
    %cond3A_214 = arith.constant 0 : i32
    %cond3A_215 = arith.cmpi ne, %convert_element_type3A_213, %cond3A_214 : i32
    scf.if %cond3A_215 {
      %sub3A_228 = arith.constant 1 : i32
      %sub3A_229 = arith.subi %add3A_6, %sub3A_228 : i32
      %and3A = arith.constant 3 : i32
      %and3A_230 = arith.andi %sub3A_229, %and3A : i32
      %dma_wait3A_231 = arith.constant 0 : i32
      %dma_wait3A_232 = arith.constant 0 : i32
      %dma_wait3A_233 = tpu.memref_slice %arg10[%and3A_230, %dma_wait3A_231, %dma_wait3A_232] : memref<4x128x16xf32, #tpu.memory_space<vmem>> -> memref<1x128x16xf32, #tpu.memory_space<vmem>>
      %dma_wait3A_234 = tpu.memref_squeeze %dma_wait3A_233 : memref<1x128x16xf32, #tpu.memory_space<vmem>> -> memref<128x16xf32, #tpu.memory_space<vmem>>
      %dma_wait3A_235 = arith.constant 0 : i32
      %dma_wait3A_236 = tpu.memref_slice %arg8[%sub3A_229, %dma_wait3A_235] : memref<40x128xi32, #tpu.memory_space<vmem>> -> memref<1x128xi32, #tpu.memory_space<vmem>>
      %dma_wait3A_237 = tpu.memref_squeeze %dma_wait3A_236 : memref<1x128xi32, #tpu.memory_space<vmem>> -> memref<128xi32, #tpu.memory_space<vmem>>
      %dma_wait3A_238 = arith.constant 0 : i32
      %dma_wait3A_239 = arith.constant 0 : i32
      %dma_wait3A_240 = tpu.memref_slice %arg3[%dma_wait3A_238, %dma_wait3A_239] : memref<10000x16xf32, #tpu.memory_space<hbm>> -> memref<10000x16xf32, #tpu.memory_space<hbm>>
      %dma_wait3A_241 = tpu.memref_slice %arg13[%and3A_230] : memref<4x!tpu.dma_semaphore, #tpu.memory_space<semaphore_mem>> -> memref<1x!tpu.dma_semaphore, #tpu.memory_space<semaphore_mem>>
      %dma_wait3A_242 = tpu.memref_squeeze %dma_wait3A_241 : memref<1x!tpu.dma_semaphore, #tpu.memory_space<semaphore_mem>> -> memref<!tpu.dma_semaphore, #tpu.memory_space<semaphore_mem>>
      tpu.wait_indirect_dma semaphore(%dma_wait3A_242 : memref<!tpu.dma_semaphore, #tpu.memory_space<semaphore_mem>>) src(%dma_wait3A_240 : memref<10000x16xf32, #tpu.memory_space<hbm>>) dst(%dma_wait3A_234 : memref<128x16xf32, #tpu.memory_space<vmem>>)
      %sub3A_243 = arith.constant 1 : i32
      %sub3A_244 = arith.subi %add3A_6, %sub3A_243 : i32
      %and3A_245 = arith.constant 3 : i32
      %and3A_246 = arith.andi %sub3A_244, %and3A_245 : i32
      %dma_start3A_247 = arith.constant 0 : i32
      %dma_start3A_248 = arith.constant 0 : i32
      %dma_start3A_249 = tpu.memref_slice %arg10[%and3A_246, %dma_start3A_247, %dma_start3A_248] : memref<4x128x16xf32, #tpu.memory_space<vmem>> -> memref<1x128x16xf32, #tpu.memory_space<vmem>>
      %dma_start3A_250 = tpu.memref_squeeze %dma_start3A_249 : memref<1x128x16xf32, #tpu.memory_space<vmem>> -> memref<128x16xf32, #tpu.memory_space<vmem>>
      %dma_start3A_251 = arith.constant 0 : i32
      %dma_start3A_252 = tpu.memref_slice %arg9[%sub3A_244, %dma_start3A_251] : memref<40x128xi32, #tpu.memory_space<vmem>> -> memref<1x128xi32, #tpu.memory_space<vmem>>
      %dma_start3A_253 = tpu.memref_squeeze %dma_start3A_252 : memref<1x128xi32, #tpu.memory_space<vmem>> -> memref<128xi32, #tpu.memory_space<vmem>>
      %dma_start3A_254 = arith.constant 0 : i32
      %dma_start3A_255 = arith.constant 0 : i32
      %dma_start3A_256 = tpu.memref_slice %arg7[%dma_start3A_254, %dma_start3A_255] : memref<10000x16xf32, #tpu.memory_space<vmem_shared>> -> memref<10000x16xf32, #tpu.memory_space<vmem_shared>>
      %dma_start3A_257 = tpu.memref_slice %arg14[%and3A_246] : memref<4x!tpu.dma_semaphore, #tpu.memory_space<semaphore_mem>> -> memref<1x!tpu.dma_semaphore, #tpu.memory_space<semaphore_mem>>
      %dma_start3A_258 = tpu.memref_squeeze %dma_start3A_257 : memref<1x!tpu.dma_semaphore, #tpu.memory_space<semaphore_mem>> -> memref<!tpu.dma_semaphore, #tpu.memory_space<semaphore_mem>>
      tpu.enqueue_indirect_dma source(%dma_start3A_250 : memref<128x16xf32, #tpu.memory_space<vmem>>) target(%dma_start3A_256 : memref<10000x16xf32, #tpu.memory_space<vmem_shared>>) offsets(%dma_start3A_253 : memref<128xi32, #tpu.memory_space<vmem>>) semaphore(%dma_start3A_258 : memref<!tpu.dma_semaphore, #tpu.memory_space<semaphore_mem>>) {add = true}
      %sub3A_259 = arith.constant 3 : i32
      %sub3A_260 = arith.subi %add3A_6, %sub3A_259 : i32
      %and3A_261 = arith.constant 3 : i32
      %and3A_262 = arith.andi %sub3A_260, %and3A_261 : i32
      %dma_wait3A_263 = arith.constant 0 : i32
      %dma_wait3A_264 = arith.constant 0 : i32
      %dma_wait3A_265 = tpu.memref_slice %arg10[%and3A_262, %dma_wait3A_263, %dma_wait3A_264] : memref<4x128x16xf32, #tpu.memory_space<vmem>> -> memref<1x128x16xf32, #tpu.memory_space<vmem>>
      %dma_wait3A_266 = tpu.memref_squeeze %dma_wait3A_265 : memref<1x128x16xf32, #tpu.memory_space<vmem>> -> memref<128x16xf32, #tpu.memory_space<vmem>>
      %dma_wait3A_267 = arith.constant 0 : i32
      %dma_wait3A_268 = tpu.memref_slice %arg9[%sub3A_260, %dma_wait3A_267] : memref<40x128xi32, #tpu.memory_space<vmem>> -> memref<1x128xi32, #tpu.memory_space<vmem>>
      %dma_wait3A_269 = tpu.memref_squeeze %dma_wait3A_268 : memref<1x128xi32, #tpu.memory_space<vmem>> -> memref<128xi32, #tpu.memory_space<vmem>>
      %dma_wait3A_270 = arith.constant 0 : i32
      %dma_wait3A_271 = arith.constant 0 : i32
      %dma_wait3A_272 = tpu.memref_slice %arg7[%dma_wait3A_270, %dma_wait3A_271] : memref<10000x16xf32, #tpu.memory_space<vmem_shared>> -> memref<10000x16xf32, #tpu.memory_space<vmem_shared>>
      %dma_wait3A_273 = tpu.memref_slice %arg14[%and3A_262] : memref<4x!tpu.dma_semaphore, #tpu.memory_space<semaphore_mem>> -> memref<1x!tpu.dma_semaphore, #tpu.memory_space<semaphore_mem>>
      %dma_wait3A_274 = tpu.memref_squeeze %dma_wait3A_273 : memref<1x!tpu.dma_semaphore, #tpu.memory_space<semaphore_mem>> -> memref<!tpu.dma_semaphore, #tpu.memory_space<semaphore_mem>>
      tpu.wait_indirect_dma semaphore(%dma_wait3A_274 : memref<!tpu.dma_semaphore, #tpu.memory_space<semaphore_mem>>) src(%dma_wait3A_266 : memref<128x16xf32, #tpu.memory_space<vmem>>) dst(%dma_wait3A_272 : memref<10000x16xf32, #tpu.memory_space<vmem_shared>>)
    } else {
    }
    %ge3A_216 = arith.constant 2 : i32
    %ge3A_217 = arith.cmpi sge, %add3A_6, %ge3A_216 : i32
    %convert_element_type3A_218 = arith.extui %ge3A_217 : i1 to i32
    %cond3A_219 = arith.constant 0 : i32
    %cond3A_220 = arith.cmpi ne, %convert_element_type3A_218, %cond3A_219 : i32
    scf.if %cond3A_220 {
      %sub3A_228 = arith.constant 2 : i32
      %sub3A_229 = arith.subi %add3A_6, %sub3A_228 : i32
      %and3A = arith.constant 3 : i32
      %and3A_230 = arith.andi %sub3A_229, %and3A : i32
      %dma_wait3A_231 = arith.constant 0 : i32
      %dma_wait3A_232 = arith.constant 0 : i32
      %dma_wait3A_233 = tpu.memref_slice %arg10[%and3A_230, %dma_wait3A_231, %dma_wait3A_232] : memref<4x128x16xf32, #tpu.memory_space<vmem>> -> memref<1x128x16xf32, #tpu.memory_space<vmem>>
      %dma_wait3A_234 = tpu.memref_squeeze %dma_wait3A_233 : memref<1x128x16xf32, #tpu.memory_space<vmem>> -> memref<128x16xf32, #tpu.memory_space<vmem>>
      %dma_wait3A_235 = arith.constant 0 : i32
      %dma_wait3A_236 = tpu.memref_slice %arg9[%sub3A_229, %dma_wait3A_235] : memref<40x128xi32, #tpu.memory_space<vmem>> -> memref<1x128xi32, #tpu.memory_space<vmem>>
      %dma_wait3A_237 = tpu.memref_squeeze %dma_wait3A_236 : memref<1x128xi32, #tpu.memory_space<vmem>> -> memref<128xi32, #tpu.memory_space<vmem>>
      %dma_wait3A_238 = arith.constant 0 : i32
      %dma_wait3A_239 = arith.constant 0 : i32
      %dma_wait3A_240 = tpu.memref_slice %arg7[%dma_wait3A_238, %dma_wait3A_239] : memref<10000x16xf32, #tpu.memory_space<vmem_shared>> -> memref<10000x16xf32, #tpu.memory_space<vmem_shared>>
      %dma_wait3A_241 = tpu.memref_slice %arg14[%and3A_230] : memref<4x!tpu.dma_semaphore, #tpu.memory_space<semaphore_mem>> -> memref<1x!tpu.dma_semaphore, #tpu.memory_space<semaphore_mem>>
      %dma_wait3A_242 = tpu.memref_squeeze %dma_wait3A_241 : memref<1x!tpu.dma_semaphore, #tpu.memory_space<semaphore_mem>> -> memref<!tpu.dma_semaphore, #tpu.memory_space<semaphore_mem>>
      tpu.wait_indirect_dma semaphore(%dma_wait3A_242 : memref<!tpu.dma_semaphore, #tpu.memory_space<semaphore_mem>>) src(%dma_wait3A_234 : memref<128x16xf32, #tpu.memory_space<vmem>>) dst(%dma_wait3A_240 : memref<10000x16xf32, #tpu.memory_space<vmem_shared>>)
    } else {
    }
    %ge3A_221 = arith.constant 1 : i32
    %ge3A_222 = arith.cmpi sge, %add3A_6, %ge3A_221 : i32
    %convert_element_type3A_223 = arith.extui %ge3A_222 : i1 to i32
    %cond3A_224 = arith.constant 0 : i32
    %cond3A_225 = arith.cmpi ne, %convert_element_type3A_223, %cond3A_224 : i32
    scf.if %cond3A_225 {
      %sub3A_228 = arith.constant 1 : i32
      %sub3A_229 = arith.subi %add3A_6, %sub3A_228 : i32
      %and3A = arith.constant 3 : i32
      %and3A_230 = arith.andi %sub3A_229, %and3A : i32
      %dma_wait3A_231 = arith.constant 0 : i32
      %dma_wait3A_232 = arith.constant 0 : i32
      %dma_wait3A_233 = tpu.memref_slice %arg10[%and3A_230, %dma_wait3A_231, %dma_wait3A_232] : memref<4x128x16xf32, #tpu.memory_space<vmem>> -> memref<1x128x16xf32, #tpu.memory_space<vmem>>
      %dma_wait3A_234 = tpu.memref_squeeze %dma_wait3A_233 : memref<1x128x16xf32, #tpu.memory_space<vmem>> -> memref<128x16xf32, #tpu.memory_space<vmem>>
      %dma_wait3A_235 = arith.constant 0 : i32
      %dma_wait3A_236 = tpu.memref_slice %arg9[%sub3A_229, %dma_wait3A_235] : memref<40x128xi32, #tpu.memory_space<vmem>> -> memref<1x128xi32, #tpu.memory_space<vmem>>
      %dma_wait3A_237 = tpu.memref_squeeze %dma_wait3A_236 : memref<1x128xi32, #tpu.memory_space<vmem>> -> memref<128xi32, #tpu.memory_space<vmem>>
      %dma_wait3A_238 = arith.constant 0 : i32
      %dma_wait3A_239 = arith.constant 0 : i32
      %dma_wait3A_240 = tpu.memref_slice %arg7[%dma_wait3A_238, %dma_wait3A_239] : memref<10000x16xf32, #tpu.memory_space<vmem_shared>> -> memref<10000x16xf32, #tpu.memory_space<vmem_shared>>
      %dma_wait3A_241 = tpu.memref_slice %arg14[%and3A_230] : memref<4x!tpu.dma_semaphore, #tpu.memory_space<semaphore_mem>> -> memref<1x!tpu.dma_semaphore, #tpu.memory_space<semaphore_mem>>
      %dma_wait3A_242 = tpu.memref_squeeze %dma_wait3A_241 : memref<1x!tpu.dma_semaphore, #tpu.memory_space<semaphore_mem>> -> memref<!tpu.dma_semaphore, #tpu.memory_space<semaphore_mem>>
      tpu.wait_indirect_dma semaphore(%dma_wait3A_242 : memref<!tpu.dma_semaphore, #tpu.memory_space<semaphore_mem>>) src(%dma_wait3A_234 : memref<128x16xf32, #tpu.memory_space<vmem>>) dst(%dma_wait3A_240 : memref<10000x16xf32, #tpu.memory_space<vmem_shared>>)
    } else {
    }
    %barrier3A_226 = arith.constant 0 : index
    tpu.barrier barrier_id(%barrier3A_226)
    %run_scoped3A_227 = arith.constant 1 : i32
    "tpu.region"() ({
      %run_scoped3A_228 = tpu.sem_alloc : memref<!tpu.dma_semaphore, #tpu.memory_space<semaphore_mem>>
      %dma_start3A_229 = arith.constant 0 : i32
      %dma_start3A_230 = tpu.memref_slice %arg6[%arg0, %run_scoped3A_227, %mul3A_2, %dma_start3A_229] : memref<2x2x10000x16xf32, #tpu.memory_space<hbm>> -> memref<1x1x625x16xf32, #tpu.memory_space<hbm>>
      %dma_start3A_231 = tpu.memref_squeeze %dma_start3A_230 : memref<1x1x625x16xf32, #tpu.memory_space<hbm>> -> memref<625x16xf32, #tpu.memory_space<hbm>>
      %dma_start3A_232 = arith.constant 0 : i32
      %dma_start3A_233 = tpu.memref_slice %arg7[%mul3A_2, %dma_start3A_232] : memref<10000x16xf32, #tpu.memory_space<vmem_shared>> -> memref<625x16xf32, #tpu.memory_space<vmem_shared>>
      tpu.enqueue_dma source(%dma_start3A_233 : memref<625x16xf32, #tpu.memory_space<vmem_shared>>) target(%dma_start3A_231 : memref<625x16xf32, #tpu.memory_space<hbm>>) target_semaphore(%run_scoped3A_228 : memref<!tpu.dma_semaphore, #tpu.memory_space<semaphore_mem>>)
      %dma_wait3A_234 = arith.constant 0 : i32
      %dma_wait3A_235 = tpu.memref_slice %arg6[%arg0, %run_scoped3A_227, %mul3A_2, %dma_wait3A_234] : memref<2x2x10000x16xf32, #tpu.memory_space<hbm>> -> memref<1x1x625x16xf32, #tpu.memory_space<hbm>>
      %dma_wait3A_236 = tpu.memref_squeeze %dma_wait3A_235 : memref<1x1x625x16xf32, #tpu.memory_space<hbm>> -> memref<625x16xf32, #tpu.memory_space<hbm>>
      %dma_wait3A_237 = arith.constant 0 : i32
      %dma_wait3A_238 = tpu.memref_slice %arg7[%mul3A_2, %dma_wait3A_237] : memref<10000x16xf32, #tpu.memory_space<vmem_shared>> -> memref<625x16xf32, #tpu.memory_space<vmem_shared>>
      tpu.wait_dma2 semaphore(%run_scoped3A_228 : memref<!tpu.dma_semaphore, #tpu.memory_space<semaphore_mem>>) src(%dma_wait3A_238 : memref<625x16xf32, #tpu.memory_space<vmem_shared>>) dst(%dma_wait3A_236 : memref<625x16xf32, #tpu.memory_space<hbm>>)
      tpu.yield
    }) : () -> ()
    return
  }
}

module attributes {stable_mosaic.version = 14 : i64} {
  func.func @body(%arg0: i32, %arg1: memref<1000x128xf32, #tpu.memory_space<vmem>>, %arg2: memref<128x80xf32, #tpu.memory_space<vmem>>, %arg3: memref<128x80xf32, #tpu.memory_space<vmem>>, %arg4: memref<128x64xf32, #tpu.memory_space<vmem>>, %arg5: memref<1000x80xf32, #tpu.memory_space<vmem>>, %arg6: memref<1000x80xf32, #tpu.memory_space<vmem>>, %arg7: memref<1000x64xf32, #tpu.memory_space<vmem>>) attributes {dimension_semantics = [#tpu.dimension_semantics<arbitrary>], iteration_bounds = array<i64: 10>, scalar_prefetch = 0 : i64, scratch_operands = 0 : i64, tpu.core_type = #tpu.core_type<tc>, window_params = [{transform_indices = @transform_0, window_bounds = array<i64: 1000, 128>}, {pipeline_mode = #tpu.pipeline_mode<synchronous>, transform_indices = @transform_1, window_bounds = array<i64: 128, 80>}, {pipeline_mode = #tpu.pipeline_mode<synchronous>, transform_indices = @transform_2, window_bounds = array<i64: 128, 80>}, {pipeline_mode = #tpu.pipeline_mode<synchronous>, transform_indices = @transform_3, window_bounds = array<i64: 128, 64>}, {transform_indices = @transform_4, window_bounds = array<i64: 1000, 80>}, {transform_indices = @transform_5, window_bounds = array<i64: 1000, 80>}, {transform_indices = @transform_6, window_bounds = array<i64: 1000, 64>}]} {
    %get3A = arith.constant 0 : index
    %get3A_0 = arith.constant 0 : index
    %get3A_1 = vector.load %arg1[%get3A, %get3A_0] : memref<1000x128xf32, #tpu.memory_space<vmem>>, vector<1000x128xf32>
    %iota3A = tpu.iota {dimensions = array<i32: 1>} : vector<1000x80xi32>
    %ge3A = arith.constant 64 : i32
    %ge3A_2 = vector.broadcast %ge3A : i32 to vector<1000x80xi32>
    %ge3A_3 = arith.cmpi sge, %iota3A, %ge3A_2 : vector<1000x80xi32>
    %convert_element_type3A = arith.extui %ge3A_3 : vector<1000x80xi1> to vector<1000x80xi32>
    %convert_element_type3A_4 = arith.sitofp %convert_element_type3A : vector<1000x80xi32> to vector<1000x80xf32>
    %get3A_5 = arith.constant 0 : index
    %get3A_6 = arith.constant 0 : index
    %get3A_7 = vector.load %arg2[%get3A_5, %get3A_6] : memref<128x80xf32, #tpu.memory_space<vmem>>, vector<128x80xf32>
    %dot_general3A = arith.constant dense<0.000000e+00> : vector<1000x80xf32>
    %dot_general3A_8 = tpu.matmul %get3A_1, %get3A_7, %dot_general3A {dimension_numbers = #tpu.dot_dimension_numbers<[1], [0], [0], [1], [0, 0, 1, 1], [], []>, transpose_lhs_hint = false} : vector<1000x128xf32>, vector<128x80xf32>, vector<1000x80xf32> -> vector<1000x80xf32>
    %add3A = arith.addf %dot_general3A_8, %convert_element_type3A_4 : vector<1000x80xf32>
    %swap3A = arith.constant 0 : index
    %swap3A_9 = arith.constant 0 : index
    %swap3A_10 = vector.load %arg5[%swap3A, %swap3A_9] : memref<1000x80xf32, #tpu.memory_space<vmem>>, vector<1000x80xf32>
    tpu.vector_store %arg5[%swap3A, %swap3A_9], %add3A {strides = array<i32>} : memref<1000x80xf32, #tpu.memory_space<vmem>>, vector<1000x80xf32>,
    %get3A_11 = arith.constant 0 : index
    %get3A_12 = arith.constant 0 : index
    %get3A_13 = vector.load %arg3[%get3A_11, %get3A_12] : memref<128x80xf32, #tpu.memory_space<vmem>>, vector<128x80xf32>
    %dot_general3A_14 = arith.constant dense<0.000000e+00> : vector<1000x80xf32>
    %dot_general3A_15 = tpu.matmul %get3A_1, %get3A_13, %dot_general3A_14 {dimension_numbers = #tpu.dot_dimension_numbers<[1], [0], [0], [1], [0, 0, 1, 1], [], []>, transpose_lhs_hint = false} : vector<1000x128xf32>, vector<128x80xf32>, vector<1000x80xf32> -> vector<1000x80xf32>
    %add3A_16 = arith.addf %dot_general3A_15, %convert_element_type3A_4 : vector<1000x80xf32>
    %swap3A_17 = arith.constant 0 : index
    %swap3A_18 = arith.constant 0 : index
    %swap3A_19 = vector.load %arg6[%swap3A_17, %swap3A_18] : memref<1000x80xf32, #tpu.memory_space<vmem>>, vector<1000x80xf32>
    tpu.vector_store %arg6[%swap3A_17, %swap3A_18], %add3A_16 {strides = array<i32>} : memref<1000x80xf32, #tpu.memory_space<vmem>>, vector<1000x80xf32>,
    %get3A_20 = arith.constant 0 : index
    %get3A_21 = arith.constant 0 : index
    %get3A_22 = vector.load %arg4[%get3A_20, %get3A_21] : memref<128x64xf32, #tpu.memory_space<vmem>>, vector<128x64xf32>
    %dot_general3A_23 = arith.constant dense<0.000000e+00> : vector<1000x64xf32>
    %dot_general3A_24 = tpu.matmul %get3A_1, %get3A_22, %dot_general3A_23 {dimension_numbers = #tpu.dot_dimension_numbers<[1], [0], [0], [1], [0, 0, 1, 1], [], []>, transpose_lhs_hint = false} : vector<1000x128xf32>, vector<128x64xf32>, vector<1000x64xf32> -> vector<1000x64xf32>
    %swap3A_25 = arith.constant 0 : index
    %swap3A_26 = arith.constant 0 : index
    %swap3A_27 = vector.load %arg7[%swap3A_25, %swap3A_26] : memref<1000x64xf32, #tpu.memory_space<vmem>>, vector<1000x64xf32>
    tpu.vector_store %arg7[%swap3A_25, %swap3A_26], %dot_general3A_24 {strides = array<i32>} : memref<1000x64xf32, #tpu.memory_space<vmem>>, vector<1000x64xf32>,
    return
  }
  func.func @transform_0(%arg0: i32) -> (i32, i32) {
    %c0_i32 = arith.constant 0 : i32
    %c0_i32_0 = arith.constant 0 : i32
    return %arg0, %c0_i32 : i32, i32
  }
  func.func @transform_1(%arg0: i32) -> (i32, i32) {
    %c0_i32 = arith.constant 0 : i32
    %c0_i32_0 = arith.constant 0 : i32
    %c0_i32_1 = arith.constant 0 : i32
    return %c0_i32, %c0_i32_0 : i32, i32
  }
  func.func @transform_2(%arg0: i32) -> (i32, i32) {
    %c0_i32 = arith.constant 0 : i32
    %c0_i32_0 = arith.constant 0 : i32
    %c0_i32_1 = arith.constant 0 : i32
    return %c0_i32, %c0_i32_0 : i32, i32
  }
  func.func @transform_3(%arg0: i32) -> (i32, i32) {
    %c0_i32 = arith.constant 0 : i32
    %c0_i32_0 = arith.constant 0 : i32
    %c0_i32_1 = arith.constant 0 : i32
    return %c0_i32, %c0_i32_0 : i32, i32
  }
  func.func @transform_4(%arg0: i32) -> (i32, i32) {
    %c0_i32 = arith.constant 0 : i32
    %c0_i32_0 = arith.constant 0 : i32
    return %arg0, %c0_i32 : i32, i32
  }
  func.func @transform_5(%arg0: i32) -> (i32, i32) {
    %c0_i32 = arith.constant 0 : i32
    %c0_i32_0 = arith.constant 0 : i32
    return %arg0, %c0_i32 : i32, i32
  }
  func.func @transform_6(%arg0: i32) -> (i32, i32) {
    %c0_i32 = arith.constant 0 : i32
    %c0_i32_0 = arith.constant 0 : i32
    return %arg0, %c0_i32 : i32, i32
  }
}

module attributes {stable_mosaic.version = 14 : i64} {
  func.func @body(%arg0: i32, %arg1: memref<2x2x1000x80xf32, #tpu.memory_space<vmem>>, %arg2: memref<1000x64xf32, #tpu.memory_space<vmem>>, %arg3: memref<1x64xf32, #tpu.memory_space<vmem>>, %arg4: memref<64x16xf32, #tpu.memory_space<vmem>>, %arg5: memref<64x16xf32, #tpu.memory_space<vmem>>, %arg6: memref<64x16xf32, #tpu.memory_space<vmem>>, %arg7: memref<1000x16xf32, #tpu.memory_space<vmem>>, %arg8: memref<1000x16xf32, #tpu.memory_space<vmem>>, %arg9: memref<1000x16xf32, #tpu.memory_space<vmem>>, %arg10: memref<1000x32xf32, #tpu.memory_space<vmem>>) attributes {dimension_semantics = [#tpu.dimension_semantics<arbitrary>], iteration_bounds = array<i64: 10>, scalar_prefetch = 0 : i64, scratch_operands = 0 : i64, tpu.core_type = #tpu.core_type<tc>, window_params = [{transform_indices = @transform_0, window_bounds = array<i64: 2, 2, 1000, 80>}, {transform_indices = @transform_1, window_bounds = array<i64: 1000, 64>}, {pipeline_mode = #tpu.pipeline_mode<synchronous>, transform_indices = @transform_2, window_bounds = array<i64: 1, 64>}, {pipeline_mode = #tpu.pipeline_mode<synchronous>, transform_indices = @transform_3, window_bounds = array<i64: 64, 16>}, {pipeline_mode = #tpu.pipeline_mode<synchronous>, transform_indices = @transform_4, window_bounds = array<i64: 64, 16>}, {pipeline_mode = #tpu.pipeline_mode<synchronous>, transform_indices = @transform_5, window_bounds = array<i64: 64, 16>}, {transform_indices = @transform_6, window_bounds = array<i64: 1000, 16>}, {transform_indices = @transform_7, window_bounds = array<i64: 1000, 16>}, {transform_indices = @transform_8, window_bounds = array<i64: 1000, 16>}, {transform_indices = @transform_9, window_bounds = array<i64: 1000, 32>}]} {
    %get3A = arith.constant 0 : index
    %get3A_0 = arith.constant 0 : index
    %get3A_1 = arith.constant 0 : index
    %get3A_2 = arith.constant 0 : index
    %get3A_3 = vector.load %arg1[%get3A, %get3A_0, %get3A_1, %get3A_2] : memref<2x2x1000x80xf32, #tpu.memory_space<vmem>>, vector<1x1x1000x80xf32>
    %get3A_4 = vector.shape_cast %get3A_3 : vector<1x1x1000x80xf32> to vector<1000x80xf32>
    %get3A_5 = arith.constant 1 : index
    %get3A_6 = arith.constant 0 : index
    %get3A_7 = arith.constant 0 : index
    %get3A_8 = arith.constant 0 : index
    %get3A_9 = vector.load %arg1[%get3A_5, %get3A_6, %get3A_7, %get3A_8] : memref<2x2x1000x80xf32, #tpu.memory_space<vmem>>, vector<1x1x1000x80xf32>
    %get3A_10 = vector.shape_cast %get3A_9 : vector<1x1x1000x80xf32> to vector<1000x80xf32>
    %add3A = arith.addf %get3A_4, %get3A_10 : vector<1000x80xf32>
    %get3A_11 = arith.constant 0 : index
    %get3A_12 = arith.constant 1 : index
    %get3A_13 = arith.constant 0 : index
    %get3A_14 = arith.constant 0 : index
    %get3A_15 = vector.load %arg1[%get3A_11, %get3A_12, %get3A_13, %get3A_14] : memref<2x2x1000x80xf32, #tpu.memory_space<vmem>>, vector<1x1x1000x80xf32>
    %get3A_16 = vector.shape_cast %get3A_15 : vector<1x1x1000x80xf32> to vector<1000x80xf32>
    %get3A_17 = arith.constant 1 : index
    %get3A_18 = arith.constant 1 : index
    %get3A_19 = arith.constant 0 : index
    %get3A_20 = arith.constant 0 : index
    %get3A_21 = vector.load %arg1[%get3A_17, %get3A_18, %get3A_19, %get3A_20] : memref<2x2x1000x80xf32, #tpu.memory_space<vmem>>, vector<1x1x1000x80xf32>
    %get3A_22 = vector.shape_cast %get3A_21 : vector<1x1x1000x80xf32> to vector<1000x80xf32>
    %add3A_23 = arith.addf %get3A_16, %get3A_22 : vector<1000x80xf32>
    %slice3A = vector.extract_strided_slice %add3A {offsets = [0, 64], sizes = [1000, 16], strides = [1, 1]} : vector<1000x80xf32> to vector<1000x16xf32>
    %max3A = arith.constant 1.000000e+00 : f32
    %max3A_24 = vector.broadcast %max3A : f32 to vector<1000x16xf32>
    %max3A_25 = arith.maximumf %slice3A, %max3A_24 : vector<1000x16xf32>
    %div3A = arith.constant 1.000000e+00 : f32
    %div3A_26 = vector.broadcast %div3A : f32 to vector<1000x16xf32>
    %div3A_27 = arith.divf %div3A_26, %max3A_25 : vector<1000x16xf32>
    %slice3A_28 = vector.extract_strided_slice %add3A_23 {offsets = [0, 64], sizes = [1000, 16], strides = [1, 1]} : vector<1000x80xf32> to vector<1000x16xf32>
    %max3A_29 = arith.constant 1.000000e+00 : f32
    %max3A_30 = vector.broadcast %max3A_29 : f32 to vector<1000x16xf32>
    %max3A_31 = arith.maximumf %slice3A_28, %max3A_30 : vector<1000x16xf32>
    %div3A_32 = arith.constant 1.000000e+00 : f32
    %div3A_33 = vector.broadcast %div3A_32 : f32 to vector<1000x16xf32>
    %div3A_34 = arith.divf %div3A_33, %max3A_31 : vector<1000x16xf32>
    %slice3A_35 = vector.extract_strided_slice %add3A {offsets = [0, 0], sizes = [1000, 64], strides = [1, 1]} : vector<1000x80xf32> to vector<1000x64xf32>
    %concatenate3A = tpu.concatenate %div3A_27, %div3A_27, %div3A_27, %div3A_27 in 1 : vector<1000x16xf32>, vector<1000x16xf32>, vector<1000x16xf32>, vector<1000x16xf32> -> vector<1000x64xf32>
    %mul3A = arith.mulf %slice3A_35, %concatenate3A : vector<1000x64xf32>
    %slice3A_36 = vector.extract_strided_slice %add3A_23 {offsets = [0, 0], sizes = [1000, 64], strides = [1, 1]} : vector<1000x80xf32> to vector<1000x64xf32>
    %concatenate3A_37 = tpu.concatenate %div3A_34, %div3A_34, %div3A_34, %div3A_34 in 1 : vector<1000x16xf32>, vector<1000x16xf32>, vector<1000x16xf32>, vector<1000x16xf32> -> vector<1000x64xf32>
    %mul3A_38 = arith.mulf %slice3A_36, %concatenate3A_37 : vector<1000x64xf32>
    %add3A_39 = arith.addf %mul3A, %mul3A_38 : vector<1000x64xf32>
    %get3A_40 = arith.constant 0 : index
    %get3A_41 = arith.constant 0 : index
    %get3A_42 = vector.load %arg2[%get3A_40, %get3A_41] : memref<1000x64xf32, #tpu.memory_space<vmem>>, vector<1000x64xf32>
    %add3A_43 = arith.addf %add3A_39, %get3A_42 : vector<1000x64xf32>
    %get3A_44 = arith.constant 0 : index
    %get3A_45 = arith.constant 0 : index
    %get3A_46 = vector.load %arg3[%get3A_44, %get3A_45] : memref<1x64xf32, #tpu.memory_space<vmem>>, vector<1x64xf32>
    %add3A_47 = vector.broadcast %get3A_46 : vector<1x64xf32> to vector<1000x64xf32>
    %add3A_48 = arith.addf %add3A_43, %add3A_47 : vector<1000x64xf32>
    %max3A_49 = arith.constant 0.000000e+00 : f32
    %max3A_50 = vector.broadcast %max3A_49 : f32 to vector<1000x64xf32>
    %max3A_51 = arith.maximumf %add3A_48, %max3A_50 : vector<1000x64xf32>
    %get3A_52 = arith.constant 0 : index
    %get3A_53 = arith.constant 0 : index
    %get3A_54 = vector.load %arg4[%get3A_52, %get3A_53] : memref<64x16xf32, #tpu.memory_space<vmem>>, vector<64x16xf32>
    %dot_general3A = arith.constant dense<0.000000e+00> : vector<1000x16xf32>
    %dot_general3A_55 = tpu.matmul %max3A_51, %get3A_54, %dot_general3A {dimension_numbers = #tpu.dot_dimension_numbers<[1], [0], [0], [1], [0, 0, 1, 1], [], []>, transpose_lhs_hint = false} : vector<1000x64xf32>, vector<64x16xf32>, vector<1000x16xf32> -> vector<1000x16xf32>
    %swap3A = arith.constant 0 : index
    %swap3A_56 = arith.constant 0 : index
    %swap3A_57 = vector.load %arg7[%swap3A, %swap3A_56] : memref<1000x16xf32, #tpu.memory_space<vmem>>, vector<1000x16xf32>
    tpu.vector_store %arg7[%swap3A, %swap3A_56], %dot_general3A_55 {strides = array<i32>} : memref<1000x16xf32, #tpu.memory_space<vmem>>, vector<1000x16xf32>,
    %get3A_58 = arith.constant 0 : index
    %get3A_59 = arith.constant 0 : index
    %get3A_60 = vector.load %arg5[%get3A_58, %get3A_59] : memref<64x16xf32, #tpu.memory_space<vmem>>, vector<64x16xf32>
    %dot_general3A_61 = arith.constant dense<0.000000e+00> : vector<1000x16xf32>
    %dot_general3A_62 = tpu.matmul %max3A_51, %get3A_60, %dot_general3A_61 {dimension_numbers = #tpu.dot_dimension_numbers<[1], [0], [0], [1], [0, 0, 1, 1], [], []>, transpose_lhs_hint = false} : vector<1000x64xf32>, vector<64x16xf32>, vector<1000x16xf32> -> vector<1000x16xf32>
    %swap3A_63 = arith.constant 0 : index
    %swap3A_64 = arith.constant 0 : index
    %swap3A_65 = vector.load %arg8[%swap3A_63, %swap3A_64] : memref<1000x16xf32, #tpu.memory_space<vmem>>, vector<1000x16xf32>
    tpu.vector_store %arg8[%swap3A_63, %swap3A_64], %dot_general3A_62 {strides = array<i32>} : memref<1000x16xf32, #tpu.memory_space<vmem>>, vector<1000x16xf32>,
    %get3A_66 = arith.constant 0 : index
    %get3A_67 = arith.constant 0 : index
    %get3A_68 = vector.load %arg6[%get3A_66, %get3A_67] : memref<64x16xf32, #tpu.memory_space<vmem>>, vector<64x16xf32>
    %dot_general3A_69 = arith.constant dense<0.000000e+00> : vector<1000x16xf32>
    %dot_general3A_70 = tpu.matmul %max3A_51, %get3A_68, %dot_general3A_69 {dimension_numbers = #tpu.dot_dimension_numbers<[1], [0], [0], [1], [0, 0, 1, 1], [], []>, transpose_lhs_hint = false} : vector<1000x64xf32>, vector<64x16xf32>, vector<1000x16xf32> -> vector<1000x16xf32>
    %swap3A_71 = arith.constant 0 : index
    %swap3A_72 = arith.constant 0 : index
    %swap3A_73 = vector.load %arg9[%swap3A_71, %swap3A_72] : memref<1000x16xf32, #tpu.memory_space<vmem>>, vector<1000x16xf32>
    tpu.vector_store %arg9[%swap3A_71, %swap3A_72], %dot_general3A_70 {strides = array<i32>} : memref<1000x16xf32, #tpu.memory_space<vmem>>, vector<1000x16xf32>,
    %concatenate3A_74 = tpu.concatenate %div3A_27, %div3A_34 in 1 : vector<1000x16xf32>, vector<1000x16xf32> -> vector<1000x32xf32>
    %swap3A_75 = arith.constant 0 : index
    %swap3A_76 = arith.constant 0 : index
    %swap3A_77 = vector.load %arg10[%swap3A_75, %swap3A_76] : memref<1000x32xf32, #tpu.memory_space<vmem>>, vector<1000x32xf32>
    tpu.vector_store %arg10[%swap3A_75, %swap3A_76], %concatenate3A_74 {strides = array<i32>} : memref<1000x32xf32, #tpu.memory_space<vmem>>, vector<1000x32xf32>,
    return
  }
  func.func @transform_0(%arg0: i32) -> (i32, i32, i32, i32) {
    %c0_i32 = arith.constant 0 : i32
    %c0_i32_0 = arith.constant 0 : i32
    %c0_i32_1 = arith.constant 0 : i32
    %c0_i32_2 = arith.constant 0 : i32
    return %c0_i32, %c0_i32_0, %arg0, %c0_i32_1 : i32, i32, i32, i32
  }
  func.func @transform_1(%arg0: i32) -> (i32, i32) {
    %c0_i32 = arith.constant 0 : i32
    %c0_i32_0 = arith.constant 0 : i32
    return %arg0, %c0_i32 : i32, i32
  }
  func.func @transform_2(%arg0: i32) -> (i32, i32) {
    %c0_i32 = arith.constant 0 : i32
    %c0_i32_0 = arith.constant 0 : i32
    %c0_i32_1 = arith.constant 0 : i32
    return %c0_i32, %c0_i32_0 : i32, i32
  }
  func.func @transform_3(%arg0: i32) -> (i32, i32) {
    %c0_i32 = arith.constant 0 : i32
    %c0_i32_0 = arith.constant 0 : i32
    %c0_i32_1 = arith.constant 0 : i32
    return %c0_i32, %c0_i32_0 : i32, i32
  }
  func.func @transform_4(%arg0: i32) -> (i32, i32) {
    %c0_i32 = arith.constant 0 : i32
    %c0_i32_0 = arith.constant 0 : i32
    %c0_i32_1 = arith.constant 0 : i32
    return %c0_i32, %c0_i32_0 : i32, i32
  }
  func.func @transform_5(%arg0: i32) -> (i32, i32) {
    %c0_i32 = arith.constant 0 : i32
    %c0_i32_0 = arith.constant 0 : i32
    %c0_i32_1 = arith.constant 0 : i32
    return %c0_i32, %c0_i32_0 : i32, i32
  }
  func.func @transform_6(%arg0: i32) -> (i32, i32) {
    %c0_i32 = arith.constant 0 : i32
    %c0_i32_0 = arith.constant 0 : i32
    return %arg0, %c0_i32 : i32, i32
  }
  func.func @transform_7(%arg0: i32) -> (i32, i32) {
    %c0_i32 = arith.constant 0 : i32
    %c0_i32_0 = arith.constant 0 : i32
    return %arg0, %c0_i32 : i32, i32
  }
  func.func @transform_8(%arg0: i32) -> (i32, i32) {
    %c0_i32 = arith.constant 0 : i32
    %c0_i32_0 = arith.constant 0 : i32
    return %arg0, %c0_i32 : i32, i32
  }
  func.func @transform_9(%arg0: i32) -> (i32, i32) {
    %c0_i32 = arith.constant 0 : i32
    %c0_i32_0 = arith.constant 0 : i32
    return %arg0, %c0_i32 : i32, i32
  }
}

module attributes {stable_mosaic.version = 14 : i64} {
  func.func @body(%arg0: i32, %arg1: memref<2x2x1000x16xf32, #tpu.memory_space<vmem>>, %arg2: memref<1000x16xf32, #tpu.memory_space<vmem>>, %arg3: memref<1000x32xf32, #tpu.memory_space<vmem>>, %arg4: memref<1x16xf32, #tpu.memory_space<vmem>>, %arg5: memref<1000x16xf32, #tpu.memory_space<vmem>>) attributes {dimension_semantics = [#tpu.dimension_semantics<arbitrary>], iteration_bounds = array<i64: 10>, scalar_prefetch = 0 : i64, scratch_operands = 0 : i64, tpu.core_type = #tpu.core_type<tc>, window_params = [{transform_indices = @transform_0, window_bounds = array<i64: 2, 2, 1000, 16>}, {transform_indices = @transform_1, window_bounds = array<i64: 1000, 16>}, {transform_indices = @transform_2, window_bounds = array<i64: 1000, 32>}, {pipeline_mode = #tpu.pipeline_mode<synchronous>, transform_indices = @transform_3, window_bounds = array<i64: 1, 16>}, {transform_indices = @transform_4, window_bounds = array<i64: 1000, 16>}]} {
    %get3A = arith.constant 0 : index
    %get3A_0 = arith.constant 0 : index
    %get3A_1 = arith.constant 0 : index
    %get3A_2 = arith.constant 0 : index
    %get3A_3 = vector.load %arg1[%get3A, %get3A_0, %get3A_1, %get3A_2] : memref<2x2x1000x16xf32, #tpu.memory_space<vmem>>, vector<1x1x1000x16xf32>
    %get3A_4 = vector.shape_cast %get3A_3 : vector<1x1x1000x16xf32> to vector<1000x16xf32>
    %get3A_5 = arith.constant 1 : index
    %get3A_6 = arith.constant 0 : index
    %get3A_7 = arith.constant 0 : index
    %get3A_8 = arith.constant 0 : index
    %get3A_9 = vector.load %arg1[%get3A_5, %get3A_6, %get3A_7, %get3A_8] : memref<2x2x1000x16xf32, #tpu.memory_space<vmem>>, vector<1x1x1000x16xf32>
    %get3A_10 = vector.shape_cast %get3A_9 : vector<1x1x1000x16xf32> to vector<1000x16xf32>
    %add3A = arith.addf %get3A_4, %get3A_10 : vector<1000x16xf32>
    %get3A_11 = arith.constant 0 : index
    %get3A_12 = arith.constant 1 : index
    %get3A_13 = arith.constant 0 : index
    %get3A_14 = arith.constant 0 : index
    %get3A_15 = vector.load %arg1[%get3A_11, %get3A_12, %get3A_13, %get3A_14] : memref<2x2x1000x16xf32, #tpu.memory_space<vmem>>, vector<1x1x1000x16xf32>
    %get3A_16 = vector.shape_cast %get3A_15 : vector<1x1x1000x16xf32> to vector<1000x16xf32>
    %get3A_17 = arith.constant 1 : index
    %get3A_18 = arith.constant 1 : index
    %get3A_19 = arith.constant 0 : index
    %get3A_20 = arith.constant 0 : index
    %get3A_21 = vector.load %arg1[%get3A_17, %get3A_18, %get3A_19, %get3A_20] : memref<2x2x1000x16xf32, #tpu.memory_space<vmem>>, vector<1x1x1000x16xf32>
    %get3A_22 = vector.shape_cast %get3A_21 : vector<1x1x1000x16xf32> to vector<1000x16xf32>
    %add3A_23 = arith.addf %get3A_16, %get3A_22 : vector<1000x16xf32>
    %get3A_24 = arith.constant 0 : index
    %get3A_25 = arith.constant 0 : index
    %get3A_26 = vector.load %arg3[%get3A_24, %get3A_25] : memref<1000x32xf32, #tpu.memory_space<vmem>>, vector<1000x16xf32>
    %mul3A = arith.mulf %add3A, %get3A_26 : vector<1000x16xf32>
    %get3A_27 = arith.constant 0 : index
    %get3A_28 = arith.constant 16 : index
    %get3A_29 = vector.load %arg3[%get3A_27, %get3A_28] : memref<1000x32xf32, #tpu.memory_space<vmem>>, vector<1000x16xf32>
    %mul3A_30 = arith.mulf %add3A_23, %get3A_29 : vector<1000x16xf32>
    %add3A_31 = arith.addf %mul3A, %mul3A_30 : vector<1000x16xf32>
    %get3A_32 = arith.constant 0 : index
    %get3A_33 = arith.constant 0 : index
    %get3A_34 = vector.load %arg2[%get3A_32, %get3A_33] : memref<1000x16xf32, #tpu.memory_space<vmem>>, vector<1000x16xf32>
    %add3A_35 = arith.addf %add3A_31, %get3A_34 : vector<1000x16xf32>
    %get3A_36 = arith.constant 0 : index
    %get3A_37 = arith.constant 0 : index
    %get3A_38 = vector.load %arg4[%get3A_36, %get3A_37] : memref<1x16xf32, #tpu.memory_space<vmem>>, vector<1x16xf32>
    %add3A_39 = vector.broadcast %get3A_38 : vector<1x16xf32> to vector<1000x16xf32>
    %add3A_40 = arith.addf %add3A_35, %add3A_39 : vector<1000x16xf32>
    %swap3A = arith.constant 0 : index
    %swap3A_41 = arith.constant 0 : index
    %swap3A_42 = vector.load %arg5[%swap3A, %swap3A_41] : memref<1000x16xf32, #tpu.memory_space<vmem>>, vector<1000x16xf32>
    tpu.vector_store %arg5[%swap3A, %swap3A_41], %add3A_40 {strides = array<i32>} : memref<1000x16xf32, #tpu.memory_space<vmem>>, vector<1000x16xf32>,
    return
  }
  func.func @transform_0(%arg0: i32) -> (i32, i32, i32, i32) {
    %c0_i32 = arith.constant 0 : i32
    %c0_i32_0 = arith.constant 0 : i32
    %c0_i32_1 = arith.constant 0 : i32
    %c0_i32_2 = arith.constant 0 : i32
    return %c0_i32, %c0_i32_0, %arg0, %c0_i32_1 : i32, i32, i32, i32
  }
  func.func @transform_1(%arg0: i32) -> (i32, i32) {
    %c0_i32 = arith.constant 0 : i32
    %c0_i32_0 = arith.constant 0 : i32
    return %arg0, %c0_i32 : i32, i32
  }
  func.func @transform_2(%arg0: i32) -> (i32, i32) {
    %c0_i32 = arith.constant 0 : i32
    %c0_i32_0 = arith.constant 0 : i32
    return %arg0, %c0_i32 : i32, i32
  }
  func.func @transform_3(%arg0: i32) -> (i32, i32) {
    %c0_i32 = arith.constant 0 : i32
    %c0_i32_0 = arith.constant 0 : i32
    %c0_i32_1 = arith.constant 0 : i32
    return %c0_i32, %c0_i32_0 : i32, i32
  }
  func.func @transform_4(%arg0: i32) -> (i32, i32) {
    %c0_i32 = arith.constant 0 : i32
    %c0_i32_0 = arith.constant 0 : i32
    return %arg0, %c0_i32 : i32, i32
  }
}

</mosaic_0001>

<sc_bundles>
// kernel: kernel.10.cloned.1.call-start
scs
__scs_entry_jumppad:
0x0: {  	(pc) =	sbr.rel $0x88, $3  }
0x1: {  	(tag) =	ssettag $0x0;
	lr =	simm.s32 $0x1  }
0x2: {  	[smem:$0x3F96] =	sst lr;
	_ =	strace $0xD0000000  }
0x3: {  	_ = 	snop  }
0x4: {  	_ = 	snop  }
0x5: {  	_ = 	snop  }
0x6: {  	_ = 	snop  }
0x7: {  	_ = 	snop  }
__scs_overlays_trampoline_lowered:
0x8: {  	[smem:$0x3FA5] =	sst s0  }
0x9: {  	[smem:$0x3FA6] =	sst s1  }
0xa: {  	[smem:$0x3FA7] =	sst s2  }
0xb: {  	[smem:$0x3FA8] =	sst s3  }
0xc: {  	[smem:$0x3FA9] =	sst s4  }
0xd: {  	[smem:$0x3FAA] =	sst s5  }
0xe: {  	[smem:$0x3FAB] =	sst s6  }
0xf: {  	[smem:$0x3FAC] =	sst s7  }
0x10: {  	[smem:$0x3FAD] =	sst s8  }
0x11: {  	[smem:$0x3FAE] =	sst s9;
	s0 =	simm.s32 @!p0 $0x0  }
0x12: {  	s1 =	sld [smem:$0x3F94];
	s0 =	simm.s32 @p0 $0x1  }
0x13: {  	[smem:$0x3FAF] =	sst s0;
	s0 =	simm.s32 @!p1 $0x0  }
0x14: {  	s2 =	sld [smem:$0x3F93];
	s0 =	simm.s32 @p1 $0x1  }
0x15: {  	[smem:$0x3FB0] =	sst s0;
	s0 =	simm.s32 @!p2 $0x0  }
0x16: {  	s3 =	sld [smem:$0x3FDB];
	s0 =	simm.s32 @p2 $0x1  }
0x17: {  	s4 =	simm.s32 $0x1BF5;
	[smem:$0x3FB2] =	sst s0  }
0x18: {  	s0 =	sld [smem:$0x3F95];
	_ =	swait.ge [sflag:s4], $0x0  }
0x19: {  	s7 =	sld [smem:$0x3F96]  }
0x1a: {  	s8 =	sadd.s32 $0xFFFFE003, lr  }
0x1b: {  	s9 =	sadd.s32 $0xFFFFFEF7, lr;
	s5 =	simm.s32 $0xFFFFFFFF;
	p2 =	slt.u32 s8, $0xFFFFF086  }
0x1c: {  	p1 =	slt.u32 s9, $0xF7A;
	s5 =	simm.s32 @!p2 $0x0  }
0x1d: {  	s5 =	simm.s32 @p1 $0x1;
	p0 =	seq.s32 s7, s2  }
0x1e: {  	s7 =	smul.u32 @!p0 $0xF7A, s2;
	p2 =	seq.s32 @!p0 s5, $0x0  }
0x1f: {  	s9 =	smul.u32 $0xF7A, s1;
	s8 =	simm.s32 @!p0 $0x1BF5;
	p2 =	por !p2, p0  }
0x20: {  	[sflag:s8] =	ssyncset.s32 @!p0 $0xFFFFF086;
	s6 =	sadd.s32 @!p0 s3, s7;
	s7 =	simm.s32 @!p0 $0x108  }
0x21: {  	s3 =	sadd.s32 s3, s9;
	s6 =	sadd.s32 @!p0 $0x88, s6;
	s7 =	simm.s32 @p2 $0x1082  }
0x22: {  	[simem:s7], [sflag:s8] =	dma.local @!p0 [hbm:s6], $0xF7A  }
0x23: {  	s9 =	sor.u32 $0xD0000000, s2;
	s6 =	simm.s32 $0x108;
	_ =	swait.ge @!p0 [sflag:s8], $0x0  }
0x24: {  	s3 =	sadd.s32 $0x88, s3;
	s6 =	simm.s32 @!p1 $0x1082;
	[sflag:s4] =	ssyncset.s32 $0xFFFFF086  }
0x25: {  	[simem:s6], [sflag:s4] =	dma.local [hbm:s3], $0xF7A  }
0x26: {  	[smem:$0x3F96] =	sst s1;
	(tag) =	ssettag s2;
	_ =	strace s9  }
0x27: {  	s1 =	sld [smem:$0x3FA6]  }
0x28: {  	s2 =	sld [smem:$0x3FA7]  }
0x29: {  	s4 =	sld [smem:$0x3FA9]  }
0x2a: {  	p0 =	seq.s32 s5, $0x0;
	s5 =	sld [smem:$0x3FAA]  }
0x2b: {  	s6 =	sld [smem:$0x3FAB]  }
0x2c: {  	s7 =	sld [smem:$0x3FAC]  }
0x2d: {  	s3 =	simm.s32 $0x108;
	s8 =	sld [smem:$0x3FAD]  }
0x2e: {  	s3 =	simm.s32 @!p0 $0x1082;
	s9 =	sld [smem:$0x3FAE]  }
0x2f: {  	lr =	sadd.s32 s0, s3;
	s0 =	sld [smem:$0x3FA5]  }
0x30: {  	s3 =	sld [smem:$0x3FA8]  }
0x31: {  	[smem:$0x3FB1] =	sst s10  }
0x32: {  	s10 =	sld [smem:$0x3FAF];
	_ =	sdelay $0x3  }
0x33: {  	p0 =	seq.s32 s10, $0x1;
	s10 =	sld [smem:$0x3FB1];
	_ =	sdelay $0x3  }
0x34: {  	[smem:$0x3FB1] =	sst s10  }
0x35: {  	s10 =	sld [smem:$0x3FB0];
	_ =	sdelay $0x3  }
0x36: {  	p1 =	seq.s32 s10, $0x1;
	s10 =	sld [smem:$0x3FB1];
	_ =	sdelay $0x3  }
0x37: {  	[smem:$0x3FB1] =	sst s10  }
0x38: {  	s10 =	sld [smem:$0x3FB2]  }
0x39: {  	_ = 	snop;
	(pc) =	sbr.ind lr, $3  }
0x3a: {  	_ = 	snop  }
0x3b: {  	_ = 	snop  }
0x3c: {  	p2 =	seq.s32 s10, $0x1;
	s10 =	sld [smem:$0x3FB1]  }
0x3d: {  	_ =	shalt  }
0x3e: {  	_ =	shalt  }
0x3f: {  	_ =	shalt  }
0x40: {  	_ =	shalt  }
0x41: {  	_ =	shalt  }
0x42: {  	_ =	shalt  }
0x43: {  	_ =	shalt  }
0x44: {  	_ =	shalt  }
0x45: {  	_ =	shalt  }
0x46: {  	_ =	shalt  }
0x47: {  	_ =	shalt  }
0x48: {  	_ =	shalt  }
0x49: {  	_ =	shalt  }
0x4a: {  	_ =	shalt  }
0x4b: {  	_ =	shalt  }
0x4c: {  	_ =	shalt  }
0x4d: {  	_ =	shalt  }
0x4e: {  	_ =	shalt  }
0x4f: {  	_ =	shalt  }
0x50: {  	_ =	shalt  }
0x51: {  	_ =	shalt  }
0x52: {  	_ =	shalt  }
0x53: {  	_ =	shalt  }
0x54: {  	_ =	shalt  }
0x55: {  	_ =	shalt  }
0x56: {  	_ =	shalt  }
0x57: {  	_ =	shalt  }
0x58: {  	_ =	shalt  }
0x59: {  	_ =	shalt  }
0x5a: {  	_ =	shalt  }
0x5b: {  	_ =	shalt  }
0x5c: {  	_ =	shalt  }
0x5d: {  	_ =	shalt  }
0x5e: {  	_ =	shalt  }
0x5f: {  	_ =	shalt  }
0x60: {  	_ =	shalt  }
0x61: {  	_ =	shalt  }
0x62: {  	_ =	shalt  }
0x63: {  	_ =	shalt  }
0x64: {  	_ =	shalt  }
0x65: {  	_ =	shalt  }
0x66: {  	_ =	shalt  }
0x67: {  	_ =	shalt  }
0x68: {  	_ =	shalt  }
0x69: {  	_ =	shalt  }
0x6a: {  	_ =	shalt  }
0x6b: {  	_ =	shalt  }
0x6c: {  	_ =	shalt  }
0x6d: {  	_ =	shalt  }
0x6e: {  	_ =	shalt  }
0x6f: {  	_ =	shalt  }
0x70: {  	_ =	shalt  }
0x71: {  	_ =	shalt  }
0x72: {  	_ =	shalt  }
0x73: {  	_ =	shalt  }
0x74: {  	_ =	shalt  }
0x75: {  	_ =	shalt  }
0x76: {  	_ =	shalt  }
0x77: {  	_ =	shalt  }
0x78: {  	_ =	shalt  }
0x79: {  	_ =	shalt  }
0x7a: {  	_ =	shalt  }
0x7b: {  	_ =	shalt  }
0x7c: {  	_ =	shalt  }
0x7d: {  	_ =	shalt  }
0x7e: {  	_ =	shalt  }
0x7f: {  	_ =	shalt  }
0x80: {  	_ =	shalt  }
0x81: {  	_ =	shalt  }
0x82: {  	_ =	shalt  }
0x83: {  	_ =	shalt  }
0x84: {  	_ =	shalt  }
0x85: {  	_ =	shalt  }
0x86: {  	_ =	shalt  }
0x87: {  	_ =	shalt  }
.Lfunc_end0:
.L_simem_size_0:
called_computation.1_lowered:
.L_overlay_start_0:
0x88: {  	s2 =	sld [smem:$0x3FD9]  }
0x89: {  	s3 =	sld [smem:$0x3FFE];
	_ =	sdelay $0x1  }
0x8a: {  	s1 =	srdreg.scid  }
0x8b: {  	s0 =	sand.u32 $0x1, s1  }
0x8c: {  	s17 =	sshll.u32 s0, $0xA;
	s2 =	sadd.s32 s3, s2  }
0x8d: {  	s2 =	sadd.s32 s2, s17  }
0x8e: {  	[smem:$0x3FBD] =	sst s2  }
0x8f: {  	_ = 	snop  }
0x90: {  	s2 =	sld [smem:$0x3FD0];
	(tm) =	ssettm $0x1  }
0x91: {  	s18 =	sld [smem:$0x3FFB];
	_ =	sdelay $0x3  }
0x92: {  	_ =	strace s18  }
0x93: {  	s3 =	sld [smem:$0x3FFC];
	_ =	sdelay $0x3  }
0x94: {  	_ =	strace s3  }
0x95: {  	s3 =	sld [smem:$0x3FFD];
	_ =	sdelay $0x3  }
0x96: {  	_ =	strace s3  }
0x97: {  	_ =	strace $0x8FFFFFFF  }
0x98: {  	s19 =	sld [smem:$0x3FDB];
	_ =	sdelay $0x1  }
0x99: {  	s4 =	simm.s32 $_scs_section_size  }
0x9a: {  	s5 =	simm.s32 $_size__tile_overlayer_lowered;
	s6 =	simm.s32 $_tile_overlayer_lowered  }
0x9b: {  	s22 =	simm.s32 $0x1BFF;
	s21 =	sshll.u32 s6, $0x1;
	s3 =	sadd.s32 s4, s19  }
0x9c: {  	s7 =	simm.s32 $0x0;
	s20 =	sshll.u32 s5, $0x1;
	s5 =	sadd.s32 s21, s3  }
0x9d: {  	[timem:s7], [sflag:s22] =	dma.local [hbm:s5], s20  }
0x9e: {  	_ =	swait.ge [sflag:s22], s20  }
0x9f: {  	s4 =	ssub.s32 $0x0, s20;
	[sflag:s22] =	ssyncset.done $0x0  }
0xa0: {  	[sflag:s22] =	ssyncadd.s32 s4;
	_ =	sdelay $0x1  }
0xa1: {  	s23 =	simm.s32 $0x1B8B  }
0xa2: {  	_ =	swait.ge [sflag:s23], $0x1  }
0xa3: {  	[sflag:s23] =	ssyncset.done $0x0  }
0xa4: {  	s25 =	simm.s32 $0x1B8E;
	s24 =	sld [smem:$0x3FFE];
	[sflag:s23] =	ssyncadd.s32 $0xFFFFFFFF  }
0xa5: {  	s26 =	simm.s32 $execute0_lowered;
	[smem:$0x3FD2] =	sst s25  }
0xa6: {  	s5 =	sshll.u32 s26, $0x1;
	_ =	strace $0x80000049;
	[dreg:$0x1] =	wrdreg $0xFFFFFFFF  }
0xa7: {  	s28 =	simm.s32 $_size_execute0_lowered;
	s3 =	sadd.s32 s3, s5;
	[dreg:$0x0] =	wrdreg $0x0  }
0xa8: {  	s5 =	sshll.u32 s28, $0x1;
	[dreg:$0x2] =	wrdreg s3  }
0xa9: {  	[dreg:$0x3] =	wrdreg s5  }
0xaa: {  	[dreg:$0x4] =	wrdreg $0xC0  }
0xab: {  	_ =	task [dreg:s7], $0x5FFFF  }
0xac: {  	[dreg:$0x1] =	wrdreg $0xFFFFFFFF  }
0xad: {  	[dreg:$0x0] =	wrdreg $0x60  }
0xae: {  	[dreg:$0x2] =	wrdreg s2  }
0xaf: {  	[dreg:$0x3] =	wrdreg s24  }
0xb0: {  	[dreg:$0x4] =	wrdreg $0x0  }
0xb1: {  	[dreg:$0x5] =	wrdreg $0x9  }
0xb2: {  	_ =	task.clear_ibuf [dreg:s7], $0x6FFFF;
	_ =	strace $0x90000049  }
0xb3: {  	s29 =	simm.s32 $0x9;
	_ =	strace $0x8000004B  }
0xb4: {  	_ =	swait.ge [sflag:s29], $0x1  }
0xb5: {  	[sflag:s29] =	ssyncadd.s32 $0xFFFFFFFF  }
0xb6: {  	_ =	strace $0x9000004B  }
0xb7: {  	_ =	sfence  }
0xb8: {  	s30 =	sld [smem:$0x0];
	_ =	sdelay $0x2  }
0xb9: {  	s31 =	sshll.u32 s1, $0xD;
	s1 =	sshrl.u32 s1, $0x2  }
0xba: {  	s3 =	sand.u32 $0x4000, s31;
	s1 =	sadd.s32 s1, s30  }
0xbb: {  	s0 =	sor.u32 s3, s0;
	s1 =	sshll.u32 s1, $0x11  }
0xbc: {  	s0 =	sor.u32 s1, s0  }
0xbd: {  	s0 =	sadd.s32 $0x8F2B, s0  }
0xbe: {  	[sflag:s0] =	ssyncadd.remote.s32 $0x1  }
0xbf: {  	_ =	sfence.sel $0xFFFF  }
0xc0: {  	[dreg:$0x0] =	wrdreg $0xFFFFFFFF;
	(pc) =	sbr.abs _section_cstart, $3  }
0xc1: {  	[dreg:$0x1] =	wrdreg $0xFFFFFFFF  }
0xc2: {  	_ =	task.clear_ibuf [dreg:s7], $0x2FFFF;
	_ =	strace $0x9FFFFFFF  }
0xc3: {  	(tm) =	ssettm $0x7FFFFFFF  }
tec
execute0_lowered:
.L_overlay_start_1:
0x0: {  	(tag) =	ssettag $0x1  }
0x1: {  	s1 =	rddreg [dreg:$0x0]  }
0x2: {  	s0 =	rddreg [dreg:$0x1]  }
0x3: {  	s2 =	rddreg [dreg:$0x2];
	s28 =	simm.s32 $0x0;
	s3 =	srdreg.scid  }
0x4: {  	s12 =	stileid.u32;
	[smem:$0x7FF] =	sst s28;
	s3 =	sand.u32 $0x1, s3  }
0x5: {  	s4 =	smul.u32 $0x2710, s12;
	s5 =	sadd.s32 $0x16000, s0;
	s7 =	sshll.u32 s12, $0x1  }
0x6: {  	s8 =	sadd.s32 $0x2000, s0;
	s9 =	sadd.s32 $0xC000, s0;
	s25 =	smul.u32 $0x9C40, s12  }
0x7: {  	p0 =	seq.s32 s12, $0x0;
	s6 =	smul.u32 $0x4E200, s3;
	s7 =	sor.u32 s3, s7  }
0x8: {  	_ =	strace $0x8000004A;
	s3 =	ssub.s32 $0x2, s3;
	s10 =	smul.u32 $0x27, s7  }
0x9: {  	s11 =	sshrl.u32 s3, $0x1;
	s7 =	smin.u32 s7, $0x2;
	s12 =	sshrl.u32 s25, $0x2  }
0xa: {  	s29 =	sadd.s32 s4, s2;
	s6 =	sadd.s32 s4, s6;
	s3 =	ssub.s32 s3, s11  }
0xb: {  	s13 =	sadd.s32 s12, s2;
	[dreg:$0x6] =	wrdreg s29;
	s6 =	sshrl.u32 s6, $0x3  }
0xc: {  	s24 =	sadd.s32 s7, s10;
	s7 =	simm.s32 $0x26;
	s30 =	sadd.s32 $0x7D0, s13  }
0xd: {  	s15 =	sadd.s32 $0xFA0, s13;
	s17 =	sadd.s32 $0x1770, s13;
	s4 =	sadd.s32 $0x1F40, s13  }
0xe: {  	s10 =	simm.s32 $0x27;
	s0 =	sadd.s32 s6, s0;
	[dreg:$0x8] =	wrdreg s15  }
0xf: {  	s6 =	sshll.u32 s24, $0x4;
	s7 =	simm.s32 @!p0 $0x25;
	[dreg:$0x9] =	wrdreg s17  }
0x10: {  	[dreg:$0xa] =	wrdreg s4;
	s17 =	simm.s32 $0x7;
	s10 =	simm.s32 @!p0 $0x26  }
0x11: {  	[dreg:$0x7] =	wrdreg s30;
	s26 =	sadd.s32 s8, s6;
	s31 =	sadd.s32 $0x5000, s6  }
0x12: {  	s14 =	sand.u32 $0x3, s7;
	s19 =	sshll.u32 s7, $0x7;
	s17 =	simm.s32 @!p0 $0xA  }
0x13: {  	s20 =	sand.u32 $0x3, s10;
	s6 =	sadd.s32 s9, s6;
	[dreg:$0x4] =	wrdreg s26  }
0x14: {  	s23 =	sshll.u32 s10, $0x7;
	s24 =	sadd.s32 $0x1B000, s0;
	[dreg:$0xd] =	wrdreg s6  }
0x15: {  	s0 =	sadd.s32 $0x1FE20, s0;
	s8 =	sadd.s32 s8, s31;
	[dreg:$0x12] =	wrdreg s24  }
0x16: {  	s16 =	sshll.u32 s14, $0xB;
	s15 =	sadd.s32 $0x3, s14;
	[dreg:$0x13] =	wrdreg s0  }
0x17: {  	s4 =	sadd.s32 $0x3B10, s19;
	s21 =	sadd.s32 s9, s31;
	[dreg:$0x5] =	wrdreg s8  }
0x18: {  	s22 =	sshll.u32 s20, $0xB;
	s26 =	simm.s32 $0xA;
	[dreg:$0xc] =	wrdreg s4  }
0x19: {  	s31 =	smax.u32 s3, $0x1;
	s19 =	simm.s32 $0x80;
	[dreg:$0xe] =	wrdreg s21  }
0x1a: {  	s18 =	sadd.s32 $0x4F10, s16;
	s6 =	sadd.s32 $0x4F10, s22;
	[dreg:$0x14] =	wrdreg s31  }
0x1b: {  	s8 =	simm.s32 $0x1;
	s4 =	sadd.s32 $0x7, s20;
	[dreg:$0xb] =	wrdreg s18  }
0x1c: {  	s26 =	simm.s32 @!p0 $0x9;
	s18 =	sadd.s32 $0x7, s14;
	[dreg:$0xf] =	wrdreg s6  }
0x1d: {  	s6 =	sadd.s32 $0x3B10, s23;
	s8 =	simm.s32 @!p0 $0x0;
	[dreg:$0x11] =	wrdreg s4  }
0x1e: {  	s23 =	sadd.s32 $0x3, s20;
	s4 =	simm.s32 $0x0;
	[dreg:$0x10] =	wrdreg s6  }
0x1f: {  	v0 =	vimm.f32 $0.0e+00;
	s25 =	sadd.s32 $0x7, s8;
	s6 =	simm.s32 $0x6F10;
	s8 =	simm.s32 $0xB  }
.LBB2_1:
0x20: {  	s0 =	simm.s32 $0x40;
	s3 =	simm.s32 $0x0  }
.LBB2_2:
0x21: {  	p0 =	sne.s32 s0, $0x1F00;
	[tilespmem:s3+$0x6F10] =	vst v0;
	s3 =	smov.u32 s0;
	s0 =	sadd.s32 $0x40, s0  }
.Ltmp0:
0x22: {  	(pc) =	sbr.rel @p0 .LBB2_2-.Ltmp0, $2  }
0x23: {  	_ =	sdelay $0x2  }
0x24: {  	s3 =	sshra.s32 s3, $0x2  }
0x25: {  	[tilespmem:s3+$0x6F10] =	vst v0;
	s0 =	rddreg [dreg:$0x4];
	s13 =	simm.s32 $0x2710  }
0x26: {  	[tilespmem:s13], [sflag:$0x1] =	stream.linear.gather [hbm4b:s0+s28], $0x1400, $0x38;
	[tilespmem:$0x76E0] =	vst v63  }
0x27: {  	s14 =	rddreg [dreg:$0x5];
	s9 =	simm.s32 $0x3B10  }
0x28: {  	[tilespmem:s9], [sflag:$0x2] =	stream.linear.gather [hbm4b:s14+s28], $0x1400, $0x38;
	[tilespmem:$0x76E0] =	vst v63  }
0x29: {  	_ = 	snop  }
0x2a: {  	[spmem:s29] =	stream.linear.scatter [tilespmem:s6], [sflag:$0xB], $0x7D0, $0x38;
	[tilespmem:$0x76E0] =	vst v63  }
0x2b: {  	_ =	swait.ge [sflag:s8], $0x7D0  }
0x2c: {  	[sflag:s8] =	ssyncset.done $0x0  }
0x2d: {  	[sflag:s8] =	ssyncadd.s32 $0xFFFFF830  }
0x2e: {  	[spmem:s30] =	stream.linear.scatter [tilespmem:s6], [sflag:$0xB], $0x7D0, $0x38;
	[tilespmem:$0x76E0] =	vst v63  }
0x2f: {  	_ =	swait.ge [sflag:s8], $0x7D0  }
0x30: {  	[sflag:s8] =	ssyncset.done $0x0  }
0x31: {  	s16 =	rddreg [dreg:$0x8];
	[sflag:s8] =	ssyncadd.s32 $0xFFFFF830  }
0x32: {  	[spmem:s16] =	stream.linear.scatter [tilespmem:s6], [sflag:$0xB], $0x7D0, $0x38;
	[tilespmem:$0x76E0] =	vst v63  }
0x33: {  	_ =	swait.ge [sflag:s8], $0x7D0  }
0x34: {  	[sflag:s8] =	ssyncset.done $0x0  }
0x35: {  	s20 =	rddreg [dreg:$0x9];
	[sflag:s8] =	ssyncadd.s32 $0xFFFFF830  }
0x36: {  	[spmem:s20] =	stream.linear.scatter [tilespmem:s6], [sflag:$0xB], $0x7D0, $0x38;
	[tilespmem:$0x76E0] =	vst v63  }
0x37: {  	_ =	swait.ge [sflag:s8], $0x7D0  }
0x38: {  	[sflag:s8] =	ssyncset.done $0x0  }
0x39: {  	s21 =	rddreg [dreg:$0xa];
	[sflag:s8] =	ssyncadd.s32 $0xFFFFF830  }
0x3a: {  	[spmem:s21] =	stream.linear.scatter [tilespmem:s6], [sflag:$0xB], $0x7D0, $0x38;
	[tilespmem:$0x76E0] =	vst v63  }
0x3b: {  	_ =	swait.ge [sflag:s8], $0x7D0  }
0x3c: {  	[sflag:s8] =	ssyncset.done $0x0  }
0x3d: {  	s22 =	simm.s32 $0x1;
	[sflag:s8] =	ssyncadd.s32 $0xFFFFF830  }
0x3e: {  	_ =	swait.ge [sflag:s22], $0x1400  }
0x3f: {  	[sflag:s22] =	ssyncset.done $0x0  }
0x40: {  	s11 =	simm.s32 $0x2;
	[sflag:s22] =	ssyncadd.s32 $0xFFFFEC00  }
0x41: {  	_ =	swait.ge [sflag:s11], $0x1400  }
0x42: {  	[sflag:s11] =	ssyncset.done $0x0  }
0x43: {  	[sflag:s11] =	ssyncadd.s32 $0xFFFFEC00  }
0x44: {  	s24 =	simm.s32 $0x4F10;
	[bflag:$0x0] =	sbarrier.arrive $0xFFFF  }
0x45: {  	[tilespmem:s24], [sflag:$0x3] =	stream.indirect.gather [hbm4b:s1+s19], $0x10, s13, s19, $0xb8;
	[tilespmem:$0x76E0] =	vst v63  }
0x46: {  	s10 =	simm.s32 $0x5710;
	s28 =	simm.s32 $0x2790;
	s30 =	simm.s32 $0x3  }
0x47: {  	[tilespmem:s10], [sflag:$0x4] =	stream.indirect.gather [hbm4b:s1+s19], $0x10, s28, s19, $0xb8;
	[tilespmem:$0x76E0] =	vst v63  }
0x48: {  	_ =	swait.ge [sflag:s30], $0x800  }
0x49: {  	s12 =	simm.s32 $0x2810;
	p0 =	sne.s32 s7, $0x3;
	[sflag:s30] =	ssyncset.done $0x0  }
0x4a: {  	s3 =	simm.s32 $0x3C90;
	s0 =	simm.s32 $0x3;
	[sflag:s30] =	ssyncadd.s32 $0xFFFFF800  }
0x4b: {  	[spmem:s2] =	stream.indirect.scatter.add.f32 [tilespmem:s24], [sflag:$0x7], $0x10, s9, s19, $0xb8;
	[tilespmem:$0x76E0] =	vst v63  }
0x4c: {  	s14 =	simm.s32 $0x4;
	s29 =	simm.s32 $0x2910;
	s13 =	simm.s32 $0x5F10  }
0x4d: {  	[tilespmem:s13], [sflag:$0x5] =	stream.indirect.gather [hbm4b:s1+s19], $0x10, s12, s19, $0xb8;
	[tilespmem:$0x76E0] =	vst v63  }
0x4e: {  	s16 =	simm.s32 $0x3B90;
	s22 =	sand.u32 $0x3, s11;
	_ =	swait.ge [sflag:s14], $0x800  }
0x4f: {  	s20 =	simm.s32 $0x2890;
	s24 =	sshll.u32 s22, $0xB;
	[sflag:s14] =	ssyncset.done $0x0  }
0x50: {  	s21 =	simm.s32 $0x6710;
	s24 =	sadd.s32 $0x4F10, s24;
	[sflag:s14] =	ssyncadd.s32 $0xFFFFF800  }
0x51: {  	[spmem:s2] =	stream.indirect.scatter.add.f32 [tilespmem:s10], [sflag:$0x8], $0x10, s16, s19, $0xb8;
	[tilespmem:$0x76E0] =	vst v63  }
0x52: {  	s12 =	simm.s32 $0x3C10;
	s13 =	sadd.s32 $0x3, s22;
	s14 =	sxor.u32 $0x2, s22  }
0x53: {  	[tilespmem:s21], [sflag:$0x6] =	stream.indirect.gather [hbm4b:s1+s19], $0x10, s20, s19, $0xb8;
	[tilespmem:$0x76E0] =	vst v63  }
0x54: {  	s22 =	sadd.s32 $0x7, s22;
	s16 =	simm.s32 $0x4;
	_ =	swait.ge [sflag:s13], $0x800  }
0x55: {  	s10 =	simm.s32 $0x2910;
	s28 =	sand.u32 $0x3, s16;
	[sflag:s13] =	ssyncset.done $0x0  }
.Ltmp1:
0x56: {  	s21 =	sadd.s32 $0x7, s14;
	[sflag:s13] =	ssyncadd.s32 $0xFFFFF800;
	(pc) =	sbr.rel @!p0 .LBB2_5-.Ltmp1, $4  }
0x57: {  	[spmem:s2] =	stream.indirect.scatter.add.f32 [tilespmem:s24], [sflag:s22], $0x10, s12, s19, $0xb8;
	[tilespmem:$0x76E0] =	vst v63  }
0x58: {  	s30 =	sshll.u32 s28, $0xB;
	s31 =	sadd.s32 $0x3, s28;
	_ =	swait.ge [sflag:s21], $0x800  }
0x59: {  	s20 =	simm.s32 $0x2990;
	s9 =	sadd.s32 $0x4F10, s30;
	[sflag:s21] =	ssyncset.done $0x0  }
0x5a: {  	s16 =	smov.u32 s31;
	s14 =	smov.u32 s9;
	[sflag:s21] =	ssyncadd.s32 $0xFFFFF800  }
.LBB2_4:
0x5b: {  	[tilespmem:s14], [sflag:s16] =	stream.indirect.gather [hbm4b:s1+s19], $0x10, s29, s19, $0xb8;
	[tilespmem:$0x76E0] =	vst v63  }
0x5c: {  	s14 =	smov.u32 s0;
	s29 =	smov.u32 s20  }
0x5d: {  	s0 =	sadd.s32 $0x1, s0;
	s16 =	sand.u32 $0x3, s14  }
0x5e: {  	s12 =	sshll.u32 s16, $0xB;
	s30 =	sadd.s32 $0x3, s16;
	s28 =	sxor.u32 $0x2, s16  }
0x5f: {  	s14 =	sadd.s32 $0x2, s14;
	p0 =	sne.s32 s7, s0;
	_ =	swait.ge [sflag:s30], $0x800  }
0x60: {  	s16 =	sadd.s32 $0x7, s16;
	s28 =	sadd.s32 $0x7, s28;
	[sflag:s30] =	ssyncset.done $0x0  }
.Ltmp2:
0x61: {  	s12 =	sadd.s32 $0x4F10, s12;
	[sflag:s30] =	ssyncadd.s32 $0xFFFFF800;
	(pc) =	sbr.rel @p0 .LBB2_4-.Ltmp2, $4  }
0x62: {  	[spmem:s2] =	stream.indirect.scatter.add.f32 [tilespmem:s12], [sflag:s16], $0x10, s3, s19, $0xb8;
	[tilespmem:$0x76E0] =	vst v63  }
0x63: {  	s12 =	sand.u32 $0x3, s14;
	s3 =	sadd.s32 $0x80, s3;
	_ =	swait.ge [sflag:s28], $0x800  }
0x64: {  	s20 =	sadd.s32 $0x80, s20;
	s14 =	sshll.u32 s12, $0xB;
	[sflag:s28] =	ssyncset.done $0x0  }
0x65: {  	s16 =	sadd.s32 $0x3, s12;
	s14 =	sadd.s32 $0x4F10, s14;
	[sflag:s28] =	ssyncadd.s32 $0xFFFFF800  }
.LBB2_5:
0x66: {  	[tilespmem:s14], [sflag:s16] =	stream.indirect.gather [hbm4b:s1+s19], $0x10, s29, s19, $0xb8;
	[tilespmem:$0x76E0] =	vst v63  }
0x67: {  	_ =	swait.ge [sflag:s15], $0x800  }
0x68: {  	[sflag:s15] =	ssyncset.done $0x0;
	s0 =	rddreg [dreg:$0xb]  }
0x69: {  	s3 =	rddreg [dreg:$0xc];
	[sflag:s15] =	ssyncadd.s32 $0xFFFFF800  }
0x6a: {  	[spmem:s2] =	stream.indirect.scatter.add.f32 [tilespmem:s0], [sflag:s18], $0x10, s3, s19, $0xb8;
	[tilespmem:$0x76E0] =	vst v63  }
0x6b: {  	_ =	swait.ge [sflag:s17], $0x800  }
0x6c: {  	[sflag:s17] =	ssyncset.done $0x0  }
0x6d: {  	[sflag:s17] =	ssyncadd.s32 $0xFFFFF800  }
0x6e: {  	_ =	swait.ge [sflag:s23], $0x800  }
0x6f: {  	s16 =	rddreg [dreg:$0xf]  }
0x70: {  	[sflag:s23] =	ssyncset.done $0x0;
	s20 =	rddreg [dreg:$0x10]  }
0x71: {  	s12 =	rddreg [dreg:$0x11];
	[sflag:s23] =	ssyncadd.s32 $0xFFFFF800  }
0x72: {  	[spmem:s2] =	stream.indirect.scatter.add.f32 [tilespmem:s16], [sflag:s12], $0x10, s20, s19, $0xb8;
	[tilespmem:$0x76E0] =	vst v63  }
0x73: {  	_ =	swait.ge [sflag:s25], $0x800  }
0x74: {  	[sflag:s25] =	ssyncset.done $0x0  }
0x75: {  	[sflag:s25] =	ssyncadd.s32 $0xFFFFF800  }
0x76: {  	_ =	swait.ge [sflag:s18], $0x800  }
0x77: {  	[sflag:s18] =	ssyncset.done $0x0  }
0x78: {  	[sflag:s18] =	ssyncadd.s32 $0xFFFFF800  }
0x79: {  	_ =	swait.ge [sflag:s26], $0x800  }
0x7a: {  	[sflag:s26] =	ssyncset.done $0x0  }
0x7b: {  	[sflag:s26] =	ssyncadd.s32 $0xFFFFF800  }
0x7c: {  	s12 =	stileid.u32;
	[bflag:$0x0] =	sbarrier.arrive $0xFFFF  }
0x7d: {  	s0 =	sshll.u32 s12, $0x6;
	s29 =	rddreg [dreg:$0x6]  }
0x7e: {  	s0 =	sor.u32 $0x1C0B, s0;
	s14 =	rddreg [dreg:$0x12];
	s3 =	sshrl.u32 s29, $0x3  }
0x7f: {  	[hbm:s14], [sflag:s0] =	dma.local [spmem:s3], $0x4E2  }
0x80: {  	_ =	swait.ge [sflag:s8], $0x4E2  }
0x81: {  	s28 =	simm.s32 $0x0;
	[sflag:s8] =	ssyncset.done $0x0  }
0x82: {  	s14 =	simm.s32 $0x2710;
	s16 =	rddreg [dreg:$0xd];
	[sflag:s8] =	ssyncadd.s32 $0xFFFFFB1E  }
0x83: {  	[tilespmem:s14], [sflag:$0x1] =	stream.linear.gather [hbm4b:s16+s28], $0x1400, $0x38;
	[tilespmem:$0x76E0] =	vst v63  }
0x84: {  	s20 =	rddreg [dreg:$0xe];
	s16 =	simm.s32 $0x3B10  }
0x85: {  	[tilespmem:s16], [sflag:$0x2] =	stream.linear.gather [hbm4b:s20+s28], $0x1400, $0x38;
	[tilespmem:$0x76E0] =	vst v63  }
0x86: {  	_ = 	snop  }
0x87: {  	[spmem:s29] =	stream.linear.scatter [tilespmem:s6], [sflag:$0xB], $0x7D0, $0x38;
	[tilespmem:$0x76E0] =	vst v63  }
0x88: {  	_ =	swait.ge [sflag:s8], $0x7D0  }
0x89: {  	[sflag:s8] =	ssyncset.done $0x0  }
0x8a: {  	s30 =	rddreg [dreg:$0x7];
	[sflag:s8] =	ssyncadd.s32 $0xFFFFF830  }
0x8b: {  	[spmem:s30] =	stream.linear.scatter [tilespmem:s6], [sflag:$0xB], $0x7D0, $0x38;
	[tilespmem:$0x76E0] =	vst v63  }
0x8c: {  	_ =	swait.ge [sflag:s8], $0x7D0  }
0x8d: {  	[sflag:s8] =	ssyncset.done $0x0  }
0x8e: {  	s20 =	rddreg [dreg:$0x8];
	[sflag:s8] =	ssyncadd.s32 $0xFFFFF830  }
0x8f: {  	[spmem:s20] =	stream.linear.scatter [tilespmem:s6], [sflag:$0xB], $0x7D0, $0x38;
	[tilespmem:$0x76E0] =	vst v63  }
0x90: {  	_ =	swait.ge [sflag:s8], $0x7D0  }
0x91: {  	[sflag:s8] =	ssyncset.done $0x0  }
0x92: {  	s20 =	rddreg [dreg:$0x9];
	[sflag:s8] =	ssyncadd.s32 $0xFFFFF830  }
0x93: {  	[spmem:s20] =	stream.linear.scatter [tilespmem:s6], [sflag:$0xB], $0x7D0, $0x38;
	[tilespmem:$0x76E0] =	vst v63  }
0x94: {  	_ =	swait.ge [sflag:s8], $0x7D0  }
0x95: {  	[sflag:s8] =	ssyncset.done $0x0  }
0x96: {  	s20 =	rddreg [dreg:$0xa];
	[sflag:s8] =	ssyncadd.s32 $0xFFFFF830  }
0x97: {  	[spmem:s20] =	stream.linear.scatter [tilespmem:s6], [sflag:$0xB], $0x7D0, $0x38;
	[tilespmem:$0x76E0] =	vst v63  }
0x98: {  	_ =	swait.ge [sflag:s8], $0x7D0  }
0x99: {  	[sflag:s8] =	ssyncset.done $0x0  }
0x9a: {  	s20 =	simm.s32 $0x1;
	[sflag:s8] =	ssyncadd.s32 $0xFFFFF830  }
0x9b: {  	_ =	swait.ge [sflag:s20], $0x1400  }
0x9c: {  	[sflag:s20] =	ssyncset.done $0x0  }
0x9d: {  	[sflag:s20] =	ssyncadd.s32 $0xFFFFEC00  }
0x9e: {  	_ =	swait.ge [sflag:s11], $0x1400  }
0x9f: {  	[sflag:s11] =	ssyncset.done $0x0  }
0xa0: {  	[sflag:s11] =	ssyncadd.s32 $0xFFFFEC00  }
0xa1: {  	s11 =	simm.s32 $0x4F10;
	[bflag:$0x0] =	sbarrier.arrive $0xFFFF  }
0xa2: {  	[tilespmem:s11], [sflag:$0x3] =	stream.indirect.gather [hbm4b:s5+s19], $0x10, s14, s19, $0xb8;
	[tilespmem:$0x76E0] =	vst v63  }
0xa3: {  	s20 =	simm.s32 $0x2790;
	s14 =	simm.s32 $0x5710  }
0xa4: {  	[tilespmem:s14], [sflag:$0x4] =	stream.indirect.gather [hbm4b:s5+s19], $0x10, s20, s19, $0xb8;
	[tilespmem:$0x76E0] =	vst v63  }
0xa5: {  	s20 =	simm.s32 $0x3  }
0xa6: {  	_ =	swait.ge [sflag:s20], $0x800  }
0xa7: {  	[sflag:s20] =	ssyncset.done $0x0  }
0xa8: {  	[sflag:s20] =	ssyncadd.s32 $0xFFFFF800  }
0xa9: {  	[spmem:s2] =	stream.indirect.scatter.add.f32 [tilespmem:s11], [sflag:$0x7], $0x10, s16, s19, $0xb8;
	[tilespmem:$0x76E0] =	vst v63  }
0xaa: {  	s12 =	simm.s32 $0x2810;
	s20 =	simm.s32 $0x4;
	s16 =	simm.s32 $0x5F10  }
0xab: {  	[tilespmem:s16], [sflag:$0x5] =	stream.indirect.gather [hbm4b:s5+s19], $0x10, s12, s19, $0xb8;
	[tilespmem:$0x76E0] =	vst v63  }
0xac: {  	_ =	swait.ge [sflag:s20], $0x800  }
0xad: {  	[sflag:s20] =	ssyncset.done $0x0  }
0xae: {  	s12 =	simm.s32 $0x3B90;
	[sflag:s20] =	ssyncadd.s32 $0xFFFFF800  }
0xaf: {  	[spmem:s2] =	stream.indirect.scatter.add.f32 [tilespmem:s14], [sflag:$0x8], $0x10, s12, s19, $0xb8;
	[tilespmem:$0x76E0] =	vst v63  }
0xb0: {  	s16 =	simm.s32 $0x6710;
	s14 =	simm.s32 $0x2890  }
0xb1: {  	[tilespmem:s16], [sflag:$0x6] =	stream.indirect.gather [hbm4b:s5+s19], $0x10, s14, s19, $0xb8;
	[tilespmem:$0x76E0] =	vst v63  }
0xb2: {  	_ =	swait.ge [sflag:s13], $0x800  }
0xb3: {  	p0 =	sne.s32 s7, $0x3;
	[sflag:s13] =	ssyncset.done $0x0  }
.Ltmp3:
0xb4: {  	s20 =	simm.s32 $0x3C10;
	[sflag:s13] =	ssyncadd.s32 $0xFFFFF800;
	(pc) =	sbr.rel @!p0 .LBB2_7-.Ltmp3, $4  }
0xb5: {  	[spmem:s2] =	stream.indirect.scatter.add.f32 [tilespmem:s24], [sflag:s22], $0x10, s20, s19, $0xb8;
	[tilespmem:$0x76E0] =	vst v63  }
0xb6: {  	_ =	swait.ge [sflag:s21], $0x800  }
0xb7: {  	s11 =	simm.s32 $0x3;
	[sflag:s21] =	ssyncset.done $0x0  }
0xb8: {  	s12 =	simm.s32 $0x3C90;
	s13 =	simm.s32 $0x2990;
	[sflag:s21] =	ssyncadd.s32 $0xFFFFF800  }
.LBB2_6:
0xb9: {  	[tilespmem:s9], [sflag:s31] =	stream.indirect.gather [hbm4b:s5+s19], $0x10, s10, s19, $0xb8;
	[tilespmem:$0x76E0] =	vst v63  }
0xba: {  	s9 =	smov.u32 s11;
	s10 =	smov.u32 s13  }
0xbb: {  	s11 =	sadd.s32 $0x1, s11;
	s14 =	sand.u32 $0x3, s9  }
0xbc: {  	s16 =	sshll.u32 s14, $0xB;
	s20 =	sadd.s32 $0x3, s14;
	s21 =	sxor.u32 $0x2, s14  }
0xbd: {  	s9 =	sadd.s32 $0x2, s9;
	p0 =	sne.s32 s7, s11;
	_ =	swait.ge [sflag:s20], $0x800  }
0xbe: {  	s14 =	sadd.s32 $0x7, s14;
	s21 =	sadd.s32 $0x7, s21;
	[sflag:s20] =	ssyncset.done $0x0  }
.Ltmp4:
0xbf: {  	s16 =	sadd.s32 $0x4F10, s16;
	[sflag:s20] =	ssyncadd.s32 $0xFFFFF800;
	(pc) =	sbr.rel @p0 .LBB2_6-.Ltmp4, $4  }
0xc0: {  	[spmem:s2] =	stream.indirect.scatter.add.f32 [tilespmem:s16], [sflag:s14], $0x10, s12, s19, $0xb8;
	[tilespmem:$0x76E0] =	vst v63  }
0xc1: {  	s14 =	sand.u32 $0x3, s9;
	s12 =	sadd.s32 $0x80, s12;
	_ =	swait.ge [sflag:s21], $0x800  }
0xc2: {  	s13 =	sadd.s32 $0x80, s13;
	s9 =	sshll.u32 s14, $0xB;
	[sflag:s21] =	ssyncset.done $0x0  }
0xc3: {  	s31 =	sadd.s32 $0x3, s14;
	s9 =	sadd.s32 $0x4F10, s9;
	[sflag:s21] =	ssyncadd.s32 $0xFFFFF800  }
.LBB2_7:
0xc4: {  	[tilespmem:s9], [sflag:s31] =	stream.indirect.gather [hbm4b:s5+s19], $0x10, s10, s19, $0xb8;
	[tilespmem:$0x76E0] =	vst v63  }
0xc5: {  	_ =	swait.ge [sflag:s15], $0x800  }
0xc6: {  	[sflag:s15] =	ssyncset.done $0x0;
	s16 =	rddreg [dreg:$0xb]  }
0xc7: {  	s20 =	rddreg [dreg:$0xc];
	[sflag:s15] =	ssyncadd.s32 $0xFFFFF800  }
0xc8: {  	[spmem:s2] =	stream.indirect.scatter.add.f32 [tilespmem:s16], [sflag:s18], $0x10, s20, s19, $0xb8;
	[tilespmem:$0x76E0] =	vst v63  }
0xc9: {  	_ =	swait.ge [sflag:s17], $0x800  }
0xca: {  	[sflag:s17] =	ssyncset.done $0x0  }
0xcb: {  	[sflag:s17] =	ssyncadd.s32 $0xFFFFF800  }
0xcc: {  	_ =	swait.ge [sflag:s23], $0x800  }
0xcd: {  	s21 =	rddreg [dreg:$0xf]  }
0xce: {  	[sflag:s23] =	ssyncset.done $0x0;
	s22 =	rddreg [dreg:$0x10]  }
0xcf: {  	s11 =	rddreg [dreg:$0x11];
	[sflag:s23] =	ssyncadd.s32 $0xFFFFF800  }
0xd0: {  	[spmem:s2] =	stream.indirect.scatter.add.f32 [tilespmem:s21], [sflag:s11], $0x10, s22, s19, $0xb8;
	[tilespmem:$0x76E0] =	vst v63  }
0xd1: {  	_ =	swait.ge [sflag:s25], $0x800  }
0xd2: {  	[sflag:s25] =	ssyncset.done $0x0  }
0xd3: {  	[sflag:s25] =	ssyncadd.s32 $0xFFFFF800  }
0xd4: {  	_ =	swait.ge [sflag:s18], $0x800  }
0xd5: {  	[sflag:s18] =	ssyncset.done $0x0  }
0xd6: {  	[sflag:s18] =	ssyncadd.s32 $0xFFFFF800  }
0xd7: {  	_ =	swait.ge [sflag:s26], $0x800  }
0xd8: {  	[sflag:s26] =	ssyncset.done $0x0  }
0xd9: {  	[sflag:s26] =	ssyncadd.s32 $0xFFFFF800  }
0xda: {  	[bflag:$0x0] =	sbarrier.arrive $0xFFFF  }
0xdb: {  	s24 =	rddreg [dreg:$0x13]  }
0xdc: {  	[hbm:s24], [sflag:s0] =	dma.local [spmem:s3], $0x4E2  }
0xdd: {  	_ =	swait.ge [sflag:s8], $0x4E2  }
0xde: {  	s4 =	sadd.s32 $0x1, s4;
	s31 =	rddreg [dreg:$0x14]  }
0xdf: {  	p0 =	sne.s32 s4, s31  }
.Ltmp5:
0xe0: {  	_ = 	snop;
	(pc) =	sbr.rel @p0 .LBB2_1-.Ltmp5, $3  }
0xe1: {  	_ =	sdelay $0x1  }
0xe2: {  	[sflag:s8] =	ssyncset.done $0x0  }
0xe3: {  	[sflag:s8] =	ssyncadd.s32 $0xFFFFFB1E  }
0xe4: {  	_ =	sfence.sel $0x180000  }
0xe5: {  	[bflag:$0x0] =	sbarrier.arrive $0xFFFF  }
0xe6: {  	_ =	strace $0x9000004A  }
0xe7: {  	s0 =	stileid.u32;
	[bflag:$0x2] =	sbarrier.arrive $0xFFFF  }
0xe8: {  	p0 =	sne.s32 s0, $0x0;
	s0 =	rddreg [dreg:$0x3]  }
0xe9: {  	s0 =	sadd.s32 @!p0 $0x100000, s0  }
0xea: {  	[sflag:s0] =	ssyncadd.tile.s32 @!p0 $0x1;
	_ =	shalt  }
.Lfunc_end2:
_tile_overlayer_lowered:
.L_overlay_start_2:
0xeb: {  	(tag) =	ssettag $0x2  }
0xec: {  	s0 =	rddreg [dreg:$0x0];
	s2 =	stileid.u32  }
0xed: {  	s1 =	rddreg [dreg:$0x1];
	p0 =	sne.s32 s2, $0x0  }
0xee: {  	s3 =	rddreg [dreg:$0x2];
	[bflag:$0x3] =	sbarrier.arrive $0xFFFF;
	s2 =	simm.s32 @!p0 $0x1C0B  }
0xef: {  	[timem:s3], [sflag:s2] =	dma.local @!p0 [hbm:s0], s1  }
0xf0: {  	s0 =	simm.s32 @!p0 $0xB  }
0xf1: {  	_ =	swait.ge @!p0 [sflag:s0], s1  }
0xf2: {  	s1 =	ssub.s32 @!p0 $0x0, s1;
	[sflag:s0] =	ssyncset.done @!p0 $0x0  }
0xf3: {  	[sflag:s0] =	ssyncadd.s32 @!p0 s1  }
0xf4: {  	[bflag:$0x3] =	sbarrier.arrive $0xFFFF  }
0xf5: {  	_ =	shalt  }

// kernel: kernel.7.cloned.1.call-start
scs
__scs_entry_jumppad:
0x0: {  	(pc) =	sbr.rel $0x88, $3  }
0x1: {  	(tag) =	ssettag $0x0;
	lr =	simm.s32 $0x1  }
0x2: {  	[smem:$0x3F96] =	sst lr;
	_ =	strace $0xD0000000  }
0x3: {  	_ = 	snop  }
0x4: {  	_ = 	snop  }
0x5: {  	_ = 	snop  }
0x6: {  	_ = 	snop  }
0x7: {  	_ = 	snop  }
__scs_overlays_trampoline_lowered:
0x8: {  	[smem:$0x3FA5] =	sst s0  }
0x9: {  	[smem:$0x3FA6] =	sst s1  }
0xa: {  	[smem:$0x3FA7] =	sst s2  }
0xb: {  	[smem:$0x3FA8] =	sst s3  }
0xc: {  	[smem:$0x3FA9] =	sst s4  }
0xd: {  	[smem:$0x3FAA] =	sst s5  }
0xe: {  	[smem:$0x3FAB] =	sst s6  }
0xf: {  	[smem:$0x3FAC] =	sst s7  }
0x10: {  	[smem:$0x3FAD] =	sst s8  }
0x11: {  	[smem:$0x3FAE] =	sst s9;
	s0 =	simm.s32 @!p0 $0x0  }
0x12: {  	s1 =	sld [smem:$0x3F94];
	s0 =	simm.s32 @p0 $0x1  }
0x13: {  	[smem:$0x3FAF] =	sst s0;
	s0 =	simm.s32 @!p1 $0x0  }
0x14: {  	s2 =	sld [smem:$0x3F93];
	s0 =	simm.s32 @p1 $0x1  }
0x15: {  	[smem:$0x3FB0] =	sst s0;
	s0 =	simm.s32 @!p2 $0x0  }
0x16: {  	s3 =	sld [smem:$0x3FDB];
	s0 =	simm.s32 @p2 $0x1  }
0x17: {  	s4 =	simm.s32 $0x1BF5;
	[smem:$0x3FB2] =	sst s0  }
0x18: {  	s0 =	sld [smem:$0x3F95];
	_ =	swait.ge [sflag:s4], $0x0  }
0x19: {  	s7 =	sld [smem:$0x3F96]  }
0x1a: {  	s8 =	sadd.s32 $0xFFFFE003, lr  }
0x1b: {  	s9 =	sadd.s32 $0xFFFFFEF7, lr;
	s5 =	simm.s32 $0xFFFFFFFF;
	p2 =	slt.u32 s8, $0xFFFFF086  }
0x1c: {  	p1 =	slt.u32 s9, $0xF7A;
	s5 =	simm.s32 @!p2 $0x0  }
0x1d: {  	s5 =	simm.s32 @p1 $0x1;
	p0 =	seq.s32 s7, s2  }
0x1e: {  	s7 =	smul.u32 @!p0 $0xF7A, s2;
	p2 =	seq.s32 @!p0 s5, $0x0  }
0x1f: {  	s9 =	smul.u32 $0xF7A, s1;
	s8 =	simm.s32 @!p0 $0x1BF5;
	p2 =	por !p2, p0  }
0x20: {  	[sflag:s8] =	ssyncset.s32 @!p0 $0xFFFFF086;
	s6 =	sadd.s32 @!p0 s3, s7;
	s7 =	simm.s32 @!p0 $0x108  }
0x21: {  	s3 =	sadd.s32 s3, s9;
	s6 =	sadd.s32 @!p0 $0x88, s6;
	s7 =	simm.s32 @p2 $0x1082  }
0x22: {  	[simem:s7], [sflag:s8] =	dma.local @!p0 [hbm:s6], $0xF7A  }
0x23: {  	s9 =	sor.u32 $0xD0000000, s2;
	s6 =	simm.s32 $0x108;
	_ =	swait.ge @!p0 [sflag:s8], $0x0  }
0x24: {  	s3 =	sadd.s32 $0x88, s3;
	s6 =	simm.s32 @!p1 $0x1082;
	[sflag:s4] =	ssyncset.s32 $0xFFFFF086  }
0x25: {  	[simem:s6], [sflag:s4] =	dma.local [hbm:s3], $0xF7A  }
0x26: {  	[smem:$0x3F96] =	sst s1;
	(tag) =	ssettag s2;
	_ =	strace s9  }
0x27: {  	s1 =	sld [smem:$0x3FA6]  }
0x28: {  	s2 =	sld [smem:$0x3FA7]  }
0x29: {  	s4 =	sld [smem:$0x3FA9]  }
0x2a: {  	p0 =	seq.s32 s5, $0x0;
	s5 =	sld [smem:$0x3FAA]  }
0x2b: {  	s6 =	sld [smem:$0x3FAB]  }
0x2c: {  	s7 =	sld [smem:$0x3FAC]  }
0x2d: {  	s3 =	simm.s32 $0x108;
	s8 =	sld [smem:$0x3FAD]  }
0x2e: {  	s3 =	simm.s32 @!p0 $0x1082;
	s9 =	sld [smem:$0x3FAE]  }
0x2f: {  	lr =	sadd.s32 s0, s3;
	s0 =	sld [smem:$0x3FA5]  }
0x30: {  	s3 =	sld [smem:$0x3FA8]  }
0x31: {  	[smem:$0x3FB1] =	sst s10  }
0x32: {  	s10 =	sld [smem:$0x3FAF];
	_ =	sdelay $0x3  }
0x33: {  	p0 =	seq.s32 s10, $0x1;
	s10 =	sld [smem:$0x3FB1];
	_ =	sdelay $0x3  }
0x34: {  	[smem:$0x3FB1] =	sst s10  }
0x35: {  	s10 =	sld [smem:$0x3FB0];
	_ =	sdelay $0x3  }
0x36: {  	p1 =	seq.s32 s10, $0x1;
	s10 =	sld [smem:$0x3FB1];
	_ =	sdelay $0x3  }
0x37: {  	[smem:$0x3FB1] =	sst s10  }
0x38: {  	s10 =	sld [smem:$0x3FB2]  }
0x39: {  	_ = 	snop;
	(pc) =	sbr.ind lr, $3  }
0x3a: {  	_ = 	snop  }
0x3b: {  	_ = 	snop  }
0x3c: {  	p2 =	seq.s32 s10, $0x1;
	s10 =	sld [smem:$0x3FB1]  }
0x3d: {  	_ =	shalt  }
0x3e: {  	_ =	shalt  }
0x3f: {  	_ =	shalt  }
0x40: {  	_ =	shalt  }
0x41: {  	_ =	shalt  }
0x42: {  	_ =	shalt  }
0x43: {  	_ =	shalt  }
0x44: {  	_ =	shalt  }
0x45: {  	_ =	shalt  }
0x46: {  	_ =	shalt  }
0x47: {  	_ =	shalt  }
0x48: {  	_ =	shalt  }
0x49: {  	_ =	shalt  }
0x4a: {  	_ =	shalt  }
0x4b: {  	_ =	shalt  }
0x4c: {  	_ =	shalt  }
0x4d: {  	_ =	shalt  }
0x4e: {  	_ =	shalt  }
0x4f: {  	_ =	shalt  }
0x50: {  	_ =	shalt  }
0x51: {  	_ =	shalt  }
0x52: {  	_ =	shalt  }
0x53: {  	_ =	shalt  }
0x54: {  	_ =	shalt  }
0x55: {  	_ =	shalt  }
0x56: {  	_ =	shalt  }
0x57: {  	_ =	shalt  }
0x58: {  	_ =	shalt  }
0x59: {  	_ =	shalt  }
0x5a: {  	_ =	shalt  }
0x5b: {  	_ =	shalt  }
0x5c: {  	_ =	shalt  }
0x5d: {  	_ =	shalt  }
0x5e: {  	_ =	shalt  }
0x5f: {  	_ =	shalt  }
0x60: {  	_ =	shalt  }
0x61: {  	_ =	shalt  }
0x62: {  	_ =	shalt  }
0x63: {  	_ =	shalt  }
0x64: {  	_ =	shalt  }
0x65: {  	_ =	shalt  }
0x66: {  	_ =	shalt  }
0x67: {  	_ =	shalt  }
0x68: {  	_ =	shalt  }
0x69: {  	_ =	shalt  }
0x6a: {  	_ =	shalt  }
0x6b: {  	_ =	shalt  }
0x6c: {  	_ =	shalt  }
0x6d: {  	_ =	shalt  }
0x6e: {  	_ =	shalt  }
0x6f: {  	_ =	shalt  }
0x70: {  	_ =	shalt  }
0x71: {  	_ =	shalt  }
0x72: {  	_ =	shalt  }
0x73: {  	_ =	shalt  }
0x74: {  	_ =	shalt  }
0x75: {  	_ =	shalt  }
0x76: {  	_ =	shalt  }
0x77: {  	_ =	shalt  }
0x78: {  	_ =	shalt  }
0x79: {  	_ =	shalt  }
0x7a: {  	_ =	shalt  }
0x7b: {  	_ =	shalt  }
0x7c: {  	_ =	shalt  }
0x7d: {  	_ =	shalt  }
0x7e: {  	_ =	shalt  }
0x7f: {  	_ =	shalt  }
0x80: {  	_ =	shalt  }
0x81: {  	_ =	shalt  }
0x82: {  	_ =	shalt  }
0x83: {  	_ =	shalt  }
0x84: {  	_ =	shalt  }
0x85: {  	_ =	shalt  }
0x86: {  	_ =	shalt  }
0x87: {  	_ =	shalt  }
.Lfunc_end0:
.L_simem_size_0:
called_computation_lowered:
.L_overlay_start_0:
0x88: {  	s2 =	sld [smem:$0x3FD9]  }
0x89: {  	s3 =	sld [smem:$0x3FFE];
	_ =	sdelay $0x1  }
0x8a: {  	s1 =	srdreg.scid  }
0x8b: {  	s0 =	sand.u32 $0x1, s1  }
0x8c: {  	s16 =	sshll.u32 s0, $0xA;
	s2 =	sadd.s32 s3, s2  }
0x8d: {  	s2 =	sadd.s32 s2, s16  }
0x8e: {  	[smem:$0x3FBD] =	sst s2  }
0x8f: {  	_ = 	snop  }
0x90: {  	(tm) =	ssettm $0x1  }
0x91: {  	s17 =	sld [smem:$0x3FFB];
	_ =	sdelay $0x3  }
0x92: {  	_ =	strace s17  }
0x93: {  	s2 =	sld [smem:$0x3FFC];
	_ =	sdelay $0x3  }
0x94: {  	_ =	strace s2  }
0x95: {  	s2 =	sld [smem:$0x3FFD];
	_ =	sdelay $0x3  }
0x96: {  	_ =	strace s2  }
0x97: {  	_ =	strace $0x8FFFFFFF  }
0x98: {  	s18 =	sld [smem:$0x3FDB];
	_ =	sdelay $0x1  }
0x99: {  	s19 =	simm.s32 $_scs_section_size  }
0x9a: {  	s4 =	simm.s32 $_size__tile_overlayer_lowered;
	s5 =	simm.s32 $_tile_overlayer_lowered  }
0x9b: {  	s22 =	simm.s32 $0x1BFF;
	s21 =	sshll.u32 s5, $0x1;
	s2 =	sadd.s32 s19, s18  }
0x9c: {  	s6 =	simm.s32 $0x0;
	s20 =	sshll.u32 s4, $0x1;
	s4 =	sadd.s32 s21, s2  }
0x9d: {  	[timem:s6], [sflag:s22] =	dma.local [hbm:s4], s20  }
0x9e: {  	_ =	swait.ge [sflag:s22], s20  }
0x9f: {  	s3 =	ssub.s32 $0x0, s20;
	[sflag:s22] =	ssyncset.done $0x0  }
0xa0: {  	[sflag:s22] =	ssyncadd.s32 s3;
	_ =	sdelay $0x1  }
0xa1: {  	s23 =	simm.s32 $0x1B8B  }
0xa2: {  	_ =	swait.ge [sflag:s23], $0x1  }
0xa3: {  	[sflag:s23] =	ssyncset.done $0x0  }
0xa4: {  	s25 =	simm.s32 $0x1B8E;
	s24 =	sld [smem:$0x3FFE];
	[sflag:s23] =	ssyncadd.s32 $0xFFFFFFFF  }
0xa5: {  	s26 =	simm.s32 $execute0_lowered;
	[smem:$0x3FD2] =	sst s25  }
0xa6: {  	s4 =	sshll.u32 s26, $0x1;
	_ =	strace $0x80000046;
	[dreg:$0x1] =	wrdreg $0xFFFFFFFF  }
0xa7: {  	s28 =	simm.s32 $_size_execute0_lowered;
	s2 =	sadd.s32 s2, s4;
	[dreg:$0x0] =	wrdreg $0x0  }
0xa8: {  	s4 =	sshll.u32 s28, $0x1;
	[dreg:$0x2] =	wrdreg s2  }
0xa9: {  	[dreg:$0x3] =	wrdreg s4  }
0xaa: {  	[dreg:$0x4] =	wrdreg $0xC0  }
0xab: {  	_ =	task [dreg:s6], $0x5FFFF  }
0xac: {  	[dreg:$0x1] =	wrdreg $0xFFFFFFFF  }
0xad: {  	[dreg:$0x0] =	wrdreg $0x60  }
0xae: {  	[dreg:$0x2] =	wrdreg s24  }
0xaf: {  	[dreg:$0x3] =	wrdreg $0x0  }
0xb0: {  	[dreg:$0x4] =	wrdreg $0x9  }
0xb1: {  	_ =	task.clear_ibuf [dreg:s6], $0x5FFFF;
	_ =	strace $0x90000046  }
0xb2: {  	s29 =	simm.s32 $0x9;
	_ =	strace $0x80000048  }
0xb3: {  	_ =	swait.ge [sflag:s29], $0x1  }
0xb4: {  	[sflag:s29] =	ssyncadd.s32 $0xFFFFFFFF  }
0xb5: {  	_ =	strace $0x90000048  }
0xb6: {  	_ =	sfence  }
0xb7: {  	s30 =	sld [smem:$0x0];
	_ =	sdelay $0x2  }
0xb8: {  	s31 =	sshll.u32 s1, $0xD;
	s1 =	sshrl.u32 s1, $0x2  }
0xb9: {  	s3 =	sand.u32 $0x4000, s31;
	s1 =	sadd.s32 s1, s30  }
0xba: {  	s0 =	sor.u32 s3, s0;
	s1 =	sshll.u32 s1, $0x11  }
0xbb: {  	s0 =	sor.u32 s1, s0  }
0xbc: {  	s0 =	sadd.s32 $0x8F2B, s0  }
0xbd: {  	[sflag:s0] =	ssyncadd.remote.s32 $0x1  }
0xbe: {  	_ =	sfence.sel $0xFFFF  }
0xbf: {  	[dreg:$0x0] =	wrdreg $0xFFFFFFFF;
	(pc) =	sbr.abs _section_cstart, $3  }
0xc0: {  	[dreg:$0x1] =	wrdreg $0xFFFFFFFF  }
0xc1: {  	_ =	task.clear_ibuf [dreg:s6], $0x2FFFF;
	_ =	strace $0x9FFFFFFF  }
0xc2: {  	(tm) =	ssettm $0x7FFFFFFF  }
0xc3: {  	_ =	shalt  }
tec
execute0_lowered:
.L_overlay_start_1:
0x0: {  	(tag) =	ssettag $0x1  }
0x1: {  	s0 =	rddreg [dreg:$0x0]  }
0x2: {  	s1 =	rddreg [dreg:$0x1];
	s28 =	simm.s32 $0x0;
	s2 =	srdreg.scid  }
0x3: {  	s11 =	stileid.u32;
	[smem:$0x7FF] =	sst s28  }
0x4: {  	s2 =	sand.u32 $0x1, s2;
	s3 =	smul.u32 $0xC350, s11;
	s4 =	sadd.s32 $0x3D200, s0  }
0x5: {  	s7 =	sshll.u32 s11, $0x1;
	s5 =	sadd.s32 $0x55A00, s0;
	s8 =	sadd.s32 $0x2000, s0  }
0x6: {  	s9 =	sadd.s32 $0xC000, s0;
	s13 =	smul.u32 $0x30D40, s11;
	s7 =	sor.u32 s2, s7  }
0x7: {  	p0 =	seq.s32 s11, $0x0;
	_ =	strace $0x80000047;
	s10 =	smul.u32 $0x27, s7  }
0x8: {  	s6 =	smul.u32 $0x186A00, s2;
	s2 =	ssub.s32 $0x2, s2;
	s7 =	smin.u32 s7, $0x2  }
0x9: {  	s30 =	sshrl.u32 s2, $0x1;
	s29 =	sadd.s32 s3, s1;
	s7 =	sadd.s32 s7, s10  }
0xa: {  	s6 =	sadd.s32 s3, s6;
	s10 =	sshrl.u32 s13, $0x2;
	s31 =	sshll.u32 s7, $0x4  }
0xb: {  	[dreg:$0x5] =	wrdreg s29;
	s16 =	sadd.s32 s10, s1;
	s7 =	sadd.s32 s8, s31  }
0xc: {  	s2 =	ssub.s32 s2, s30;
	s18 =	sadd.s32 $0x2710, s16;
	[dreg:$0x3] =	wrdreg s7  }
0xd: {  	s6 =	sshrl.u32 s6, $0x3;
	s12 =	sadd.s32 $0x4E20, s16;
	[dreg:$0x6] =	wrdreg s18  }
0xe: {  	s0 =	sadd.s32 s6, s0;
	s20 =	sadd.s32 $0x7530, s16;
	[dreg:$0x7] =	wrdreg s12  }
0xf: {  	s14 =	sadd.s32 $0x5000, s31;
	s6 =	sadd.s32 s9, s31;
	[dreg:$0x8] =	wrdreg s20  }
0x10: {  	s30 =	sadd.s32 $0x6E200, s0;
	s0 =	sadd.s32 $0x868A0, s0;
	[dreg:$0xc] =	wrdreg s6  }
0x11: {  	s31 =	smax.u32 s2, $0x1;
	s7 =	simm.s32 $0x26;
	[dreg:$0x11] =	wrdreg s30  }
0x12: {  	s8 =	sadd.s32 s8, s14;
	s12 =	simm.s32 $0x27;
	[dreg:$0x12] =	wrdreg s0  }
0x13: {  	s24 =	sadd.s32 s9, s14;
	s6 =	simm.s32 $0x1;
	[dreg:$0x13] =	wrdreg s31  }
0x14: {  	s7 =	simm.s32 @!p0 $0x25;
	[dreg:$0x4] =	wrdreg s8;
	s8 =	sadd.s32 $0x9C40, s16  }
0x15: {  	s12 =	simm.s32 @!p0 $0x26;
	[dreg:$0xd] =	wrdreg s24;
	s6 =	simm.s32 @!p0 $0x0  }
0x16: {  	s17 =	sand.u32 $0x3, s7;
	[dreg:$0x9] =	wrdreg s8;
	s21 =	sshll.u32 s7, $0x7  }
0x17: {  	s22 =	sand.u32 $0x3, s12;
	s25 =	sshll.u32 s12, $0x7;
	s19 =	smul.u32 $0xA000, s17  }
0x18: {  	s8 =	simm.s32 $0xB;
	s15 =	sadd.s32 $0x3, s17;
	s23 =	smul.u32 $0xA000, s22  }
0x19: {  	s20 =	sadd.s32 $0x7, s17;
	s26 =	sadd.s32 $0x7, s22;
	s3 =	sshrl.u32 s19, $0x2  }
0x1a: {  	s17 =	simm.s32 $0x80;
	[dreg:$0x10] =	wrdreg s26;
	s3 =	sadd.s32 $0xEB50, s3  }
0x1b: {  	s26 =	simm.s32 $0xA;
	[dreg:$0xa] =	wrdreg s3;
	s3 =	sadd.s32 $0xD750, s21  }
0x1c: {  	s19 =	simm.s32 $0x7;
	[dreg:$0xb] =	wrdreg s3;
	s3 =	sshrl.u32 s23, $0x2  }
0x1d: {  	s26 =	simm.s32 @!p0 $0x9;
	s19 =	simm.s32 @!p0 $0xA;
	s3 =	sadd.s32 $0xEB50, s3  }
0x1e: {  	s23 =	sadd.s32 $0x3, s22;
	[dreg:$0xe] =	wrdreg s3;
	s3 =	sadd.s32 $0xD750, s25  }
0x1f: {  	v0 =	vimm.f32 $0.0e+00;
	s25 =	sadd.s32 $0x7, s6;
	[dreg:$0xf] =	wrdreg s3;
	s3 =	simm.s32 $0x0  }
.LBB2_1:
0x20: {  	s2 =	simm.s32 $0x140;
	s0 =	simm.s32 $0x0  }
.LBB2_2:
0x21: {  	p0 =	sne.s32 s2, $0x9B00;
	[tilespmem:s0+$0x18B90] =	vst v0;
	s9 =	smov.u32 s2;
	s2 =	sadd.s32 $0x140, s2  }
.Ltmp0:
0x22: {  	[tilespmem:s0+$0x18B80] =	vst v0;
	(pc) =	sbr.rel @p0 .LBB2_2-.Ltmp0, $4  }
0x23: {  	[tilespmem:s0+$0x18B70] =	vst v0  }
0x24: {  	[tilespmem:s0+$0x18B50] =	vst v0  }
0x25: {  	[tilespmem:s0+$0x18B60] =	vst v0  }
0x26: {  	s0 =	sshra.s32 s9, $0x2  }
0x27: {  	[tilespmem:s0+$0x18B90] =	vst v0  }
0x28: {  	[tilespmem:s0+$0x18B80] =	vst v0  }
0x29: {  	[tilespmem:s0+$0x18B70] =	vst v0  }
0x2a: {  	[tilespmem:s0+$0x18B50] =	vst v0  }
0x2b: {  	[tilespmem:s0+$0x18B60] =	vst v0;
	s16 =	rddreg [dreg:$0x3];
	s2 =	simm.s32 $0xC350  }
0x2c: {  	[tilespmem:s2], [sflag:$0x1] =	stream.linear.gather [hbm4b:s16+s28], $0x1400, $0x38;
	[tilespmem:$0x1B260] =	vst v63  }
0x2d: {  	s18 =	rddreg [dreg:$0x4];
	s6 =	simm.s32 $0xD750  }
0x2e: {  	[tilespmem:s6], [sflag:$0x2] =	stream.linear.gather [hbm4b:s18+s28], $0x1400, $0x38;
	[tilespmem:$0x1B260] =	vst v63  }
0x2f: {  	s9 =	simm.s32 $0x18B50  }
0x30: {  	[spmem:s29] =	stream.linear.scatter [tilespmem:s9], [sflag:$0xB], $0x2710, $0x38;
	[tilespmem:$0x1B260] =	vst v63  }
0x31: {  	_ =	swait.ge [sflag:s8], $0x2710  }
0x32: {  	[sflag:s8] =	ssyncset.done $0x0  }
0x33: {  	s21 =	rddreg [dreg:$0x6];
	[sflag:s8] =	ssyncadd.s32 $0xFFFFD8F0  }
0x34: {  	[spmem:s21] =	stream.linear.scatter [tilespmem:s9], [sflag:$0xB], $0x2710, $0x38;
	[tilespmem:$0x1B260] =	vst v63  }
0x35: {  	_ =	swait.ge [sflag:s8], $0x2710  }
0x36: {  	[sflag:s8] =	ssyncset.done $0x0  }
0x37: {  	s22 =	rddreg [dreg:$0x7];
	[sflag:s8] =	ssyncadd.s32 $0xFFFFD8F0  }
0x38: {  	[spmem:s22] =	stream.linear.scatter [tilespmem:s9], [sflag:$0xB], $0x2710, $0x38;
	[tilespmem:$0x1B260] =	vst v63  }
0x39: {  	_ =	swait.ge [sflag:s8], $0x2710  }
0x3a: {  	[sflag:s8] =	ssyncset.done $0x0  }
0x3b: {  	s24 =	rddreg [dreg:$0x8];
	[sflag:s8] =	ssyncadd.s32 $0xFFFFD8F0  }
0x3c: {  	[spmem:s24] =	stream.linear.scatter [tilespmem:s9], [sflag:$0xB], $0x2710, $0x38;
	[tilespmem:$0x1B260] =	vst v63  }
0x3d: {  	_ =	swait.ge [sflag:s8], $0x2710  }
0x3e: {  	[sflag:s8] =	ssyncset.done $0x0  }
0x3f: {  	s28 =	rddreg [dreg:$0x9];
	[sflag:s8] =	ssyncadd.s32 $0xFFFFD8F0  }
0x40: {  	[spmem:s28] =	stream.linear.scatter [tilespmem:s9], [sflag:$0xB], $0x2710, $0x38;
	[tilespmem:$0x1B260] =	vst v63  }
0x41: {  	_ =	swait.ge [sflag:s8], $0x2710  }
0x42: {  	[sflag:s8] =	ssyncset.done $0x0  }
0x43: {  	s9 =	simm.s32 $0x1;
	[sflag:s8] =	ssyncadd.s32 $0xFFFFD8F0  }
0x44: {  	_ =	swait.ge [sflag:s9], $0x1400  }
0x45: {  	[sflag:s9] =	ssyncset.done $0x0  }
0x46: {  	s12 =	simm.s32 $0x2;
	[sflag:s9] =	ssyncadd.s32 $0xFFFFEC00  }
0x47: {  	_ =	swait.ge [sflag:s12], $0x1400  }
0x48: {  	[sflag:s12] =	ssyncset.done $0x0  }
0x49: {  	[sflag:s12] =	ssyncadd.s32 $0xFFFFEC00  }
0x4a: {  	s10 =	simm.s32 $0xEB50;
	[bflag:$0x0] =	sbarrier.arrive $0xFFFF  }
0x4b: {  	[tilespmem:s10], [sflag:$0x3] =	stream.indirect.gather [hbm4b:s4+s17], $0x50, s2, s17, $0xb8;
	[tilespmem:$0x1B260] =	vst v63  }
0x4c: {  	s11 =	simm.s32 $0xC3D0;
	s13 =	simm.s32 $0x11350;
	s14 =	simm.s32 $0x3  }
0x4d: {  	[tilespmem:s13], [sflag:$0x4] =	stream.indirect.gather [hbm4b:s4+s17], $0x50, s11, s17, $0xb8;
	[tilespmem:$0x1B260] =	vst v63  }
0x4e: {  	s0 =	simm.s32 $0x3;
	p0 =	sne.s32 s7, $0x3;
	_ =	swait.ge [sflag:s14], $0x2800  }
0x4f: {  	s16 =	simm.s32 $0xC450;
	s18 =	simm.s32 $0x13B50;
	[sflag:s14] =	ssyncset.done $0x0  }
0x50: {  	s29 =	simm.s32 $0xC550;
	s21 =	simm.s32 $0x4;
	[sflag:s14] =	ssyncadd.s32 $0xFFFFD800  }
0x51: {  	[spmem:s1] =	stream.indirect.scatter.add.f32 [tilespmem:s10], [sflag:$0x7], $0x50, s6, s17, $0xb8;
	[tilespmem:$0x1B260] =	vst v63  }
0x52: {  	s22 =	simm.s32 $0xD7D0;
	s24 =	simm.s32 $0xC4D0;
	s28 =	simm.s32 $0x16350  }
0x53: {  	[tilespmem:s18], [sflag:$0x5] =	stream.indirect.gather [hbm4b:s4+s17], $0x50, s16, s17, $0xb8;
	[tilespmem:$0x1B260] =	vst v63  }
0x54: {  	s2 =	simm.s32 $0xD8D0;
	s14 =	simm.s32 $0xD850;
	_ =	swait.ge [sflag:s21], $0x2800  }
0x55: {  	s10 =	simm.s32 $0xC550;
	s6 =	sand.u32 $0x3, s12;
	[sflag:s21] =	ssyncset.done $0x0  }
0x56: {  	s11 =	sxor.u32 $0x2, s6;
	s16 =	smul.u32 $0xA000, s6;
	[sflag:s21] =	ssyncadd.s32 $0xFFFFD800  }
0x57: {  	[spmem:s1] =	stream.indirect.scatter.add.f32 [tilespmem:s13], [sflag:$0x8], $0x50, s22, s17, $0xb8;
	[tilespmem:$0x1B260] =	vst v63  }
0x58: {  	s9 =	sshrl.u32 s16, $0x2;
	s21 =	sadd.s32 $0x3, s6;
	s13 =	simm.s32 $0x4  }
0x59: {  	s22 =	sadd.s32 $0xEB50, s9;
	s9 =	sadd.s32 $0x7, s11;
	s13 =	sand.u32 $0x3, s13  }
0x5a: {  	[tilespmem:s28], [sflag:$0x6] =	stream.indirect.gather [hbm4b:s4+s17], $0x50, s24, s17, $0xb8;
	[tilespmem:$0x1B260] =	vst v63  }
0x5b: {  	s11 =	smov.u32 s9;
	s18 =	smul.u32 $0xA000, s13;
	_ =	swait.ge [sflag:s21], $0x2800  }
.Ltmp1:
0x5c: {  	s24 =	sadd.s32 $0x7, s6;
	[sflag:s21] =	ssyncset.done $0x0;
	(pc) =	sbr.rel @!p0 .LBB2_5-.Ltmp1, $4  }
0x5d: {  	s30 =	sadd.s32 $0x3, s13;
	s28 =	sshrl.u32 s18, $0x2;
	[sflag:s21] =	ssyncadd.s32 $0xFFFFD800  }
0x5e: {  	[spmem:s1] =	stream.indirect.scatter.add.f32 [tilespmem:s22], [sflag:s24], $0x50, s14, s17, $0xb8;
	[tilespmem:$0x1B260] =	vst v63  }
0x5f: {  	s16 =	smov.u32 s30;
	s31 =	sadd.s32 $0xEB50, s28;
	_ =	swait.ge [sflag:s9], $0x2800  }
0x60: {  	s18 =	simm.s32 $0xC550;
	s13 =	smov.u32 s31;
	[sflag:s9] =	ssyncset.done $0x0  }
.LBB2_4:
0x61: {  	[sflag:s11] =	ssyncadd.s32 $0xFFFFD800  }
0x62: {  	s18 =	sadd.s32 $0x80, s18;
	s11 =	smov.u32 s0;
	s0 =	sadd.s32 $0x1, s0  }
0x63: {  	[tilespmem:s13], [sflag:s16] =	stream.indirect.gather [hbm4b:s4+s17], $0x50, s29, s17, $0xb8;
	[tilespmem:$0x1B260] =	vst v63  }
0x64: {  	p0 =	sne.s32 s7, s0;
	s29 =	smov.u32 s18  }
0x65: {  	s13 =	sand.u32 $0x3, s11  }
0x66: {  	s16 =	smul.u32 $0xA000, s13;
	s14 =	sadd.s32 $0x3, s13;
	s28 =	sxor.u32 $0x2, s13  }
0x67: {  	s11 =	sadd.s32 $0x2, s11;
	_ =	swait.ge [sflag:s14], $0x2800  }
0x68: {  	s13 =	sadd.s32 $0x7, s13;
	s16 =	sshrl.u32 s16, $0x2;
	[sflag:s14] =	ssyncset.done $0x0  }
.Ltmp2:
0x69: {  	s6 =	sand.u32 $0x3, s11;
	s16 =	sadd.s32 $0xEB50, s16;
	(pc) =	sbr.rel @p0 .LBB2_4-.Ltmp2, $4  }
0x6a: {  	s11 =	sadd.s32 $0x7, s28;
	[sflag:s14] =	ssyncadd.s32 $0xFFFFD800;
	s14 =	smul.u32 $0xA000, s6  }
0x6b: {  	[spmem:s1] =	stream.indirect.scatter.add.f32 [tilespmem:s16], [sflag:s13], $0x50, s2, s17, $0xb8;
	[tilespmem:$0x1B260] =	vst v63  }
0x6c: {  	s2 =	sadd.s32 $0x80, s2;
	_ =	swait.ge [sflag:s11], $0x2800;
	s13 =	sshrl.u32 s14, $0x2  }
0x6d: {  	s16 =	sadd.s32 $0x3, s6;
	[sflag:s11] =	ssyncset.done $0x0;
	s13 =	sadd.s32 $0xEB50, s13  }
.LBB2_5:
0x6e: {  	[sflag:s11] =	ssyncadd.s32 $0xFFFFD800  }
0x6f: {  	[tilespmem:s13], [sflag:s16] =	stream.indirect.gather [hbm4b:s4+s17], $0x50, s29, s17, $0xb8;
	[tilespmem:$0x1B260] =	vst v63  }
0x70: {  	_ =	swait.ge [sflag:s15], $0x2800  }
0x71: {  	[sflag:s15] =	ssyncset.done $0x0;
	s0 =	rddreg [dreg:$0xa]  }
0x72: {  	s2 =	rddreg [dreg:$0xb];
	[sflag:s15] =	ssyncadd.s32 $0xFFFFD800  }
0x73: {  	[spmem:s1] =	stream.indirect.scatter.add.f32 [tilespmem:s0], [sflag:s20], $0x50, s2, s17, $0xb8;
	[tilespmem:$0x1B260] =	vst v63  }
0x74: {  	_ =	swait.ge [sflag:s19], $0x2800  }
0x75: {  	[sflag:s19] =	ssyncset.done $0x0  }
0x76: {  	[sflag:s19] =	ssyncadd.s32 $0xFFFFD800  }
0x77: {  	_ =	swait.ge [sflag:s23], $0x2800  }
0x78: {  	s16 =	rddreg [dreg:$0xe]  }
0x79: {  	[sflag:s23] =	ssyncset.done $0x0;
	s18 =	rddreg [dreg:$0xf]  }
0x7a: {  	s6 =	rddreg [dreg:$0x10];
	[sflag:s23] =	ssyncadd.s32 $0xFFFFD800  }
0x7b: {  	[spmem:s1] =	stream.indirect.scatter.add.f32 [tilespmem:s16], [sflag:s6], $0x50, s18, s17, $0xb8;
	[tilespmem:$0x1B260] =	vst v63  }
0x7c: {  	_ =	swait.ge [sflag:s25], $0x2800  }
0x7d: {  	[sflag:s25] =	ssyncset.done $0x0  }
0x7e: {  	[sflag:s25] =	ssyncadd.s32 $0xFFFFD800  }
0x7f: {  	_ =	swait.ge [sflag:s20], $0x2800  }
0x80: {  	[sflag:s20] =	ssyncset.done $0x0  }
0x81: {  	[sflag:s20] =	ssyncadd.s32 $0xFFFFD800  }
0x82: {  	_ =	swait.ge [sflag:s26], $0x2800  }
0x83: {  	[sflag:s26] =	ssyncset.done $0x0  }
0x84: {  	[sflag:s26] =	ssyncadd.s32 $0xFFFFD800  }
0x85: {  	s6 =	stileid.u32;
	[bflag:$0x0] =	sbarrier.arrive $0xFFFF  }
0x86: {  	s0 =	sshll.u32 s6, $0x6;
	s29 =	rddreg [dreg:$0x5]  }
0x87: {  	s0 =	sor.u32 $0x1C0B, s0;
	s11 =	rddreg [dreg:$0x11];
	s2 =	sshrl.u32 s29, $0x3  }
0x88: {  	[hbm:s11], [sflag:s0] =	dma.local [spmem:s2], $0x186A  }
0x89: {  	_ =	swait.ge [sflag:s8], $0x186A  }
0x8a: {  	s28 =	simm.s32 $0x0;
	[sflag:s8] =	ssyncset.done $0x0  }
0x8b: {  	s11 =	simm.s32 $0xC350;
	s13 =	rddreg [dreg:$0xc];
	[sflag:s8] =	ssyncadd.s32 $0xFFFFE796  }
0x8c: {  	[tilespmem:s11], [sflag:$0x1] =	stream.linear.gather [hbm4b:s13+s28], $0x1400, $0x38;
	[tilespmem:$0x1B260] =	vst v63  }
0x8d: {  	s14 =	rddreg [dreg:$0xd];
	s13 =	simm.s32 $0xD750  }
0x8e: {  	[tilespmem:s13], [sflag:$0x2] =	stream.linear.gather [hbm4b:s14+s28], $0x1400, $0x38;
	[tilespmem:$0x1B260] =	vst v63  }
0x8f: {  	s14 =	simm.s32 $0x18B50  }
0x90: {  	[spmem:s29] =	stream.linear.scatter [tilespmem:s14], [sflag:$0xB], $0x2710, $0x38;
	[tilespmem:$0x1B260] =	vst v63  }
0x91: {  	_ =	swait.ge [sflag:s8], $0x2710  }
0x92: {  	[sflag:s8] =	ssyncset.done $0x0  }
0x93: {  	s16 =	rddreg [dreg:$0x6];
	[sflag:s8] =	ssyncadd.s32 $0xFFFFD8F0  }
0x94: {  	[spmem:s16] =	stream.linear.scatter [tilespmem:s14], [sflag:$0xB], $0x2710, $0x38;
	[tilespmem:$0x1B260] =	vst v63  }
0x95: {  	_ =	swait.ge [sflag:s8], $0x2710  }
0x96: {  	[sflag:s8] =	ssyncset.done $0x0  }
0x97: {  	s18 =	rddreg [dreg:$0x7];
	[sflag:s8] =	ssyncadd.s32 $0xFFFFD8F0  }
0x98: {  	[spmem:s18] =	stream.linear.scatter [tilespmem:s14], [sflag:$0xB], $0x2710, $0x38;
	[tilespmem:$0x1B260] =	vst v63  }
0x99: {  	_ =	swait.ge [sflag:s8], $0x2710  }
0x9a: {  	[sflag:s8] =	ssyncset.done $0x0  }
0x9b: {  	s16 =	rddreg [dreg:$0x8];
	[sflag:s8] =	ssyncadd.s32 $0xFFFFD8F0  }
0x9c: {  	[spmem:s16] =	stream.linear.scatter [tilespmem:s14], [sflag:$0xB], $0x2710, $0x38;
	[tilespmem:$0x1B260] =	vst v63  }
0x9d: {  	_ =	swait.ge [sflag:s8], $0x2710  }
0x9e: {  	[sflag:s8] =	ssyncset.done $0x0  }
0x9f: {  	s18 =	rddreg [dreg:$0x9];
	[sflag:s8] =	ssyncadd.s32 $0xFFFFD8F0  }
0xa0: {  	[spmem:s18] =	stream.linear.scatter [tilespmem:s14], [sflag:$0xB], $0x2710, $0x38;
	[tilespmem:$0x1B260] =	vst v63  }
0xa1: {  	_ =	swait.ge [sflag:s8], $0x2710  }
0xa2: {  	[sflag:s8] =	ssyncset.done $0x0  }
0xa3: {  	s14 =	simm.s32 $0x1;
	[sflag:s8] =	ssyncadd.s32 $0xFFFFD8F0  }
0xa4: {  	_ =	swait.ge [sflag:s14], $0x1400  }
0xa5: {  	[sflag:s14] =	ssyncset.done $0x0  }
0xa6: {  	[sflag:s14] =	ssyncadd.s32 $0xFFFFEC00  }
0xa7: {  	_ =	swait.ge [sflag:s12], $0x1400  }
0xa8: {  	[sflag:s12] =	ssyncset.done $0x0  }
0xa9: {  	[sflag:s12] =	ssyncadd.s32 $0xFFFFEC00  }
0xaa: {  	s16 =	simm.s32 $0xEB50;
	[bflag:$0x0] =	sbarrier.arrive $0xFFFF  }
0xab: {  	[tilespmem:s16], [sflag:$0x3] =	stream.indirect.gather [hbm4b:s5+s17], $0x50, s11, s17, $0xb8;
	[tilespmem:$0x1B260] =	vst v63  }
0xac: {  	s18 =	simm.s32 $0xC3D0;
	s14 =	simm.s32 $0x3;
	s12 =	simm.s32 $0x11350  }
0xad: {  	[tilespmem:s12], [sflag:$0x4] =	stream.indirect.gather [hbm4b:s5+s17], $0x50, s18, s17, $0xb8;
	[tilespmem:$0x1B260] =	vst v63  }
0xae: {  	_ =	swait.ge [sflag:s14], $0x2800  }
0xaf: {  	[sflag:s14] =	ssyncset.done $0x0  }
0xb0: {  	[sflag:s14] =	ssyncadd.s32 $0xFFFFD800  }
0xb1: {  	[spmem:s1] =	stream.indirect.scatter.add.f32 [tilespmem:s16], [sflag:$0x7], $0x50, s13, s17, $0xb8;
	[tilespmem:$0x1B260] =	vst v63  }
0xb2: {  	s18 =	simm.s32 $0x13B50;
	s16 =	simm.s32 $0xC450;
	s13 =	simm.s32 $0x4  }
0xb3: {  	[tilespmem:s18], [sflag:$0x5] =	stream.indirect.gather [hbm4b:s5+s17], $0x50, s16, s17, $0xb8;
	[tilespmem:$0x1B260] =	vst v63  }
0xb4: {  	_ =	swait.ge [sflag:s13], $0x2800  }
0xb5: {  	[sflag:s13] =	ssyncset.done $0x0  }
0xb6: {  	s14 =	simm.s32 $0xD7D0;
	[sflag:s13] =	ssyncadd.s32 $0xFFFFD800  }
0xb7: {  	[spmem:s1] =	stream.indirect.scatter.add.f32 [tilespmem:s12], [sflag:$0x8], $0x50, s14, s17, $0xb8;
	[tilespmem:$0x1B260] =	vst v63  }
0xb8: {  	s16 =	simm.s32 $0xC4D0;
	s18 =	simm.s32 $0x16350  }
0xb9: {  	[tilespmem:s18], [sflag:$0x6] =	stream.indirect.gather [hbm4b:s5+s17], $0x50, s16, s17, $0xb8;
	[tilespmem:$0x1B260] =	vst v63  }
0xba: {  	p0 =	sne.s32 s7, $0x3;
	_ =	swait.ge [sflag:s21], $0x2800  }
.Ltmp3:
0xbb: {  	[sflag:s21] =	ssyncset.done $0x0;
	(pc) =	sbr.rel @!p0 .LBB2_7-.Ltmp3, $4  }
0xbc: {  	[sflag:s21] =	ssyncadd.s32 $0xFFFFD800;
	s21 =	simm.s32 $0xD850  }
0xbd: {  	[spmem:s1] =	stream.indirect.scatter.add.f32 [tilespmem:s22], [sflag:s24], $0x50, s21, s17, $0xb8;
	[tilespmem:$0x1B260] =	vst v63  }
0xbe: {  	s12 =	simm.s32 $0x3;
	_ =	swait.ge [sflag:s9], $0x2800  }
0xbf: {  	s14 =	simm.s32 $0xD8D0;
	s18 =	simm.s32 $0xC550;
	[sflag:s9] =	ssyncset.done $0x0  }
.LBB2_6:
0xc0: {  	[sflag:s9] =	ssyncadd.s32 $0xFFFFD800  }
0xc1: {  	s18 =	sadd.s32 $0x80, s18;
	s6 =	smov.u32 s12;
	s12 =	sadd.s32 $0x1, s12  }
0xc2: {  	[tilespmem:s31], [sflag:s30] =	stream.indirect.gather [hbm4b:s5+s17], $0x50, s10, s17, $0xb8;
	[tilespmem:$0x1B260] =	vst v63  }
0xc3: {  	p0 =	sne.s32 s7, s12;
	s10 =	smov.u32 s18  }
0xc4: {  	s9 =	sand.u32 $0x3, s6  }
0xc5: {  	s11 =	smul.u32 $0xA000, s9;
	s13 =	sadd.s32 $0x3, s9;
	s16 =	sxor.u32 $0x2, s9  }
0xc6: {  	s6 =	sadd.s32 $0x2, s6;
	_ =	swait.ge [sflag:s13], $0x2800  }
0xc7: {  	s21 =	sadd.s32 $0x7, s9;
	s11 =	sshrl.u32 s11, $0x2;
	[sflag:s13] =	ssyncset.done $0x0  }
.Ltmp4:
0xc8: {  	s6 =	sand.u32 $0x3, s6;
	s11 =	sadd.s32 $0xEB50, s11;
	(pc) =	sbr.rel @p0 .LBB2_6-.Ltmp4, $4  }
0xc9: {  	s9 =	sadd.s32 $0x7, s16;
	[sflag:s13] =	ssyncadd.s32 $0xFFFFD800;
	s13 =	smul.u32 $0xA000, s6  }
0xca: {  	[spmem:s1] =	stream.indirect.scatter.add.f32 [tilespmem:s11], [sflag:s21], $0x50, s14, s17, $0xb8;
	[tilespmem:$0x1B260] =	vst v63  }
0xcb: {  	s14 =	sadd.s32 $0x80, s14;
	_ =	swait.ge [sflag:s9], $0x2800;
	s11 =	sshrl.u32 s13, $0x2  }
0xcc: {  	s30 =	sadd.s32 $0x3, s6;
	[sflag:s9] =	ssyncset.done $0x0;
	s31 =	sadd.s32 $0xEB50, s11  }
.LBB2_7:
0xcd: {  	[sflag:s9] =	ssyncadd.s32 $0xFFFFD800  }
0xce: {  	[tilespmem:s31], [sflag:s30] =	stream.indirect.gather [hbm4b:s5+s17], $0x50, s10, s17, $0xb8;
	[tilespmem:$0x1B260] =	vst v63  }
0xcf: {  	_ =	swait.ge [sflag:s15], $0x2800  }
0xd0: {  	[sflag:s15] =	ssyncset.done $0x0;
	s6 =	rddreg [dreg:$0xa]  }
0xd1: {  	s18 =	rddreg [dreg:$0xb];
	[sflag:s15] =	ssyncadd.s32 $0xFFFFD800  }
0xd2: {  	[spmem:s1] =	stream.indirect.scatter.add.f32 [tilespmem:s6], [sflag:s20], $0x50, s18, s17, $0xb8;
	[tilespmem:$0x1B260] =	vst v63  }
0xd3: {  	_ =	swait.ge [sflag:s19], $0x2800  }
0xd4: {  	[sflag:s19] =	ssyncset.done $0x0  }
0xd5: {  	[sflag:s19] =	ssyncadd.s32 $0xFFFFD800  }
0xd6: {  	_ =	swait.ge [sflag:s23], $0x2800  }
0xd7: {  	s21 =	rddreg [dreg:$0xe]  }
0xd8: {  	[sflag:s23] =	ssyncset.done $0x0;
	s22 =	rddreg [dreg:$0xf]  }
0xd9: {  	s24 =	rddreg [dreg:$0x10];
	[sflag:s23] =	ssyncadd.s32 $0xFFFFD800  }
0xda: {  	[spmem:s1] =	stream.indirect.scatter.add.f32 [tilespmem:s21], [sflag:s24], $0x50, s22, s17, $0xb8;
	[tilespmem:$0x1B260] =	vst v63  }
0xdb: {  	_ =	swait.ge [sflag:s25], $0x2800  }
0xdc: {  	[sflag:s25] =	ssyncset.done $0x0  }
0xdd: {  	[sflag:s25] =	ssyncadd.s32 $0xFFFFD800  }
0xde: {  	_ =	swait.ge [sflag:s20], $0x2800  }
0xdf: {  	[sflag:s20] =	ssyncset.done $0x0  }
0xe0: {  	[sflag:s20] =	ssyncadd.s32 $0xFFFFD800  }
0xe1: {  	_ =	swait.ge [sflag:s26], $0x2800  }
0xe2: {  	[sflag:s26] =	ssyncset.done $0x0  }
0xe3: {  	[sflag:s26] =	ssyncadd.s32 $0xFFFFD800  }
0xe4: {  	[bflag:$0x0] =	sbarrier.arrive $0xFFFF  }
0xe5: {  	s30 =	rddreg [dreg:$0x12]  }
0xe6: {  	[hbm:s30], [sflag:s0] =	dma.local [spmem:s2], $0x186A  }
0xe7: {  	_ =	swait.ge [sflag:s8], $0x186A  }
0xe8: {  	s3 =	sadd.s32 $0x1, s3;
	s31 =	rddreg [dreg:$0x13]  }
0xe9: {  	p0 =	sne.s32 s3, s31  }
.Ltmp5:
0xea: {  	_ = 	snop;
	(pc) =	sbr.rel @p0 .LBB2_1-.Ltmp5, $3  }
0xeb: {  	_ =	sdelay $0x1  }
0xec: {  	[sflag:s8] =	ssyncset.done $0x0  }
0xed: {  	[sflag:s8] =	ssyncadd.s32 $0xFFFFE796  }
0xee: {  	_ =	sfence.sel $0x180000  }
0xef: {  	[bflag:$0x0] =	sbarrier.arrive $0xFFFF  }
0xf0: {  	_ =	strace $0x90000047  }
0xf1: {  	s0 =	stileid.u32;
	[bflag:$0x2] =	sbarrier.arrive $0xFFFF  }
0xf2: {  	p0 =	sne.s32 s0, $0x0;
	s0 =	rddreg [dreg:$0x2]  }
0xf3: {  	s0 =	sadd.s32 @!p0 $0x100000, s0  }
0xf4: {  	[sflag:s0] =	ssyncadd.tile.s32 @!p0 $0x1;
	_ =	shalt  }
.Lfunc_end2:
_tile_overlayer_lowered:
.L_overlay_start_2:
0xf5: {  	(tag) =	ssettag $0x2  }
0xf6: {  	s0 =	rddreg [dreg:$0x0];
	s2 =	stileid.u32  }
0xf7: {  	s1 =	rddreg [dreg:$0x1];
	p0 =	sne.s32 s2, $0x0  }
0xf8: {  	s3 =	rddreg [dreg:$0x2];
	[bflag:$0x3] =	sbarrier.arrive $0xFFFF;
	s2 =	simm.s32 @!p0 $0x1C0B  }
0xf9: {  	[timem:s3], [sflag:s2] =	dma.local @!p0 [hbm:s0], s1  }
0xfa: {  	s0 =	simm.s32 @!p0 $0xB  }
0xfb: {  	_ =	swait.ge @!p0 [sflag:s0], s1  }
0xfc: {  	s1 =	ssub.s32 @!p0 $0x0, s1;
	[sflag:s0] =	ssyncset.done @!p0 $0x0  }
0xfd: {  	[sflag:s0] =	ssyncadd.s32 @!p0 s1  }
0xfe: {  	[bflag:$0x3] =	sbarrier.arrive $0xFFFF  }
0xff: {  	_ =	shalt  }

</sc_bundles>
